<compile_context>
chip_gen: v7x
topology: tpu7x:2x2x1
jax: 0.10.2.dev20260603
libtpu: 0.0.44.dev20260713+nightly
codegen_flags: <defaults>
</compile_context>

<pallas_src>
import functools

import jax
import jax.numpy as jnp
from jax import lax
from jax.experimental import pallas as pl
from jax.experimental.pallas import tpu as pltpu
from jax.experimental.pallas import tpu_sc as plsc

F32 = jnp.float32
I32 = jnp.int32

N0, N1 = 256, 10000
E0, E1 = 8192, 320000
H = 128
ENC = 64
OUT = 3
AE1 = 256
EPS = 1e-5

NC, NS = 2, 16
NW = NC * NS
EPW = E1 // NW
CH = 80
NCHUNK = EPW // CH

BLK_E = 3200
BLK_N = 1000


def _elu(v):
    return jnp.where(v > 0, v, jnp.exp(v) - 1.0)


def _ln(t, g, b):
    mu = jnp.mean(t, axis=-1, keepdims=True)
    var = jnp.mean((t - mu) ** 2, axis=-1, keepdims=True)
    return (t - mu) / jnp.sqrt(var + EPS) * g + b


def _ae_body(xf_ref, w_ref, acc_ref):
    @pl.when(pl.program_id(0) == 0)
    def _():
        acc_ref[...] = jnp.zeros_like(acc_ref)

    acc_ref[...] += jnp.dot(xf_ref[...], w_ref[...], preferred_element_type=F32)


_ae_call = pl.pallas_call(
    _ae_body,
    grid=(16,),
    in_specs=[
        pl.BlockSpec((8, 2048), lambda k: (0, k)),
        pl.BlockSpec((2048, AE1), lambda k: (k, 0)),
    ],
    out_specs=pl.BlockSpec((8, AE1), lambda k: (0, 0)),
    out_shape=jax.ShapeDtypeStruct((8, AE1), F32),
)


def _coarse_body(x_ref, srcc_ref, dstc_ref, dstr_ref, ea_ref, s_ref,
                 permc_ref, permr_ref,
                 e0W1_ref, e0b1_ref, e0W2_ref, e0b2_ref, e0g_ref, e0bn_ref,
                 aeb1_ref, aeW2_ref, aeb2_ref, attnx_ref,
                 n0W1_ref, n0b1_ref, n0W2_ref, n0b2_ref, n0g_ref, n0bn_ref,
                 out_ref):
    x = x_ref[...]
    W1 = e0W1_ref[...]
    xa = jnp.dot(x, W1[:H], preferred_element_type=F32)
    xb = jnp.dot(x, W1[H:2 * H], preferred_element_type=F32)
    col = lax.broadcasted_iota(I32, (E0, N0), 1)
    oh_src = (srcc_ref[...] == col).astype(F32)
    oh_dst = (dstc_ref[...] == col).astype(F32)
    row = lax.broadcasted_iota(I32, (N0, E0), 0)
    oh_dstT = (dstr_ref[...] == row).astype(F32)
    ea = ea_ref[...]
    h = _elu(jnp.dot(oh_src, xa, preferred_element_type=F32)
             + jnp.dot(oh_dst, xb, preferred_element_type=F32)
             + jnp.dot(ea, W1[2 * H:], preferred_element_type=F32)
             + e0b1_ref[...])
    h = jnp.dot(h, e0W2_ref[...], preferred_element_type=F32) + e0b2_ref[...]
    ea0 = _ln(ea + h, e0g_ref[...], e0bn_ref[...])
    sums = jnp.dot(oh_dstT, ea0, preferred_element_type=F32)
    cnt = jnp.maximum(jnp.sum(oh_dstT, axis=-1, keepdims=True), 1.0)
    agg0 = sums / cnt
    x_ae = _elu(s_ref[0:1, :] + aeb1_ref[...])
    g_ae = jnp.dot(x_ae, aeW2_ref[...], preferred_element_type=F32) + aeb2_ref[...]
    logit = jnp.dot(x, attnx_ref[...], preferred_element_type=F32)
    e = jnp.exp(logit - jnp.max(logit))
    score = e / jnp.sum(e)
    n0W1 = n0W1_ref[...]
    pre = (jnp.dot(x, n0W1[:H], preferred_element_type=F32)
           + jnp.dot(agg0, n0W1[H:2 * H], preferred_element_type=F32)
           + score * jnp.dot(g_ae, n0W1[2 * H:], preferred_element_type=F32)
           + n0b1_ref[...])
    h = _elu(pre)
    h = jnp.dot(h, n0W2_ref[...], preferred_element_type=F32) + n0b2_ref[...]
    x0 = _ln(x + h, n0g_ref[...], n0bn_ref[...])
    pc = permc_ref[...]
    pr = permr_ref[...]
    jj = lax.broadcasted_iota(I32, (N0, N0), 1)
    winidx = jnp.max(jnp.where(pc == pr, jj, -1), axis=-1, keepdims=True)
    win = (lax.broadcasted_iota(I32, (N0, 1), 0) == winidx).astype(F32)
    out_ref[...] = x0 * win


_coarse_shapes = [
    (N0, H), (E0, 1), (E0, 1), (1, E0), (E0, H), (8, AE1),
    (N0, 1), (1, N0),
    (3 * H, H), (1, H), (H, H), (1, H), (1, H), (1, H),
    (1, AE1), (AE1, ENC), (1, ENC), (H, 1),
    (2 * H + ENC, H), (1, H), (H, H), (1, H), (1, H), (1, H),
]

_coarse_call = pl.pallas_call(
    _coarse_body,
    in_specs=[pl.BlockSpec(s, lambda: (0,) * len(s)) for s in _coarse_shapes],
    out_specs=pl.BlockSpec((N0, H), lambda: (0, 0)),
    out_shape=jax.ShapeDtypeStruct((N0, H), F32),
)


def _unpool_body(x0_ref, permr_ref, skip_ref, W1_ref, xf_ref, xs1_ref, xs2_ref):
    b = pl.program_id(0)
    rows = lax.broadcasted_iota(I32, (BLK_N, N0), 0) + b * BLK_N
    oh = (rows == permr_ref[...]).astype(F32)
    xf = jnp.dot(oh, x0_ref[...], preferred_element_type=F32) + skip_ref[...]
    xf_ref[...] = xf
    W1 = W1_ref[...]
    xs1_ref[...] = jnp.dot(xf, W1[:H], preferred_element_type=F32)
    xs2_ref[...] = jnp.dot(xf, W1[H:2 * H], preferred_element_type=F32)


_unpool_call = pl.pallas_call(
    _unpool_body,
    grid=(N1 // BLK_N,),
    in_specs=[
        pl.BlockSpec((N0, H), lambda i: (0, 0)),
        pl.BlockSpec((1, N0), lambda i: (0, 0)),
        pl.BlockSpec((BLK_N, H), lambda i: (i, 0)),
        pl.BlockSpec((3 * H, H), lambda i: (0, 0)),
    ],
    out_specs=[pl.BlockSpec((BLK_N, H), lambda i: (i, 0))] * 3,
    out_shape=[jax.ShapeDtypeStruct((N1, H), F32)] * 3,
)


@functools.cache
def _make_sc_gather():
    mesh = plsc.VectorSubcoreMesh(
        core_axis_name="c", subcore_axis_name="s",
        num_cores=NC, num_subcores=NS)

    @functools.partial(
        pl.kernel,
        out_type=(jax.ShapeDtypeStruct((E1, H), F32),
                  jax.ShapeDtypeStruct((E1, H), F32)),
        mesh=mesh,
        scratch_types=[
            pltpu.VMEM((CH,), I32),
            pltpu.VMEM((CH,), I32),
            pltpu.VMEM((CH, H), F32),
            pltpu.VMEM((CH, H), F32),
            pltpu.SemaphoreType.DMA,
            pltpu.SemaphoreType.DMA,
        ],
    )
    def sc_gather(xs1_hbm, xs2_hbm, src_hbm, dst_hbm, g1_hbm, g2_hbm,
                  sidx, didx, buf1, buf2, sem1, sem2):
        wid = lax.axis_index("s") * NC + lax.axis_index("c")
        base = wid * EPW

        def body(j, carry):
            off = base + j * CH
            pltpu.sync_copy(src_hbm.at[pl.ds(off, CH)], sidx)
            pltpu.sync_copy(dst_hbm.at[pl.ds(off, CH)], didx)
            cp1 = pltpu.async_copy(xs1_hbm.at[sidx], buf1, sem1)
            cp2 = pltpu.async_copy(xs2_hbm.at[didx], buf2, sem2)
            cp1.wait()
            cp2.wait()
            pltpu.sync_copy(buf1, g1_hbm.at[pl.ds(off, CH)])
            pltpu.sync_copy(buf2, g2_hbm.at[pl.ds(off, CH)])
            return carry

        lax.fori_loop(0, NCHUNK, body, 0)

    return sc_gather


def _edge_body(g1_ref, g2_ref, ea_ref, W1_ref, b1_ref, W2_ref, b2_ref,
               g_ref, bn_ref, out_ref):
    ea = ea_ref[...]
    h = _elu(g1_ref[...] + g2_ref[...]
             + jnp.dot(ea, W1_ref[...][2 * H:], preferred_element_type=F32)
             + b1_ref[...])
    h = jnp.dot(h, W2_ref[...], preferred_element_type=F32) + b2_ref[...]
    out_ref[...] = _ln(ea + h, g_ref[...], bn_ref[...])


_edge_call = pl.pallas_call(
    _edge_body,
    grid=(E1 // BLK_E,),
    in_specs=[
        pl.BlockSpec((BLK_E, H), lambda i: (i, 0)),
        pl.BlockSpec((BLK_E, H), lambda i: (i, 0)),
        pl.BlockSpec((BLK_E, H), lambda i: (i, 0)),
        pl.BlockSpec((3 * H, H), lambda i: (0, 0)),
        pl.BlockSpec((1, H), lambda i: (0, 0)),
        pl.BlockSpec((H, H), lambda i: (0, 0)),
        pl.BlockSpec((1, H), lambda i: (0, 0)),
        pl.BlockSpec((1, H), lambda i: (0, 0)),
        pl.BlockSpec((1, H), lambda i: (0, 0)),
    ],
    out_specs=pl.BlockSpec((BLK_E, H), lambda i: (i, 0)),
    out_shape=jax.ShapeDtypeStruct((E1, H), F32),
)


CHS = 80
RPT = (N1 // NS) // 8 * 8
CPR = 48
NTAIL = N1 - RPT * NS


@functools.cache
def _make_sc_scatter():
    mesh = plsc.VectorSubcoreMesh(
        core_axis_name="c", subcore_axis_name="s",
        num_cores=NC, num_subcores=NS)

    @functools.partial(
        pl.kernel,
        out_type=(jax.ShapeDtypeStruct((NC, N1, H), F32),
                  jax.ShapeDtypeStruct((NC, N1, H), F32)),
        mesh=mesh,
        scratch_types=[
            pltpu.VMEM((CHS,), I32),
            pltpu.VMEM((CHS, H), F32),
            pltpu.VMEM((CHS, H), F32),
            pltpu.VMEM((CPR,), I32),
            pltpu.VMEM((NTAIL,), I32),
            pltpu.VMEM((CPR, H), F32),
            pltpu.VMEM_SHARED((N1, H), F32),
        ],
    )
    def sc_scatter(ea1_hbm, dst_hbm, iota_hbm, zacc_hbm, ones_hbm,
                   acc_out, cnt_out, idxb, buf, onesb, ridx, ridx2, abuf,
                   acc_sh):
        c = lax.axis_index("c")
        s = lax.axis_index("s")
        r0 = s * RPT
        base = (c * NS + s) * EPW

        def zero_fill():
            for k in range(RPT // CPR):
                pltpu.sync_copy(iota_hbm.at[pl.ds(r0 + k * CPR, CPR)], ridx)
                pltpu.sync_copy(abuf, acc_sh.at[ridx])

            @pl.when(s == NS - 1)
            def _():
                t0 = RPT * NS
                pltpu.sync_copy(iota_hbm.at[pl.ds(t0, NTAIL)], ridx2)
                pltpu.sync_copy(abuf.at[pl.ds(0, NTAIL)], acc_sh.at[ridx2])

        def drain(out_hbm):
            for k in range(RPT // CPR):
                pltpu.sync_copy(iota_hbm.at[pl.ds(r0 + k * CPR, CPR)], ridx)
                pltpu.sync_copy(acc_sh.at[ridx], abuf)
                pltpu.sync_copy(abuf, out_hbm.at[c, pl.ds(r0 + k * CPR, CPR)])

            @pl.when(s == NS - 1)
            def _():
                t0 = RPT * NS
                pltpu.sync_copy(iota_hbm.at[pl.ds(t0, NTAIL)], ridx2)
                pltpu.sync_copy(acc_sh.at[ridx2], abuf.at[pl.ds(0, NTAIL)])
                pltpu.sync_copy(abuf.at[pl.ds(0, NTAIL)],
                                out_hbm.at[c, pl.ds(t0, NTAIL)])

        pltpu.sync_copy(zacc_hbm, abuf)
        zero_fill()
        plsc.subcore_barrier()

        def body(j, carry):
            off = base + j * CHS
            pltpu.sync_copy(dst_hbm.at[pl.ds(off, CHS)], idxb)
            pltpu.sync_copy(ea1_hbm.at[pl.ds(off, CHS)], buf)
            pltpu.sync_copy(buf, acc_sh.at[idxb], add=True)
            return carry

        lax.fori_loop(0, NCHUNK, body, 0)
        plsc.subcore_barrier()
        drain(acc_out)

        plsc.subcore_barrier()
        pltpu.sync_copy(zacc_hbm, abuf)
        zero_fill()
        pltpu.sync_copy(ones_hbm, onesb)
        plsc.subcore_barrier()

        def body2(j, carry):
            off = base + j * CHS
            pltpu.sync_copy(dst_hbm.at[pl.ds(off, CHS)], idxb)
            pltpu.sync_copy(onesb, acc_sh.at[idxb], add=True)
            return carry

        lax.fori_loop(0, NCHUNK, body2, 0)
        plsc.subcore_barrier()
        drain(cnt_out)

    return sc_scatter


def _decode_body(xf_ref, acc_ref, cnt_ref, W1_ref, b1_ref, W2_ref,
                 b2_ref, g_ref, bn_ref, dW1_ref, db1_ref, dW2_ref, db2_ref,
                 out_ref):
    xf = xf_ref[...]
    cnt = jnp.maximum(cnt_ref[0, :, 0:1] + cnt_ref[1, :, 0:1], 1.0)
    agg = (acc_ref[0] + acc_ref[1]) / cnt
    W1 = W1_ref[...]
    h = _elu(jnp.dot(xf, W1[:H], preferred_element_type=F32)
             + jnp.dot(agg, W1[H:], preferred_element_type=F32)
             + b1_ref[...])
    h = jnp.dot(h, W2_ref[...], preferred_element_type=F32) + b2_ref[...]
    xf2 = _ln(xf + h, g_ref[...], bn_ref[...])
    d = _elu(jnp.dot(xf2, dW1_ref[...], preferred_element_type=F32) + db1_ref[...])
    out_ref[...] = jnp.dot(d, dW2_ref[...], preferred_element_type=F32) + db2_ref[...]


_decode_call = pl.pallas_call(
    _decode_body,
    grid=(N1 // BLK_N,),
    in_specs=[
        pl.BlockSpec((BLK_N, H), lambda i: (i, 0)),
        pl.BlockSpec((NC, BLK_N, H), lambda i: (0, i, 0)),
        pl.BlockSpec((NC, BLK_N, H), lambda i: (0, i, 0)),
        pl.BlockSpec((2 * H, H), lambda i: (0, 0)),
        pl.BlockSpec((1, H), lambda i: (0, 0)),
        pl.BlockSpec((H, H), lambda i: (0, 0)),
        pl.BlockSpec((1, H), lambda i: (0, 0)),
        pl.BlockSpec((1, H), lambda i: (0, 0)),
        pl.BlockSpec((1, H), lambda i: (0, 0)),
        pl.BlockSpec((H, H), lambda i: (0, 0)),
        pl.BlockSpec((1, H), lambda i: (0, 0)),
        pl.BlockSpec((H, H), lambda i: (0, 0)),
        pl.BlockSpec((1, H), lambda i: (0, 0)),
    ],
    out_specs=pl.BlockSpec((BLK_N, H), lambda i: (i, 0)),
    out_shape=jax.ShapeDtypeStruct((N1, H), F32),
)


def _sc_gather_fn(xs1, xs2, src, dst):
    return _make_sc_gather()(xs1, xs2, src, dst)


def _sc_scatter_fn(ea1, dst, iota, zacc, ones):
    return _make_sc_scatter()(ea1, dst, iota, zacc, ones)


def kernel(x, edge_index, edge_attr, x_fine_skip, edge_index_fine,
           edge_attr_fine, perm, params):
    p = params
    src0 = edge_index[0].astype(I32)
    dst0 = edge_index[1].astype(I32)
    srcf = edge_index_fine[0].astype(I32)
    dstf = edge_index_fine[1].astype(I32)
    perm = perm.astype(I32)

    x_flat8 = jnp.concatenate(
        [x.reshape(1, N0 * H), jnp.zeros((7, N0 * H), F32)], axis=0)
    s_ae = _ae_call(x_flat8, p['ae_W1'])

    x0f = _coarse_call(
        x, src0.reshape(E0, 1), dst0.reshape(E0, 1), dst0.reshape(1, E0),
        edge_attr, s_ae, perm.reshape(N0, 1), perm.reshape(1, N0),
        p['e0_W1'], p['e0_b1'].reshape(1, H), p['e0_W2'],
        p['e0_b2'].reshape(1, H), p['e0_g'].reshape(1, H),
        p['e0_bn'].reshape(1, H),
        p['ae_b1'].reshape(1, AE1), p['ae_W2'], p['ae_b2'].reshape(1, ENC),
        p['attn_w'][:H].reshape(H, 1),
        p['n0_W1'], p['n0_b1'].reshape(1, H), p['n0_W2'],
        p['n0_b2'].reshape(1, H), p['n0_g'].reshape(1, H),
        p['n0_bn'].reshape(1, H))

    xf, xs1, xs2 = _unpool_call(x0f, perm.reshape(1, N0), x_fine_skip,
                                p['e1_W1'])

    g1, g2 = _sc_gather_fn(xs1, xs2, srcf, dstf)

    ea1 = _edge_call(g1, g2, edge_attr_fine, p['e1_W1'],
                     p['e1_b1'].reshape(1, H), p['e1_W2'],
                     p['e1_b2'].reshape(1, H), p['e1_g'].reshape(1, H),
                     p['e1_bn'].reshape(1, H))

    acc, cnt = _sc_scatter_fn(ea1, dstf, jnp.arange(N1, dtype=I32),
                              jnp.zeros((CPR, H), F32),
                              jnp.ones((CHS, H), F32))

    dW2p = jnp.zeros((H, H), F32).at[:, :OUT].set(p['dec_W2'])
    db2p = jnp.zeros((1, H), F32).at[0, :OUT].set(p['dec_b2'])
    out_full = _decode_call(
        xf, acc, cnt,
        p['n1_W1'], p['n1_b1'].reshape(1, H), p['n1_W2'],
        p['n1_b2'].reshape(1, H), p['n1_g'].reshape(1, H),
        p['n1_bn'].reshape(1, H), p['dec_W1'], p['dec_b1'].reshape(1, H),
        dW2p, db2p)
    return out_full[:, :OUT]

# --- scband reference (transcript-rebuilt; emitter-appended) ---
"""Pipeline reference for scband-gnn-decode-80212809220210 (READ-ONLY COPY).

The authoritative reference and input builder live on the scoring server;
editing this copy changes nothing except your own understanding.
"""

import jax, jax.numpy as jnp
import numpy as np

N0 = 256; N1 = 10000; E0 = 8192; E1 = 320000
H = 128; ENC = 64; OUT = 3; AE1 = 256


def _layer_norm(h, g, b, eps=1e-5):
    mu = jnp.mean(h, axis=-1, keepdims=True)
    var = jnp.mean((h - mu) ** 2, axis=-1, keepdims=True)
    return (h - mu) / jnp.sqrt(var + eps) * g + b


def _seg_mean(vals, idx, n):
    s = jax.ops.segment_sum(vals, idx, num_segments=n)
    cnt = jax.ops.segment_sum(jnp.ones((vals.shape[0], 1), vals.dtype), idx, num_segments=n)
    return s / jnp.maximum(cnt, 1.0)


def _lin(key, fin, fout):
    return (jax.random.normal(key, (fin, fout), dtype=jnp.float32) * 0.05,
            jnp.zeros((fout,), jnp.float32))


def setup_inputs(seed: int = 0) -> dict:
    key = jax.random.key(seed)
    ks = [jax.random.fold_in(key, i) for i in range(32)]
    x = jax.random.normal(ks[0], (N0, H), dtype=jnp.float32)
    edge_index = jax.random.randint(ks[1], (2, E0), 0, N0)
    edge_attr = jax.random.normal(ks[2], (E0, H), dtype=jnp.float32)
    x_fine_skip = jax.random.normal(ks[3], (N1, H), dtype=jnp.float32)
    edge_index_fine = jax.random.randint(ks[4], (2, E1), 0, N1)
    edge_attr_fine = jax.random.normal(ks[5], (E1, H), dtype=jnp.float32)
    perm = jax.random.randint(ks[6], (N0,), 0, N1)
    p = {}
    p['e0_W1'], p['e0_b1'] = _lin(ks[7], 3 * H, H)
    p['e0_W2'], p['e0_b2'] = _lin(ks[8], H, H)
    p['e0_g'] = jnp.ones((H,), jnp.float32); p['e0_bn'] = jnp.zeros((H,), jnp.float32)
    p['ae_W1'], p['ae_b1'] = _lin(ks[9], N0 * H, AE1)
    p['ae_W2'], p['ae_b2'] = _lin(ks[10], AE1, ENC)
    p['attn_w'] = jax.random.normal(ks[11], (H + ENC,), dtype=jnp.float32) * 0.05
    p['n0_W1'], p['n0_b1'] = _lin(ks[12], 2 * H + ENC, H)
    p['n0_W2'], p['n0_b2'] = _lin(ks[13], H, H)
    p['n0_g'] = jnp.ones((H,), jnp.float32); p['n0_bn'] = jnp.zeros((H,), jnp.float32)
    p['e1_W1'], p['e1_b1'] = _lin(ks[14], 3 * H, H)
    p['e1_W2'], p['e1_b2'] = _lin(ks[15], H, H)
    p['e1_g'] = jnp.ones((H,), jnp.float32); p['e1_bn'] = jnp.zeros((H,), jnp.float32)
    p['n1_W1'], p['n1_b1'] = _lin(ks[16], 2 * H, H)
    p['n1_W2'], p['n1_b2'] = _lin(ks[17], H, H)
    p['n1_g'] = jnp.ones((H,), jnp.float32); p['n1_bn'] = jnp.zeros((H,), jnp.float32)
    p['dec_W1'], p['dec_b1'] = _lin(ks[18], H, H)
    p['dec_W2'], p['dec_b2'] = _lin(ks[19], H, OUT)
    return {"x": x, "edge_index": edge_index, "edge_attr": edge_attr,
            "x_fine_skip": x_fine_skip, "edge_index_fine": edge_index_fine,
            "edge_attr_fine": edge_attr_fine, "perm": perm, "params": p}


def _forward(x, edge_attr, x_fine_skip, edge_attr_fine, params, edge_index, edge_index_fine, perm):
    p = params
    act = jax.nn.elu
    n0 = x.shape[0]; n1 = x_fine_skip.shape[0]
    # ---- level m=0 (coarse): edge update (MLP + residual + LayerNorm) ----
    ea_in = jnp.concatenate([x[edge_index[0]], x[edge_index[1]], edge_attr], axis=1)
    h = act(ea_in @ p['e0_W1'] + p['e0_b1'])
    h = h @ p['e0_W2'] + p['e0_b2']
    ea0 = _layer_norm(edge_attr + h, p['e0_g'], p['e0_bn'])
    # EdgeAggregation: mean of edge features scattered to dst nodes
    agg0 = _seg_mean(ea0, edge_index[1], n0)
    # autoencoder global encoding (mp_ae_dataprocess flattens node matrix)
    x_ae = x.reshape(1, -1)
    x_ae = act(x_ae @ p['ae_W1'] + p['ae_b1'])
    g_ae = x_ae @ p['ae_W2'] + p['ae_b2']
    # Global_attention
    g_rep = jnp.tile(g_ae, (n0, 1))
    attn = jnp.concatenate([x, g_rep], axis=1)
    score = jax.nn.softmax(jnp.sum(attn * p['attn_w'], axis=-1))
    gg = g_rep * score[:, None]
    # node update
    xt = jnp.concatenate([x, agg0, gg], axis=1)
    h = act(xt @ p['n0_W1'] + p['n0_b1'])
    h = h @ p['n0_W2'] + p['n0_b2']
    x0 = _layer_norm(x + h, p['n0_g'], p['n0_bn'])
    # ---- unpool to fine level via perm + skip connection ----
    xf = jnp.zeros((n1, x0.shape[1]), x0.dtype).at[perm].set(x0) + x_fine_skip
    # ---- level m=1 (fine, last level: no AE/attention term) ----
    ea_in = jnp.concatenate([xf[edge_index_fine[0]], xf[edge_index_fine[1]], edge_attr_fine], axis=1)
    h = act(ea_in @ p['e1_W1'] + p['e1_b1'])
    h = h @ p['e1_W2'] + p['e1_b2']
    ea1 = _layer_norm(edge_attr_fine + h, p['e1_g'], p['e1_bn'])
    agg1 = _seg_mean(ea1, edge_index_fine[1], n1)
    xt = jnp.concatenate([xf, agg1], axis=1)
    h = act(xt @ p['n1_W1'] + p['n1_b1'])
    h = h @ p['n1_W2'] + p['n1_b2']
    xf = _layer_norm(xf + h, p['n1_g'], p['n1_bn'])
    # ---- node decode MLP ----
    h = act(xf @ p['dec_W1'] + p['dec_b1'])
    out = h @ p['dec_W2'] + p['dec_b2']
    return out


def reference(x, edge_index, edge_attr, x_fine_skip, edge_index_fine, edge_attr_fine, perm, params):
    return _forward(x, edge_attr, x_fine_skip, edge_attr_fine, params,
                    edge_index, edge_index_fine, perm)

if __name__ == "__main__":
    import jax
    _d = setup_inputs()
    print(jax.jit(kernel)(*tuple(_d.values())))

</pallas_src>

<mosaic_0001>
#map = affine_map<(d0, d1) -> (0, 0)>
#map1 = affine_map<(d0, d1) -> (0)>
#map2 = affine_map<(d0, d1) -> (0, 0, 0)>
module attributes {stable_mosaic.version = 14 : i64} {
  func.func @sc_scatter(%arg0: i32, %arg1: i32, %arg2: memref<320000x128xf32, #tpu.memory_space<hbm>>, %arg3: memref<320000xi32, #tpu.memory_space<hbm>>, %arg4: memref<10000xi32, #tpu.memory_space<hbm>>, %arg5: memref<48x128xf32, #tpu.memory_space<hbm>>, %arg6: memref<80x128xf32, #tpu.memory_space<hbm>>, %arg7: memref<2x10000x128xf32, #tpu.memory_space<hbm>>, %arg8: memref<2x10000x128xf32, #tpu.memory_space<hbm>>, %arg9: memref<80xi32, #tpu.memory_space<vmem>>, %arg10: memref<80x128xf32, #tpu.memory_space<vmem>>, %arg11: memref<80x128xf32, #tpu.memory_space<vmem>>, %arg12: memref<48xi32, #tpu.memory_space<vmem>>, %arg13: memref<16xi32, #tpu.memory_space<vmem>>, %arg14: memref<48x128xf32, #tpu.memory_space<vmem>>, %arg15: memref<10000x128xf32, #tpu.memory_space<vmem_shared>>) attributes {dimension_semantics = [#tpu.dimension_semantics<core_parallel>, #tpu.dimension_semantics<subcore_parallel>], iteration_bounds = array<i64: 2, 16>, scalar_prefetch = 0 : i64, scratch_operands = 7 : i64, tpu.core_type = #tpu.core_type<sc_vector_subcore>, window_params = [{transform_indices = #map}, {transform_indices = #map1}, {transform_indices = #map1}, {transform_indices = #map}, {transform_indices = #map}, {transform_indices = #map2}, {transform_indices = #map2}]} {
    %mul3A = arith.constant 624 : i32
    %mul3A_0 = arith.muli %arg1, %mul3A : i32
    %mul3A_1 = arith.constant 16 : i32
    %mul3A_2 = arith.muli %arg0, %mul3A_1 : i32
    %add3A = arith.addi %mul3A_2, %arg1 : i32
    %mul3A_3 = arith.constant 10000 : i32
    %mul3A_4 = arith.muli %add3A, %mul3A_3 : i32
    "tpu.region"() ({
      %run_scoped3A = tpu.sem_alloc : memref<!tpu.dma_semaphore, #tpu.memory_space<semaphore_mem>>
      tpu.enqueue_dma source(%arg5 : memref<48x128xf32, #tpu.memory_space<hbm>>) target(%arg14 : memref<48x128xf32, #tpu.memory_space<vmem>>) target_semaphore(%run_scoped3A : memref<!tpu.dma_semaphore, #tpu.memory_space<semaphore_mem>>)
      tpu.wait_dma2 semaphore(%run_scoped3A : memref<!tpu.dma_semaphore, #tpu.memory_space<semaphore_mem>>) src(%arg5 : memref<48x128xf32, #tpu.memory_space<hbm>>) dst(%arg14 : memref<48x128xf32, #tpu.memory_space<vmem>>)
      tpu.yield
    }) : () -> ()
    %add3A_5 = arith.constant 0 : i32
    %add3A_6 = arith.addi %mul3A_0, %add3A_5 : i32
    "tpu.region"() ({
      %run_scoped3A = tpu.sem_alloc : memref<!tpu.dma_semaphore, #tpu.memory_space<semaphore_mem>>
      %dma_start3A = tpu.memref_slice %arg4[%add3A_6] : memref<10000xi32, #tpu.memory_space<hbm>> -> memref<48xi32, #tpu.memory_space<hbm>>
      %dma_start3A_193 = tpu.memref_slice %arg4[%add3A_6] : memref<10000xi32, #tpu.memory_space<hbm>> -> memref<48xi32, #tpu.memory_space<hbm>>
      tpu.enqueue_dma source(%dma_start3A_193 : memref<48xi32, #tpu.memory_space<hbm>>) target(%arg12 : memref<48xi32, #tpu.memory_space<vmem>>) target_semaphore(%run_scoped3A : memref<!tpu.dma_semaphore, #tpu.memory_space<semaphore_mem>>)
      %dma_wait3A = tpu.memref_slice %arg4[%add3A_6] : memref<10000xi32, #tpu.memory_space<hbm>> -> memref<48xi32, #tpu.memory_space<hbm>>
      %dma_wait3A_194 = tpu.memref_slice %arg4[%add3A_6] : memref<10000xi32, #tpu.memory_space<hbm>> -> memref<48xi32, #tpu.memory_space<hbm>>
      tpu.wait_dma2 semaphore(%run_scoped3A : memref<!tpu.dma_semaphore, #tpu.memory_space<semaphore_mem>>) src(%dma_wait3A_194 : memref<48xi32, #tpu.memory_space<hbm>>) dst(%arg12 : memref<48xi32, #tpu.memory_space<vmem>>)
      tpu.yield
    }) : () -> ()
    "tpu.region"() ({
      %run_scoped3A = tpu.sem_alloc : memref<!tpu.dma_semaphore, #tpu.memory_space<semaphore_mem>>
      %dma_start3A = arith.constant 0 : i32
      %dma_start3A_193 = arith.constant 0 : i32
      %dma_start3A_194 = tpu.memref_slice %arg15[%dma_start3A, %dma_start3A_193] : memref<10000x128xf32, #tpu.memory_space<vmem_shared>> -> memref<10000x128xf32, #tpu.memory_space<vmem_shared>>
      tpu.enqueue_indirect_dma source(%arg14 : memref<48x128xf32, #tpu.memory_space<vmem>>) target(%dma_start3A_194 : memref<10000x128xf32, #tpu.memory_space<vmem_shared>>) offsets(%arg12 : memref<48xi32, #tpu.memory_space<vmem>>) semaphore(%run_scoped3A : memref<!tpu.dma_semaphore, #tpu.memory_space<semaphore_mem>>)
      %dma_wait3A = arith.constant 0 : i32
      %dma_wait3A_195 = arith.constant 0 : i32
      %dma_wait3A_196 = tpu.memref_slice %arg15[%dma_wait3A, %dma_wait3A_195] : memref<10000x128xf32, #tpu.memory_space<vmem_shared>> -> memref<10000x128xf32, #tpu.memory_space<vmem_shared>>
      tpu.wait_indirect_dma semaphore(%run_scoped3A : memref<!tpu.dma_semaphore, #tpu.memory_space<semaphore_mem>>) src(%arg14 : memref<48x128xf32, #tpu.memory_space<vmem>>) dst(%dma_wait3A_196 : memref<10000x128xf32, #tpu.memory_space<vmem_shared>>)
      tpu.yield
    }) : () -> ()
    %add3A_7 = arith.constant 48 : i32
    %add3A_8 = arith.addi %mul3A_0, %add3A_7 : i32
    "tpu.region"() ({
      %run_scoped3A = tpu.sem_alloc : memref<!tpu.dma_semaphore, #tpu.memory_space<semaphore_mem>>
      %dma_start3A = tpu.memref_slice %arg4[%add3A_8] : memref<10000xi32, #tpu.memory_space<hbm>> -> memref<48xi32, #tpu.memory_space<hbm>>
      %dma_start3A_193 = tpu.memref_slice %arg4[%add3A_8] : memref<10000xi32, #tpu.memory_space<hbm>> -> memref<48xi32, #tpu.memory_space<hbm>>
      tpu.enqueue_dma source(%dma_start3A_193 : memref<48xi32, #tpu.memory_space<hbm>>) target(%arg12 : memref<48xi32, #tpu.memory_space<vmem>>) target_semaphore(%run_scoped3A : memref<!tpu.dma_semaphore, #tpu.memory_space<semaphore_mem>>)
      %dma_wait3A = tpu.memref_slice %arg4[%add3A_8] : memref<10000xi32, #tpu.memory_space<hbm>> -> memref<48xi32, #tpu.memory_space<hbm>>
      %dma_wait3A_194 = tpu.memref_slice %arg4[%add3A_8] : memref<10000xi32, #tpu.memory_space<hbm>> -> memref<48xi32, #tpu.memory_space<hbm>>
      tpu.wait_dma2 semaphore(%run_scoped3A : memref<!tpu.dma_semaphore, #tpu.memory_space<semaphore_mem>>) src(%dma_wait3A_194 : memref<48xi32, #tpu.memory_space<hbm>>) dst(%arg12 : memref<48xi32, #tpu.memory_space<vmem>>)
      tpu.yield
    }) : () -> ()
    "tpu.region"() ({
      %run_scoped3A = tpu.sem_alloc : memref<!tpu.dma_semaphore, #tpu.memory_space<semaphore_mem>>
      %dma_start3A = arith.constant 0 : i32
      %dma_start3A_193 = arith.constant 0 : i32
      %dma_start3A_194 = tpu.memref_slice %arg15[%dma_start3A, %dma_start3A_193] : memref<10000x128xf32, #tpu.memory_space<vmem_shared>> -> memref<10000x128xf32, #tpu.memory_space<vmem_shared>>
      tpu.enqueue_indirect_dma source(%arg14 : memref<48x128xf32, #tpu.memory_space<vmem>>) target(%dma_start3A_194 : memref<10000x128xf32, #tpu.memory_space<vmem_shared>>) offsets(%arg12 : memref<48xi32, #tpu.memory_space<vmem>>) semaphore(%run_scoped3A : memref<!tpu.dma_semaphore, #tpu.memory_space<semaphore_mem>>)
      %dma_wait3A = arith.constant 0 : i32
      %dma_wait3A_195 = arith.constant 0 : i32
      %dma_wait3A_196 = tpu.memref_slice %arg15[%dma_wait3A, %dma_wait3A_195] : memref<10000x128xf32, #tpu.memory_space<vmem_shared>> -> memref<10000x128xf32, #tpu.memory_space<vmem_shared>>
      tpu.wait_indirect_dma semaphore(%run_scoped3A : memref<!tpu.dma_semaphore, #tpu.memory_space<semaphore_mem>>) src(%arg14 : memref<48x128xf32, #tpu.memory_space<vmem>>) dst(%dma_wait3A_196 : memref<10000x128xf32, #tpu.memory_space<vmem_shared>>)
      tpu.yield
    }) : () -> ()
    %add3A_9 = arith.constant 96 : i32
    %add3A_10 = arith.addi %mul3A_0, %add3A_9 : i32
    "tpu.region"() ({
      %run_scoped3A = tpu.sem_alloc : memref<!tpu.dma_semaphore, #tpu.memory_space<semaphore_mem>>
      %dma_start3A = tpu.memref_slice %arg4[%add3A_10] : memref<10000xi32, #tpu.memory_space<hbm>> -> memref<48xi32, #tpu.memory_space<hbm>>
      %dma_start3A_193 = tpu.memref_slice %arg4[%add3A_10] : memref<10000xi32, #tpu.memory_space<hbm>> -> memref<48xi32, #tpu.memory_space<hbm>>
      tpu.enqueue_dma source(%dma_start3A_193 : memref<48xi32, #tpu.memory_space<hbm>>) target(%arg12 : memref<48xi32, #tpu.memory_space<vmem>>) target_semaphore(%run_scoped3A : memref<!tpu.dma_semaphore, #tpu.memory_space<semaphore_mem>>)
      %dma_wait3A = tpu.memref_slice %arg4[%add3A_10] : memref<10000xi32, #tpu.memory_space<hbm>> -> memref<48xi32, #tpu.memory_space<hbm>>
      %dma_wait3A_194 = tpu.memref_slice %arg4[%add3A_10] : memref<10000xi32, #tpu.memory_space<hbm>> -> memref<48xi32, #tpu.memory_space<hbm>>
      tpu.wait_dma2 semaphore(%run_scoped3A : memref<!tpu.dma_semaphore, #tpu.memory_space<semaphore_mem>>) src(%dma_wait3A_194 : memref<48xi32, #tpu.memory_space<hbm>>) dst(%arg12 : memref<48xi32, #tpu.memory_space<vmem>>)
      tpu.yield
    }) : () -> ()
    "tpu.region"() ({
      %run_scoped3A = tpu.sem_alloc : memref<!tpu.dma_semaphore, #tpu.memory_space<semaphore_mem>>
      %dma_start3A = arith.constant 0 : i32
      %dma_start3A_193 = arith.constant 0 : i32
      %dma_start3A_194 = tpu.memref_slice %arg15[%dma_start3A, %dma_start3A_193] : memref<10000x128xf32, #tpu.memory_space<vmem_shared>> -> memref<10000x128xf32, #tpu.memory_space<vmem_shared>>
      tpu.enqueue_indirect_dma source(%arg14 : memref<48x128xf32, #tpu.memory_space<vmem>>) target(%dma_start3A_194 : memref<10000x128xf32, #tpu.memory_space<vmem_shared>>) offsets(%arg12 : memref<48xi32, #tpu.memory_space<vmem>>) semaphore(%run_scoped3A : memref<!tpu.dma_semaphore, #tpu.memory_space<semaphore_mem>>)
      %dma_wait3A = arith.constant 0 : i32
      %dma_wait3A_195 = arith.constant 0 : i32
      %dma_wait3A_196 = tpu.memref_slice %arg15[%dma_wait3A, %dma_wait3A_195] : memref<10000x128xf32, #tpu.memory_space<vmem_shared>> -> memref<10000x128xf32, #tpu.memory_space<vmem_shared>>
      tpu.wait_indirect_dma semaphore(%run_scoped3A : memref<!tpu.dma_semaphore, #tpu.memory_space<semaphore_mem>>) src(%arg14 : memref<48x128xf32, #tpu.memory_space<vmem>>) dst(%dma_wait3A_196 : memref<10000x128xf32, #tpu.memory_space<vmem_shared>>)
      tpu.yield
    }) : () -> ()
    %add3A_11 = arith.constant 144 : i32
    %add3A_12 = arith.addi %mul3A_0, %add3A_11 : i32
    "tpu.region"() ({
      %run_scoped3A = tpu.sem_alloc : memref<!tpu.dma_semaphore, #tpu.memory_space<semaphore_mem>>
      %dma_start3A = tpu.memref_slice %arg4[%add3A_12] : memref<10000xi32, #tpu.memory_space<hbm>> -> memref<48xi32, #tpu.memory_space<hbm>>
      %dma_start3A_193 = tpu.memref_slice %arg4[%add3A_12] : memref<10000xi32, #tpu.memory_space<hbm>> -> memref<48xi32, #tpu.memory_space<hbm>>
      tpu.enqueue_dma source(%dma_start3A_193 : memref<48xi32, #tpu.memory_space<hbm>>) target(%arg12 : memref<48xi32, #tpu.memory_space<vmem>>) target_semaphore(%run_scoped3A : memref<!tpu.dma_semaphore, #tpu.memory_space<semaphore_mem>>)
      %dma_wait3A = tpu.memref_slice %arg4[%add3A_12] : memref<10000xi32, #tpu.memory_space<hbm>> -> memref<48xi32, #tpu.memory_space<hbm>>
      %dma_wait3A_194 = tpu.memref_slice %arg4[%add3A_12] : memref<10000xi32, #tpu.memory_space<hbm>> -> memref<48xi32, #tpu.memory_space<hbm>>
      tpu.wait_dma2 semaphore(%run_scoped3A : memref<!tpu.dma_semaphore, #tpu.memory_space<semaphore_mem>>) src(%dma_wait3A_194 : memref<48xi32, #tpu.memory_space<hbm>>) dst(%arg12 : memref<48xi32, #tpu.memory_space<vmem>>)
      tpu.yield
    }) : () -> ()
    "tpu.region"() ({
      %run_scoped3A = tpu.sem_alloc : memref<!tpu.dma_semaphore, #tpu.memory_space<semaphore_mem>>
      %dma_start3A = arith.constant 0 : i32
      %dma_start3A_193 = arith.constant 0 : i32
      %dma_start3A_194 = tpu.memref_slice %arg15[%dma_start3A, %dma_start3A_193] : memref<10000x128xf32, #tpu.memory_space<vmem_shared>> -> memref<10000x128xf32, #tpu.memory_space<vmem_shared>>
      tpu.enqueue_indirect_dma source(%arg14 : memref<48x128xf32, #tpu.memory_space<vmem>>) target(%dma_start3A_194 : memref<10000x128xf32, #tpu.memory_space<vmem_shared>>) offsets(%arg12 : memref<48xi32, #tpu.memory_space<vmem>>) semaphore(%run_scoped3A : memref<!tpu.dma_semaphore, #tpu.memory_space<semaphore_mem>>)
      %dma_wait3A = arith.constant 0 : i32
      %dma_wait3A_195 = arith.constant 0 : i32
      %dma_wait3A_196 = tpu.memref_slice %arg15[%dma_wait3A, %dma_wait3A_195] : memref<10000x128xf32, #tpu.memory_space<vmem_shared>> -> memref<10000x128xf32, #tpu.memory_space<vmem_shared>>
      tpu.wait_indirect_dma semaphore(%run_scoped3A : memref<!tpu.dma_semaphore, #tpu.memory_space<semaphore_mem>>) src(%arg14 : memref<48x128xf32, #tpu.memory_space<vmem>>) dst(%dma_wait3A_196 : memref<10000x128xf32, #tpu.memory_space<vmem_shared>>)
      tpu.yield
    }) : () -> ()
    %add3A_13 = arith.constant 192 : i32
    %add3A_14 = arith.addi %mul3A_0, %add3A_13 : i32
    "tpu.region"() ({
      %run_scoped3A = tpu.sem_alloc : memref<!tpu.dma_semaphore, #tpu.memory_space<semaphore_mem>>
      %dma_start3A = tpu.memref_slice %arg4[%add3A_14] : memref<10000xi32, #tpu.memory_space<hbm>> -> memref<48xi32, #tpu.memory_space<hbm>>
      %dma_start3A_193 = tpu.memref_slice %arg4[%add3A_14] : memref<10000xi32, #tpu.memory_space<hbm>> -> memref<48xi32, #tpu.memory_space<hbm>>
      tpu.enqueue_dma source(%dma_start3A_193 : memref<48xi32, #tpu.memory_space<hbm>>) target(%arg12 : memref<48xi32, #tpu.memory_space<vmem>>) target_semaphore(%run_scoped3A : memref<!tpu.dma_semaphore, #tpu.memory_space<semaphore_mem>>)
      %dma_wait3A = tpu.memref_slice %arg4[%add3A_14] : memref<10000xi32, #tpu.memory_space<hbm>> -> memref<48xi32, #tpu.memory_space<hbm>>
      %dma_wait3A_194 = tpu.memref_slice %arg4[%add3A_14] : memref<10000xi32, #tpu.memory_space<hbm>> -> memref<48xi32, #tpu.memory_space<hbm>>
      tpu.wait_dma2 semaphore(%run_scoped3A : memref<!tpu.dma_semaphore, #tpu.memory_space<semaphore_mem>>) src(%dma_wait3A_194 : memref<48xi32, #tpu.memory_space<hbm>>) dst(%arg12 : memref<48xi32, #tpu.memory_space<vmem>>)
      tpu.yield
    }) : () -> ()
    "tpu.region"() ({
      %run_scoped3A = tpu.sem_alloc : memref<!tpu.dma_semaphore, #tpu.memory_space<semaphore_mem>>
      %dma_start3A = arith.constant 0 : i32
      %dma_start3A_193 = arith.constant 0 : i32
      %dma_start3A_194 = tpu.memref_slice %arg15[%dma_start3A, %dma_start3A_193] : memref<10000x128xf32, #tpu.memory_space<vmem_shared>> -> memref<10000x128xf32, #tpu.memory_space<vmem_shared>>
      tpu.enqueue_indirect_dma source(%arg14 : memref<48x128xf32, #tpu.memory_space<vmem>>) target(%dma_start3A_194 : memref<10000x128xf32, #tpu.memory_space<vmem_shared>>) offsets(%arg12 : memref<48xi32, #tpu.memory_space<vmem>>) semaphore(%run_scoped3A : memref<!tpu.dma_semaphore, #tpu.memory_space<semaphore_mem>>)
      %dma_wait3A = arith.constant 0 : i32
      %dma_wait3A_195 = arith.constant 0 : i32
      %dma_wait3A_196 = tpu.memref_slice %arg15[%dma_wait3A, %dma_wait3A_195] : memref<10000x128xf32, #tpu.memory_space<vmem_shared>> -> memref<10000x128xf32, #tpu.memory_space<vmem_shared>>
      tpu.wait_indirect_dma semaphore(%run_scoped3A : memref<!tpu.dma_semaphore, #tpu.memory_space<semaphore_mem>>) src(%arg14 : memref<48x128xf32, #tpu.memory_space<vmem>>) dst(%dma_wait3A_196 : memref<10000x128xf32, #tpu.memory_space<vmem_shared>>)
      tpu.yield
    }) : () -> ()
    %add3A_15 = arith.constant 240 : i32
    %add3A_16 = arith.addi %mul3A_0, %add3A_15 : i32
    "tpu.region"() ({
      %run_scoped3A = tpu.sem_alloc : memref<!tpu.dma_semaphore, #tpu.memory_space<semaphore_mem>>
      %dma_start3A = tpu.memref_slice %arg4[%add3A_16] : memref<10000xi32, #tpu.memory_space<hbm>> -> memref<48xi32, #tpu.memory_space<hbm>>
      %dma_start3A_193 = tpu.memref_slice %arg4[%add3A_16] : memref<10000xi32, #tpu.memory_space<hbm>> -> memref<48xi32, #tpu.memory_space<hbm>>
      tpu.enqueue_dma source(%dma_start3A_193 : memref<48xi32, #tpu.memory_space<hbm>>) target(%arg12 : memref<48xi32, #tpu.memory_space<vmem>>) target_semaphore(%run_scoped3A : memref<!tpu.dma_semaphore, #tpu.memory_space<semaphore_mem>>)
      %dma_wait3A = tpu.memref_slice %arg4[%add3A_16] : memref<10000xi32, #tpu.memory_space<hbm>> -> memref<48xi32, #tpu.memory_space<hbm>>
      %dma_wait3A_194 = tpu.memref_slice %arg4[%add3A_16] : memref<10000xi32, #tpu.memory_space<hbm>> -> memref<48xi32, #tpu.memory_space<hbm>>
      tpu.wait_dma2 semaphore(%run_scoped3A : memref<!tpu.dma_semaphore, #tpu.memory_space<semaphore_mem>>) src(%dma_wait3A_194 : memref<48xi32, #tpu.memory_space<hbm>>) dst(%arg12 : memref<48xi32, #tpu.memory_space<vmem>>)
      tpu.yield
    }) : () -> ()
    "tpu.region"() ({
      %run_scoped3A = tpu.sem_alloc : memref<!tpu.dma_semaphore, #tpu.memory_space<semaphore_mem>>
      %dma_start3A = arith.constant 0 : i32
      %dma_start3A_193 = arith.constant 0 : i32
      %dma_start3A_194 = tpu.memref_slice %arg15[%dma_start3A, %dma_start3A_193] : memref<10000x128xf32, #tpu.memory_space<vmem_shared>> -> memref<10000x128xf32, #tpu.memory_space<vmem_shared>>
      tpu.enqueue_indirect_dma source(%arg14 : memref<48x128xf32, #tpu.memory_space<vmem>>) target(%dma_start3A_194 : memref<10000x128xf32, #tpu.memory_space<vmem_shared>>) offsets(%arg12 : memref<48xi32, #tpu.memory_space<vmem>>) semaphore(%run_scoped3A : memref<!tpu.dma_semaphore, #tpu.memory_space<semaphore_mem>>)
      %dma_wait3A = arith.constant 0 : i32
      %dma_wait3A_195 = arith.constant 0 : i32
      %dma_wait3A_196 = tpu.memref_slice %arg15[%dma_wait3A, %dma_wait3A_195] : memref<10000x128xf32, #tpu.memory_space<vmem_shared>> -> memref<10000x128xf32, #tpu.memory_space<vmem_shared>>
      tpu.wait_indirect_dma semaphore(%run_scoped3A : memref<!tpu.dma_semaphore, #tpu.memory_space<semaphore_mem>>) src(%arg14 : memref<48x128xf32, #tpu.memory_space<vmem>>) dst(%dma_wait3A_196 : memref<10000x128xf32, #tpu.memory_space<vmem_shared>>)
      tpu.yield
    }) : () -> ()
    %add3A_17 = arith.constant 288 : i32
    %add3A_18 = arith.addi %mul3A_0, %add3A_17 : i32
    "tpu.region"() ({
      %run_scoped3A = tpu.sem_alloc : memref<!tpu.dma_semaphore, #tpu.memory_space<semaphore_mem>>
      %dma_start3A = tpu.memref_slice %arg4[%add3A_18] : memref<10000xi32, #tpu.memory_space<hbm>> -> memref<48xi32, #tpu.memory_space<hbm>>
      %dma_start3A_193 = tpu.memref_slice %arg4[%add3A_18] : memref<10000xi32, #tpu.memory_space<hbm>> -> memref<48xi32, #tpu.memory_space<hbm>>
      tpu.enqueue_dma source(%dma_start3A_193 : memref<48xi32, #tpu.memory_space<hbm>>) target(%arg12 : memref<48xi32, #tpu.memory_space<vmem>>) target_semaphore(%run_scoped3A : memref<!tpu.dma_semaphore, #tpu.memory_space<semaphore_mem>>)
      %dma_wait3A = tpu.memref_slice %arg4[%add3A_18] : memref<10000xi32, #tpu.memory_space<hbm>> -> memref<48xi32, #tpu.memory_space<hbm>>
      %dma_wait3A_194 = tpu.memref_slice %arg4[%add3A_18] : memref<10000xi32, #tpu.memory_space<hbm>> -> memref<48xi32, #tpu.memory_space<hbm>>
      tpu.wait_dma2 semaphore(%run_scoped3A : memref<!tpu.dma_semaphore, #tpu.memory_space<semaphore_mem>>) src(%dma_wait3A_194 : memref<48xi32, #tpu.memory_space<hbm>>) dst(%arg12 : memref<48xi32, #tpu.memory_space<vmem>>)
      tpu.yield
    }) : () -> ()
    "tpu.region"() ({
      %run_scoped3A = tpu.sem_alloc : memref<!tpu.dma_semaphore, #tpu.memory_space<semaphore_mem>>
      %dma_start3A = arith.constant 0 : i32
      %dma_start3A_193 = arith.constant 0 : i32
      %dma_start3A_194 = tpu.memref_slice %arg15[%dma_start3A, %dma_start3A_193] : memref<10000x128xf32, #tpu.memory_space<vmem_shared>> -> memref<10000x128xf32, #tpu.memory_space<vmem_shared>>
      tpu.enqueue_indirect_dma source(%arg14 : memref<48x128xf32, #tpu.memory_space<vmem>>) target(%dma_start3A_194 : memref<10000x128xf32, #tpu.memory_space<vmem_shared>>) offsets(%arg12 : memref<48xi32, #tpu.memory_space<vmem>>) semaphore(%run_scoped3A : memref<!tpu.dma_semaphore, #tpu.memory_space<semaphore_mem>>)
      %dma_wait3A = arith.constant 0 : i32
      %dma_wait3A_195 = arith.constant 0 : i32
      %dma_wait3A_196 = tpu.memref_slice %arg15[%dma_wait3A, %dma_wait3A_195] : memref<10000x128xf32, #tpu.memory_space<vmem_shared>> -> memref<10000x128xf32, #tpu.memory_space<vmem_shared>>
      tpu.wait_indirect_dma semaphore(%run_scoped3A : memref<!tpu.dma_semaphore, #tpu.memory_space<semaphore_mem>>) src(%arg14 : memref<48x128xf32, #tpu.memory_space<vmem>>) dst(%dma_wait3A_196 : memref<10000x128xf32, #tpu.memory_space<vmem_shared>>)
      tpu.yield
    }) : () -> ()
    %add3A_19 = arith.constant 336 : i32
    %add3A_20 = arith.addi %mul3A_0, %add3A_19 : i32
    "tpu.region"() ({
      %run_scoped3A = tpu.sem_alloc : memref<!tpu.dma_semaphore, #tpu.memory_space<semaphore_mem>>
      %dma_start3A = tpu.memref_slice %arg4[%add3A_20] : memref<10000xi32, #tpu.memory_space<hbm>> -> memref<48xi32, #tpu.memory_space<hbm>>
      %dma_start3A_193 = tpu.memref_slice %arg4[%add3A_20] : memref<10000xi32, #tpu.memory_space<hbm>> -> memref<48xi32, #tpu.memory_space<hbm>>
      tpu.enqueue_dma source(%dma_start3A_193 : memref<48xi32, #tpu.memory_space<hbm>>) target(%arg12 : memref<48xi32, #tpu.memory_space<vmem>>) target_semaphore(%run_scoped3A : memref<!tpu.dma_semaphore, #tpu.memory_space<semaphore_mem>>)
      %dma_wait3A = tpu.memref_slice %arg4[%add3A_20] : memref<10000xi32, #tpu.memory_space<hbm>> -> memref<48xi32, #tpu.memory_space<hbm>>
      %dma_wait3A_194 = tpu.memref_slice %arg4[%add3A_20] : memref<10000xi32, #tpu.memory_space<hbm>> -> memref<48xi32, #tpu.memory_space<hbm>>
      tpu.wait_dma2 semaphore(%run_scoped3A : memref<!tpu.dma_semaphore, #tpu.memory_space<semaphore_mem>>) src(%dma_wait3A_194 : memref<48xi32, #tpu.memory_space<hbm>>) dst(%arg12 : memref<48xi32, #tpu.memory_space<vmem>>)
      tpu.yield
    }) : () -> ()
    "tpu.region"() ({
      %run_scoped3A = tpu.sem_alloc : memref<!tpu.dma_semaphore, #tpu.memory_space<semaphore_mem>>
      %dma_start3A = arith.constant 0 : i32
      %dma_start3A_193 = arith.constant 0 : i32
      %dma_start3A_194 = tpu.memref_slice %arg15[%dma_start3A, %dma_start3A_193] : memref<10000x128xf32, #tpu.memory_space<vmem_shared>> -> memref<10000x128xf32, #tpu.memory_space<vmem_shared>>
      tpu.enqueue_indirect_dma source(%arg14 : memref<48x128xf32, #tpu.memory_space<vmem>>) target(%dma_start3A_194 : memref<10000x128xf32, #tpu.memory_space<vmem_shared>>) offsets(%arg12 : memref<48xi32, #tpu.memory_space<vmem>>) semaphore(%run_scoped3A : memref<!tpu.dma_semaphore, #tpu.memory_space<semaphore_mem>>)
      %dma_wait3A = arith.constant 0 : i32
      %dma_wait3A_195 = arith.constant 0 : i32
      %dma_wait3A_196 = tpu.memref_slice %arg15[%dma_wait3A, %dma_wait3A_195] : memref<10000x128xf32, #tpu.memory_space<vmem_shared>> -> memref<10000x128xf32, #tpu.memory_space<vmem_shared>>
      tpu.wait_indirect_dma semaphore(%run_scoped3A : memref<!tpu.dma_semaphore, #tpu.memory_space<semaphore_mem>>) src(%arg14 : memref<48x128xf32, #tpu.memory_space<vmem>>) dst(%dma_wait3A_196 : memref<10000x128xf32, #tpu.memory_space<vmem_shared>>)
      tpu.yield
    }) : () -> ()
    %add3A_21 = arith.constant 384 : i32
    %add3A_22 = arith.addi %mul3A_0, %add3A_21 : i32
    "tpu.region"() ({
      %run_scoped3A = tpu.sem_alloc : memref<!tpu.dma_semaphore, #tpu.memory_space<semaphore_mem>>
      %dma_start3A = tpu.memref_slice %arg4[%add3A_22] : memref<10000xi32, #tpu.memory_space<hbm>> -> memref<48xi32, #tpu.memory_space<hbm>>
      %dma_start3A_193 = tpu.memref_slice %arg4[%add3A_22] : memref<10000xi32, #tpu.memory_space<hbm>> -> memref<48xi32, #tpu.memory_space<hbm>>
      tpu.enqueue_dma source(%dma_start3A_193 : memref<48xi32, #tpu.memory_space<hbm>>) target(%arg12 : memref<48xi32, #tpu.memory_space<vmem>>) target_semaphore(%run_scoped3A : memref<!tpu.dma_semaphore, #tpu.memory_space<semaphore_mem>>)
      %dma_wait3A = tpu.memref_slice %arg4[%add3A_22] : memref<10000xi32, #tpu.memory_space<hbm>> -> memref<48xi32, #tpu.memory_space<hbm>>
      %dma_wait3A_194 = tpu.memref_slice %arg4[%add3A_22] : memref<10000xi32, #tpu.memory_space<hbm>> -> memref<48xi32, #tpu.memory_space<hbm>>
      tpu.wait_dma2 semaphore(%run_scoped3A : memref<!tpu.dma_semaphore, #tpu.memory_space<semaphore_mem>>) src(%dma_wait3A_194 : memref<48xi32, #tpu.memory_space<hbm>>) dst(%arg12 : memref<48xi32, #tpu.memory_space<vmem>>)
      tpu.yield
    }) : () -> ()
    "tpu.region"() ({
      %run_scoped3A = tpu.sem_alloc : memref<!tpu.dma_semaphore, #tpu.memory_space<semaphore_mem>>
      %dma_start3A = arith.constant 0 : i32
      %dma_start3A_193 = arith.constant 0 : i32
      %dma_start3A_194 = tpu.memref_slice %arg15[%dma_start3A, %dma_start3A_193] : memref<10000x128xf32, #tpu.memory_space<vmem_shared>> -> memref<10000x128xf32, #tpu.memory_space<vmem_shared>>
      tpu.enqueue_indirect_dma source(%arg14 : memref<48x128xf32, #tpu.memory_space<vmem>>) target(%dma_start3A_194 : memref<10000x128xf32, #tpu.memory_space<vmem_shared>>) offsets(%arg12 : memref<48xi32, #tpu.memory_space<vmem>>) semaphore(%run_scoped3A : memref<!tpu.dma_semaphore, #tpu.memory_space<semaphore_mem>>)
      %dma_wait3A = arith.constant 0 : i32
      %dma_wait3A_195 = arith.constant 0 : i32
      %dma_wait3A_196 = tpu.memref_slice %arg15[%dma_wait3A, %dma_wait3A_195] : memref<10000x128xf32, #tpu.memory_space<vmem_shared>> -> memref<10000x128xf32, #tpu.memory_space<vmem_shared>>
      tpu.wait_indirect_dma semaphore(%run_scoped3A : memref<!tpu.dma_semaphore, #tpu.memory_space<semaphore_mem>>) src(%arg14 : memref<48x128xf32, #tpu.memory_space<vmem>>) dst(%dma_wait3A_196 : memref<10000x128xf32, #tpu.memory_space<vmem_shared>>)
      tpu.yield
    }) : () -> ()
    %add3A_23 = arith.constant 432 : i32
    %add3A_24 = arith.addi %mul3A_0, %add3A_23 : i32
    "tpu.region"() ({
      %run_scoped3A = tpu.sem_alloc : memref<!tpu.dma_semaphore, #tpu.memory_space<semaphore_mem>>
      %dma_start3A = tpu.memref_slice %arg4[%add3A_24] : memref<10000xi32, #tpu.memory_space<hbm>> -> memref<48xi32, #tpu.memory_space<hbm>>
      %dma_start3A_193 = tpu.memref_slice %arg4[%add3A_24] : memref<10000xi32, #tpu.memory_space<hbm>> -> memref<48xi32, #tpu.memory_space<hbm>>
      tpu.enqueue_dma source(%dma_start3A_193 : memref<48xi32, #tpu.memory_space<hbm>>) target(%arg12 : memref<48xi32, #tpu.memory_space<vmem>>) target_semaphore(%run_scoped3A : memref<!tpu.dma_semaphore, #tpu.memory_space<semaphore_mem>>)
      %dma_wait3A = tpu.memref_slice %arg4[%add3A_24] : memref<10000xi32, #tpu.memory_space<hbm>> -> memref<48xi32, #tpu.memory_space<hbm>>
      %dma_wait3A_194 = tpu.memref_slice %arg4[%add3A_24] : memref<10000xi32, #tpu.memory_space<hbm>> -> memref<48xi32, #tpu.memory_space<hbm>>
      tpu.wait_dma2 semaphore(%run_scoped3A : memref<!tpu.dma_semaphore, #tpu.memory_space<semaphore_mem>>) src(%dma_wait3A_194 : memref<48xi32, #tpu.memory_space<hbm>>) dst(%arg12 : memref<48xi32, #tpu.memory_space<vmem>>)
      tpu.yield
    }) : () -> ()
    "tpu.region"() ({
      %run_scoped3A = tpu.sem_alloc : memref<!tpu.dma_semaphore, #tpu.memory_space<semaphore_mem>>
      %dma_start3A = arith.constant 0 : i32
      %dma_start3A_193 = arith.constant 0 : i32
      %dma_start3A_194 = tpu.memref_slice %arg15[%dma_start3A, %dma_start3A_193] : memref<10000x128xf32, #tpu.memory_space<vmem_shared>> -> memref<10000x128xf32, #tpu.memory_space<vmem_shared>>
      tpu.enqueue_indirect_dma source(%arg14 : memref<48x128xf32, #tpu.memory_space<vmem>>) target(%dma_start3A_194 : memref<10000x128xf32, #tpu.memory_space<vmem_shared>>) offsets(%arg12 : memref<48xi32, #tpu.memory_space<vmem>>) semaphore(%run_scoped3A : memref<!tpu.dma_semaphore, #tpu.memory_space<semaphore_mem>>)
      %dma_wait3A = arith.constant 0 : i32
      %dma_wait3A_195 = arith.constant 0 : i32
      %dma_wait3A_196 = tpu.memref_slice %arg15[%dma_wait3A, %dma_wait3A_195] : memref<10000x128xf32, #tpu.memory_space<vmem_shared>> -> memref<10000x128xf32, #tpu.memory_space<vmem_shared>>
      tpu.wait_indirect_dma semaphore(%run_scoped3A : memref<!tpu.dma_semaphore, #tpu.memory_space<semaphore_mem>>) src(%arg14 : memref<48x128xf32, #tpu.memory_space<vmem>>) dst(%dma_wait3A_196 : memref<10000x128xf32, #tpu.memory_space<vmem_shared>>)
      tpu.yield
    }) : () -> ()
    %add3A_25 = arith.constant 480 : i32
    %add3A_26 = arith.addi %mul3A_0, %add3A_25 : i32
    "tpu.region"() ({
      %run_scoped3A = tpu.sem_alloc : memref<!tpu.dma_semaphore, #tpu.memory_space<semaphore_mem>>
      %dma_start3A = tpu.memref_slice %arg4[%add3A_26] : memref<10000xi32, #tpu.memory_space<hbm>> -> memref<48xi32, #tpu.memory_space<hbm>>
      %dma_start3A_193 = tpu.memref_slice %arg4[%add3A_26] : memref<10000xi32, #tpu.memory_space<hbm>> -> memref<48xi32, #tpu.memory_space<hbm>>
      tpu.enqueue_dma source(%dma_start3A_193 : memref<48xi32, #tpu.memory_space<hbm>>) target(%arg12 : memref<48xi32, #tpu.memory_space<vmem>>) target_semaphore(%run_scoped3A : memref<!tpu.dma_semaphore, #tpu.memory_space<semaphore_mem>>)
      %dma_wait3A = tpu.memref_slice %arg4[%add3A_26] : memref<10000xi32, #tpu.memory_space<hbm>> -> memref<48xi32, #tpu.memory_space<hbm>>
      %dma_wait3A_194 = tpu.memref_slice %arg4[%add3A_26] : memref<10000xi32, #tpu.memory_space<hbm>> -> memref<48xi32, #tpu.memory_space<hbm>>
      tpu.wait_dma2 semaphore(%run_scoped3A : memref<!tpu.dma_semaphore, #tpu.memory_space<semaphore_mem>>) src(%dma_wait3A_194 : memref<48xi32, #tpu.memory_space<hbm>>) dst(%arg12 : memref<48xi32, #tpu.memory_space<vmem>>)
      tpu.yield
    }) : () -> ()
    "tpu.region"() ({
      %run_scoped3A = tpu.sem_alloc : memref<!tpu.dma_semaphore, #tpu.memory_space<semaphore_mem>>
      %dma_start3A = arith.constant 0 : i32
      %dma_start3A_193 = arith.constant 0 : i32
      %dma_start3A_194 = tpu.memref_slice %arg15[%dma_start3A, %dma_start3A_193] : memref<10000x128xf32, #tpu.memory_space<vmem_shared>> -> memref<10000x128xf32, #tpu.memory_space<vmem_shared>>
      tpu.enqueue_indirect_dma source(%arg14 : memref<48x128xf32, #tpu.memory_space<vmem>>) target(%dma_start3A_194 : memref<10000x128xf32, #tpu.memory_space<vmem_shared>>) offsets(%arg12 : memref<48xi32, #tpu.memory_space<vmem>>) semaphore(%run_scoped3A : memref<!tpu.dma_semaphore, #tpu.memory_space<semaphore_mem>>)
      %dma_wait3A = arith.constant 0 : i32
      %dma_wait3A_195 = arith.constant 0 : i32
      %dma_wait3A_196 = tpu.memref_slice %arg15[%dma_wait3A, %dma_wait3A_195] : memref<10000x128xf32, #tpu.memory_space<vmem_shared>> -> memref<10000x128xf32, #tpu.memory_space<vmem_shared>>
      tpu.wait_indirect_dma semaphore(%run_scoped3A : memref<!tpu.dma_semaphore, #tpu.memory_space<semaphore_mem>>) src(%arg14 : memref<48x128xf32, #tpu.memory_space<vmem>>) dst(%dma_wait3A_196 : memref<10000x128xf32, #tpu.memory_space<vmem_shared>>)
      tpu.yield
    }) : () -> ()
    %add3A_27 = arith.constant 528 : i32
    %add3A_28 = arith.addi %mul3A_0, %add3A_27 : i32
    "tpu.region"() ({
      %run_scoped3A = tpu.sem_alloc : memref<!tpu.dma_semaphore, #tpu.memory_space<semaphore_mem>>
      %dma_start3A = tpu.memref_slice %arg4[%add3A_28] : memref<10000xi32, #tpu.memory_space<hbm>> -> memref<48xi32, #tpu.memory_space<hbm>>
      %dma_start3A_193 = tpu.memref_slice %arg4[%add3A_28] : memref<10000xi32, #tpu.memory_space<hbm>> -> memref<48xi32, #tpu.memory_space<hbm>>
      tpu.enqueue_dma source(%dma_start3A_193 : memref<48xi32, #tpu.memory_space<hbm>>) target(%arg12 : memref<48xi32, #tpu.memory_space<vmem>>) target_semaphore(%run_scoped3A : memref<!tpu.dma_semaphore, #tpu.memory_space<semaphore_mem>>)
      %dma_wait3A = tpu.memref_slice %arg4[%add3A_28] : memref<10000xi32, #tpu.memory_space<hbm>> -> memref<48xi32, #tpu.memory_space<hbm>>
      %dma_wait3A_194 = tpu.memref_slice %arg4[%add3A_28] : memref<10000xi32, #tpu.memory_space<hbm>> -> memref<48xi32, #tpu.memory_space<hbm>>
      tpu.wait_dma2 semaphore(%run_scoped3A : memref<!tpu.dma_semaphore, #tpu.memory_space<semaphore_mem>>) src(%dma_wait3A_194 : memref<48xi32, #tpu.memory_space<hbm>>) dst(%arg12 : memref<48xi32, #tpu.memory_space<vmem>>)
      tpu.yield
    }) : () -> ()
    "tpu.region"() ({
      %run_scoped3A = tpu.sem_alloc : memref<!tpu.dma_semaphore, #tpu.memory_space<semaphore_mem>>
      %dma_start3A = arith.constant 0 : i32
      %dma_start3A_193 = arith.constant 0 : i32
      %dma_start3A_194 = tpu.memref_slice %arg15[%dma_start3A, %dma_start3A_193] : memref<10000x128xf32, #tpu.memory_space<vmem_shared>> -> memref<10000x128xf32, #tpu.memory_space<vmem_shared>>
      tpu.enqueue_indirect_dma source(%arg14 : memref<48x128xf32, #tpu.memory_space<vmem>>) target(%dma_start3A_194 : memref<10000x128xf32, #tpu.memory_space<vmem_shared>>) offsets(%arg12 : memref<48xi32, #tpu.memory_space<vmem>>) semaphore(%run_scoped3A : memref<!tpu.dma_semaphore, #tpu.memory_space<semaphore_mem>>)
      %dma_wait3A = arith.constant 0 : i32
      %dma_wait3A_195 = arith.constant 0 : i32
      %dma_wait3A_196 = tpu.memref_slice %arg15[%dma_wait3A, %dma_wait3A_195] : memref<10000x128xf32, #tpu.memory_space<vmem_shared>> -> memref<10000x128xf32, #tpu.memory_space<vmem_shared>>
      tpu.wait_indirect_dma semaphore(%run_scoped3A : memref<!tpu.dma_semaphore, #tpu.memory_space<semaphore_mem>>) src(%arg14 : memref<48x128xf32, #tpu.memory_space<vmem>>) dst(%dma_wait3A_196 : memref<10000x128xf32, #tpu.memory_space<vmem_shared>>)
      tpu.yield
    }) : () -> ()
    %add3A_29 = arith.constant 576 : i32
    %add3A_30 = arith.addi %mul3A_0, %add3A_29 : i32
    "tpu.region"() ({
      %run_scoped3A = tpu.sem_alloc : memref<!tpu.dma_semaphore, #tpu.memory_space<semaphore_mem>>
      %dma_start3A = tpu.memref_slice %arg4[%add3A_30] : memref<10000xi32, #tpu.memory_space<hbm>> -> memref<48xi32, #tpu.memory_space<hbm>>
      %dma_start3A_193 = tpu.memref_slice %arg4[%add3A_30] : memref<10000xi32, #tpu.memory_space<hbm>> -> memref<48xi32, #tpu.memory_space<hbm>>
      tpu.enqueue_dma source(%dma_start3A_193 : memref<48xi32, #tpu.memory_space<hbm>>) target(%arg12 : memref<48xi32, #tpu.memory_space<vmem>>) target_semaphore(%run_scoped3A : memref<!tpu.dma_semaphore, #tpu.memory_space<semaphore_mem>>)
      %dma_wait3A = tpu.memref_slice %arg4[%add3A_30] : memref<10000xi32, #tpu.memory_space<hbm>> -> memref<48xi32, #tpu.memory_space<hbm>>
      %dma_wait3A_194 = tpu.memref_slice %arg4[%add3A_30] : memref<10000xi32, #tpu.memory_space<hbm>> -> memref<48xi32, #tpu.memory_space<hbm>>
      tpu.wait_dma2 semaphore(%run_scoped3A : memref<!tpu.dma_semaphore, #tpu.memory_space<semaphore_mem>>) src(%dma_wait3A_194 : memref<48xi32, #tpu.memory_space<hbm>>) dst(%arg12 : memref<48xi32, #tpu.memory_space<vmem>>)
      tpu.yield
    }) : () -> ()
    "tpu.region"() ({
      %run_scoped3A = tpu.sem_alloc : memref<!tpu.dma_semaphore, #tpu.memory_space<semaphore_mem>>
      %dma_start3A = arith.constant 0 : i32
      %dma_start3A_193 = arith.constant 0 : i32
      %dma_start3A_194 = tpu.memref_slice %arg15[%dma_start3A, %dma_start3A_193] : memref<10000x128xf32, #tpu.memory_space<vmem_shared>> -> memref<10000x128xf32, #tpu.memory_space<vmem_shared>>
      tpu.enqueue_indirect_dma source(%arg14 : memref<48x128xf32, #tpu.memory_space<vmem>>) target(%dma_start3A_194 : memref<10000x128xf32, #tpu.memory_space<vmem_shared>>) offsets(%arg12 : memref<48xi32, #tpu.memory_space<vmem>>) semaphore(%run_scoped3A : memref<!tpu.dma_semaphore, #tpu.memory_space<semaphore_mem>>)
      %dma_wait3A = arith.constant 0 : i32
      %dma_wait3A_195 = arith.constant 0 : i32
      %dma_wait3A_196 = tpu.memref_slice %arg15[%dma_wait3A, %dma_wait3A_195] : memref<10000x128xf32, #tpu.memory_space<vmem_shared>> -> memref<10000x128xf32, #tpu.memory_space<vmem_shared>>
      tpu.wait_indirect_dma semaphore(%run_scoped3A : memref<!tpu.dma_semaphore, #tpu.memory_space<semaphore_mem>>) src(%arg14 : memref<48x128xf32, #tpu.memory_space<vmem>>) dst(%dma_wait3A_196 : memref<10000x128xf32, #tpu.memory_space<vmem_shared>>)
      tpu.yield
    }) : () -> ()
    %eq3A = arith.constant 15 : i32
    %eq3A_31 = arith.cmpi eq, %arg1, %eq3A : i32
    %convert_element_type3A = arith.extui %eq3A_31 : i1 to i32
    %cond3A = arith.constant 0 : i32
    %cond3A_32 = arith.cmpi ne, %convert_element_type3A, %cond3A : i32
    scf.if %cond3A_32 {
      "tpu.region"() ({
        %run_scoped3A = tpu.sem_alloc : memref<!tpu.dma_semaphore, #tpu.memory_space<semaphore_mem>>
        %dma_start3A = arith.constant 9984 : i32
        %dma_start3A_193 = tpu.memref_slice %arg4[%dma_start3A] : memref<10000xi32, #tpu.memory_space<hbm>> -> memref<16xi32, #tpu.memory_space<hbm>>
        %dma_start3A_194 = arith.constant 9984 : i32
        %dma_start3A_195 = tpu.memref_slice %arg4[%dma_start3A_194] : memref<10000xi32, #tpu.memory_space<hbm>> -> memref<16xi32, #tpu.memory_space<hbm>>
        tpu.enqueue_dma source(%dma_start3A_195 : memref<16xi32, #tpu.memory_space<hbm>>) target(%arg13 : memref<16xi32, #tpu.memory_space<vmem>>) target_semaphore(%run_scoped3A : memref<!tpu.dma_semaphore, #tpu.memory_space<semaphore_mem>>)
        %dma_wait3A = arith.constant 9984 : i32
        %dma_wait3A_196 = tpu.memref_slice %arg4[%dma_wait3A] : memref<10000xi32, #tpu.memory_space<hbm>> -> memref<16xi32, #tpu.memory_space<hbm>>
        %dma_wait3A_197 = arith.constant 9984 : i32
        %dma_wait3A_198 = tpu.memref_slice %arg4[%dma_wait3A_197] : memref<10000xi32, #tpu.memory_space<hbm>> -> memref<16xi32, #tpu.memory_space<hbm>>
        tpu.wait_dma2 semaphore(%run_scoped3A : memref<!tpu.dma_semaphore, #tpu.memory_space<semaphore_mem>>) src(%dma_wait3A_198 : memref<16xi32, #tpu.memory_space<hbm>>) dst(%arg13 : memref<16xi32, #tpu.memory_space<vmem>>)
        tpu.yield
      }) : () -> ()
      "tpu.region"() ({
        %run_scoped3A = tpu.sem_alloc : memref<!tpu.dma_semaphore, #tpu.memory_space<semaphore_mem>>
        %dma_start3A = arith.constant 0 : i32
        %dma_start3A_193 = arith.constant 0 : i32
        %dma_start3A_194 = tpu.memref_slice %arg14[%dma_start3A, %dma_start3A_193] : memref<48x128xf32, #tpu.memory_space<vmem>> -> memref<16x128xf32, #tpu.memory_space<vmem>>
        %dma_start3A_195 = arith.constant 0 : i32
        %dma_start3A_196 = arith.constant 0 : i32
        %dma_start3A_197 = tpu.memref_slice %arg15[%dma_start3A_195, %dma_start3A_196] : memref<10000x128xf32, #tpu.memory_space<vmem_shared>> -> memref<10000x128xf32, #tpu.memory_space<vmem_shared>>
        tpu.enqueue_indirect_dma source(%dma_start3A_194 : memref<16x128xf32, #tpu.memory_space<vmem>>) target(%dma_start3A_197 : memref<10000x128xf32, #tpu.memory_space<vmem_shared>>) offsets(%arg13 : memref<16xi32, #tpu.memory_space<vmem>>) semaphore(%run_scoped3A : memref<!tpu.dma_semaphore, #tpu.memory_space<semaphore_mem>>)
        %dma_wait3A = arith.constant 0 : i32
        %dma_wait3A_198 = arith.constant 0 : i32
        %dma_wait3A_199 = tpu.memref_slice %arg14[%dma_wait3A, %dma_wait3A_198] : memref<48x128xf32, #tpu.memory_space<vmem>> -> memref<16x128xf32, #tpu.memory_space<vmem>>
        %dma_wait3A_200 = arith.constant 0 : i32
        %dma_wait3A_201 = arith.constant 0 : i32
        %dma_wait3A_202 = tpu.memref_slice %arg15[%dma_wait3A_200, %dma_wait3A_201] : memref<10000x128xf32, #tpu.memory_space<vmem_shared>> -> memref<10000x128xf32, #tpu.memory_space<vmem_shared>>
        tpu.wait_indirect_dma semaphore(%run_scoped3A : memref<!tpu.dma_semaphore, #tpu.memory_space<semaphore_mem>>) src(%dma_wait3A_199 : memref<16x128xf32, #tpu.memory_space<vmem>>) dst(%dma_wait3A_202 : memref<10000x128xf32, #tpu.memory_space<vmem_shared>>)
        tpu.yield
      }) : () -> ()
    } else {
    }
    %barrier3A = arith.constant 0 : index
    tpu.barrier barrier_id(%barrier3A)
    %scan3A = arith.constant 0 : i32
    %scan3A_33 = arith.constant 0 : i32
    %scan3A_34 = arith.constant 125 : i32
    %scan3A_35 = arith.addi %scan3A_33, %scan3A_34 : i32
    %scan3A_36 = arith.constant 1 : i32
    scf.for %scan3A_193 = %scan3A_33 to %scan3A_35 step %scan3A_36  : i32 {
      %mul3A_194 = arith.constant 80 : i32
      %mul3A_195 = arith.muli %scan3A_193, %mul3A_194 : i32
      %add3A_196 = arith.addi %mul3A_4, %mul3A_195 : i32
      "tpu.region"() ({
        %run_scoped3A = tpu.sem_alloc : memref<!tpu.dma_semaphore, #tpu.memory_space<semaphore_mem>>
        %dma_start3A = tpu.memref_slice %arg3[%add3A_196] : memref<320000xi32, #tpu.memory_space<hbm>> -> memref<80xi32, #tpu.memory_space<hbm>>
        %dma_start3A_197 = tpu.memref_slice %arg3[%add3A_196] : memref<320000xi32, #tpu.memory_space<hbm>> -> memref<80xi32, #tpu.memory_space<hbm>>
        tpu.enqueue_dma source(%dma_start3A_197 : memref<80xi32, #tpu.memory_space<hbm>>) target(%arg9 : memref<80xi32, #tpu.memory_space<vmem>>) target_semaphore(%run_scoped3A : memref<!tpu.dma_semaphore, #tpu.memory_space<semaphore_mem>>)
        %dma_wait3A = tpu.memref_slice %arg3[%add3A_196] : memref<320000xi32, #tpu.memory_space<hbm>> -> memref<80xi32, #tpu.memory_space<hbm>>
        %dma_wait3A_198 = tpu.memref_slice %arg3[%add3A_196] : memref<320000xi32, #tpu.memory_space<hbm>> -> memref<80xi32, #tpu.memory_space<hbm>>
        tpu.wait_dma2 semaphore(%run_scoped3A : memref<!tpu.dma_semaphore, #tpu.memory_space<semaphore_mem>>) src(%dma_wait3A_198 : memref<80xi32, #tpu.memory_space<hbm>>) dst(%arg9 : memref<80xi32, #tpu.memory_space<vmem>>)
        tpu.yield
      }) : () -> ()
      "tpu.region"() ({
        %run_scoped3A = tpu.sem_alloc : memref<!tpu.dma_semaphore, #tpu.memory_space<semaphore_mem>>
        %dma_start3A = arith.constant 0 : i32
        %dma_start3A_197 = tpu.memref_slice %arg2[%add3A_196, %dma_start3A] : memref<320000x128xf32, #tpu.memory_space<hbm>> -> memref<80x128xf32, #tpu.memory_space<hbm>>
        %dma_start3A_198 = arith.constant 0 : i32
        %dma_start3A_199 = tpu.memref_slice %arg2[%add3A_196, %dma_start3A_198] : memref<320000x128xf32, #tpu.memory_space<hbm>> -> memref<80x128xf32, #tpu.memory_space<hbm>>
        tpu.enqueue_dma source(%dma_start3A_199 : memref<80x128xf32, #tpu.memory_space<hbm>>) target(%arg10 : memref<80x128xf32, #tpu.memory_space<vmem>>) target_semaphore(%run_scoped3A : memref<!tpu.dma_semaphore, #tpu.memory_space<semaphore_mem>>)
        %dma_wait3A = arith.constant 0 : i32
        %dma_wait3A_200 = tpu.memref_slice %arg2[%add3A_196, %dma_wait3A] : memref<320000x128xf32, #tpu.memory_space<hbm>> -> memref<80x128xf32, #tpu.memory_space<hbm>>
        %dma_wait3A_201 = arith.constant 0 : i32
        %dma_wait3A_202 = tpu.memref_slice %arg2[%add3A_196, %dma_wait3A_201] : memref<320000x128xf32, #tpu.memory_space<hbm>> -> memref<80x128xf32, #tpu.memory_space<hbm>>
        tpu.wait_dma2 semaphore(%run_scoped3A : memref<!tpu.dma_semaphore, #tpu.memory_space<semaphore_mem>>) src(%dma_wait3A_202 : memref<80x128xf32, #tpu.memory_space<hbm>>) dst(%arg10 : memref<80x128xf32, #tpu.memory_space<vmem>>)
        tpu.yield
      }) : () -> ()
      "tpu.region"() ({
        %run_scoped3A = tpu.sem_alloc : memref<!tpu.dma_semaphore, #tpu.memory_space<semaphore_mem>>
        %dma_start3A = arith.constant 0 : i32
        %dma_start3A_197 = arith.constant 0 : i32
        %dma_start3A_198 = tpu.memref_slice %arg15[%dma_start3A, %dma_start3A_197] : memref<10000x128xf32, #tpu.memory_space<vmem_shared>> -> memref<10000x128xf32, #tpu.memory_space<vmem_shared>>
        tpu.enqueue_indirect_dma source(%arg10 : memref<80x128xf32, #tpu.memory_space<vmem>>) target(%dma_start3A_198 : memref<10000x128xf32, #tpu.memory_space<vmem_shared>>) offsets(%arg9 : memref<80xi32, #tpu.memory_space<vmem>>) semaphore(%run_scoped3A : memref<!tpu.dma_semaphore, #tpu.memory_space<semaphore_mem>>) {add = true}
        %dma_wait3A = arith.constant 0 : i32
        %dma_wait3A_199 = arith.constant 0 : i32
        %dma_wait3A_200 = tpu.memref_slice %arg15[%dma_wait3A, %dma_wait3A_199] : memref<10000x128xf32, #tpu.memory_space<vmem_shared>> -> memref<10000x128xf32, #tpu.memory_space<vmem_shared>>
        tpu.wait_indirect_dma semaphore(%run_scoped3A : memref<!tpu.dma_semaphore, #tpu.memory_space<semaphore_mem>>) src(%arg10 : memref<80x128xf32, #tpu.memory_space<vmem>>) dst(%dma_wait3A_200 : memref<10000x128xf32, #tpu.memory_space<vmem_shared>>)
        tpu.yield
      }) : () -> ()
    }
    %scan3A_37 = arith.constant 125 : i32
    %barrier3A_38 = arith.constant 0 : index
    tpu.barrier barrier_id(%barrier3A_38)
    %add3A_39 = arith.constant 0 : i32
    %add3A_40 = arith.addi %mul3A_0, %add3A_39 : i32
    "tpu.region"() ({
      %run_scoped3A = tpu.sem_alloc : memref<!tpu.dma_semaphore, #tpu.memory_space<semaphore_mem>>
      %dma_start3A = tpu.memref_slice %arg4[%add3A_40] : memref<10000xi32, #tpu.memory_space<hbm>> -> memref<48xi32, #tpu.memory_space<hbm>>
      %dma_start3A_193 = tpu.memref_slice %arg4[%add3A_40] : memref<10000xi32, #tpu.memory_space<hbm>> -> memref<48xi32, #tpu.memory_space<hbm>>
      tpu.enqueue_dma source(%dma_start3A_193 : memref<48xi32, #tpu.memory_space<hbm>>) target(%arg12 : memref<48xi32, #tpu.memory_space<vmem>>) target_semaphore(%run_scoped3A : memref<!tpu.dma_semaphore, #tpu.memory_space<semaphore_mem>>)
      %dma_wait3A = tpu.memref_slice %arg4[%add3A_40] : memref<10000xi32, #tpu.memory_space<hbm>> -> memref<48xi32, #tpu.memory_space<hbm>>
      %dma_wait3A_194 = tpu.memref_slice %arg4[%add3A_40] : memref<10000xi32, #tpu.memory_space<hbm>> -> memref<48xi32, #tpu.memory_space<hbm>>
      tpu.wait_dma2 semaphore(%run_scoped3A : memref<!tpu.dma_semaphore, #tpu.memory_space<semaphore_mem>>) src(%dma_wait3A_194 : memref<48xi32, #tpu.memory_space<hbm>>) dst(%arg12 : memref<48xi32, #tpu.memory_space<vmem>>)
      tpu.yield
    }) : () -> ()
    "tpu.region"() ({
      %run_scoped3A = tpu.sem_alloc : memref<!tpu.dma_semaphore, #tpu.memory_space<semaphore_mem>>
      %dma_start3A = arith.constant 0 : i32
      %dma_start3A_193 = arith.constant 0 : i32
      %dma_start3A_194 = tpu.memref_slice %arg15[%dma_start3A, %dma_start3A_193] : memref<10000x128xf32, #tpu.memory_space<vmem_shared>> -> memref<10000x128xf32, #tpu.memory_space<vmem_shared>>
      tpu.enqueue_indirect_dma source(%dma_start3A_194 : memref<10000x128xf32, #tpu.memory_space<vmem_shared>>) target(%arg14 : memref<48x128xf32, #tpu.memory_space<vmem>>) offsets(%arg12 : memref<48xi32, #tpu.memory_space<vmem>>) semaphore(%run_scoped3A : memref<!tpu.dma_semaphore, #tpu.memory_space<semaphore_mem>>)
      %dma_wait3A = arith.constant 0 : i32
      %dma_wait3A_195 = arith.constant 0 : i32
      %dma_wait3A_196 = tpu.memref_slice %arg15[%dma_wait3A, %dma_wait3A_195] : memref<10000x128xf32, #tpu.memory_space<vmem_shared>> -> memref<10000x128xf32, #tpu.memory_space<vmem_shared>>
      tpu.wait_indirect_dma semaphore(%run_scoped3A : memref<!tpu.dma_semaphore, #tpu.memory_space<semaphore_mem>>) src(%dma_wait3A_196 : memref<10000x128xf32, #tpu.memory_space<vmem_shared>>) dst(%arg14 : memref<48x128xf32, #tpu.memory_space<vmem>>)
      tpu.yield
    }) : () -> ()
    %add3A_41 = arith.constant 0 : i32
    %add3A_42 = arith.addi %mul3A_0, %add3A_41 : i32
    "tpu.region"() ({
      %run_scoped3A = tpu.sem_alloc : memref<!tpu.dma_semaphore, #tpu.memory_space<semaphore_mem>>
      %dma_start3A = arith.constant 0 : i32
      %dma_start3A_193 = tpu.memref_slice %arg7[%arg0, %add3A_42, %dma_start3A] : memref<2x10000x128xf32, #tpu.memory_space<hbm>> -> memref<1x48x128xf32, #tpu.memory_space<hbm>>
      %dma_start3A_194 = tpu.memref_squeeze %dma_start3A_193 : memref<1x48x128xf32, #tpu.memory_space<hbm>> -> memref<48x128xf32, #tpu.memory_space<hbm>>
      %dma_start3A_195 = arith.constant 0 : i32
      %dma_start3A_196 = tpu.memref_slice %arg7[%arg0, %add3A_42, %dma_start3A_195] : memref<2x10000x128xf32, #tpu.memory_space<hbm>> -> memref<1x48x128xf32, #tpu.memory_space<hbm>>
      %dma_start3A_197 = tpu.memref_squeeze %dma_start3A_196 : memref<1x48x128xf32, #tpu.memory_space<hbm>> -> memref<48x128xf32, #tpu.memory_space<hbm>>
      tpu.enqueue_dma source(%arg14 : memref<48x128xf32, #tpu.memory_space<vmem>>) target(%dma_start3A_197 : memref<48x128xf32, #tpu.memory_space<hbm>>) target_semaphore(%run_scoped3A : memref<!tpu.dma_semaphore, #tpu.memory_space<semaphore_mem>>)
      %dma_wait3A = arith.constant 0 : i32
      %dma_wait3A_198 = tpu.memref_slice %arg7[%arg0, %add3A_42, %dma_wait3A] : memref<2x10000x128xf32, #tpu.memory_space<hbm>> -> memref<1x48x128xf32, #tpu.memory_space<hbm>>
      %dma_wait3A_199 = tpu.memref_squeeze %dma_wait3A_198 : memref<1x48x128xf32, #tpu.memory_space<hbm>> -> memref<48x128xf32, #tpu.memory_space<hbm>>
      %dma_wait3A_200 = arith.constant 0 : i32
      %dma_wait3A_201 = tpu.memref_slice %arg7[%arg0, %add3A_42, %dma_wait3A_200] : memref<2x10000x128xf32, #tpu.memory_space<hbm>> -> memref<1x48x128xf32, #tpu.memory_space<hbm>>
      %dma_wait3A_202 = tpu.memref_squeeze %dma_wait3A_201 : memref<1x48x128xf32, #tpu.memory_space<hbm>> -> memref<48x128xf32, #tpu.memory_space<hbm>>
      tpu.wait_dma2 semaphore(%run_scoped3A : memref<!tpu.dma_semaphore, #tpu.memory_space<semaphore_mem>>) src(%arg14 : memref<48x128xf32, #tpu.memory_space<vmem>>) dst(%dma_wait3A_202 : memref<48x128xf32, #tpu.memory_space<hbm>>)
      tpu.yield
    }) : () -> ()
    %add3A_43 = arith.constant 48 : i32
    %add3A_44 = arith.addi %mul3A_0, %add3A_43 : i32
    "tpu.region"() ({
      %run_scoped3A = tpu.sem_alloc : memref<!tpu.dma_semaphore, #tpu.memory_space<semaphore_mem>>
      %dma_start3A = tpu.memref_slice %arg4[%add3A_44] : memref<10000xi32, #tpu.memory_space<hbm>> -> memref<48xi32, #tpu.memory_space<hbm>>
      %dma_start3A_193 = tpu.memref_slice %arg4[%add3A_44] : memref<10000xi32, #tpu.memory_space<hbm>> -> memref<48xi32, #tpu.memory_space<hbm>>
      tpu.enqueue_dma source(%dma_start3A_193 : memref<48xi32, #tpu.memory_space<hbm>>) target(%arg12 : memref<48xi32, #tpu.memory_space<vmem>>) target_semaphore(%run_scoped3A : memref<!tpu.dma_semaphore, #tpu.memory_space<semaphore_mem>>)
      %dma_wait3A = tpu.memref_slice %arg4[%add3A_44] : memref<10000xi32, #tpu.memory_space<hbm>> -> memref<48xi32, #tpu.memory_space<hbm>>
      %dma_wait3A_194 = tpu.memref_slice %arg4[%add3A_44] : memref<10000xi32, #tpu.memory_space<hbm>> -> memref<48xi32, #tpu.memory_space<hbm>>
      tpu.wait_dma2 semaphore(%run_scoped3A : memref<!tpu.dma_semaphore, #tpu.memory_space<semaphore_mem>>) src(%dma_wait3A_194 : memref<48xi32, #tpu.memory_space<hbm>>) dst(%arg12 : memref<48xi32, #tpu.memory_space<vmem>>)
      tpu.yield
    }) : () -> ()
    "tpu.region"() ({
      %run_scoped3A = tpu.sem_alloc : memref<!tpu.dma_semaphore, #tpu.memory_space<semaphore_mem>>
      %dma_start3A = arith.constant 0 : i32
      %dma_start3A_193 = arith.constant 0 : i32
      %dma_start3A_194 = tpu.memref_slice %arg15[%dma_start3A, %dma_start3A_193] : memref<10000x128xf32, #tpu.memory_space<vmem_shared>> -> memref<10000x128xf32, #tpu.memory_space<vmem_shared>>
      tpu.enqueue_indirect_dma source(%dma_start3A_194 : memref<10000x128xf32, #tpu.memory_space<vmem_shared>>) target(%arg14 : memref<48x128xf32, #tpu.memory_space<vmem>>) offsets(%arg12 : memref<48xi32, #tpu.memory_space<vmem>>) semaphore(%run_scoped3A : memref<!tpu.dma_semaphore, #tpu.memory_space<semaphore_mem>>)
      %dma_wait3A = arith.constant 0 : i32
      %dma_wait3A_195 = arith.constant 0 : i32
      %dma_wait3A_196 = tpu.memref_slice %arg15[%dma_wait3A, %dma_wait3A_195] : memref<10000x128xf32, #tpu.memory_space<vmem_shared>> -> memref<10000x128xf32, #tpu.memory_space<vmem_shared>>
      tpu.wait_indirect_dma semaphore(%run_scoped3A : memref<!tpu.dma_semaphore, #tpu.memory_space<semaphore_mem>>) src(%dma_wait3A_196 : memref<10000x128xf32, #tpu.memory_space<vmem_shared>>) dst(%arg14 : memref<48x128xf32, #tpu.memory_space<vmem>>)
      tpu.yield
    }) : () -> ()
    %add3A_45 = arith.constant 48 : i32
    %add3A_46 = arith.addi %mul3A_0, %add3A_45 : i32
    "tpu.region"() ({
      %run_scoped3A = tpu.sem_alloc : memref<!tpu.dma_semaphore, #tpu.memory_space<semaphore_mem>>
      %dma_start3A = arith.constant 0 : i32
      %dma_start3A_193 = tpu.memref_slice %arg7[%arg0, %add3A_46, %dma_start3A] : memref<2x10000x128xf32, #tpu.memory_space<hbm>> -> memref<1x48x128xf32, #tpu.memory_space<hbm>>
      %dma_start3A_194 = tpu.memref_squeeze %dma_start3A_193 : memref<1x48x128xf32, #tpu.memory_space<hbm>> -> memref<48x128xf32, #tpu.memory_space<hbm>>
      %dma_start3A_195 = arith.constant 0 : i32
      %dma_start3A_196 = tpu.memref_slice %arg7[%arg0, %add3A_46, %dma_start3A_195] : memref<2x10000x128xf32, #tpu.memory_space<hbm>> -> memref<1x48x128xf32, #tpu.memory_space<hbm>>
      %dma_start3A_197 = tpu.memref_squeeze %dma_start3A_196 : memref<1x48x128xf32, #tpu.memory_space<hbm>> -> memref<48x128xf32, #tpu.memory_space<hbm>>
      tpu.enqueue_dma source(%arg14 : memref<48x128xf32, #tpu.memory_space<vmem>>) target(%dma_start3A_197 : memref<48x128xf32, #tpu.memory_space<hbm>>) target_semaphore(%run_scoped3A : memref<!tpu.dma_semaphore, #tpu.memory_space<semaphore_mem>>)
      %dma_wait3A = arith.constant 0 : i32
      %dma_wait3A_198 = tpu.memref_slice %arg7[%arg0, %add3A_46, %dma_wait3A] : memref<2x10000x128xf32, #tpu.memory_space<hbm>> -> memref<1x48x128xf32, #tpu.memory_space<hbm>>
      %dma_wait3A_199 = tpu.memref_squeeze %dma_wait3A_198 : memref<1x48x128xf32, #tpu.memory_space<hbm>> -> memref<48x128xf32, #tpu.memory_space<hbm>>
      %dma_wait3A_200 = arith.constant 0 : i32
      %dma_wait3A_201 = tpu.memref_slice %arg7[%arg0, %add3A_46, %dma_wait3A_200] : memref<2x10000x128xf32, #tpu.memory_space<hbm>> -> memref<1x48x128xf32, #tpu.memory_space<hbm>>
      %dma_wait3A_202 = tpu.memref_squeeze %dma_wait3A_201 : memref<1x48x128xf32, #tpu.memory_space<hbm>> -> memref<48x128xf32, #tpu.memory_space<hbm>>
      tpu.wait_dma2 semaphore(%run_scoped3A : memref<!tpu.dma_semaphore, #tpu.memory_space<semaphore_mem>>) src(%arg14 : memref<48x128xf32, #tpu.memory_space<vmem>>) dst(%dma_wait3A_202 : memref<48x128xf32, #tpu.memory_space<hbm>>)
      tpu.yield
    }) : () -> ()
    %add3A_47 = arith.constant 96 : i32
    %add3A_48 = arith.addi %mul3A_0, %add3A_47 : i32
    "tpu.region"() ({
      %run_scoped3A = tpu.sem_alloc : memref<!tpu.dma_semaphore, #tpu.memory_space<semaphore_mem>>
      %dma_start3A = tpu.memref_slice %arg4[%add3A_48] : memref<10000xi32, #tpu.memory_space<hbm>> -> memref<48xi32, #tpu.memory_space<hbm>>
      %dma_start3A_193 = tpu.memref_slice %arg4[%add3A_48] : memref<10000xi32, #tpu.memory_space<hbm>> -> memref<48xi32, #tpu.memory_space<hbm>>
      tpu.enqueue_dma source(%dma_start3A_193 : memref<48xi32, #tpu.memory_space<hbm>>) target(%arg12 : memref<48xi32, #tpu.memory_space<vmem>>) target_semaphore(%run_scoped3A : memref<!tpu.dma_semaphore, #tpu.memory_space<semaphore_mem>>)
      %dma_wait3A = tpu.memref_slice %arg4[%add3A_48] : memref<10000xi32, #tpu.memory_space<hbm>> -> memref<48xi32, #tpu.memory_space<hbm>>
      %dma_wait3A_194 = tpu.memref_slice %arg4[%add3A_48] : memref<10000xi32, #tpu.memory_space<hbm>> -> memref<48xi32, #tpu.memory_space<hbm>>
      tpu.wait_dma2 semaphore(%run_scoped3A : memref<!tpu.dma_semaphore, #tpu.memory_space<semaphore_mem>>) src(%dma_wait3A_194 : memref<48xi32, #tpu.memory_space<hbm>>) dst(%arg12 : memref<48xi32, #tpu.memory_space<vmem>>)
      tpu.yield
    }) : () -> ()
    "tpu.region"() ({
      %run_scoped3A = tpu.sem_alloc : memref<!tpu.dma_semaphore, #tpu.memory_space<semaphore_mem>>
      %dma_start3A = arith.constant 0 : i32
      %dma_start3A_193 = arith.constant 0 : i32
      %dma_start3A_194 = tpu.memref_slice %arg15[%dma_start3A, %dma_start3A_193] : memref<10000x128xf32, #tpu.memory_space<vmem_shared>> -> memref<10000x128xf32, #tpu.memory_space<vmem_shared>>
      tpu.enqueue_indirect_dma source(%dma_start3A_194 : memref<10000x128xf32, #tpu.memory_space<vmem_shared>>) target(%arg14 : memref<48x128xf32, #tpu.memory_space<vmem>>) offsets(%arg12 : memref<48xi32, #tpu.memory_space<vmem>>) semaphore(%run_scoped3A : memref<!tpu.dma_semaphore, #tpu.memory_space<semaphore_mem>>)
      %dma_wait3A = arith.constant 0 : i32
      %dma_wait3A_195 = arith.constant 0 : i32
      %dma_wait3A_196 = tpu.memref_slice %arg15[%dma_wait3A, %dma_wait3A_195] : memref<10000x128xf32, #tpu.memory_space<vmem_shared>> -> memref<10000x128xf32, #tpu.memory_space<vmem_shared>>
      tpu.wait_indirect_dma semaphore(%run_scoped3A : memref<!tpu.dma_semaphore, #tpu.memory_space<semaphore_mem>>) src(%dma_wait3A_196 : memref<10000x128xf32, #tpu.memory_space<vmem_shared>>) dst(%arg14 : memref<48x128xf32, #tpu.memory_space<vmem>>)
      tpu.yield
    }) : () -> ()
    %add3A_49 = arith.constant 96 : i32
    %add3A_50 = arith.addi %mul3A_0, %add3A_49 : i32
    "tpu.region"() ({
      %run_scoped3A = tpu.sem_alloc : memref<!tpu.dma_semaphore, #tpu.memory_space<semaphore_mem>>
      %dma_start3A = arith.constant 0 : i32
      %dma_start3A_193 = tpu.memref_slice %arg7[%arg0, %add3A_50, %dma_start3A] : memref<2x10000x128xf32, #tpu.memory_space<hbm>> -> memref<1x48x128xf32, #tpu.memory_space<hbm>>
      %dma_start3A_194 = tpu.memref_squeeze %dma_start3A_193 : memref<1x48x128xf32, #tpu.memory_space<hbm>> -> memref<48x128xf32, #tpu.memory_space<hbm>>
      %dma_start3A_195 = arith.constant 0 : i32
      %dma_start3A_196 = tpu.memref_slice %arg7[%arg0, %add3A_50, %dma_start3A_195] : memref<2x10000x128xf32, #tpu.memory_space<hbm>> -> memref<1x48x128xf32, #tpu.memory_space<hbm>>
      %dma_start3A_197 = tpu.memref_squeeze %dma_start3A_196 : memref<1x48x128xf32, #tpu.memory_space<hbm>> -> memref<48x128xf32, #tpu.memory_space<hbm>>
      tpu.enqueue_dma source(%arg14 : memref<48x128xf32, #tpu.memory_space<vmem>>) target(%dma_start3A_197 : memref<48x128xf32, #tpu.memory_space<hbm>>) target_semaphore(%run_scoped3A : memref<!tpu.dma_semaphore, #tpu.memory_space<semaphore_mem>>)
      %dma_wait3A = arith.constant 0 : i32
      %dma_wait3A_198 = tpu.memref_slice %arg7[%arg0, %add3A_50, %dma_wait3A] : memref<2x10000x128xf32, #tpu.memory_space<hbm>> -> memref<1x48x128xf32, #tpu.memory_space<hbm>>
      %dma_wait3A_199 = tpu.memref_squeeze %dma_wait3A_198 : memref<1x48x128xf32, #tpu.memory_space<hbm>> -> memref<48x128xf32, #tpu.memory_space<hbm>>
      %dma_wait3A_200 = arith.constant 0 : i32
      %dma_wait3A_201 = tpu.memref_slice %arg7[%arg0, %add3A_50, %dma_wait3A_200] : memref<2x10000x128xf32, #tpu.memory_space<hbm>> -> memref<1x48x128xf32, #tpu.memory_space<hbm>>
      %dma_wait3A_202 = tpu.memref_squeeze %dma_wait3A_201 : memref<1x48x128xf32, #tpu.memory_space<hbm>> -> memref<48x128xf32, #tpu.memory_space<hbm>>
      tpu.wait_dma2 semaphore(%run_scoped3A : memref<!tpu.dma_semaphore, #tpu.memory_space<semaphore_mem>>) src(%arg14 : memref<48x128xf32, #tpu.memory_space<vmem>>) dst(%dma_wait3A_202 : memref<48x128xf32, #tpu.memory_space<hbm>>)
      tpu.yield
    }) : () -> ()
    %add3A_51 = arith.constant 144 : i32
    %add3A_52 = arith.addi %mul3A_0, %add3A_51 : i32
    "tpu.region"() ({
      %run_scoped3A = tpu.sem_alloc : memref<!tpu.dma_semaphore, #tpu.memory_space<semaphore_mem>>
      %dma_start3A = tpu.memref_slice %arg4[%add3A_52] : memref<10000xi32, #tpu.memory_space<hbm>> -> memref<48xi32, #tpu.memory_space<hbm>>
      %dma_start3A_193 = tpu.memref_slice %arg4[%add3A_52] : memref<10000xi32, #tpu.memory_space<hbm>> -> memref<48xi32, #tpu.memory_space<hbm>>
      tpu.enqueue_dma source(%dma_start3A_193 : memref<48xi32, #tpu.memory_space<hbm>>) target(%arg12 : memref<48xi32, #tpu.memory_space<vmem>>) target_semaphore(%run_scoped3A : memref<!tpu.dma_semaphore, #tpu.memory_space<semaphore_mem>>)
      %dma_wait3A = tpu.memref_slice %arg4[%add3A_52] : memref<10000xi32, #tpu.memory_space<hbm>> -> memref<48xi32, #tpu.memory_space<hbm>>
      %dma_wait3A_194 = tpu.memref_slice %arg4[%add3A_52] : memref<10000xi32, #tpu.memory_space<hbm>> -> memref<48xi32, #tpu.memory_space<hbm>>
      tpu.wait_dma2 semaphore(%run_scoped3A : memref<!tpu.dma_semaphore, #tpu.memory_space<semaphore_mem>>) src(%dma_wait3A_194 : memref<48xi32, #tpu.memory_space<hbm>>) dst(%arg12 : memref<48xi32, #tpu.memory_space<vmem>>)
      tpu.yield
    }) : () -> ()
    "tpu.region"() ({
      %run_scoped3A = tpu.sem_alloc : memref<!tpu.dma_semaphore, #tpu.memory_space<semaphore_mem>>
      %dma_start3A = arith.constant 0 : i32
      %dma_start3A_193 = arith.constant 0 : i32
      %dma_start3A_194 = tpu.memref_slice %arg15[%dma_start3A, %dma_start3A_193] : memref<10000x128xf32, #tpu.memory_space<vmem_shared>> -> memref<10000x128xf32, #tpu.memory_space<vmem_shared>>
      tpu.enqueue_indirect_dma source(%dma_start3A_194 : memref<10000x128xf32, #tpu.memory_space<vmem_shared>>) target(%arg14 : memref<48x128xf32, #tpu.memory_space<vmem>>) offsets(%arg12 : memref<48xi32, #tpu.memory_space<vmem>>) semaphore(%run_scoped3A : memref<!tpu.dma_semaphore, #tpu.memory_space<semaphore_mem>>)
      %dma_wait3A = arith.constant 0 : i32
      %dma_wait3A_195 = arith.constant 0 : i32
      %dma_wait3A_196 = tpu.memref_slice %arg15[%dma_wait3A, %dma_wait3A_195] : memref<10000x128xf32, #tpu.memory_space<vmem_shared>> -> memref<10000x128xf32, #tpu.memory_space<vmem_shared>>
      tpu.wait_indirect_dma semaphore(%run_scoped3A : memref<!tpu.dma_semaphore, #tpu.memory_space<semaphore_mem>>) src(%dma_wait3A_196 : memref<10000x128xf32, #tpu.memory_space<vmem_shared>>) dst(%arg14 : memref<48x128xf32, #tpu.memory_space<vmem>>)
      tpu.yield
    }) : () -> ()
    %add3A_53 = arith.constant 144 : i32
    %add3A_54 = arith.addi %mul3A_0, %add3A_53 : i32
    "tpu.region"() ({
      %run_scoped3A = tpu.sem_alloc : memref<!tpu.dma_semaphore, #tpu.memory_space<semaphore_mem>>
      %dma_start3A = arith.constant 0 : i32
      %dma_start3A_193 = tpu.memref_slice %arg7[%arg0, %add3A_54, %dma_start3A] : memref<2x10000x128xf32, #tpu.memory_space<hbm>> -> memref<1x48x128xf32, #tpu.memory_space<hbm>>
      %dma_start3A_194 = tpu.memref_squeeze %dma_start3A_193 : memref<1x48x128xf32, #tpu.memory_space<hbm>> -> memref<48x128xf32, #tpu.memory_space<hbm>>
      %dma_start3A_195 = arith.constant 0 : i32
      %dma_start3A_196 = tpu.memref_slice %arg7[%arg0, %add3A_54, %dma_start3A_195] : memref<2x10000x128xf32, #tpu.memory_space<hbm>> -> memref<1x48x128xf32, #tpu.memory_space<hbm>>
      %dma_start3A_197 = tpu.memref_squeeze %dma_start3A_196 : memref<1x48x128xf32, #tpu.memory_space<hbm>> -> memref<48x128xf32, #tpu.memory_space<hbm>>
      tpu.enqueue_dma source(%arg14 : memref<48x128xf32, #tpu.memory_space<vmem>>) target(%dma_start3A_197 : memref<48x128xf32, #tpu.memory_space<hbm>>) target_semaphore(%run_scoped3A : memref<!tpu.dma_semaphore, #tpu.memory_space<semaphore_mem>>)
      %dma_wait3A = arith.constant 0 : i32
      %dma_wait3A_198 = tpu.memref_slice %arg7[%arg0, %add3A_54, %dma_wait3A] : memref<2x10000x128xf32, #tpu.memory_space<hbm>> -> memref<1x48x128xf32, #tpu.memory_space<hbm>>
      %dma_wait3A_199 = tpu.memref_squeeze %dma_wait3A_198 : memref<1x48x128xf32, #tpu.memory_space<hbm>> -> memref<48x128xf32, #tpu.memory_space<hbm>>
      %dma_wait3A_200 = arith.constant 0 : i32
      %dma_wait3A_201 = tpu.memref_slice %arg7[%arg0, %add3A_54, %dma_wait3A_200] : memref<2x10000x128xf32, #tpu.memory_space<hbm>> -> memref<1x48x128xf32, #tpu.memory_space<hbm>>
      %dma_wait3A_202 = tpu.memref_squeeze %dma_wait3A_201 : memref<1x48x128xf32, #tpu.memory_space<hbm>> -> memref<48x128xf32, #tpu.memory_space<hbm>>
      tpu.wait_dma2 semaphore(%run_scoped3A : memref<!tpu.dma_semaphore, #tpu.memory_space<semaphore_mem>>) src(%arg14 : memref<48x128xf32, #tpu.memory_space<vmem>>) dst(%dma_wait3A_202 : memref<48x128xf32, #tpu.memory_space<hbm>>)
      tpu.yield
    }) : () -> ()
    %add3A_55 = arith.constant 192 : i32
    %add3A_56 = arith.addi %mul3A_0, %add3A_55 : i32
    "tpu.region"() ({
      %run_scoped3A = tpu.sem_alloc : memref<!tpu.dma_semaphore, #tpu.memory_space<semaphore_mem>>
      %dma_start3A = tpu.memref_slice %arg4[%add3A_56] : memref<10000xi32, #tpu.memory_space<hbm>> -> memref<48xi32, #tpu.memory_space<hbm>>
      %dma_start3A_193 = tpu.memref_slice %arg4[%add3A_56] : memref<10000xi32, #tpu.memory_space<hbm>> -> memref<48xi32, #tpu.memory_space<hbm>>
      tpu.enqueue_dma source(%dma_start3A_193 : memref<48xi32, #tpu.memory_space<hbm>>) target(%arg12 : memref<48xi32, #tpu.memory_space<vmem>>) target_semaphore(%run_scoped3A : memref<!tpu.dma_semaphore, #tpu.memory_space<semaphore_mem>>)
      %dma_wait3A = tpu.memref_slice %arg4[%add3A_56] : memref<10000xi32, #tpu.memory_space<hbm>> -> memref<48xi32, #tpu.memory_space<hbm>>
      %dma_wait3A_194 = tpu.memref_slice %arg4[%add3A_56] : memref<10000xi32, #tpu.memory_space<hbm>> -> memref<48xi32, #tpu.memory_space<hbm>>
      tpu.wait_dma2 semaphore(%run_scoped3A : memref<!tpu.dma_semaphore, #tpu.memory_space<semaphore_mem>>) src(%dma_wait3A_194 : memref<48xi32, #tpu.memory_space<hbm>>) dst(%arg12 : memref<48xi32, #tpu.memory_space<vmem>>)
      tpu.yield
    }) : () -> ()
    "tpu.region"() ({
      %run_scoped3A = tpu.sem_alloc : memref<!tpu.dma_semaphore, #tpu.memory_space<semaphore_mem>>
      %dma_start3A = arith.constant 0 : i32
      %dma_start3A_193 = arith.constant 0 : i32
      %dma_start3A_194 = tpu.memref_slice %arg15[%dma_start3A, %dma_start3A_193] : memref<10000x128xf32, #tpu.memory_space<vmem_shared>> -> memref<10000x128xf32, #tpu.memory_space<vmem_shared>>
      tpu.enqueue_indirect_dma source(%dma_start3A_194 : memref<10000x128xf32, #tpu.memory_space<vmem_shared>>) target(%arg14 : memref<48x128xf32, #tpu.memory_space<vmem>>) offsets(%arg12 : memref<48xi32, #tpu.memory_space<vmem>>) semaphore(%run_scoped3A : memref<!tpu.dma_semaphore, #tpu.memory_space<semaphore_mem>>)
      %dma_wait3A = arith.constant 0 : i32
      %dma_wait3A_195 = arith.constant 0 : i32
      %dma_wait3A_196 = tpu.memref_slice %arg15[%dma_wait3A, %dma_wait3A_195] : memref<10000x128xf32, #tpu.memory_space<vmem_shared>> -> memref<10000x128xf32, #tpu.memory_space<vmem_shared>>
      tpu.wait_indirect_dma semaphore(%run_scoped3A : memref<!tpu.dma_semaphore, #tpu.memory_space<semaphore_mem>>) src(%dma_wait3A_196 : memref<10000x128xf32, #tpu.memory_space<vmem_shared>>) dst(%arg14 : memref<48x128xf32, #tpu.memory_space<vmem>>)
      tpu.yield
    }) : () -> ()
    %add3A_57 = arith.constant 192 : i32
    %add3A_58 = arith.addi %mul3A_0, %add3A_57 : i32
    "tpu.region"() ({
      %run_scoped3A = tpu.sem_alloc : memref<!tpu.dma_semaphore, #tpu.memory_space<semaphore_mem>>
      %dma_start3A = arith.constant 0 : i32
      %dma_start3A_193 = tpu.memref_slice %arg7[%arg0, %add3A_58, %dma_start3A] : memref<2x10000x128xf32, #tpu.memory_space<hbm>> -> memref<1x48x128xf32, #tpu.memory_space<hbm>>
      %dma_start3A_194 = tpu.memref_squeeze %dma_start3A_193 : memref<1x48x128xf32, #tpu.memory_space<hbm>> -> memref<48x128xf32, #tpu.memory_space<hbm>>
      %dma_start3A_195 = arith.constant 0 : i32
      %dma_start3A_196 = tpu.memref_slice %arg7[%arg0, %add3A_58, %dma_start3A_195] : memref<2x10000x128xf32, #tpu.memory_space<hbm>> -> memref<1x48x128xf32, #tpu.memory_space<hbm>>
      %dma_start3A_197 = tpu.memref_squeeze %dma_start3A_196 : memref<1x48x128xf32, #tpu.memory_space<hbm>> -> memref<48x128xf32, #tpu.memory_space<hbm>>
      tpu.enqueue_dma source(%arg14 : memref<48x128xf32, #tpu.memory_space<vmem>>) target(%dma_start3A_197 : memref<48x128xf32, #tpu.memory_space<hbm>>) target_semaphore(%run_scoped3A : memref<!tpu.dma_semaphore, #tpu.memory_space<semaphore_mem>>)
      %dma_wait3A = arith.constant 0 : i32
      %dma_wait3A_198 = tpu.memref_slice %arg7[%arg0, %add3A_58, %dma_wait3A] : memref<2x10000x128xf32, #tpu.memory_space<hbm>> -> memref<1x48x128xf32, #tpu.memory_space<hbm>>
      %dma_wait3A_199 = tpu.memref_squeeze %dma_wait3A_198 : memref<1x48x128xf32, #tpu.memory_space<hbm>> -> memref<48x128xf32, #tpu.memory_space<hbm>>
      %dma_wait3A_200 = arith.constant 0 : i32
      %dma_wait3A_201 = tpu.memref_slice %arg7[%arg0, %add3A_58, %dma_wait3A_200] : memref<2x10000x128xf32, #tpu.memory_space<hbm>> -> memref<1x48x128xf32, #tpu.memory_space<hbm>>
      %dma_wait3A_202 = tpu.memref_squeeze %dma_wait3A_201 : memref<1x48x128xf32, #tpu.memory_space<hbm>> -> memref<48x128xf32, #tpu.memory_space<hbm>>
      tpu.wait_dma2 semaphore(%run_scoped3A : memref<!tpu.dma_semaphore, #tpu.memory_space<semaphore_mem>>) src(%arg14 : memref<48x128xf32, #tpu.memory_space<vmem>>) dst(%dma_wait3A_202 : memref<48x128xf32, #tpu.memory_space<hbm>>)
      tpu.yield
    }) : () -> ()
    %add3A_59 = arith.constant 240 : i32
    %add3A_60 = arith.addi %mul3A_0, %add3A_59 : i32
    "tpu.region"() ({
      %run_scoped3A = tpu.sem_alloc : memref<!tpu.dma_semaphore, #tpu.memory_space<semaphore_mem>>
      %dma_start3A = tpu.memref_slice %arg4[%add3A_60] : memref<10000xi32, #tpu.memory_space<hbm>> -> memref<48xi32, #tpu.memory_space<hbm>>
      %dma_start3A_193 = tpu.memref_slice %arg4[%add3A_60] : memref<10000xi32, #tpu.memory_space<hbm>> -> memref<48xi32, #tpu.memory_space<hbm>>
      tpu.enqueue_dma source(%dma_start3A_193 : memref<48xi32, #tpu.memory_space<hbm>>) target(%arg12 : memref<48xi32, #tpu.memory_space<vmem>>) target_semaphore(%run_scoped3A : memref<!tpu.dma_semaphore, #tpu.memory_space<semaphore_mem>>)
      %dma_wait3A = tpu.memref_slice %arg4[%add3A_60] : memref<10000xi32, #tpu.memory_space<hbm>> -> memref<48xi32, #tpu.memory_space<hbm>>
      %dma_wait3A_194 = tpu.memref_slice %arg4[%add3A_60] : memref<10000xi32, #tpu.memory_space<hbm>> -> memref<48xi32, #tpu.memory_space<hbm>>
      tpu.wait_dma2 semaphore(%run_scoped3A : memref<!tpu.dma_semaphore, #tpu.memory_space<semaphore_mem>>) src(%dma_wait3A_194 : memref<48xi32, #tpu.memory_space<hbm>>) dst(%arg12 : memref<48xi32, #tpu.memory_space<vmem>>)
      tpu.yield
    }) : () -> ()
    "tpu.region"() ({
      %run_scoped3A = tpu.sem_alloc : memref<!tpu.dma_semaphore, #tpu.memory_space<semaphore_mem>>
      %dma_start3A = arith.constant 0 : i32
      %dma_start3A_193 = arith.constant 0 : i32
      %dma_start3A_194 = tpu.memref_slice %arg15[%dma_start3A, %dma_start3A_193] : memref<10000x128xf32, #tpu.memory_space<vmem_shared>> -> memref<10000x128xf32, #tpu.memory_space<vmem_shared>>
      tpu.enqueue_indirect_dma source(%dma_start3A_194 : memref<10000x128xf32, #tpu.memory_space<vmem_shared>>) target(%arg14 : memref<48x128xf32, #tpu.memory_space<vmem>>) offsets(%arg12 : memref<48xi32, #tpu.memory_space<vmem>>) semaphore(%run_scoped3A : memref<!tpu.dma_semaphore, #tpu.memory_space<semaphore_mem>>)
      %dma_wait3A = arith.constant 0 : i32
      %dma_wait3A_195 = arith.constant 0 : i32
      %dma_wait3A_196 = tpu.memref_slice %arg15[%dma_wait3A, %dma_wait3A_195] : memref<10000x128xf32, #tpu.memory_space<vmem_shared>> -> memref<10000x128xf32, #tpu.memory_space<vmem_shared>>
      tpu.wait_indirect_dma semaphore(%run_scoped3A : memref<!tpu.dma_semaphore, #tpu.memory_space<semaphore_mem>>) src(%dma_wait3A_196 : memref<10000x128xf32, #tpu.memory_space<vmem_shared>>) dst(%arg14 : memref<48x128xf32, #tpu.memory_space<vmem>>)
      tpu.yield
    }) : () -> ()
    %add3A_61 = arith.constant 240 : i32
    %add3A_62 = arith.addi %mul3A_0, %add3A_61 : i32
    "tpu.region"() ({
      %run_scoped3A = tpu.sem_alloc : memref<!tpu.dma_semaphore, #tpu.memory_space<semaphore_mem>>
      %dma_start3A = arith.constant 0 : i32
      %dma_start3A_193 = tpu.memref_slice %arg7[%arg0, %add3A_62, %dma_start3A] : memref<2x10000x128xf32, #tpu.memory_space<hbm>> -> memref<1x48x128xf32, #tpu.memory_space<hbm>>
      %dma_start3A_194 = tpu.memref_squeeze %dma_start3A_193 : memref<1x48x128xf32, #tpu.memory_space<hbm>> -> memref<48x128xf32, #tpu.memory_space<hbm>>
      %dma_start3A_195 = arith.constant 0 : i32
      %dma_start3A_196 = tpu.memref_slice %arg7[%arg0, %add3A_62, %dma_start3A_195] : memref<2x10000x128xf32, #tpu.memory_space<hbm>> -> memref<1x48x128xf32, #tpu.memory_space<hbm>>
      %dma_start3A_197 = tpu.memref_squeeze %dma_start3A_196 : memref<1x48x128xf32, #tpu.memory_space<hbm>> -> memref<48x128xf32, #tpu.memory_space<hbm>>
      tpu.enqueue_dma source(%arg14 : memref<48x128xf32, #tpu.memory_space<vmem>>) target(%dma_start3A_197 : memref<48x128xf32, #tpu.memory_space<hbm>>) target_semaphore(%run_scoped3A : memref<!tpu.dma_semaphore, #tpu.memory_space<semaphore_mem>>)
      %dma_wait3A = arith.constant 0 : i32
      %dma_wait3A_198 = tpu.memref_slice %arg7[%arg0, %add3A_62, %dma_wait3A] : memref<2x10000x128xf32, #tpu.memory_space<hbm>> -> memref<1x48x128xf32, #tpu.memory_space<hbm>>
      %dma_wait3A_199 = tpu.memref_squeeze %dma_wait3A_198 : memref<1x48x128xf32, #tpu.memory_space<hbm>> -> memref<48x128xf32, #tpu.memory_space<hbm>>
      %dma_wait3A_200 = arith.constant 0 : i32
      %dma_wait3A_201 = tpu.memref_slice %arg7[%arg0, %add3A_62, %dma_wait3A_200] : memref<2x10000x128xf32, #tpu.memory_space<hbm>> -> memref<1x48x128xf32, #tpu.memory_space<hbm>>
      %dma_wait3A_202 = tpu.memref_squeeze %dma_wait3A_201 : memref<1x48x128xf32, #tpu.memory_space<hbm>> -> memref<48x128xf32, #tpu.memory_space<hbm>>
      tpu.wait_dma2 semaphore(%run_scoped3A : memref<!tpu.dma_semaphore, #tpu.memory_space<semaphore_mem>>) src(%arg14 : memref<48x128xf32, #tpu.memory_space<vmem>>) dst(%dma_wait3A_202 : memref<48x128xf32, #tpu.memory_space<hbm>>)
      tpu.yield
    }) : () -> ()
    %add3A_63 = arith.constant 288 : i32
    %add3A_64 = arith.addi %mul3A_0, %add3A_63 : i32
    "tpu.region"() ({
      %run_scoped3A = tpu.sem_alloc : memref<!tpu.dma_semaphore, #tpu.memory_space<semaphore_mem>>
      %dma_start3A = tpu.memref_slice %arg4[%add3A_64] : memref<10000xi32, #tpu.memory_space<hbm>> -> memref<48xi32, #tpu.memory_space<hbm>>
      %dma_start3A_193 = tpu.memref_slice %arg4[%add3A_64] : memref<10000xi32, #tpu.memory_space<hbm>> -> memref<48xi32, #tpu.memory_space<hbm>>
      tpu.enqueue_dma source(%dma_start3A_193 : memref<48xi32, #tpu.memory_space<hbm>>) target(%arg12 : memref<48xi32, #tpu.memory_space<vmem>>) target_semaphore(%run_scoped3A : memref<!tpu.dma_semaphore, #tpu.memory_space<semaphore_mem>>)
      %dma_wait3A = tpu.memref_slice %arg4[%add3A_64] : memref<10000xi32, #tpu.memory_space<hbm>> -> memref<48xi32, #tpu.memory_space<hbm>>
      %dma_wait3A_194 = tpu.memref_slice %arg4[%add3A_64] : memref<10000xi32, #tpu.memory_space<hbm>> -> memref<48xi32, #tpu.memory_space<hbm>>
      tpu.wait_dma2 semaphore(%run_scoped3A : memref<!tpu.dma_semaphore, #tpu.memory_space<semaphore_mem>>) src(%dma_wait3A_194 : memref<48xi32, #tpu.memory_space<hbm>>) dst(%arg12 : memref<48xi32, #tpu.memory_space<vmem>>)
      tpu.yield
    }) : () -> ()
    "tpu.region"() ({
      %run_scoped3A = tpu.sem_alloc : memref<!tpu.dma_semaphore, #tpu.memory_space<semaphore_mem>>
      %dma_start3A = arith.constant 0 : i32
      %dma_start3A_193 = arith.constant 0 : i32
      %dma_start3A_194 = tpu.memref_slice %arg15[%dma_start3A, %dma_start3A_193] : memref<10000x128xf32, #tpu.memory_space<vmem_shared>> -> memref<10000x128xf32, #tpu.memory_space<vmem_shared>>
      tpu.enqueue_indirect_dma source(%dma_start3A_194 : memref<10000x128xf32, #tpu.memory_space<vmem_shared>>) target(%arg14 : memref<48x128xf32, #tpu.memory_space<vmem>>) offsets(%arg12 : memref<48xi32, #tpu.memory_space<vmem>>) semaphore(%run_scoped3A : memref<!tpu.dma_semaphore, #tpu.memory_space<semaphore_mem>>)
      %dma_wait3A = arith.constant 0 : i32
      %dma_wait3A_195 = arith.constant 0 : i32
      %dma_wait3A_196 = tpu.memref_slice %arg15[%dma_wait3A, %dma_wait3A_195] : memref<10000x128xf32, #tpu.memory_space<vmem_shared>> -> memref<10000x128xf32, #tpu.memory_space<vmem_shared>>
      tpu.wait_indirect_dma semaphore(%run_scoped3A : memref<!tpu.dma_semaphore, #tpu.memory_space<semaphore_mem>>) src(%dma_wait3A_196 : memref<10000x128xf32, #tpu.memory_space<vmem_shared>>) dst(%arg14 : memref<48x128xf32, #tpu.memory_space<vmem>>)
      tpu.yield
    }) : () -> ()
    %add3A_65 = arith.constant 288 : i32
    %add3A_66 = arith.addi %mul3A_0, %add3A_65 : i32
    "tpu.region"() ({
      %run_scoped3A = tpu.sem_alloc : memref<!tpu.dma_semaphore, #tpu.memory_space<semaphore_mem>>
      %dma_start3A = arith.constant 0 : i32
      %dma_start3A_193 = tpu.memref_slice %arg7[%arg0, %add3A_66, %dma_start3A] : memref<2x10000x128xf32, #tpu.memory_space<hbm>> -> memref<1x48x128xf32, #tpu.memory_space<hbm>>
      %dma_start3A_194 = tpu.memref_squeeze %dma_start3A_193 : memref<1x48x128xf32, #tpu.memory_space<hbm>> -> memref<48x128xf32, #tpu.memory_space<hbm>>
      %dma_start3A_195 = arith.constant 0 : i32
      %dma_start3A_196 = tpu.memref_slice %arg7[%arg0, %add3A_66, %dma_start3A_195] : memref<2x10000x128xf32, #tpu.memory_space<hbm>> -> memref<1x48x128xf32, #tpu.memory_space<hbm>>
      %dma_start3A_197 = tpu.memref_squeeze %dma_start3A_196 : memref<1x48x128xf32, #tpu.memory_space<hbm>> -> memref<48x128xf32, #tpu.memory_space<hbm>>
      tpu.enqueue_dma source(%arg14 : memref<48x128xf32, #tpu.memory_space<vmem>>) target(%dma_start3A_197 : memref<48x128xf32, #tpu.memory_space<hbm>>) target_semaphore(%run_scoped3A : memref<!tpu.dma_semaphore, #tpu.memory_space<semaphore_mem>>)
      %dma_wait3A = arith.constant 0 : i32
      %dma_wait3A_198 = tpu.memref_slice %arg7[%arg0, %add3A_66, %dma_wait3A] : memref<2x10000x128xf32, #tpu.memory_space<hbm>> -> memref<1x48x128xf32, #tpu.memory_space<hbm>>
      %dma_wait3A_199 = tpu.memref_squeeze %dma_wait3A_198 : memref<1x48x128xf32, #tpu.memory_space<hbm>> -> memref<48x128xf32, #tpu.memory_space<hbm>>
      %dma_wait3A_200 = arith.constant 0 : i32
      %dma_wait3A_201 = tpu.memref_slice %arg7[%arg0, %add3A_66, %dma_wait3A_200] : memref<2x10000x128xf32, #tpu.memory_space<hbm>> -> memref<1x48x128xf32, #tpu.memory_space<hbm>>
      %dma_wait3A_202 = tpu.memref_squeeze %dma_wait3A_201 : memref<1x48x128xf32, #tpu.memory_space<hbm>> -> memref<48x128xf32, #tpu.memory_space<hbm>>
      tpu.wait_dma2 semaphore(%run_scoped3A : memref<!tpu.dma_semaphore, #tpu.memory_space<semaphore_mem>>) src(%arg14 : memref<48x128xf32, #tpu.memory_space<vmem>>) dst(%dma_wait3A_202 : memref<48x128xf32, #tpu.memory_space<hbm>>)
      tpu.yield
    }) : () -> ()
    %add3A_67 = arith.constant 336 : i32
    %add3A_68 = arith.addi %mul3A_0, %add3A_67 : i32
    "tpu.region"() ({
      %run_scoped3A = tpu.sem_alloc : memref<!tpu.dma_semaphore, #tpu.memory_space<semaphore_mem>>
      %dma_start3A = tpu.memref_slice %arg4[%add3A_68] : memref<10000xi32, #tpu.memory_space<hbm>> -> memref<48xi32, #tpu.memory_space<hbm>>
      %dma_start3A_193 = tpu.memref_slice %arg4[%add3A_68] : memref<10000xi32, #tpu.memory_space<hbm>> -> memref<48xi32, #tpu.memory_space<hbm>>
      tpu.enqueue_dma source(%dma_start3A_193 : memref<48xi32, #tpu.memory_space<hbm>>) target(%arg12 : memref<48xi32, #tpu.memory_space<vmem>>) target_semaphore(%run_scoped3A : memref<!tpu.dma_semaphore, #tpu.memory_space<semaphore_mem>>)
      %dma_wait3A = tpu.memref_slice %arg4[%add3A_68] : memref<10000xi32, #tpu.memory_space<hbm>> -> memref<48xi32, #tpu.memory_space<hbm>>
      %dma_wait3A_194 = tpu.memref_slice %arg4[%add3A_68] : memref<10000xi32, #tpu.memory_space<hbm>> -> memref<48xi32, #tpu.memory_space<hbm>>
      tpu.wait_dma2 semaphore(%run_scoped3A : memref<!tpu.dma_semaphore, #tpu.memory_space<semaphore_mem>>) src(%dma_wait3A_194 : memref<48xi32, #tpu.memory_space<hbm>>) dst(%arg12 : memref<48xi32, #tpu.memory_space<vmem>>)
      tpu.yield
    }) : () -> ()
    "tpu.region"() ({
      %run_scoped3A = tpu.sem_alloc : memref<!tpu.dma_semaphore, #tpu.memory_space<semaphore_mem>>
      %dma_start3A = arith.constant 0 : i32
      %dma_start3A_193 = arith.constant 0 : i32
      %dma_start3A_194 = tpu.memref_slice %arg15[%dma_start3A, %dma_start3A_193] : memref<10000x128xf32, #tpu.memory_space<vmem_shared>> -> memref<10000x128xf32, #tpu.memory_space<vmem_shared>>
      tpu.enqueue_indirect_dma source(%dma_start3A_194 : memref<10000x128xf32, #tpu.memory_space<vmem_shared>>) target(%arg14 : memref<48x128xf32, #tpu.memory_space<vmem>>) offsets(%arg12 : memref<48xi32, #tpu.memory_space<vmem>>) semaphore(%run_scoped3A : memref<!tpu.dma_semaphore, #tpu.memory_space<semaphore_mem>>)
      %dma_wait3A = arith.constant 0 : i32
      %dma_wait3A_195 = arith.constant 0 : i32
      %dma_wait3A_196 = tpu.memref_slice %arg15[%dma_wait3A, %dma_wait3A_195] : memref<10000x128xf32, #tpu.memory_space<vmem_shared>> -> memref<10000x128xf32, #tpu.memory_space<vmem_shared>>
      tpu.wait_indirect_dma semaphore(%run_scoped3A : memref<!tpu.dma_semaphore, #tpu.memory_space<semaphore_mem>>) src(%dma_wait3A_196 : memref<10000x128xf32, #tpu.memory_space<vmem_shared>>) dst(%arg14 : memref<48x128xf32, #tpu.memory_space<vmem>>)
      tpu.yield
    }) : () -> ()
    %add3A_69 = arith.constant 336 : i32
    %add3A_70 = arith.addi %mul3A_0, %add3A_69 : i32
    "tpu.region"() ({
      %run_scoped3A = tpu.sem_alloc : memref<!tpu.dma_semaphore, #tpu.memory_space<semaphore_mem>>
      %dma_start3A = arith.constant 0 : i32
      %dma_start3A_193 = tpu.memref_slice %arg7[%arg0, %add3A_70, %dma_start3A] : memref<2x10000x128xf32, #tpu.memory_space<hbm>> -> memref<1x48x128xf32, #tpu.memory_space<hbm>>
      %dma_start3A_194 = tpu.memref_squeeze %dma_start3A_193 : memref<1x48x128xf32, #tpu.memory_space<hbm>> -> memref<48x128xf32, #tpu.memory_space<hbm>>
      %dma_start3A_195 = arith.constant 0 : i32
      %dma_start3A_196 = tpu.memref_slice %arg7[%arg0, %add3A_70, %dma_start3A_195] : memref<2x10000x128xf32, #tpu.memory_space<hbm>> -> memref<1x48x128xf32, #tpu.memory_space<hbm>>
      %dma_start3A_197 = tpu.memref_squeeze %dma_start3A_196 : memref<1x48x128xf32, #tpu.memory_space<hbm>> -> memref<48x128xf32, #tpu.memory_space<hbm>>
      tpu.enqueue_dma source(%arg14 : memref<48x128xf32, #tpu.memory_space<vmem>>) target(%dma_start3A_197 : memref<48x128xf32, #tpu.memory_space<hbm>>) target_semaphore(%run_scoped3A : memref<!tpu.dma_semaphore, #tpu.memory_space<semaphore_mem>>)
      %dma_wait3A = arith.constant 0 : i32
      %dma_wait3A_198 = tpu.memref_slice %arg7[%arg0, %add3A_70, %dma_wait3A] : memref<2x10000x128xf32, #tpu.memory_space<hbm>> -> memref<1x48x128xf32, #tpu.memory_space<hbm>>
      %dma_wait3A_199 = tpu.memref_squeeze %dma_wait3A_198 : memref<1x48x128xf32, #tpu.memory_space<hbm>> -> memref<48x128xf32, #tpu.memory_space<hbm>>
      %dma_wait3A_200 = arith.constant 0 : i32
      %dma_wait3A_201 = tpu.memref_slice %arg7[%arg0, %add3A_70, %dma_wait3A_200] : memref<2x10000x128xf32, #tpu.memory_space<hbm>> -> memref<1x48x128xf32, #tpu.memory_space<hbm>>
      %dma_wait3A_202 = tpu.memref_squeeze %dma_wait3A_201 : memref<1x48x128xf32, #tpu.memory_space<hbm>> -> memref<48x128xf32, #tpu.memory_space<hbm>>
      tpu.wait_dma2 semaphore(%run_scoped3A : memref<!tpu.dma_semaphore, #tpu.memory_space<semaphore_mem>>) src(%arg14 : memref<48x128xf32, #tpu.memory_space<vmem>>) dst(%dma_wait3A_202 : memref<48x128xf32, #tpu.memory_space<hbm>>)
      tpu.yield
    }) : () -> ()
    %add3A_71 = arith.constant 384 : i32
    %add3A_72 = arith.addi %mul3A_0, %add3A_71 : i32
    "tpu.region"() ({
      %run_scoped3A = tpu.sem_alloc : memref<!tpu.dma_semaphore, #tpu.memory_space<semaphore_mem>>
      %dma_start3A = tpu.memref_slice %arg4[%add3A_72] : memref<10000xi32, #tpu.memory_space<hbm>> -> memref<48xi32, #tpu.memory_space<hbm>>
      %dma_start3A_193 = tpu.memref_slice %arg4[%add3A_72] : memref<10000xi32, #tpu.memory_space<hbm>> -> memref<48xi32, #tpu.memory_space<hbm>>
      tpu.enqueue_dma source(%dma_start3A_193 : memref<48xi32, #tpu.memory_space<hbm>>) target(%arg12 : memref<48xi32, #tpu.memory_space<vmem>>) target_semaphore(%run_scoped3A : memref<!tpu.dma_semaphore, #tpu.memory_space<semaphore_mem>>)
      %dma_wait3A = tpu.memref_slice %arg4[%add3A_72] : memref<10000xi32, #tpu.memory_space<hbm>> -> memref<48xi32, #tpu.memory_space<hbm>>
      %dma_wait3A_194 = tpu.memref_slice %arg4[%add3A_72] : memref<10000xi32, #tpu.memory_space<hbm>> -> memref<48xi32, #tpu.memory_space<hbm>>
      tpu.wait_dma2 semaphore(%run_scoped3A : memref<!tpu.dma_semaphore, #tpu.memory_space<semaphore_mem>>) src(%dma_wait3A_194 : memref<48xi32, #tpu.memory_space<hbm>>) dst(%arg12 : memref<48xi32, #tpu.memory_space<vmem>>)
      tpu.yield
    }) : () -> ()
    "tpu.region"() ({
      %run_scoped3A = tpu.sem_alloc : memref<!tpu.dma_semaphore, #tpu.memory_space<semaphore_mem>>
      %dma_start3A = arith.constant 0 : i32
      %dma_start3A_193 = arith.constant 0 : i32
      %dma_start3A_194 = tpu.memref_slice %arg15[%dma_start3A, %dma_start3A_193] : memref<10000x128xf32, #tpu.memory_space<vmem_shared>> -> memref<10000x128xf32, #tpu.memory_space<vmem_shared>>
      tpu.enqueue_indirect_dma source(%dma_start3A_194 : memref<10000x128xf32, #tpu.memory_space<vmem_shared>>) target(%arg14 : memref<48x128xf32, #tpu.memory_space<vmem>>) offsets(%arg12 : memref<48xi32, #tpu.memory_space<vmem>>) semaphore(%run_scoped3A : memref<!tpu.dma_semaphore, #tpu.memory_space<semaphore_mem>>)
      %dma_wait3A = arith.constant 0 : i32
      %dma_wait3A_195 = arith.constant 0 : i32
      %dma_wait3A_196 = tpu.memref_slice %arg15[%dma_wait3A, %dma_wait3A_195] : memref<10000x128xf32, #tpu.memory_space<vmem_shared>> -> memref<10000x128xf32, #tpu.memory_space<vmem_shared>>
      tpu.wait_indirect_dma semaphore(%run_scoped3A : memref<!tpu.dma_semaphore, #tpu.memory_space<semaphore_mem>>) src(%dma_wait3A_196 : memref<10000x128xf32, #tpu.memory_space<vmem_shared>>) dst(%arg14 : memref<48x128xf32, #tpu.memory_space<vmem>>)
      tpu.yield
    }) : () -> ()
    %add3A_73 = arith.constant 384 : i32
    %add3A_74 = arith.addi %mul3A_0, %add3A_73 : i32
    "tpu.region"() ({
      %run_scoped3A = tpu.sem_alloc : memref<!tpu.dma_semaphore, #tpu.memory_space<semaphore_mem>>
      %dma_start3A = arith.constant 0 : i32
      %dma_start3A_193 = tpu.memref_slice %arg7[%arg0, %add3A_74, %dma_start3A] : memref<2x10000x128xf32, #tpu.memory_space<hbm>> -> memref<1x48x128xf32, #tpu.memory_space<hbm>>
      %dma_start3A_194 = tpu.memref_squeeze %dma_start3A_193 : memref<1x48x128xf32, #tpu.memory_space<hbm>> -> memref<48x128xf32, #tpu.memory_space<hbm>>
      %dma_start3A_195 = arith.constant 0 : i32
      %dma_start3A_196 = tpu.memref_slice %arg7[%arg0, %add3A_74, %dma_start3A_195] : memref<2x10000x128xf32, #tpu.memory_space<hbm>> -> memref<1x48x128xf32, #tpu.memory_space<hbm>>
      %dma_start3A_197 = tpu.memref_squeeze %dma_start3A_196 : memref<1x48x128xf32, #tpu.memory_space<hbm>> -> memref<48x128xf32, #tpu.memory_space<hbm>>
      tpu.enqueue_dma source(%arg14 : memref<48x128xf32, #tpu.memory_space<vmem>>) target(%dma_start3A_197 : memref<48x128xf32, #tpu.memory_space<hbm>>) target_semaphore(%run_scoped3A : memref<!tpu.dma_semaphore, #tpu.memory_space<semaphore_mem>>)
      %dma_wait3A = arith.constant 0 : i32
      %dma_wait3A_198 = tpu.memref_slice %arg7[%arg0, %add3A_74, %dma_wait3A] : memref<2x10000x128xf32, #tpu.memory_space<hbm>> -> memref<1x48x128xf32, #tpu.memory_space<hbm>>
      %dma_wait3A_199 = tpu.memref_squeeze %dma_wait3A_198 : memref<1x48x128xf32, #tpu.memory_space<hbm>> -> memref<48x128xf32, #tpu.memory_space<hbm>>
      %dma_wait3A_200 = arith.constant 0 : i32
      %dma_wait3A_201 = tpu.memref_slice %arg7[%arg0, %add3A_74, %dma_wait3A_200] : memref<2x10000x128xf32, #tpu.memory_space<hbm>> -> memref<1x48x128xf32, #tpu.memory_space<hbm>>
      %dma_wait3A_202 = tpu.memref_squeeze %dma_wait3A_201 : memref<1x48x128xf32, #tpu.memory_space<hbm>> -> memref<48x128xf32, #tpu.memory_space<hbm>>
      tpu.wait_dma2 semaphore(%run_scoped3A : memref<!tpu.dma_semaphore, #tpu.memory_space<semaphore_mem>>) src(%arg14 : memref<48x128xf32, #tpu.memory_space<vmem>>) dst(%dma_wait3A_202 : memref<48x128xf32, #tpu.memory_space<hbm>>)
      tpu.yield
    }) : () -> ()
    %add3A_75 = arith.constant 432 : i32
    %add3A_76 = arith.addi %mul3A_0, %add3A_75 : i32
    "tpu.region"() ({
      %run_scoped3A = tpu.sem_alloc : memref<!tpu.dma_semaphore, #tpu.memory_space<semaphore_mem>>
      %dma_start3A = tpu.memref_slice %arg4[%add3A_76] : memref<10000xi32, #tpu.memory_space<hbm>> -> memref<48xi32, #tpu.memory_space<hbm>>
      %dma_start3A_193 = tpu.memref_slice %arg4[%add3A_76] : memref<10000xi32, #tpu.memory_space<hbm>> -> memref<48xi32, #tpu.memory_space<hbm>>
      tpu.enqueue_dma source(%dma_start3A_193 : memref<48xi32, #tpu.memory_space<hbm>>) target(%arg12 : memref<48xi32, #tpu.memory_space<vmem>>) target_semaphore(%run_scoped3A : memref<!tpu.dma_semaphore, #tpu.memory_space<semaphore_mem>>)
      %dma_wait3A = tpu.memref_slice %arg4[%add3A_76] : memref<10000xi32, #tpu.memory_space<hbm>> -> memref<48xi32, #tpu.memory_space<hbm>>
      %dma_wait3A_194 = tpu.memref_slice %arg4[%add3A_76] : memref<10000xi32, #tpu.memory_space<hbm>> -> memref<48xi32, #tpu.memory_space<hbm>>
      tpu.wait_dma2 semaphore(%run_scoped3A : memref<!tpu.dma_semaphore, #tpu.memory_space<semaphore_mem>>) src(%dma_wait3A_194 : memref<48xi32, #tpu.memory_space<hbm>>) dst(%arg12 : memref<48xi32, #tpu.memory_space<vmem>>)
      tpu.yield
    }) : () -> ()
    "tpu.region"() ({
      %run_scoped3A = tpu.sem_alloc : memref<!tpu.dma_semaphore, #tpu.memory_space<semaphore_mem>>
      %dma_start3A = arith.constant 0 : i32
      %dma_start3A_193 = arith.constant 0 : i32
      %dma_start3A_194 = tpu.memref_slice %arg15[%dma_start3A, %dma_start3A_193] : memref<10000x128xf32, #tpu.memory_space<vmem_shared>> -> memref<10000x128xf32, #tpu.memory_space<vmem_shared>>
      tpu.enqueue_indirect_dma source(%dma_start3A_194 : memref<10000x128xf32, #tpu.memory_space<vmem_shared>>) target(%arg14 : memref<48x128xf32, #tpu.memory_space<vmem>>) offsets(%arg12 : memref<48xi32, #tpu.memory_space<vmem>>) semaphore(%run_scoped3A : memref<!tpu.dma_semaphore, #tpu.memory_space<semaphore_mem>>)
      %dma_wait3A = arith.constant 0 : i32
      %dma_wait3A_195 = arith.constant 0 : i32
      %dma_wait3A_196 = tpu.memref_slice %arg15[%dma_wait3A, %dma_wait3A_195] : memref<10000x128xf32, #tpu.memory_space<vmem_shared>> -> memref<10000x128xf32, #tpu.memory_space<vmem_shared>>
      tpu.wait_indirect_dma semaphore(%run_scoped3A : memref<!tpu.dma_semaphore, #tpu.memory_space<semaphore_mem>>) src(%dma_wait3A_196 : memref<10000x128xf32, #tpu.memory_space<vmem_shared>>) dst(%arg14 : memref<48x128xf32, #tpu.memory_space<vmem>>)
      tpu.yield
    }) : () -> ()
    %add3A_77 = arith.constant 432 : i32
    %add3A_78 = arith.addi %mul3A_0, %add3A_77 : i32
    "tpu.region"() ({
      %run_scoped3A = tpu.sem_alloc : memref<!tpu.dma_semaphore, #tpu.memory_space<semaphore_mem>>
      %dma_start3A = arith.constant 0 : i32
      %dma_start3A_193 = tpu.memref_slice %arg7[%arg0, %add3A_78, %dma_start3A] : memref<2x10000x128xf32, #tpu.memory_space<hbm>> -> memref<1x48x128xf32, #tpu.memory_space<hbm>>
      %dma_start3A_194 = tpu.memref_squeeze %dma_start3A_193 : memref<1x48x128xf32, #tpu.memory_space<hbm>> -> memref<48x128xf32, #tpu.memory_space<hbm>>
      %dma_start3A_195 = arith.constant 0 : i32
      %dma_start3A_196 = tpu.memref_slice %arg7[%arg0, %add3A_78, %dma_start3A_195] : memref<2x10000x128xf32, #tpu.memory_space<hbm>> -> memref<1x48x128xf32, #tpu.memory_space<hbm>>
      %dma_start3A_197 = tpu.memref_squeeze %dma_start3A_196 : memref<1x48x128xf32, #tpu.memory_space<hbm>> -> memref<48x128xf32, #tpu.memory_space<hbm>>
      tpu.enqueue_dma source(%arg14 : memref<48x128xf32, #tpu.memory_space<vmem>>) target(%dma_start3A_197 : memref<48x128xf32, #tpu.memory_space<hbm>>) target_semaphore(%run_scoped3A : memref<!tpu.dma_semaphore, #tpu.memory_space<semaphore_mem>>)
      %dma_wait3A = arith.constant 0 : i32
      %dma_wait3A_198 = tpu.memref_slice %arg7[%arg0, %add3A_78, %dma_wait3A] : memref<2x10000x128xf32, #tpu.memory_space<hbm>> -> memref<1x48x128xf32, #tpu.memory_space<hbm>>
      %dma_wait3A_199 = tpu.memref_squeeze %dma_wait3A_198 : memref<1x48x128xf32, #tpu.memory_space<hbm>> -> memref<48x128xf32, #tpu.memory_space<hbm>>
      %dma_wait3A_200 = arith.constant 0 : i32
      %dma_wait3A_201 = tpu.memref_slice %arg7[%arg0, %add3A_78, %dma_wait3A_200] : memref<2x10000x128xf32, #tpu.memory_space<hbm>> -> memref<1x48x128xf32, #tpu.memory_space<hbm>>
      %dma_wait3A_202 = tpu.memref_squeeze %dma_wait3A_201 : memref<1x48x128xf32, #tpu.memory_space<hbm>> -> memref<48x128xf32, #tpu.memory_space<hbm>>
      tpu.wait_dma2 semaphore(%run_scoped3A : memref<!tpu.dma_semaphore, #tpu.memory_space<semaphore_mem>>) src(%arg14 : memref<48x128xf32, #tpu.memory_space<vmem>>) dst(%dma_wait3A_202 : memref<48x128xf32, #tpu.memory_space<hbm>>)
      tpu.yield
    }) : () -> ()
    %add3A_79 = arith.constant 480 : i32
    %add3A_80 = arith.addi %mul3A_0, %add3A_79 : i32
    "tpu.region"() ({
      %run_scoped3A = tpu.sem_alloc : memref<!tpu.dma_semaphore, #tpu.memory_space<semaphore_mem>>
      %dma_start3A = tpu.memref_slice %arg4[%add3A_80] : memref<10000xi32, #tpu.memory_space<hbm>> -> memref<48xi32, #tpu.memory_space<hbm>>
      %dma_start3A_193 = tpu.memref_slice %arg4[%add3A_80] : memref<10000xi32, #tpu.memory_space<hbm>> -> memref<48xi32, #tpu.memory_space<hbm>>
      tpu.enqueue_dma source(%dma_start3A_193 : memref<48xi32, #tpu.memory_space<hbm>>) target(%arg12 : memref<48xi32, #tpu.memory_space<vmem>>) target_semaphore(%run_scoped3A : memref<!tpu.dma_semaphore, #tpu.memory_space<semaphore_mem>>)
      %dma_wait3A = tpu.memref_slice %arg4[%add3A_80] : memref<10000xi32, #tpu.memory_space<hbm>> -> memref<48xi32, #tpu.memory_space<hbm>>
      %dma_wait3A_194 = tpu.memref_slice %arg4[%add3A_80] : memref<10000xi32, #tpu.memory_space<hbm>> -> memref<48xi32, #tpu.memory_space<hbm>>
      tpu.wait_dma2 semaphore(%run_scoped3A : memref<!tpu.dma_semaphore, #tpu.memory_space<semaphore_mem>>) src(%dma_wait3A_194 : memref<48xi32, #tpu.memory_space<hbm>>) dst(%arg12 : memref<48xi32, #tpu.memory_space<vmem>>)
      tpu.yield
    }) : () -> ()
    "tpu.region"() ({
      %run_scoped3A = tpu.sem_alloc : memref<!tpu.dma_semaphore, #tpu.memory_space<semaphore_mem>>
      %dma_start3A = arith.constant 0 : i32
      %dma_start3A_193 = arith.constant 0 : i32
      %dma_start3A_194 = tpu.memref_slice %arg15[%dma_start3A, %dma_start3A_193] : memref<10000x128xf32, #tpu.memory_space<vmem_shared>> -> memref<10000x128xf32, #tpu.memory_space<vmem_shared>>
      tpu.enqueue_indirect_dma source(%dma_start3A_194 : memref<10000x128xf32, #tpu.memory_space<vmem_shared>>) target(%arg14 : memref<48x128xf32, #tpu.memory_space<vmem>>) offsets(%arg12 : memref<48xi32, #tpu.memory_space<vmem>>) semaphore(%run_scoped3A : memref<!tpu.dma_semaphore, #tpu.memory_space<semaphore_mem>>)
      %dma_wait3A = arith.constant 0 : i32
      %dma_wait3A_195 = arith.constant 0 : i32
      %dma_wait3A_196 = tpu.memref_slice %arg15[%dma_wait3A, %dma_wait3A_195] : memref<10000x128xf32, #tpu.memory_space<vmem_shared>> -> memref<10000x128xf32, #tpu.memory_space<vmem_shared>>
      tpu.wait_indirect_dma semaphore(%run_scoped3A : memref<!tpu.dma_semaphore, #tpu.memory_space<semaphore_mem>>) src(%dma_wait3A_196 : memref<10000x128xf32, #tpu.memory_space<vmem_shared>>) dst(%arg14 : memref<48x128xf32, #tpu.memory_space<vmem>>)
      tpu.yield
    }) : () -> ()
    %add3A_81 = arith.constant 480 : i32
    %add3A_82 = arith.addi %mul3A_0, %add3A_81 : i32
    "tpu.region"() ({
      %run_scoped3A = tpu.sem_alloc : memref<!tpu.dma_semaphore, #tpu.memory_space<semaphore_mem>>
      %dma_start3A = arith.constant 0 : i32
      %dma_start3A_193 = tpu.memref_slice %arg7[%arg0, %add3A_82, %dma_start3A] : memref<2x10000x128xf32, #tpu.memory_space<hbm>> -> memref<1x48x128xf32, #tpu.memory_space<hbm>>
      %dma_start3A_194 = tpu.memref_squeeze %dma_start3A_193 : memref<1x48x128xf32, #tpu.memory_space<hbm>> -> memref<48x128xf32, #tpu.memory_space<hbm>>
      %dma_start3A_195 = arith.constant 0 : i32
      %dma_start3A_196 = tpu.memref_slice %arg7[%arg0, %add3A_82, %dma_start3A_195] : memref<2x10000x128xf32, #tpu.memory_space<hbm>> -> memref<1x48x128xf32, #tpu.memory_space<hbm>>
      %dma_start3A_197 = tpu.memref_squeeze %dma_start3A_196 : memref<1x48x128xf32, #tpu.memory_space<hbm>> -> memref<48x128xf32, #tpu.memory_space<hbm>>
      tpu.enqueue_dma source(%arg14 : memref<48x128xf32, #tpu.memory_space<vmem>>) target(%dma_start3A_197 : memref<48x128xf32, #tpu.memory_space<hbm>>) target_semaphore(%run_scoped3A : memref<!tpu.dma_semaphore, #tpu.memory_space<semaphore_mem>>)
      %dma_wait3A = arith.constant 0 : i32
      %dma_wait3A_198 = tpu.memref_slice %arg7[%arg0, %add3A_82, %dma_wait3A] : memref<2x10000x128xf32, #tpu.memory_space<hbm>> -> memref<1x48x128xf32, #tpu.memory_space<hbm>>
      %dma_wait3A_199 = tpu.memref_squeeze %dma_wait3A_198 : memref<1x48x128xf32, #tpu.memory_space<hbm>> -> memref<48x128xf32, #tpu.memory_space<hbm>>
      %dma_wait3A_200 = arith.constant 0 : i32
      %dma_wait3A_201 = tpu.memref_slice %arg7[%arg0, %add3A_82, %dma_wait3A_200] : memref<2x10000x128xf32, #tpu.memory_space<hbm>> -> memref<1x48x128xf32, #tpu.memory_space<hbm>>
      %dma_wait3A_202 = tpu.memref_squeeze %dma_wait3A_201 : memref<1x48x128xf32, #tpu.memory_space<hbm>> -> memref<48x128xf32, #tpu.memory_space<hbm>>
      tpu.wait_dma2 semaphore(%run_scoped3A : memref<!tpu.dma_semaphore, #tpu.memory_space<semaphore_mem>>) src(%arg14 : memref<48x128xf32, #tpu.memory_space<vmem>>) dst(%dma_wait3A_202 : memref<48x128xf32, #tpu.memory_space<hbm>>)
      tpu.yield
    }) : () -> ()
    %add3A_83 = arith.constant 528 : i32
    %add3A_84 = arith.addi %mul3A_0, %add3A_83 : i32
    "tpu.region"() ({
      %run_scoped3A = tpu.sem_alloc : memref<!tpu.dma_semaphore, #tpu.memory_space<semaphore_mem>>
      %dma_start3A = tpu.memref_slice %arg4[%add3A_84] : memref<10000xi32, #tpu.memory_space<hbm>> -> memref<48xi32, #tpu.memory_space<hbm>>
      %dma_start3A_193 = tpu.memref_slice %arg4[%add3A_84] : memref<10000xi32, #tpu.memory_space<hbm>> -> memref<48xi32, #tpu.memory_space<hbm>>
      tpu.enqueue_dma source(%dma_start3A_193 : memref<48xi32, #tpu.memory_space<hbm>>) target(%arg12 : memref<48xi32, #tpu.memory_space<vmem>>) target_semaphore(%run_scoped3A : memref<!tpu.dma_semaphore, #tpu.memory_space<semaphore_mem>>)
      %dma_wait3A = tpu.memref_slice %arg4[%add3A_84] : memref<10000xi32, #tpu.memory_space<hbm>> -> memref<48xi32, #tpu.memory_space<hbm>>
      %dma_wait3A_194 = tpu.memref_slice %arg4[%add3A_84] : memref<10000xi32, #tpu.memory_space<hbm>> -> memref<48xi32, #tpu.memory_space<hbm>>
      tpu.wait_dma2 semaphore(%run_scoped3A : memref<!tpu.dma_semaphore, #tpu.memory_space<semaphore_mem>>) src(%dma_wait3A_194 : memref<48xi32, #tpu.memory_space<hbm>>) dst(%arg12 : memref<48xi32, #tpu.memory_space<vmem>>)
      tpu.yield
    }) : () -> ()
    "tpu.region"() ({
      %run_scoped3A = tpu.sem_alloc : memref<!tpu.dma_semaphore, #tpu.memory_space<semaphore_mem>>
      %dma_start3A = arith.constant 0 : i32
      %dma_start3A_193 = arith.constant 0 : i32
      %dma_start3A_194 = tpu.memref_slice %arg15[%dma_start3A, %dma_start3A_193] : memref<10000x128xf32, #tpu.memory_space<vmem_shared>> -> memref<10000x128xf32, #tpu.memory_space<vmem_shared>>
      tpu.enqueue_indirect_dma source(%dma_start3A_194 : memref<10000x128xf32, #tpu.memory_space<vmem_shared>>) target(%arg14 : memref<48x128xf32, #tpu.memory_space<vmem>>) offsets(%arg12 : memref<48xi32, #tpu.memory_space<vmem>>) semaphore(%run_scoped3A : memref<!tpu.dma_semaphore, #tpu.memory_space<semaphore_mem>>)
      %dma_wait3A = arith.constant 0 : i32
      %dma_wait3A_195 = arith.constant 0 : i32
      %dma_wait3A_196 = tpu.memref_slice %arg15[%dma_wait3A, %dma_wait3A_195] : memref<10000x128xf32, #tpu.memory_space<vmem_shared>> -> memref<10000x128xf32, #tpu.memory_space<vmem_shared>>
      tpu.wait_indirect_dma semaphore(%run_scoped3A : memref<!tpu.dma_semaphore, #tpu.memory_space<semaphore_mem>>) src(%dma_wait3A_196 : memref<10000x128xf32, #tpu.memory_space<vmem_shared>>) dst(%arg14 : memref<48x128xf32, #tpu.memory_space<vmem>>)
      tpu.yield
    }) : () -> ()
    %add3A_85 = arith.constant 528 : i32
    %add3A_86 = arith.addi %mul3A_0, %add3A_85 : i32
    "tpu.region"() ({
      %run_scoped3A = tpu.sem_alloc : memref<!tpu.dma_semaphore, #tpu.memory_space<semaphore_mem>>
      %dma_start3A = arith.constant 0 : i32
      %dma_start3A_193 = tpu.memref_slice %arg7[%arg0, %add3A_86, %dma_start3A] : memref<2x10000x128xf32, #tpu.memory_space<hbm>> -> memref<1x48x128xf32, #tpu.memory_space<hbm>>
      %dma_start3A_194 = tpu.memref_squeeze %dma_start3A_193 : memref<1x48x128xf32, #tpu.memory_space<hbm>> -> memref<48x128xf32, #tpu.memory_space<hbm>>
      %dma_start3A_195 = arith.constant 0 : i32
      %dma_start3A_196 = tpu.memref_slice %arg7[%arg0, %add3A_86, %dma_start3A_195] : memref<2x10000x128xf32, #tpu.memory_space<hbm>> -> memref<1x48x128xf32, #tpu.memory_space<hbm>>
      %dma_start3A_197 = tpu.memref_squeeze %dma_start3A_196 : memref<1x48x128xf32, #tpu.memory_space<hbm>> -> memref<48x128xf32, #tpu.memory_space<hbm>>
      tpu.enqueue_dma source(%arg14 : memref<48x128xf32, #tpu.memory_space<vmem>>) target(%dma_start3A_197 : memref<48x128xf32, #tpu.memory_space<hbm>>) target_semaphore(%run_scoped3A : memref<!tpu.dma_semaphore, #tpu.memory_space<semaphore_mem>>)
      %dma_wait3A = arith.constant 0 : i32
      %dma_wait3A_198 = tpu.memref_slice %arg7[%arg0, %add3A_86, %dma_wait3A] : memref<2x10000x128xf32, #tpu.memory_space<hbm>> -> memref<1x48x128xf32, #tpu.memory_space<hbm>>
      %dma_wait3A_199 = tpu.memref_squeeze %dma_wait3A_198 : memref<1x48x128xf32, #tpu.memory_space<hbm>> -> memref<48x128xf32, #tpu.memory_space<hbm>>
      %dma_wait3A_200 = arith.constant 0 : i32
      %dma_wait3A_201 = tpu.memref_slice %arg7[%arg0, %add3A_86, %dma_wait3A_200] : memref<2x10000x128xf32, #tpu.memory_space<hbm>> -> memref<1x48x128xf32, #tpu.memory_space<hbm>>
      %dma_wait3A_202 = tpu.memref_squeeze %dma_wait3A_201 : memref<1x48x128xf32, #tpu.memory_space<hbm>> -> memref<48x128xf32, #tpu.memory_space<hbm>>
      tpu.wait_dma2 semaphore(%run_scoped3A : memref<!tpu.dma_semaphore, #tpu.memory_space<semaphore_mem>>) src(%arg14 : memref<48x128xf32, #tpu.memory_space<vmem>>) dst(%dma_wait3A_202 : memref<48x128xf32, #tpu.memory_space<hbm>>)
      tpu.yield
    }) : () -> ()
    %add3A_87 = arith.constant 576 : i32
    %add3A_88 = arith.addi %mul3A_0, %add3A_87 : i32
    "tpu.region"() ({
      %run_scoped3A = tpu.sem_alloc : memref<!tpu.dma_semaphore, #tpu.memory_space<semaphore_mem>>
      %dma_start3A = tpu.memref_slice %arg4[%add3A_88] : memref<10000xi32, #tpu.memory_space<hbm>> -> memref<48xi32, #tpu.memory_space<hbm>>
      %dma_start3A_193 = tpu.memref_slice %arg4[%add3A_88] : memref<10000xi32, #tpu.memory_space<hbm>> -> memref<48xi32, #tpu.memory_space<hbm>>
      tpu.enqueue_dma source(%dma_start3A_193 : memref<48xi32, #tpu.memory_space<hbm>>) target(%arg12 : memref<48xi32, #tpu.memory_space<vmem>>) target_semaphore(%run_scoped3A : memref<!tpu.dma_semaphore, #tpu.memory_space<semaphore_mem>>)
      %dma_wait3A = tpu.memref_slice %arg4[%add3A_88] : memref<10000xi32, #tpu.memory_space<hbm>> -> memref<48xi32, #tpu.memory_space<hbm>>
      %dma_wait3A_194 = tpu.memref_slice %arg4[%add3A_88] : memref<10000xi32, #tpu.memory_space<hbm>> -> memref<48xi32, #tpu.memory_space<hbm>>
      tpu.wait_dma2 semaphore(%run_scoped3A : memref<!tpu.dma_semaphore, #tpu.memory_space<semaphore_mem>>) src(%dma_wait3A_194 : memref<48xi32, #tpu.memory_space<hbm>>) dst(%arg12 : memref<48xi32, #tpu.memory_space<vmem>>)
      tpu.yield
    }) : () -> ()
    "tpu.region"() ({
      %run_scoped3A = tpu.sem_alloc : memref<!tpu.dma_semaphore, #tpu.memory_space<semaphore_mem>>
      %dma_start3A = arith.constant 0 : i32
      %dma_start3A_193 = arith.constant 0 : i32
      %dma_start3A_194 = tpu.memref_slice %arg15[%dma_start3A, %dma_start3A_193] : memref<10000x128xf32, #tpu.memory_space<vmem_shared>> -> memref<10000x128xf32, #tpu.memory_space<vmem_shared>>
      tpu.enqueue_indirect_dma source(%dma_start3A_194 : memref<10000x128xf32, #tpu.memory_space<vmem_shared>>) target(%arg14 : memref<48x128xf32, #tpu.memory_space<vmem>>) offsets(%arg12 : memref<48xi32, #tpu.memory_space<vmem>>) semaphore(%run_scoped3A : memref<!tpu.dma_semaphore, #tpu.memory_space<semaphore_mem>>)
      %dma_wait3A = arith.constant 0 : i32
      %dma_wait3A_195 = arith.constant 0 : i32
      %dma_wait3A_196 = tpu.memref_slice %arg15[%dma_wait3A, %dma_wait3A_195] : memref<10000x128xf32, #tpu.memory_space<vmem_shared>> -> memref<10000x128xf32, #tpu.memory_space<vmem_shared>>
      tpu.wait_indirect_dma semaphore(%run_scoped3A : memref<!tpu.dma_semaphore, #tpu.memory_space<semaphore_mem>>) src(%dma_wait3A_196 : memref<10000x128xf32, #tpu.memory_space<vmem_shared>>) dst(%arg14 : memref<48x128xf32, #tpu.memory_space<vmem>>)
      tpu.yield
    }) : () -> ()
    %add3A_89 = arith.constant 576 : i32
    %add3A_90 = arith.addi %mul3A_0, %add3A_89 : i32
    "tpu.region"() ({
      %run_scoped3A = tpu.sem_alloc : memref<!tpu.dma_semaphore, #tpu.memory_space<semaphore_mem>>
      %dma_start3A = arith.constant 0 : i32
      %dma_start3A_193 = tpu.memref_slice %arg7[%arg0, %add3A_90, %dma_start3A] : memref<2x10000x128xf32, #tpu.memory_space<hbm>> -> memref<1x48x128xf32, #tpu.memory_space<hbm>>
      %dma_start3A_194 = tpu.memref_squeeze %dma_start3A_193 : memref<1x48x128xf32, #tpu.memory_space<hbm>> -> memref<48x128xf32, #tpu.memory_space<hbm>>
      %dma_start3A_195 = arith.constant 0 : i32
      %dma_start3A_196 = tpu.memref_slice %arg7[%arg0, %add3A_90, %dma_start3A_195] : memref<2x10000x128xf32, #tpu.memory_space<hbm>> -> memref<1x48x128xf32, #tpu.memory_space<hbm>>
      %dma_start3A_197 = tpu.memref_squeeze %dma_start3A_196 : memref<1x48x128xf32, #tpu.memory_space<hbm>> -> memref<48x128xf32, #tpu.memory_space<hbm>>
      tpu.enqueue_dma source(%arg14 : memref<48x128xf32, #tpu.memory_space<vmem>>) target(%dma_start3A_197 : memref<48x128xf32, #tpu.memory_space<hbm>>) target_semaphore(%run_scoped3A : memref<!tpu.dma_semaphore, #tpu.memory_space<semaphore_mem>>)
      %dma_wait3A = arith.constant 0 : i32
      %dma_wait3A_198 = tpu.memref_slice %arg7[%arg0, %add3A_90, %dma_wait3A] : memref<2x10000x128xf32, #tpu.memory_space<hbm>> -> memref<1x48x128xf32, #tpu.memory_space<hbm>>
      %dma_wait3A_199 = tpu.memref_squeeze %dma_wait3A_198 : memref<1x48x128xf32, #tpu.memory_space<hbm>> -> memref<48x128xf32, #tpu.memory_space<hbm>>
      %dma_wait3A_200 = arith.constant 0 : i32
      %dma_wait3A_201 = tpu.memref_slice %arg7[%arg0, %add3A_90, %dma_wait3A_200] : memref<2x10000x128xf32, #tpu.memory_space<hbm>> -> memref<1x48x128xf32, #tpu.memory_space<hbm>>
      %dma_wait3A_202 = tpu.memref_squeeze %dma_wait3A_201 : memref<1x48x128xf32, #tpu.memory_space<hbm>> -> memref<48x128xf32, #tpu.memory_space<hbm>>
      tpu.wait_dma2 semaphore(%run_scoped3A : memref<!tpu.dma_semaphore, #tpu.memory_space<semaphore_mem>>) src(%arg14 : memref<48x128xf32, #tpu.memory_space<vmem>>) dst(%dma_wait3A_202 : memref<48x128xf32, #tpu.memory_space<hbm>>)
      tpu.yield
    }) : () -> ()
    %eq3A_91 = arith.constant 15 : i32
    %eq3A_92 = arith.cmpi eq, %arg1, %eq3A_91 : i32
    %convert_element_type3A_93 = arith.extui %eq3A_92 : i1 to i32
    %cond3A_94 = arith.constant 0 : i32
    %cond3A_95 = arith.cmpi ne, %convert_element_type3A_93, %cond3A_94 : i32
    scf.if %cond3A_95 {
      "tpu.region"() ({
        %run_scoped3A = tpu.sem_alloc : memref<!tpu.dma_semaphore, #tpu.memory_space<semaphore_mem>>
        %dma_start3A = arith.constant 9984 : i32
        %dma_start3A_193 = tpu.memref_slice %arg4[%dma_start3A] : memref<10000xi32, #tpu.memory_space<hbm>> -> memref<16xi32, #tpu.memory_space<hbm>>
        %dma_start3A_194 = arith.constant 9984 : i32
        %dma_start3A_195 = tpu.memref_slice %arg4[%dma_start3A_194] : memref<10000xi32, #tpu.memory_space<hbm>> -> memref<16xi32, #tpu.memory_space<hbm>>
        tpu.enqueue_dma source(%dma_start3A_195 : memref<16xi32, #tpu.memory_space<hbm>>) target(%arg13 : memref<16xi32, #tpu.memory_space<vmem>>) target_semaphore(%run_scoped3A : memref<!tpu.dma_semaphore, #tpu.memory_space<semaphore_mem>>)
        %dma_wait3A = arith.constant 9984 : i32
        %dma_wait3A_196 = tpu.memref_slice %arg4[%dma_wait3A] : memref<10000xi32, #tpu.memory_space<hbm>> -> memref<16xi32, #tpu.memory_space<hbm>>
        %dma_wait3A_197 = arith.constant 9984 : i32
        %dma_wait3A_198 = tpu.memref_slice %arg4[%dma_wait3A_197] : memref<10000xi32, #tpu.memory_space<hbm>> -> memref<16xi32, #tpu.memory_space<hbm>>
        tpu.wait_dma2 semaphore(%run_scoped3A : memref<!tpu.dma_semaphore, #tpu.memory_space<semaphore_mem>>) src(%dma_wait3A_198 : memref<16xi32, #tpu.memory_space<hbm>>) dst(%arg13 : memref<16xi32, #tpu.memory_space<vmem>>)
        tpu.yield
      }) : () -> ()
      "tpu.region"() ({
        %run_scoped3A = tpu.sem_alloc : memref<!tpu.dma_semaphore, #tpu.memory_space<semaphore_mem>>
        %dma_start3A = arith.constant 0 : i32
        %dma_start3A_193 = arith.constant 0 : i32
        %dma_start3A_194 = tpu.memref_slice %arg14[%dma_start3A, %dma_start3A_193] : memref<48x128xf32, #tpu.memory_space<vmem>> -> memref<16x128xf32, #tpu.memory_space<vmem>>
        %dma_start3A_195 = arith.constant 0 : i32
        %dma_start3A_196 = arith.constant 0 : i32
        %dma_start3A_197 = tpu.memref_slice %arg15[%dma_start3A_195, %dma_start3A_196] : memref<10000x128xf32, #tpu.memory_space<vmem_shared>> -> memref<10000x128xf32, #tpu.memory_space<vmem_shared>>
        tpu.enqueue_indirect_dma source(%dma_start3A_197 : memref<10000x128xf32, #tpu.memory_space<vmem_shared>>) target(%dma_start3A_194 : memref<16x128xf32, #tpu.memory_space<vmem>>) offsets(%arg13 : memref<16xi32, #tpu.memory_space<vmem>>) semaphore(%run_scoped3A : memref<!tpu.dma_semaphore, #tpu.memory_space<semaphore_mem>>)
        %dma_wait3A = arith.constant 0 : i32
        %dma_wait3A_198 = arith.constant 0 : i32
        %dma_wait3A_199 = tpu.memref_slice %arg14[%dma_wait3A, %dma_wait3A_198] : memref<48x128xf32, #tpu.memory_space<vmem>> -> memref<16x128xf32, #tpu.memory_space<vmem>>
        %dma_wait3A_200 = arith.constant 0 : i32
        %dma_wait3A_201 = arith.constant 0 : i32
        %dma_wait3A_202 = tpu.memref_slice %arg15[%dma_wait3A_200, %dma_wait3A_201] : memref<10000x128xf32, #tpu.memory_space<vmem_shared>> -> memref<10000x128xf32, #tpu.memory_space<vmem_shared>>
        tpu.wait_indirect_dma semaphore(%run_scoped3A : memref<!tpu.dma_semaphore, #tpu.memory_space<semaphore_mem>>) src(%dma_wait3A_202 : memref<10000x128xf32, #tpu.memory_space<vmem_shared>>) dst(%dma_wait3A_199 : memref<16x128xf32, #tpu.memory_space<vmem>>)
        tpu.yield
      }) : () -> ()
      "tpu.region"() ({
        %run_scoped3A = tpu.sem_alloc : memref<!tpu.dma_semaphore, #tpu.memory_space<semaphore_mem>>
        %dma_start3A = arith.constant 0 : i32
        %dma_start3A_193 = arith.constant 0 : i32
        %dma_start3A_194 = tpu.memref_slice %arg14[%dma_start3A, %dma_start3A_193] : memref<48x128xf32, #tpu.memory_space<vmem>> -> memref<16x128xf32, #tpu.memory_space<vmem>>
        %dma_start3A_195 = arith.constant 9984 : i32
        %dma_start3A_196 = arith.constant 0 : i32
        %dma_start3A_197 = tpu.memref_slice %arg7[%arg0, %dma_start3A_195, %dma_start3A_196] : memref<2x10000x128xf32, #tpu.memory_space<hbm>> -> memref<1x16x128xf32, #tpu.memory_space<hbm>>
        %dma_start3A_198 = tpu.memref_squeeze %dma_start3A_197 : memref<1x16x128xf32, #tpu.memory_space<hbm>> -> memref<16x128xf32, #tpu.memory_space<hbm>>
        %dma_start3A_199 = arith.constant 9984 : i32
        %dma_start3A_200 = arith.constant 0 : i32
        %dma_start3A_201 = tpu.memref_slice %arg7[%arg0, %dma_start3A_199, %dma_start3A_200] : memref<2x10000x128xf32, #tpu.memory_space<hbm>> -> memref<1x16x128xf32, #tpu.memory_space<hbm>>
        %dma_start3A_202 = tpu.memref_squeeze %dma_start3A_201 : memref<1x16x128xf32, #tpu.memory_space<hbm>> -> memref<16x128xf32, #tpu.memory_space<hbm>>
        %dma_start3A_203 = arith.constant 0 : i32
        %dma_start3A_204 = arith.constant 0 : i32
        %dma_start3A_205 = tpu.memref_slice %arg14[%dma_start3A_203, %dma_start3A_204] : memref<48x128xf32, #tpu.memory_space<vmem>> -> memref<16x128xf32, #tpu.memory_space<vmem>>
        tpu.enqueue_dma source(%dma_start3A_205 : memref<16x128xf32, #tpu.memory_space<vmem>>) target(%dma_start3A_202 : memref<16x128xf32, #tpu.memory_space<hbm>>) target_semaphore(%run_scoped3A : memref<!tpu.dma_semaphore, #tpu.memory_space<semaphore_mem>>)
        %dma_wait3A = arith.constant 0 : i32
        %dma_wait3A_206 = arith.constant 0 : i32
        %dma_wait3A_207 = tpu.memref_slice %arg14[%dma_wait3A, %dma_wait3A_206] : memref<48x128xf32, #tpu.memory_space<vmem>> -> memref<16x128xf32, #tpu.memory_space<vmem>>
        %dma_wait3A_208 = arith.constant 9984 : i32
        %dma_wait3A_209 = arith.constant 0 : i32
        %dma_wait3A_210 = tpu.memref_slice %arg7[%arg0, %dma_wait3A_208, %dma_wait3A_209] : memref<2x10000x128xf32, #tpu.memory_space<hbm>> -> memref<1x16x128xf32, #tpu.memory_space<hbm>>
        %dma_wait3A_211 = tpu.memref_squeeze %dma_wait3A_210 : memref<1x16x128xf32, #tpu.memory_space<hbm>> -> memref<16x128xf32, #tpu.memory_space<hbm>>
        %dma_wait3A_212 = arith.constant 9984 : i32
        %dma_wait3A_213 = arith.constant 0 : i32
        %dma_wait3A_214 = tpu.memref_slice %arg7[%arg0, %dma_wait3A_212, %dma_wait3A_213] : memref<2x10000x128xf32, #tpu.memory_space<hbm>> -> memref<1x16x128xf32, #tpu.memory_space<hbm>>
        %dma_wait3A_215 = tpu.memref_squeeze %dma_wait3A_214 : memref<1x16x128xf32, #tpu.memory_space<hbm>> -> memref<16x128xf32, #tpu.memory_space<hbm>>
        %dma_wait3A_216 = arith.constant 0 : i32
        %dma_wait3A_217 = arith.constant 0 : i32
        %dma_wait3A_218 = tpu.memref_slice %arg14[%dma_wait3A_216, %dma_wait3A_217] : memref<48x128xf32, #tpu.memory_space<vmem>> -> memref<16x128xf32, #tpu.memory_space<vmem>>
        tpu.wait_dma2 semaphore(%run_scoped3A : memref<!tpu.dma_semaphore, #tpu.memory_space<semaphore_mem>>) src(%dma_wait3A_218 : memref<16x128xf32, #tpu.memory_space<vmem>>) dst(%dma_wait3A_215 : memref<16x128xf32, #tpu.memory_space<hbm>>)
        tpu.yield
      }) : () -> ()
    } else {
    }
    %barrier3A_96 = arith.constant 0 : index
    tpu.barrier barrier_id(%barrier3A_96)
    "tpu.region"() ({
      %run_scoped3A = tpu.sem_alloc : memref<!tpu.dma_semaphore, #tpu.memory_space<semaphore_mem>>
      tpu.enqueue_dma source(%arg5 : memref<48x128xf32, #tpu.memory_space<hbm>>) target(%arg14 : memref<48x128xf32, #tpu.memory_space<vmem>>) target_semaphore(%run_scoped3A : memref<!tpu.dma_semaphore, #tpu.memory_space<semaphore_mem>>)
      tpu.wait_dma2 semaphore(%run_scoped3A : memref<!tpu.dma_semaphore, #tpu.memory_space<semaphore_mem>>) src(%arg5 : memref<48x128xf32, #tpu.memory_space<hbm>>) dst(%arg14 : memref<48x128xf32, #tpu.memory_space<vmem>>)
      tpu.yield
    }) : () -> ()
    %add3A_97 = arith.constant 0 : i32
    %add3A_98 = arith.addi %mul3A_0, %add3A_97 : i32
    "tpu.region"() ({
      %run_scoped3A = tpu.sem_alloc : memref<!tpu.dma_semaphore, #tpu.memory_space<semaphore_mem>>
      %dma_start3A = tpu.memref_slice %arg4[%add3A_98] : memref<10000xi32, #tpu.memory_space<hbm>> -> memref<48xi32, #tpu.memory_space<hbm>>
      %dma_start3A_193 = tpu.memref_slice %arg4[%add3A_98] : memref<10000xi32, #tpu.memory_space<hbm>> -> memref<48xi32, #tpu.memory_space<hbm>>
      tpu.enqueue_dma source(%dma_start3A_193 : memref<48xi32, #tpu.memory_space<hbm>>) target(%arg12 : memref<48xi32, #tpu.memory_space<vmem>>) target_semaphore(%run_scoped3A : memref<!tpu.dma_semaphore, #tpu.memory_space<semaphore_mem>>)
      %dma_wait3A = tpu.memref_slice %arg4[%add3A_98] : memref<10000xi32, #tpu.memory_space<hbm>> -> memref<48xi32, #tpu.memory_space<hbm>>
      %dma_wait3A_194 = tpu.memref_slice %arg4[%add3A_98] : memref<10000xi32, #tpu.memory_space<hbm>> -> memref<48xi32, #tpu.memory_space<hbm>>
      tpu.wait_dma2 semaphore(%run_scoped3A : memref<!tpu.dma_semaphore, #tpu.memory_space<semaphore_mem>>) src(%dma_wait3A_194 : memref<48xi32, #tpu.memory_space<hbm>>) dst(%arg12 : memref<48xi32, #tpu.memory_space<vmem>>)
      tpu.yield
    }) : () -> ()
    "tpu.region"() ({
      %run_scoped3A = tpu.sem_alloc : memref<!tpu.dma_semaphore, #tpu.memory_space<semaphore_mem>>
      %dma_start3A = arith.constant 0 : i32
      %dma_start3A_193 = arith.constant 0 : i32
      %dma_start3A_194 = tpu.memref_slice %arg15[%dma_start3A, %dma_start3A_193] : memref<10000x128xf32, #tpu.memory_space<vmem_shared>> -> memref<10000x128xf32, #tpu.memory_space<vmem_shared>>
      tpu.enqueue_indirect_dma source(%arg14 : memref<48x128xf32, #tpu.memory_space<vmem>>) target(%dma_start3A_194 : memref<10000x128xf32, #tpu.memory_space<vmem_shared>>) offsets(%arg12 : memref<48xi32, #tpu.memory_space<vmem>>) semaphore(%run_scoped3A : memref<!tpu.dma_semaphore, #tpu.memory_space<semaphore_mem>>)
      %dma_wait3A = arith.constant 0 : i32
      %dma_wait3A_195 = arith.constant 0 : i32
      %dma_wait3A_196 = tpu.memref_slice %arg15[%dma_wait3A, %dma_wait3A_195] : memref<10000x128xf32, #tpu.memory_space<vmem_shared>> -> memref<10000x128xf32, #tpu.memory_space<vmem_shared>>
      tpu.wait_indirect_dma semaphore(%run_scoped3A : memref<!tpu.dma_semaphore, #tpu.memory_space<semaphore_mem>>) src(%arg14 : memref<48x128xf32, #tpu.memory_space<vmem>>) dst(%dma_wait3A_196 : memref<10000x128xf32, #tpu.memory_space<vmem_shared>>)
      tpu.yield
    }) : () -> ()
    %add3A_99 = arith.constant 48 : i32
    %add3A_100 = arith.addi %mul3A_0, %add3A_99 : i32
    "tpu.region"() ({
      %run_scoped3A = tpu.sem_alloc : memref<!tpu.dma_semaphore, #tpu.memory_space<semaphore_mem>>
      %dma_start3A = tpu.memref_slice %arg4[%add3A_100] : memref<10000xi32, #tpu.memory_space<hbm>> -> memref<48xi32, #tpu.memory_space<hbm>>
      %dma_start3A_193 = tpu.memref_slice %arg4[%add3A_100] : memref<10000xi32, #tpu.memory_space<hbm>> -> memref<48xi32, #tpu.memory_space<hbm>>
      tpu.enqueue_dma source(%dma_start3A_193 : memref<48xi32, #tpu.memory_space<hbm>>) target(%arg12 : memref<48xi32, #tpu.memory_space<vmem>>) target_semaphore(%run_scoped3A : memref<!tpu.dma_semaphore, #tpu.memory_space<semaphore_mem>>)
      %dma_wait3A = tpu.memref_slice %arg4[%add3A_100] : memref<10000xi32, #tpu.memory_space<hbm>> -> memref<48xi32, #tpu.memory_space<hbm>>
      %dma_wait3A_194 = tpu.memref_slice %arg4[%add3A_100] : memref<10000xi32, #tpu.memory_space<hbm>> -> memref<48xi32, #tpu.memory_space<hbm>>
      tpu.wait_dma2 semaphore(%run_scoped3A : memref<!tpu.dma_semaphore, #tpu.memory_space<semaphore_mem>>) src(%dma_wait3A_194 : memref<48xi32, #tpu.memory_space<hbm>>) dst(%arg12 : memref<48xi32, #tpu.memory_space<vmem>>)
      tpu.yield
    }) : () -> ()
    "tpu.region"() ({
      %run_scoped3A = tpu.sem_alloc : memref<!tpu.dma_semaphore, #tpu.memory_space<semaphore_mem>>
      %dma_start3A = arith.constant 0 : i32
      %dma_start3A_193 = arith.constant 0 : i32
      %dma_start3A_194 = tpu.memref_slice %arg15[%dma_start3A, %dma_start3A_193] : memref<10000x128xf32, #tpu.memory_space<vmem_shared>> -> memref<10000x128xf32, #tpu.memory_space<vmem_shared>>
      tpu.enqueue_indirect_dma source(%arg14 : memref<48x128xf32, #tpu.memory_space<vmem>>) target(%dma_start3A_194 : memref<10000x128xf32, #tpu.memory_space<vmem_shared>>) offsets(%arg12 : memref<48xi32, #tpu.memory_space<vmem>>) semaphore(%run_scoped3A : memref<!tpu.dma_semaphore, #tpu.memory_space<semaphore_mem>>)
      %dma_wait3A = arith.constant 0 : i32
      %dma_wait3A_195 = arith.constant 0 : i32
      %dma_wait3A_196 = tpu.memref_slice %arg15[%dma_wait3A, %dma_wait3A_195] : memref<10000x128xf32, #tpu.memory_space<vmem_shared>> -> memref<10000x128xf32, #tpu.memory_space<vmem_shared>>
      tpu.wait_indirect_dma semaphore(%run_scoped3A : memref<!tpu.dma_semaphore, #tpu.memory_space<semaphore_mem>>) src(%arg14 : memref<48x128xf32, #tpu.memory_space<vmem>>) dst(%dma_wait3A_196 : memref<10000x128xf32, #tpu.memory_space<vmem_shared>>)
      tpu.yield
    }) : () -> ()
    %add3A_101 = arith.constant 96 : i32
    %add3A_102 = arith.addi %mul3A_0, %add3A_101 : i32
    "tpu.region"() ({
      %run_scoped3A = tpu.sem_alloc : memref<!tpu.dma_semaphore, #tpu.memory_space<semaphore_mem>>
      %dma_start3A = tpu.memref_slice %arg4[%add3A_102] : memref<10000xi32, #tpu.memory_space<hbm>> -> memref<48xi32, #tpu.memory_space<hbm>>
      %dma_start3A_193 = tpu.memref_slice %arg4[%add3A_102] : memref<10000xi32, #tpu.memory_space<hbm>> -> memref<48xi32, #tpu.memory_space<hbm>>
      tpu.enqueue_dma source(%dma_start3A_193 : memref<48xi32, #tpu.memory_space<hbm>>) target(%arg12 : memref<48xi32, #tpu.memory_space<vmem>>) target_semaphore(%run_scoped3A : memref<!tpu.dma_semaphore, #tpu.memory_space<semaphore_mem>>)
      %dma_wait3A = tpu.memref_slice %arg4[%add3A_102] : memref<10000xi32, #tpu.memory_space<hbm>> -> memref<48xi32, #tpu.memory_space<hbm>>
      %dma_wait3A_194 = tpu.memref_slice %arg4[%add3A_102] : memref<10000xi32, #tpu.memory_space<hbm>> -> memref<48xi32, #tpu.memory_space<hbm>>
      tpu.wait_dma2 semaphore(%run_scoped3A : memref<!tpu.dma_semaphore, #tpu.memory_space<semaphore_mem>>) src(%dma_wait3A_194 : memref<48xi32, #tpu.memory_space<hbm>>) dst(%arg12 : memref<48xi32, #tpu.memory_space<vmem>>)
      tpu.yield
    }) : () -> ()
    "tpu.region"() ({
      %run_scoped3A = tpu.sem_alloc : memref<!tpu.dma_semaphore, #tpu.memory_space<semaphore_mem>>
      %dma_start3A = arith.constant 0 : i32
      %dma_start3A_193 = arith.constant 0 : i32
      %dma_start3A_194 = tpu.memref_slice %arg15[%dma_start3A, %dma_start3A_193] : memref<10000x128xf32, #tpu.memory_space<vmem_shared>> -> memref<10000x128xf32, #tpu.memory_space<vmem_shared>>
      tpu.enqueue_indirect_dma source(%arg14 : memref<48x128xf32, #tpu.memory_space<vmem>>) target(%dma_start3A_194 : memref<10000x128xf32, #tpu.memory_space<vmem_shared>>) offsets(%arg12 : memref<48xi32, #tpu.memory_space<vmem>>) semaphore(%run_scoped3A : memref<!tpu.dma_semaphore, #tpu.memory_space<semaphore_mem>>)
      %dma_wait3A = arith.constant 0 : i32
      %dma_wait3A_195 = arith.constant 0 : i32
      %dma_wait3A_196 = tpu.memref_slice %arg15[%dma_wait3A, %dma_wait3A_195] : memref<10000x128xf32, #tpu.memory_space<vmem_shared>> -> memref<10000x128xf32, #tpu.memory_space<vmem_shared>>
      tpu.wait_indirect_dma semaphore(%run_scoped3A : memref<!tpu.dma_semaphore, #tpu.memory_space<semaphore_mem>>) src(%arg14 : memref<48x128xf32, #tpu.memory_space<vmem>>) dst(%dma_wait3A_196 : memref<10000x128xf32, #tpu.memory_space<vmem_shared>>)
      tpu.yield
    }) : () -> ()
    %add3A_103 = arith.constant 144 : i32
    %add3A_104 = arith.addi %mul3A_0, %add3A_103 : i32
    "tpu.region"() ({
      %run_scoped3A = tpu.sem_alloc : memref<!tpu.dma_semaphore, #tpu.memory_space<semaphore_mem>>
      %dma_start3A = tpu.memref_slice %arg4[%add3A_104] : memref<10000xi32, #tpu.memory_space<hbm>> -> memref<48xi32, #tpu.memory_space<hbm>>
      %dma_start3A_193 = tpu.memref_slice %arg4[%add3A_104] : memref<10000xi32, #tpu.memory_space<hbm>> -> memref<48xi32, #tpu.memory_space<hbm>>
      tpu.enqueue_dma source(%dma_start3A_193 : memref<48xi32, #tpu.memory_space<hbm>>) target(%arg12 : memref<48xi32, #tpu.memory_space<vmem>>) target_semaphore(%run_scoped3A : memref<!tpu.dma_semaphore, #tpu.memory_space<semaphore_mem>>)
      %dma_wait3A = tpu.memref_slice %arg4[%add3A_104] : memref<10000xi32, #tpu.memory_space<hbm>> -> memref<48xi32, #tpu.memory_space<hbm>>
      %dma_wait3A_194 = tpu.memref_slice %arg4[%add3A_104] : memref<10000xi32, #tpu.memory_space<hbm>> -> memref<48xi32, #tpu.memory_space<hbm>>
      tpu.wait_dma2 semaphore(%run_scoped3A : memref<!tpu.dma_semaphore, #tpu.memory_space<semaphore_mem>>) src(%dma_wait3A_194 : memref<48xi32, #tpu.memory_space<hbm>>) dst(%arg12 : memref<48xi32, #tpu.memory_space<vmem>>)
      tpu.yield
    }) : () -> ()
    "tpu.region"() ({
      %run_scoped3A = tpu.sem_alloc : memref<!tpu.dma_semaphore, #tpu.memory_space<semaphore_mem>>
      %dma_start3A = arith.constant 0 : i32
      %dma_start3A_193 = arith.constant 0 : i32
      %dma_start3A_194 = tpu.memref_slice %arg15[%dma_start3A, %dma_start3A_193] : memref<10000x128xf32, #tpu.memory_space<vmem_shared>> -> memref<10000x128xf32, #tpu.memory_space<vmem_shared>>
      tpu.enqueue_indirect_dma source(%arg14 : memref<48x128xf32, #tpu.memory_space<vmem>>) target(%dma_start3A_194 : memref<10000x128xf32, #tpu.memory_space<vmem_shared>>) offsets(%arg12 : memref<48xi32, #tpu.memory_space<vmem>>) semaphore(%run_scoped3A : memref<!tpu.dma_semaphore, #tpu.memory_space<semaphore_mem>>)
      %dma_wait3A = arith.constant 0 : i32
      %dma_wait3A_195 = arith.constant 0 : i32
      %dma_wait3A_196 = tpu.memref_slice %arg15[%dma_wait3A, %dma_wait3A_195] : memref<10000x128xf32, #tpu.memory_space<vmem_shared>> -> memref<10000x128xf32, #tpu.memory_space<vmem_shared>>
      tpu.wait_indirect_dma semaphore(%run_scoped3A : memref<!tpu.dma_semaphore, #tpu.memory_space<semaphore_mem>>) src(%arg14 : memref<48x128xf32, #tpu.memory_space<vmem>>) dst(%dma_wait3A_196 : memref<10000x128xf32, #tpu.memory_space<vmem_shared>>)
      tpu.yield
    }) : () -> ()
    %add3A_105 = arith.constant 192 : i32
    %add3A_106 = arith.addi %mul3A_0, %add3A_105 : i32
    "tpu.region"() ({
      %run_scoped3A = tpu.sem_alloc : memref<!tpu.dma_semaphore, #tpu.memory_space<semaphore_mem>>
      %dma_start3A = tpu.memref_slice %arg4[%add3A_106] : memref<10000xi32, #tpu.memory_space<hbm>> -> memref<48xi32, #tpu.memory_space<hbm>>
      %dma_start3A_193 = tpu.memref_slice %arg4[%add3A_106] : memref<10000xi32, #tpu.memory_space<hbm>> -> memref<48xi32, #tpu.memory_space<hbm>>
      tpu.enqueue_dma source(%dma_start3A_193 : memref<48xi32, #tpu.memory_space<hbm>>) target(%arg12 : memref<48xi32, #tpu.memory_space<vmem>>) target_semaphore(%run_scoped3A : memref<!tpu.dma_semaphore, #tpu.memory_space<semaphore_mem>>)
      %dma_wait3A = tpu.memref_slice %arg4[%add3A_106] : memref<10000xi32, #tpu.memory_space<hbm>> -> memref<48xi32, #tpu.memory_space<hbm>>
      %dma_wait3A_194 = tpu.memref_slice %arg4[%add3A_106] : memref<10000xi32, #tpu.memory_space<hbm>> -> memref<48xi32, #tpu.memory_space<hbm>>
      tpu.wait_dma2 semaphore(%run_scoped3A : memref<!tpu.dma_semaphore, #tpu.memory_space<semaphore_mem>>) src(%dma_wait3A_194 : memref<48xi32, #tpu.memory_space<hbm>>) dst(%arg12 : memref<48xi32, #tpu.memory_space<vmem>>)
      tpu.yield
    }) : () -> ()
    "tpu.region"() ({
      %run_scoped3A = tpu.sem_alloc : memref<!tpu.dma_semaphore, #tpu.memory_space<semaphore_mem>>
      %dma_start3A = arith.constant 0 : i32
      %dma_start3A_193 = arith.constant 0 : i32
      %dma_start3A_194 = tpu.memref_slice %arg15[%dma_start3A, %dma_start3A_193] : memref<10000x128xf32, #tpu.memory_space<vmem_shared>> -> memref<10000x128xf32, #tpu.memory_space<vmem_shared>>
      tpu.enqueue_indirect_dma source(%arg14 : memref<48x128xf32, #tpu.memory_space<vmem>>) target(%dma_start3A_194 : memref<10000x128xf32, #tpu.memory_space<vmem_shared>>) offsets(%arg12 : memref<48xi32, #tpu.memory_space<vmem>>) semaphore(%run_scoped3A : memref<!tpu.dma_semaphore, #tpu.memory_space<semaphore_mem>>)
      %dma_wait3A = arith.constant 0 : i32
      %dma_wait3A_195 = arith.constant 0 : i32
      %dma_wait3A_196 = tpu.memref_slice %arg15[%dma_wait3A, %dma_wait3A_195] : memref<10000x128xf32, #tpu.memory_space<vmem_shared>> -> memref<10000x128xf32, #tpu.memory_space<vmem_shared>>
      tpu.wait_indirect_dma semaphore(%run_scoped3A : memref<!tpu.dma_semaphore, #tpu.memory_space<semaphore_mem>>) src(%arg14 : memref<48x128xf32, #tpu.memory_space<vmem>>) dst(%dma_wait3A_196 : memref<10000x128xf32, #tpu.memory_space<vmem_shared>>)
      tpu.yield
    }) : () -> ()
    %add3A_107 = arith.constant 240 : i32
    %add3A_108 = arith.addi %mul3A_0, %add3A_107 : i32
    "tpu.region"() ({
      %run_scoped3A = tpu.sem_alloc : memref<!tpu.dma_semaphore, #tpu.memory_space<semaphore_mem>>
      %dma_start3A = tpu.memref_slice %arg4[%add3A_108] : memref<10000xi32, #tpu.memory_space<hbm>> -> memref<48xi32, #tpu.memory_space<hbm>>
      %dma_start3A_193 = tpu.memref_slice %arg4[%add3A_108] : memref<10000xi32, #tpu.memory_space<hbm>> -> memref<48xi32, #tpu.memory_space<hbm>>
      tpu.enqueue_dma source(%dma_start3A_193 : memref<48xi32, #tpu.memory_space<hbm>>) target(%arg12 : memref<48xi32, #tpu.memory_space<vmem>>) target_semaphore(%run_scoped3A : memref<!tpu.dma_semaphore, #tpu.memory_space<semaphore_mem>>)
      %dma_wait3A = tpu.memref_slice %arg4[%add3A_108] : memref<10000xi32, #tpu.memory_space<hbm>> -> memref<48xi32, #tpu.memory_space<hbm>>
      %dma_wait3A_194 = tpu.memref_slice %arg4[%add3A_108] : memref<10000xi32, #tpu.memory_space<hbm>> -> memref<48xi32, #tpu.memory_space<hbm>>
      tpu.wait_dma2 semaphore(%run_scoped3A : memref<!tpu.dma_semaphore, #tpu.memory_space<semaphore_mem>>) src(%dma_wait3A_194 : memref<48xi32, #tpu.memory_space<hbm>>) dst(%arg12 : memref<48xi32, #tpu.memory_space<vmem>>)
      tpu.yield
    }) : () -> ()
    "tpu.region"() ({
      %run_scoped3A = tpu.sem_alloc : memref<!tpu.dma_semaphore, #tpu.memory_space<semaphore_mem>>
      %dma_start3A = arith.constant 0 : i32
      %dma_start3A_193 = arith.constant 0 : i32
      %dma_start3A_194 = tpu.memref_slice %arg15[%dma_start3A, %dma_start3A_193] : memref<10000x128xf32, #tpu.memory_space<vmem_shared>> -> memref<10000x128xf32, #tpu.memory_space<vmem_shared>>
      tpu.enqueue_indirect_dma source(%arg14 : memref<48x128xf32, #tpu.memory_space<vmem>>) target(%dma_start3A_194 : memref<10000x128xf32, #tpu.memory_space<vmem_shared>>) offsets(%arg12 : memref<48xi32, #tpu.memory_space<vmem>>) semaphore(%run_scoped3A : memref<!tpu.dma_semaphore, #tpu.memory_space<semaphore_mem>>)
      %dma_wait3A = arith.constant 0 : i32
      %dma_wait3A_195 = arith.constant 0 : i32
      %dma_wait3A_196 = tpu.memref_slice %arg15[%dma_wait3A, %dma_wait3A_195] : memref<10000x128xf32, #tpu.memory_space<vmem_shared>> -> memref<10000x128xf32, #tpu.memory_space<vmem_shared>>
      tpu.wait_indirect_dma semaphore(%run_scoped3A : memref<!tpu.dma_semaphore, #tpu.memory_space<semaphore_mem>>) src(%arg14 : memref<48x128xf32, #tpu.memory_space<vmem>>) dst(%dma_wait3A_196 : memref<10000x128xf32, #tpu.memory_space<vmem_shared>>)
      tpu.yield
    }) : () -> ()
    %add3A_109 = arith.constant 288 : i32
    %add3A_110 = arith.addi %mul3A_0, %add3A_109 : i32
    "tpu.region"() ({
      %run_scoped3A = tpu.sem_alloc : memref<!tpu.dma_semaphore, #tpu.memory_space<semaphore_mem>>
      %dma_start3A = tpu.memref_slice %arg4[%add3A_110] : memref<10000xi32, #tpu.memory_space<hbm>> -> memref<48xi32, #tpu.memory_space<hbm>>
      %dma_start3A_193 = tpu.memref_slice %arg4[%add3A_110] : memref<10000xi32, #tpu.memory_space<hbm>> -> memref<48xi32, #tpu.memory_space<hbm>>
      tpu.enqueue_dma source(%dma_start3A_193 : memref<48xi32, #tpu.memory_space<hbm>>) target(%arg12 : memref<48xi32, #tpu.memory_space<vmem>>) target_semaphore(%run_scoped3A : memref<!tpu.dma_semaphore, #tpu.memory_space<semaphore_mem>>)
      %dma_wait3A = tpu.memref_slice %arg4[%add3A_110] : memref<10000xi32, #tpu.memory_space<hbm>> -> memref<48xi32, #tpu.memory_space<hbm>>
      %dma_wait3A_194 = tpu.memref_slice %arg4[%add3A_110] : memref<10000xi32, #tpu.memory_space<hbm>> -> memref<48xi32, #tpu.memory_space<hbm>>
      tpu.wait_dma2 semaphore(%run_scoped3A : memref<!tpu.dma_semaphore, #tpu.memory_space<semaphore_mem>>) src(%dma_wait3A_194 : memref<48xi32, #tpu.memory_space<hbm>>) dst(%arg12 : memref<48xi32, #tpu.memory_space<vmem>>)
      tpu.yield
    }) : () -> ()
    "tpu.region"() ({
      %run_scoped3A = tpu.sem_alloc : memref<!tpu.dma_semaphore, #tpu.memory_space<semaphore_mem>>
      %dma_start3A = arith.constant 0 : i32
      %dma_start3A_193 = arith.constant 0 : i32
      %dma_start3A_194 = tpu.memref_slice %arg15[%dma_start3A, %dma_start3A_193] : memref<10000x128xf32, #tpu.memory_space<vmem_shared>> -> memref<10000x128xf32, #tpu.memory_space<vmem_shared>>
      tpu.enqueue_indirect_dma source(%arg14 : memref<48x128xf32, #tpu.memory_space<vmem>>) target(%dma_start3A_194 : memref<10000x128xf32, #tpu.memory_space<vmem_shared>>) offsets(%arg12 : memref<48xi32, #tpu.memory_space<vmem>>) semaphore(%run_scoped3A : memref<!tpu.dma_semaphore, #tpu.memory_space<semaphore_mem>>)
      %dma_wait3A = arith.constant 0 : i32
      %dma_wait3A_195 = arith.constant 0 : i32
      %dma_wait3A_196 = tpu.memref_slice %arg15[%dma_wait3A, %dma_wait3A_195] : memref<10000x128xf32, #tpu.memory_space<vmem_shared>> -> memref<10000x128xf32, #tpu.memory_space<vmem_shared>>
      tpu.wait_indirect_dma semaphore(%run_scoped3A : memref<!tpu.dma_semaphore, #tpu.memory_space<semaphore_mem>>) src(%arg14 : memref<48x128xf32, #tpu.memory_space<vmem>>) dst(%dma_wait3A_196 : memref<10000x128xf32, #tpu.memory_space<vmem_shared>>)
      tpu.yield
    }) : () -> ()
    %add3A_111 = arith.constant 336 : i32
    %add3A_112 = arith.addi %mul3A_0, %add3A_111 : i32
    "tpu.region"() ({
      %run_scoped3A = tpu.sem_alloc : memref<!tpu.dma_semaphore, #tpu.memory_space<semaphore_mem>>
      %dma_start3A = tpu.memref_slice %arg4[%add3A_112] : memref<10000xi32, #tpu.memory_space<hbm>> -> memref<48xi32, #tpu.memory_space<hbm>>
      %dma_start3A_193 = tpu.memref_slice %arg4[%add3A_112] : memref<10000xi32, #tpu.memory_space<hbm>> -> memref<48xi32, #tpu.memory_space<hbm>>
      tpu.enqueue_dma source(%dma_start3A_193 : memref<48xi32, #tpu.memory_space<hbm>>) target(%arg12 : memref<48xi32, #tpu.memory_space<vmem>>) target_semaphore(%run_scoped3A : memref<!tpu.dma_semaphore, #tpu.memory_space<semaphore_mem>>)
      %dma_wait3A = tpu.memref_slice %arg4[%add3A_112] : memref<10000xi32, #tpu.memory_space<hbm>> -> memref<48xi32, #tpu.memory_space<hbm>>
      %dma_wait3A_194 = tpu.memref_slice %arg4[%add3A_112] : memref<10000xi32, #tpu.memory_space<hbm>> -> memref<48xi32, #tpu.memory_space<hbm>>
      tpu.wait_dma2 semaphore(%run_scoped3A : memref<!tpu.dma_semaphore, #tpu.memory_space<semaphore_mem>>) src(%dma_wait3A_194 : memref<48xi32, #tpu.memory_space<hbm>>) dst(%arg12 : memref<48xi32, #tpu.memory_space<vmem>>)
      tpu.yield
    }) : () -> ()
    "tpu.region"() ({
      %run_scoped3A = tpu.sem_alloc : memref<!tpu.dma_semaphore, #tpu.memory_space<semaphore_mem>>
      %dma_start3A = arith.constant 0 : i32
      %dma_start3A_193 = arith.constant 0 : i32
      %dma_start3A_194 = tpu.memref_slice %arg15[%dma_start3A, %dma_start3A_193] : memref<10000x128xf32, #tpu.memory_space<vmem_shared>> -> memref<10000x128xf32, #tpu.memory_space<vmem_shared>>
      tpu.enqueue_indirect_dma source(%arg14 : memref<48x128xf32, #tpu.memory_space<vmem>>) target(%dma_start3A_194 : memref<10000x128xf32, #tpu.memory_space<vmem_shared>>) offsets(%arg12 : memref<48xi32, #tpu.memory_space<vmem>>) semaphore(%run_scoped3A : memref<!tpu.dma_semaphore, #tpu.memory_space<semaphore_mem>>)
      %dma_wait3A = arith.constant 0 : i32
      %dma_wait3A_195 = arith.constant 0 : i32
      %dma_wait3A_196 = tpu.memref_slice %arg15[%dma_wait3A, %dma_wait3A_195] : memref<10000x128xf32, #tpu.memory_space<vmem_shared>> -> memref<10000x128xf32, #tpu.memory_space<vmem_shared>>
      tpu.wait_indirect_dma semaphore(%run_scoped3A : memref<!tpu.dma_semaphore, #tpu.memory_space<semaphore_mem>>) src(%arg14 : memref<48x128xf32, #tpu.memory_space<vmem>>) dst(%dma_wait3A_196 : memref<10000x128xf32, #tpu.memory_space<vmem_shared>>)
      tpu.yield
    }) : () -> ()
    %add3A_113 = arith.constant 384 : i32
    %add3A_114 = arith.addi %mul3A_0, %add3A_113 : i32
    "tpu.region"() ({
      %run_scoped3A = tpu.sem_alloc : memref<!tpu.dma_semaphore, #tpu.memory_space<semaphore_mem>>
      %dma_start3A = tpu.memref_slice %arg4[%add3A_114] : memref<10000xi32, #tpu.memory_space<hbm>> -> memref<48xi32, #tpu.memory_space<hbm>>
      %dma_start3A_193 = tpu.memref_slice %arg4[%add3A_114] : memref<10000xi32, #tpu.memory_space<hbm>> -> memref<48xi32, #tpu.memory_space<hbm>>
      tpu.enqueue_dma source(%dma_start3A_193 : memref<48xi32, #tpu.memory_space<hbm>>) target(%arg12 : memref<48xi32, #tpu.memory_space<vmem>>) target_semaphore(%run_scoped3A : memref<!tpu.dma_semaphore, #tpu.memory_space<semaphore_mem>>)
      %dma_wait3A = tpu.memref_slice %arg4[%add3A_114] : memref<10000xi32, #tpu.memory_space<hbm>> -> memref<48xi32, #tpu.memory_space<hbm>>
      %dma_wait3A_194 = tpu.memref_slice %arg4[%add3A_114] : memref<10000xi32, #tpu.memory_space<hbm>> -> memref<48xi32, #tpu.memory_space<hbm>>
      tpu.wait_dma2 semaphore(%run_scoped3A : memref<!tpu.dma_semaphore, #tpu.memory_space<semaphore_mem>>) src(%dma_wait3A_194 : memref<48xi32, #tpu.memory_space<hbm>>) dst(%arg12 : memref<48xi32, #tpu.memory_space<vmem>>)
      tpu.yield
    }) : () -> ()
    "tpu.region"() ({
      %run_scoped3A = tpu.sem_alloc : memref<!tpu.dma_semaphore, #tpu.memory_space<semaphore_mem>>
      %dma_start3A = arith.constant 0 : i32
      %dma_start3A_193 = arith.constant 0 : i32
      %dma_start3A_194 = tpu.memref_slice %arg15[%dma_start3A, %dma_start3A_193] : memref<10000x128xf32, #tpu.memory_space<vmem_shared>> -> memref<10000x128xf32, #tpu.memory_space<vmem_shared>>
      tpu.enqueue_indirect_dma source(%arg14 : memref<48x128xf32, #tpu.memory_space<vmem>>) target(%dma_start3A_194 : memref<10000x128xf32, #tpu.memory_space<vmem_shared>>) offsets(%arg12 : memref<48xi32, #tpu.memory_space<vmem>>) semaphore(%run_scoped3A : memref<!tpu.dma_semaphore, #tpu.memory_space<semaphore_mem>>)
      %dma_wait3A = arith.constant 0 : i32
      %dma_wait3A_195 = arith.constant 0 : i32
      %dma_wait3A_196 = tpu.memref_slice %arg15[%dma_wait3A, %dma_wait3A_195] : memref<10000x128xf32, #tpu.memory_space<vmem_shared>> -> memref<10000x128xf32, #tpu.memory_space<vmem_shared>>
      tpu.wait_indirect_dma semaphore(%run_scoped3A : memref<!tpu.dma_semaphore, #tpu.memory_space<semaphore_mem>>) src(%arg14 : memref<48x128xf32, #tpu.memory_space<vmem>>) dst(%dma_wait3A_196 : memref<10000x128xf32, #tpu.memory_space<vmem_shared>>)
      tpu.yield
    }) : () -> ()
    %add3A_115 = arith.constant 432 : i32
    %add3A_116 = arith.addi %mul3A_0, %add3A_115 : i32
    "tpu.region"() ({
      %run_scoped3A = tpu.sem_alloc : memref<!tpu.dma_semaphore, #tpu.memory_space<semaphore_mem>>
      %dma_start3A = tpu.memref_slice %arg4[%add3A_116] : memref<10000xi32, #tpu.memory_space<hbm>> -> memref<48xi32, #tpu.memory_space<hbm>>
      %dma_start3A_193 = tpu.memref_slice %arg4[%add3A_116] : memref<10000xi32, #tpu.memory_space<hbm>> -> memref<48xi32, #tpu.memory_space<hbm>>
      tpu.enqueue_dma source(%dma_start3A_193 : memref<48xi32, #tpu.memory_space<hbm>>) target(%arg12 : memref<48xi32, #tpu.memory_space<vmem>>) target_semaphore(%run_scoped3A : memref<!tpu.dma_semaphore, #tpu.memory_space<semaphore_mem>>)
      %dma_wait3A = tpu.memref_slice %arg4[%add3A_116] : memref<10000xi32, #tpu.memory_space<hbm>> -> memref<48xi32, #tpu.memory_space<hbm>>
      %dma_wait3A_194 = tpu.memref_slice %arg4[%add3A_116] : memref<10000xi32, #tpu.memory_space<hbm>> -> memref<48xi32, #tpu.memory_space<hbm>>
      tpu.wait_dma2 semaphore(%run_scoped3A : memref<!tpu.dma_semaphore, #tpu.memory_space<semaphore_mem>>) src(%dma_wait3A_194 : memref<48xi32, #tpu.memory_space<hbm>>) dst(%arg12 : memref<48xi32, #tpu.memory_space<vmem>>)
      tpu.yield
    }) : () -> ()
    "tpu.region"() ({
      %run_scoped3A = tpu.sem_alloc : memref<!tpu.dma_semaphore, #tpu.memory_space<semaphore_mem>>
      %dma_start3A = arith.constant 0 : i32
      %dma_start3A_193 = arith.constant 0 : i32
      %dma_start3A_194 = tpu.memref_slice %arg15[%dma_start3A, %dma_start3A_193] : memref<10000x128xf32, #tpu.memory_space<vmem_shared>> -> memref<10000x128xf32, #tpu.memory_space<vmem_shared>>
      tpu.enqueue_indirect_dma source(%arg14 : memref<48x128xf32, #tpu.memory_space<vmem>>) target(%dma_start3A_194 : memref<10000x128xf32, #tpu.memory_space<vmem_shared>>) offsets(%arg12 : memref<48xi32, #tpu.memory_space<vmem>>) semaphore(%run_scoped3A : memref<!tpu.dma_semaphore, #tpu.memory_space<semaphore_mem>>)
      %dma_wait3A = arith.constant 0 : i32
      %dma_wait3A_195 = arith.constant 0 : i32
      %dma_wait3A_196 = tpu.memref_slice %arg15[%dma_wait3A, %dma_wait3A_195] : memref<10000x128xf32, #tpu.memory_space<vmem_shared>> -> memref<10000x128xf32, #tpu.memory_space<vmem_shared>>
      tpu.wait_indirect_dma semaphore(%run_scoped3A : memref<!tpu.dma_semaphore, #tpu.memory_space<semaphore_mem>>) src(%arg14 : memref<48x128xf32, #tpu.memory_space<vmem>>) dst(%dma_wait3A_196 : memref<10000x128xf32, #tpu.memory_space<vmem_shared>>)
      tpu.yield
    }) : () -> ()
    %add3A_117 = arith.constant 480 : i32
    %add3A_118 = arith.addi %mul3A_0, %add3A_117 : i32
    "tpu.region"() ({
      %run_scoped3A = tpu.sem_alloc : memref<!tpu.dma_semaphore, #tpu.memory_space<semaphore_mem>>
      %dma_start3A = tpu.memref_slice %arg4[%add3A_118] : memref<10000xi32, #tpu.memory_space<hbm>> -> memref<48xi32, #tpu.memory_space<hbm>>
      %dma_start3A_193 = tpu.memref_slice %arg4[%add3A_118] : memref<10000xi32, #tpu.memory_space<hbm>> -> memref<48xi32, #tpu.memory_space<hbm>>
      tpu.enqueue_dma source(%dma_start3A_193 : memref<48xi32, #tpu.memory_space<hbm>>) target(%arg12 : memref<48xi32, #tpu.memory_space<vmem>>) target_semaphore(%run_scoped3A : memref<!tpu.dma_semaphore, #tpu.memory_space<semaphore_mem>>)
      %dma_wait3A = tpu.memref_slice %arg4[%add3A_118] : memref<10000xi32, #tpu.memory_space<hbm>> -> memref<48xi32, #tpu.memory_space<hbm>>
      %dma_wait3A_194 = tpu.memref_slice %arg4[%add3A_118] : memref<10000xi32, #tpu.memory_space<hbm>> -> memref<48xi32, #tpu.memory_space<hbm>>
      tpu.wait_dma2 semaphore(%run_scoped3A : memref<!tpu.dma_semaphore, #tpu.memory_space<semaphore_mem>>) src(%dma_wait3A_194 : memref<48xi32, #tpu.memory_space<hbm>>) dst(%arg12 : memref<48xi32, #tpu.memory_space<vmem>>)
      tpu.yield
    }) : () -> ()
    "tpu.region"() ({
      %run_scoped3A = tpu.sem_alloc : memref<!tpu.dma_semaphore, #tpu.memory_space<semaphore_mem>>
      %dma_start3A = arith.constant 0 : i32
      %dma_start3A_193 = arith.constant 0 : i32
      %dma_start3A_194 = tpu.memref_slice %arg15[%dma_start3A, %dma_start3A_193] : memref<10000x128xf32, #tpu.memory_space<vmem_shared>> -> memref<10000x128xf32, #tpu.memory_space<vmem_shared>>
      tpu.enqueue_indirect_dma source(%arg14 : memref<48x128xf32, #tpu.memory_space<vmem>>) target(%dma_start3A_194 : memref<10000x128xf32, #tpu.memory_space<vmem_shared>>) offsets(%arg12 : memref<48xi32, #tpu.memory_space<vmem>>) semaphore(%run_scoped3A : memref<!tpu.dma_semaphore, #tpu.memory_space<semaphore_mem>>)
      %dma_wait3A = arith.constant 0 : i32
      %dma_wait3A_195 = arith.constant 0 : i32
      %dma_wait3A_196 = tpu.memref_slice %arg15[%dma_wait3A, %dma_wait3A_195] : memref<10000x128xf32, #tpu.memory_space<vmem_shared>> -> memref<10000x128xf32, #tpu.memory_space<vmem_shared>>
      tpu.wait_indirect_dma semaphore(%run_scoped3A : memref<!tpu.dma_semaphore, #tpu.memory_space<semaphore_mem>>) src(%arg14 : memref<48x128xf32, #tpu.memory_space<vmem>>) dst(%dma_wait3A_196 : memref<10000x128xf32, #tpu.memory_space<vmem_shared>>)
      tpu.yield
    }) : () -> ()
    %add3A_119 = arith.constant 528 : i32
    %add3A_120 = arith.addi %mul3A_0, %add3A_119 : i32
    "tpu.region"() ({
      %run_scoped3A = tpu.sem_alloc : memref<!tpu.dma_semaphore, #tpu.memory_space<semaphore_mem>>
      %dma_start3A = tpu.memref_slice %arg4[%add3A_120] : memref<10000xi32, #tpu.memory_space<hbm>> -> memref<48xi32, #tpu.memory_space<hbm>>
      %dma_start3A_193 = tpu.memref_slice %arg4[%add3A_120] : memref<10000xi32, #tpu.memory_space<hbm>> -> memref<48xi32, #tpu.memory_space<hbm>>
      tpu.enqueue_dma source(%dma_start3A_193 : memref<48xi32, #tpu.memory_space<hbm>>) target(%arg12 : memref<48xi32, #tpu.memory_space<vmem>>) target_semaphore(%run_scoped3A : memref<!tpu.dma_semaphore, #tpu.memory_space<semaphore_mem>>)
      %dma_wait3A = tpu.memref_slice %arg4[%add3A_120] : memref<10000xi32, #tpu.memory_space<hbm>> -> memref<48xi32, #tpu.memory_space<hbm>>
      %dma_wait3A_194 = tpu.memref_slice %arg4[%add3A_120] : memref<10000xi32, #tpu.memory_space<hbm>> -> memref<48xi32, #tpu.memory_space<hbm>>
      tpu.wait_dma2 semaphore(%run_scoped3A : memref<!tpu.dma_semaphore, #tpu.memory_space<semaphore_mem>>) src(%dma_wait3A_194 : memref<48xi32, #tpu.memory_space<hbm>>) dst(%arg12 : memref<48xi32, #tpu.memory_space<vmem>>)
      tpu.yield
    }) : () -> ()
    "tpu.region"() ({
      %run_scoped3A = tpu.sem_alloc : memref<!tpu.dma_semaphore, #tpu.memory_space<semaphore_mem>>
      %dma_start3A = arith.constant 0 : i32
      %dma_start3A_193 = arith.constant 0 : i32
      %dma_start3A_194 = tpu.memref_slice %arg15[%dma_start3A, %dma_start3A_193] : memref<10000x128xf32, #tpu.memory_space<vmem_shared>> -> memref<10000x128xf32, #tpu.memory_space<vmem_shared>>
      tpu.enqueue_indirect_dma source(%arg14 : memref<48x128xf32, #tpu.memory_space<vmem>>) target(%dma_start3A_194 : memref<10000x128xf32, #tpu.memory_space<vmem_shared>>) offsets(%arg12 : memref<48xi32, #tpu.memory_space<vmem>>) semaphore(%run_scoped3A : memref<!tpu.dma_semaphore, #tpu.memory_space<semaphore_mem>>)
      %dma_wait3A = arith.constant 0 : i32
      %dma_wait3A_195 = arith.constant 0 : i32
      %dma_wait3A_196 = tpu.memref_slice %arg15[%dma_wait3A, %dma_wait3A_195] : memref<10000x128xf32, #tpu.memory_space<vmem_shared>> -> memref<10000x128xf32, #tpu.memory_space<vmem_shared>>
      tpu.wait_indirect_dma semaphore(%run_scoped3A : memref<!tpu.dma_semaphore, #tpu.memory_space<semaphore_mem>>) src(%arg14 : memref<48x128xf32, #tpu.memory_space<vmem>>) dst(%dma_wait3A_196 : memref<10000x128xf32, #tpu.memory_space<vmem_shared>>)
      tpu.yield
    }) : () -> ()
    %add3A_121 = arith.constant 576 : i32
    %add3A_122 = arith.addi %mul3A_0, %add3A_121 : i32
    "tpu.region"() ({
      %run_scoped3A = tpu.sem_alloc : memref<!tpu.dma_semaphore, #tpu.memory_space<semaphore_mem>>
      %dma_start3A = tpu.memref_slice %arg4[%add3A_122] : memref<10000xi32, #tpu.memory_space<hbm>> -> memref<48xi32, #tpu.memory_space<hbm>>
      %dma_start3A_193 = tpu.memref_slice %arg4[%add3A_122] : memref<10000xi32, #tpu.memory_space<hbm>> -> memref<48xi32, #tpu.memory_space<hbm>>
      tpu.enqueue_dma source(%dma_start3A_193 : memref<48xi32, #tpu.memory_space<hbm>>) target(%arg12 : memref<48xi32, #tpu.memory_space<vmem>>) target_semaphore(%run_scoped3A : memref<!tpu.dma_semaphore, #tpu.memory_space<semaphore_mem>>)
      %dma_wait3A = tpu.memref_slice %arg4[%add3A_122] : memref<10000xi32, #tpu.memory_space<hbm>> -> memref<48xi32, #tpu.memory_space<hbm>>
      %dma_wait3A_194 = tpu.memref_slice %arg4[%add3A_122] : memref<10000xi32, #tpu.memory_space<hbm>> -> memref<48xi32, #tpu.memory_space<hbm>>
      tpu.wait_dma2 semaphore(%run_scoped3A : memref<!tpu.dma_semaphore, #tpu.memory_space<semaphore_mem>>) src(%dma_wait3A_194 : memref<48xi32, #tpu.memory_space<hbm>>) dst(%arg12 : memref<48xi32, #tpu.memory_space<vmem>>)
      tpu.yield
    }) : () -> ()
    "tpu.region"() ({
      %run_scoped3A = tpu.sem_alloc : memref<!tpu.dma_semaphore, #tpu.memory_space<semaphore_mem>>
      %dma_start3A = arith.constant 0 : i32
      %dma_start3A_193 = arith.constant 0 : i32
      %dma_start3A_194 = tpu.memref_slice %arg15[%dma_start3A, %dma_start3A_193] : memref<10000x128xf32, #tpu.memory_space<vmem_shared>> -> memref<10000x128xf32, #tpu.memory_space<vmem_shared>>
      tpu.enqueue_indirect_dma source(%arg14 : memref<48x128xf32, #tpu.memory_space<vmem>>) target(%dma_start3A_194 : memref<10000x128xf32, #tpu.memory_space<vmem_shared>>) offsets(%arg12 : memref<48xi32, #tpu.memory_space<vmem>>) semaphore(%run_scoped3A : memref<!tpu.dma_semaphore, #tpu.memory_space<semaphore_mem>>)
      %dma_wait3A = arith.constant 0 : i32
      %dma_wait3A_195 = arith.constant 0 : i32
      %dma_wait3A_196 = tpu.memref_slice %arg15[%dma_wait3A, %dma_wait3A_195] : memref<10000x128xf32, #tpu.memory_space<vmem_shared>> -> memref<10000x128xf32, #tpu.memory_space<vmem_shared>>
      tpu.wait_indirect_dma semaphore(%run_scoped3A : memref<!tpu.dma_semaphore, #tpu.memory_space<semaphore_mem>>) src(%arg14 : memref<48x128xf32, #tpu.memory_space<vmem>>) dst(%dma_wait3A_196 : memref<10000x128xf32, #tpu.memory_space<vmem_shared>>)
      tpu.yield
    }) : () -> ()
    %eq3A_123 = arith.constant 15 : i32
    %eq3A_124 = arith.cmpi eq, %arg1, %eq3A_123 : i32
    %convert_element_type3A_125 = arith.extui %eq3A_124 : i1 to i32
    %cond3A_126 = arith.constant 0 : i32
    %cond3A_127 = arith.cmpi ne, %convert_element_type3A_125, %cond3A_126 : i32
    scf.if %cond3A_127 {
      "tpu.region"() ({
        %run_scoped3A = tpu.sem_alloc : memref<!tpu.dma_semaphore, #tpu.memory_space<semaphore_mem>>
        %dma_start3A = arith.constant 9984 : i32
        %dma_start3A_193 = tpu.memref_slice %arg4[%dma_start3A] : memref<10000xi32, #tpu.memory_space<hbm>> -> memref<16xi32, #tpu.memory_space<hbm>>
        %dma_start3A_194 = arith.constant 9984 : i32
        %dma_start3A_195 = tpu.memref_slice %arg4[%dma_start3A_194] : memref<10000xi32, #tpu.memory_space<hbm>> -> memref<16xi32, #tpu.memory_space<hbm>>
        tpu.enqueue_dma source(%dma_start3A_195 : memref<16xi32, #tpu.memory_space<hbm>>) target(%arg13 : memref<16xi32, #tpu.memory_space<vmem>>) target_semaphore(%run_scoped3A : memref<!tpu.dma_semaphore, #tpu.memory_space<semaphore_mem>>)
        %dma_wait3A = arith.constant 9984 : i32
        %dma_wait3A_196 = tpu.memref_slice %arg4[%dma_wait3A] : memref<10000xi32, #tpu.memory_space<hbm>> -> memref<16xi32, #tpu.memory_space<hbm>>
        %dma_wait3A_197 = arith.constant 9984 : i32
        %dma_wait3A_198 = tpu.memref_slice %arg4[%dma_wait3A_197] : memref<10000xi32, #tpu.memory_space<hbm>> -> memref<16xi32, #tpu.memory_space<hbm>>
        tpu.wait_dma2 semaphore(%run_scoped3A : memref<!tpu.dma_semaphore, #tpu.memory_space<semaphore_mem>>) src(%dma_wait3A_198 : memref<16xi32, #tpu.memory_space<hbm>>) dst(%arg13 : memref<16xi32, #tpu.memory_space<vmem>>)
        tpu.yield
      }) : () -> ()
      "tpu.region"() ({
        %run_scoped3A = tpu.sem_alloc : memref<!tpu.dma_semaphore, #tpu.memory_space<semaphore_mem>>
        %dma_start3A = arith.constant 0 : i32
        %dma_start3A_193 = arith.constant 0 : i32
        %dma_start3A_194 = tpu.memref_slice %arg14[%dma_start3A, %dma_start3A_193] : memref<48x128xf32, #tpu.memory_space<vmem>> -> memref<16x128xf32, #tpu.memory_space<vmem>>
        %dma_start3A_195 = arith.constant 0 : i32
        %dma_start3A_196 = arith.constant 0 : i32
        %dma_start3A_197 = tpu.memref_slice %arg15[%dma_start3A_195, %dma_start3A_196] : memref<10000x128xf32, #tpu.memory_space<vmem_shared>> -> memref<10000x128xf32, #tpu.memory_space<vmem_shared>>
        tpu.enqueue_indirect_dma source(%dma_start3A_194 : memref<16x128xf32, #tpu.memory_space<vmem>>) target(%dma_start3A_197 : memref<10000x128xf32, #tpu.memory_space<vmem_shared>>) offsets(%arg13 : memref<16xi32, #tpu.memory_space<vmem>>) semaphore(%run_scoped3A : memref<!tpu.dma_semaphore, #tpu.memory_space<semaphore_mem>>)
        %dma_wait3A = arith.constant 0 : i32
        %dma_wait3A_198 = arith.constant 0 : i32
        %dma_wait3A_199 = tpu.memref_slice %arg14[%dma_wait3A, %dma_wait3A_198] : memref<48x128xf32, #tpu.memory_space<vmem>> -> memref<16x128xf32, #tpu.memory_space<vmem>>
        %dma_wait3A_200 = arith.constant 0 : i32
        %dma_wait3A_201 = arith.constant 0 : i32
        %dma_wait3A_202 = tpu.memref_slice %arg15[%dma_wait3A_200, %dma_wait3A_201] : memref<10000x128xf32, #tpu.memory_space<vmem_shared>> -> memref<10000x128xf32, #tpu.memory_space<vmem_shared>>
        tpu.wait_indirect_dma semaphore(%run_scoped3A : memref<!tpu.dma_semaphore, #tpu.memory_space<semaphore_mem>>) src(%dma_wait3A_199 : memref<16x128xf32, #tpu.memory_space<vmem>>) dst(%dma_wait3A_202 : memref<10000x128xf32, #tpu.memory_space<vmem_shared>>)
        tpu.yield
      }) : () -> ()
    } else {
    }
    "tpu.region"() ({
      %run_scoped3A = tpu.sem_alloc : memref<!tpu.dma_semaphore, #tpu.memory_space<semaphore_mem>>
      tpu.enqueue_dma source(%arg6 : memref<80x128xf32, #tpu.memory_space<hbm>>) target(%arg11 : memref<80x128xf32, #tpu.memory_space<vmem>>) target_semaphore(%run_scoped3A : memref<!tpu.dma_semaphore, #tpu.memory_space<semaphore_mem>>)
      tpu.wait_dma2 semaphore(%run_scoped3A : memref<!tpu.dma_semaphore, #tpu.memory_space<semaphore_mem>>) src(%arg6 : memref<80x128xf32, #tpu.memory_space<hbm>>) dst(%arg11 : memref<80x128xf32, #tpu.memory_space<vmem>>)
      tpu.yield
    }) : () -> ()
    %barrier3A_128 = arith.constant 0 : index
    tpu.barrier barrier_id(%barrier3A_128)
    %scan3A_129 = arith.constant 0 : i32
    %scan3A_130 = arith.constant 0 : i32
    %scan3A_131 = arith.constant 125 : i32
    %scan3A_132 = arith.addi %scan3A_130, %scan3A_131 : i32
    %scan3A_133 = arith.constant 1 : i32
    scf.for %scan3A_193 = %scan3A_130 to %scan3A_132 step %scan3A_133  : i32 {
      %mul3A_194 = arith.constant 80 : i32
      %mul3A_195 = arith.muli %scan3A_193, %mul3A_194 : i32
      %add3A_196 = arith.addi %mul3A_4, %mul3A_195 : i32
      "tpu.region"() ({
        %run_scoped3A = tpu.sem_alloc : memref<!tpu.dma_semaphore, #tpu.memory_space<semaphore_mem>>
        %dma_start3A = tpu.memref_slice %arg3[%add3A_196] : memref<320000xi32, #tpu.memory_space<hbm>> -> memref<80xi32, #tpu.memory_space<hbm>>
        %dma_start3A_197 = tpu.memref_slice %arg3[%add3A_196] : memref<320000xi32, #tpu.memory_space<hbm>> -> memref<80xi32, #tpu.memory_space<hbm>>
        tpu.enqueue_dma source(%dma_start3A_197 : memref<80xi32, #tpu.memory_space<hbm>>) target(%arg9 : memref<80xi32, #tpu.memory_space<vmem>>) target_semaphore(%run_scoped3A : memref<!tpu.dma_semaphore, #tpu.memory_space<semaphore_mem>>)
        %dma_wait3A = tpu.memref_slice %arg3[%add3A_196] : memref<320000xi32, #tpu.memory_space<hbm>> -> memref<80xi32, #tpu.memory_space<hbm>>
        %dma_wait3A_198 = tpu.memref_slice %arg3[%add3A_196] : memref<320000xi32, #tpu.memory_space<hbm>> -> memref<80xi32, #tpu.memory_space<hbm>>
        tpu.wait_dma2 semaphore(%run_scoped3A : memref<!tpu.dma_semaphore, #tpu.memory_space<semaphore_mem>>) src(%dma_wait3A_198 : memref<80xi32, #tpu.memory_space<hbm>>) dst(%arg9 : memref<80xi32, #tpu.memory_space<vmem>>)
        tpu.yield
      }) : () -> ()
      "tpu.region"() ({
        %run_scoped3A = tpu.sem_alloc : memref<!tpu.dma_semaphore, #tpu.memory_space<semaphore_mem>>
        %dma_start3A = arith.constant 0 : i32
        %dma_start3A_197 = arith.constant 0 : i32
        %dma_start3A_198 = tpu.memref_slice %arg15[%dma_start3A, %dma_start3A_197] : memref<10000x128xf32, #tpu.memory_space<vmem_shared>> -> memref<10000x128xf32, #tpu.memory_space<vmem_shared>>
        tpu.enqueue_indirect_dma source(%arg11 : memref<80x128xf32, #tpu.memory_space<vmem>>) target(%dma_start3A_198 : memref<10000x128xf32, #tpu.memory_space<vmem_shared>>) offsets(%arg9 : memref<80xi32, #tpu.memory_space<vmem>>) semaphore(%run_scoped3A : memref<!tpu.dma_semaphore, #tpu.memory_space<semaphore_mem>>) {add = true}
        %dma_wait3A = arith.constant 0 : i32
        %dma_wait3A_199 = arith.constant 0 : i32
        %dma_wait3A_200 = tpu.memref_slice %arg15[%dma_wait3A, %dma_wait3A_199] : memref<10000x128xf32, #tpu.memory_space<vmem_shared>> -> memref<10000x128xf32, #tpu.memory_space<vmem_shared>>
        tpu.wait_indirect_dma semaphore(%run_scoped3A : memref<!tpu.dma_semaphore, #tpu.memory_space<semaphore_mem>>) src(%arg11 : memref<80x128xf32, #tpu.memory_space<vmem>>) dst(%dma_wait3A_200 : memref<10000x128xf32, #tpu.memory_space<vmem_shared>>)
        tpu.yield
      }) : () -> ()
    }
    %scan3A_134 = arith.constant 125 : i32
    %barrier3A_135 = arith.constant 0 : index
    tpu.barrier barrier_id(%barrier3A_135)
    %add3A_136 = arith.constant 0 : i32
    %add3A_137 = arith.addi %mul3A_0, %add3A_136 : i32
    "tpu.region"() ({
      %run_scoped3A = tpu.sem_alloc : memref<!tpu.dma_semaphore, #tpu.memory_space<semaphore_mem>>
      %dma_start3A = tpu.memref_slice %arg4[%add3A_137] : memref<10000xi32, #tpu.memory_space<hbm>> -> memref<48xi32, #tpu.memory_space<hbm>>
      %dma_start3A_193 = tpu.memref_slice %arg4[%add3A_137] : memref<10000xi32, #tpu.memory_space<hbm>> -> memref<48xi32, #tpu.memory_space<hbm>>
      tpu.enqueue_dma source(%dma_start3A_193 : memref<48xi32, #tpu.memory_space<hbm>>) target(%arg12 : memref<48xi32, #tpu.memory_space<vmem>>) target_semaphore(%run_scoped3A : memref<!tpu.dma_semaphore, #tpu.memory_space<semaphore_mem>>)
      %dma_wait3A = tpu.memref_slice %arg4[%add3A_137] : memref<10000xi32, #tpu.memory_space<hbm>> -> memref<48xi32, #tpu.memory_space<hbm>>
      %dma_wait3A_194 = tpu.memref_slice %arg4[%add3A_137] : memref<10000xi32, #tpu.memory_space<hbm>> -> memref<48xi32, #tpu.memory_space<hbm>>
      tpu.wait_dma2 semaphore(%run_scoped3A : memref<!tpu.dma_semaphore, #tpu.memory_space<semaphore_mem>>) src(%dma_wait3A_194 : memref<48xi32, #tpu.memory_space<hbm>>) dst(%arg12 : memref<48xi32, #tpu.memory_space<vmem>>)
      tpu.yield
    }) : () -> ()
    "tpu.region"() ({
      %run_scoped3A = tpu.sem_alloc : memref<!tpu.dma_semaphore, #tpu.memory_space<semaphore_mem>>
      %dma_start3A = arith.constant 0 : i32
      %dma_start3A_193 = arith.constant 0 : i32
      %dma_start3A_194 = tpu.memref_slice %arg15[%dma_start3A, %dma_start3A_193] : memref<10000x128xf32, #tpu.memory_space<vmem_shared>> -> memref<10000x128xf32, #tpu.memory_space<vmem_shared>>
      tpu.enqueue_indirect_dma source(%dma_start3A_194 : memref<10000x128xf32, #tpu.memory_space<vmem_shared>>) target(%arg14 : memref<48x128xf32, #tpu.memory_space<vmem>>) offsets(%arg12 : memref<48xi32, #tpu.memory_space<vmem>>) semaphore(%run_scoped3A : memref<!tpu.dma_semaphore, #tpu.memory_space<semaphore_mem>>)
      %dma_wait3A = arith.constant 0 : i32
      %dma_wait3A_195 = arith.constant 0 : i32
      %dma_wait3A_196 = tpu.memref_slice %arg15[%dma_wait3A, %dma_wait3A_195] : memref<10000x128xf32, #tpu.memory_space<vmem_shared>> -> memref<10000x128xf32, #tpu.memory_space<vmem_shared>>
      tpu.wait_indirect_dma semaphore(%run_scoped3A : memref<!tpu.dma_semaphore, #tpu.memory_space<semaphore_mem>>) src(%dma_wait3A_196 : memref<10000x128xf32, #tpu.memory_space<vmem_shared>>) dst(%arg14 : memref<48x128xf32, #tpu.memory_space<vmem>>)
      tpu.yield
    }) : () -> ()
    %add3A_138 = arith.constant 0 : i32
    %add3A_139 = arith.addi %mul3A_0, %add3A_138 : i32
    "tpu.region"() ({
      %run_scoped3A = tpu.sem_alloc : memref<!tpu.dma_semaphore, #tpu.memory_space<semaphore_mem>>
      %dma_start3A = arith.constant 0 : i32
      %dma_start3A_193 = tpu.memref_slice %arg8[%arg0, %add3A_139, %dma_start3A] : memref<2x10000x128xf32, #tpu.memory_space<hbm>> -> memref<1x48x128xf32, #tpu.memory_space<hbm>>
      %dma_start3A_194 = tpu.memref_squeeze %dma_start3A_193 : memref<1x48x128xf32, #tpu.memory_space<hbm>> -> memref<48x128xf32, #tpu.memory_space<hbm>>
      %dma_start3A_195 = arith.constant 0 : i32
      %dma_start3A_196 = tpu.memref_slice %arg8[%arg0, %add3A_139, %dma_start3A_195] : memref<2x10000x128xf32, #tpu.memory_space<hbm>> -> memref<1x48x128xf32, #tpu.memory_space<hbm>>
      %dma_start3A_197 = tpu.memref_squeeze %dma_start3A_196 : memref<1x48x128xf32, #tpu.memory_space<hbm>> -> memref<48x128xf32, #tpu.memory_space<hbm>>
      tpu.enqueue_dma source(%arg14 : memref<48x128xf32, #tpu.memory_space<vmem>>) target(%dma_start3A_197 : memref<48x128xf32, #tpu.memory_space<hbm>>) target_semaphore(%run_scoped3A : memref<!tpu.dma_semaphore, #tpu.memory_space<semaphore_mem>>)
      %dma_wait3A = arith.constant 0 : i32
      %dma_wait3A_198 = tpu.memref_slice %arg8[%arg0, %add3A_139, %dma_wait3A] : memref<2x10000x128xf32, #tpu.memory_space<hbm>> -> memref<1x48x128xf32, #tpu.memory_space<hbm>>
      %dma_wait3A_199 = tpu.memref_squeeze %dma_wait3A_198 : memref<1x48x128xf32, #tpu.memory_space<hbm>> -> memref<48x128xf32, #tpu.memory_space<hbm>>
      %dma_wait3A_200 = arith.constant 0 : i32
      %dma_wait3A_201 = tpu.memref_slice %arg8[%arg0, %add3A_139, %dma_wait3A_200] : memref<2x10000x128xf32, #tpu.memory_space<hbm>> -> memref<1x48x128xf32, #tpu.memory_space<hbm>>
      %dma_wait3A_202 = tpu.memref_squeeze %dma_wait3A_201 : memref<1x48x128xf32, #tpu.memory_space<hbm>> -> memref<48x128xf32, #tpu.memory_space<hbm>>
      tpu.wait_dma2 semaphore(%run_scoped3A : memref<!tpu.dma_semaphore, #tpu.memory_space<semaphore_mem>>) src(%arg14 : memref<48x128xf32, #tpu.memory_space<vmem>>) dst(%dma_wait3A_202 : memref<48x128xf32, #tpu.memory_space<hbm>>)
      tpu.yield
    }) : () -> ()
    %add3A_140 = arith.constant 48 : i32
    %add3A_141 = arith.addi %mul3A_0, %add3A_140 : i32
    "tpu.region"() ({
      %run_scoped3A = tpu.sem_alloc : memref<!tpu.dma_semaphore, #tpu.memory_space<semaphore_mem>>
      %dma_start3A = tpu.memref_slice %arg4[%add3A_141] : memref<10000xi32, #tpu.memory_space<hbm>> -> memref<48xi32, #tpu.memory_space<hbm>>
      %dma_start3A_193 = tpu.memref_slice %arg4[%add3A_141] : memref<10000xi32, #tpu.memory_space<hbm>> -> memref<48xi32, #tpu.memory_space<hbm>>
      tpu.enqueue_dma source(%dma_start3A_193 : memref<48xi32, #tpu.memory_space<hbm>>) target(%arg12 : memref<48xi32, #tpu.memory_space<vmem>>) target_semaphore(%run_scoped3A : memref<!tpu.dma_semaphore, #tpu.memory_space<semaphore_mem>>)
      %dma_wait3A = tpu.memref_slice %arg4[%add3A_141] : memref<10000xi32, #tpu.memory_space<hbm>> -> memref<48xi32, #tpu.memory_space<hbm>>
      %dma_wait3A_194 = tpu.memref_slice %arg4[%add3A_141] : memref<10000xi32, #tpu.memory_space<hbm>> -> memref<48xi32, #tpu.memory_space<hbm>>
      tpu.wait_dma2 semaphore(%run_scoped3A : memref<!tpu.dma_semaphore, #tpu.memory_space<semaphore_mem>>) src(%dma_wait3A_194 : memref<48xi32, #tpu.memory_space<hbm>>) dst(%arg12 : memref<48xi32, #tpu.memory_space<vmem>>)
      tpu.yield
    }) : () -> ()
    "tpu.region"() ({
      %run_scoped3A = tpu.sem_alloc : memref<!tpu.dma_semaphore, #tpu.memory_space<semaphore_mem>>
      %dma_start3A = arith.constant 0 : i32
      %dma_start3A_193 = arith.constant 0 : i32
      %dma_start3A_194 = tpu.memref_slice %arg15[%dma_start3A, %dma_start3A_193] : memref<10000x128xf32, #tpu.memory_space<vmem_shared>> -> memref<10000x128xf32, #tpu.memory_space<vmem_shared>>
      tpu.enqueue_indirect_dma source(%dma_start3A_194 : memref<10000x128xf32, #tpu.memory_space<vmem_shared>>) target(%arg14 : memref<48x128xf32, #tpu.memory_space<vmem>>) offsets(%arg12 : memref<48xi32, #tpu.memory_space<vmem>>) semaphore(%run_scoped3A : memref<!tpu.dma_semaphore, #tpu.memory_space<semaphore_mem>>)
      %dma_wait3A = arith.constant 0 : i32
      %dma_wait3A_195 = arith.constant 0 : i32
      %dma_wait3A_196 = tpu.memref_slice %arg15[%dma_wait3A, %dma_wait3A_195] : memref<10000x128xf32, #tpu.memory_space<vmem_shared>> -> memref<10000x128xf32, #tpu.memory_space<vmem_shared>>
      tpu.wait_indirect_dma semaphore(%run_scoped3A : memref<!tpu.dma_semaphore, #tpu.memory_space<semaphore_mem>>) src(%dma_wait3A_196 : memref<10000x128xf32, #tpu.memory_space<vmem_shared>>) dst(%arg14 : memref<48x128xf32, #tpu.memory_space<vmem>>)
      tpu.yield
    }) : () -> ()
    %add3A_142 = arith.constant 48 : i32
    %add3A_143 = arith.addi %mul3A_0, %add3A_142 : i32
    "tpu.region"() ({
      %run_scoped3A = tpu.sem_alloc : memref<!tpu.dma_semaphore, #tpu.memory_space<semaphore_mem>>
      %dma_start3A = arith.constant 0 : i32
      %dma_start3A_193 = tpu.memref_slice %arg8[%arg0, %add3A_143, %dma_start3A] : memref<2x10000x128xf32, #tpu.memory_space<hbm>> -> memref<1x48x128xf32, #tpu.memory_space<hbm>>
      %dma_start3A_194 = tpu.memref_squeeze %dma_start3A_193 : memref<1x48x128xf32, #tpu.memory_space<hbm>> -> memref<48x128xf32, #tpu.memory_space<hbm>>
      %dma_start3A_195 = arith.constant 0 : i32
      %dma_start3A_196 = tpu.memref_slice %arg8[%arg0, %add3A_143, %dma_start3A_195] : memref<2x10000x128xf32, #tpu.memory_space<hbm>> -> memref<1x48x128xf32, #tpu.memory_space<hbm>>
      %dma_start3A_197 = tpu.memref_squeeze %dma_start3A_196 : memref<1x48x128xf32, #tpu.memory_space<hbm>> -> memref<48x128xf32, #tpu.memory_space<hbm>>
      tpu.enqueue_dma source(%arg14 : memref<48x128xf32, #tpu.memory_space<vmem>>) target(%dma_start3A_197 : memref<48x128xf32, #tpu.memory_space<hbm>>) target_semaphore(%run_scoped3A : memref<!tpu.dma_semaphore, #tpu.memory_space<semaphore_mem>>)
      %dma_wait3A = arith.constant 0 : i32
      %dma_wait3A_198 = tpu.memref_slice %arg8[%arg0, %add3A_143, %dma_wait3A] : memref<2x10000x128xf32, #tpu.memory_space<hbm>> -> memref<1x48x128xf32, #tpu.memory_space<hbm>>
      %dma_wait3A_199 = tpu.memref_squeeze %dma_wait3A_198 : memref<1x48x128xf32, #tpu.memory_space<hbm>> -> memref<48x128xf32, #tpu.memory_space<hbm>>
      %dma_wait3A_200 = arith.constant 0 : i32
      %dma_wait3A_201 = tpu.memref_slice %arg8[%arg0, %add3A_143, %dma_wait3A_200] : memref<2x10000x128xf32, #tpu.memory_space<hbm>> -> memref<1x48x128xf32, #tpu.memory_space<hbm>>
      %dma_wait3A_202 = tpu.memref_squeeze %dma_wait3A_201 : memref<1x48x128xf32, #tpu.memory_space<hbm>> -> memref<48x128xf32, #tpu.memory_space<hbm>>
      tpu.wait_dma2 semaphore(%run_scoped3A : memref<!tpu.dma_semaphore, #tpu.memory_space<semaphore_mem>>) src(%arg14 : memref<48x128xf32, #tpu.memory_space<vmem>>) dst(%dma_wait3A_202 : memref<48x128xf32, #tpu.memory_space<hbm>>)
      tpu.yield
    }) : () -> ()
    %add3A_144 = arith.constant 96 : i32
    %add3A_145 = arith.addi %mul3A_0, %add3A_144 : i32
    "tpu.region"() ({
      %run_scoped3A = tpu.sem_alloc : memref<!tpu.dma_semaphore, #tpu.memory_space<semaphore_mem>>
      %dma_start3A = tpu.memref_slice %arg4[%add3A_145] : memref<10000xi32, #tpu.memory_space<hbm>> -> memref<48xi32, #tpu.memory_space<hbm>>
      %dma_start3A_193 = tpu.memref_slice %arg4[%add3A_145] : memref<10000xi32, #tpu.memory_space<hbm>> -> memref<48xi32, #tpu.memory_space<hbm>>
      tpu.enqueue_dma source(%dma_start3A_193 : memref<48xi32, #tpu.memory_space<hbm>>) target(%arg12 : memref<48xi32, #tpu.memory_space<vmem>>) target_semaphore(%run_scoped3A : memref<!tpu.dma_semaphore, #tpu.memory_space<semaphore_mem>>)
      %dma_wait3A = tpu.memref_slice %arg4[%add3A_145] : memref<10000xi32, #tpu.memory_space<hbm>> -> memref<48xi32, #tpu.memory_space<hbm>>
      %dma_wait3A_194 = tpu.memref_slice %arg4[%add3A_145] : memref<10000xi32, #tpu.memory_space<hbm>> -> memref<48xi32, #tpu.memory_space<hbm>>
      tpu.wait_dma2 semaphore(%run_scoped3A : memref<!tpu.dma_semaphore, #tpu.memory_space<semaphore_mem>>) src(%dma_wait3A_194 : memref<48xi32, #tpu.memory_space<hbm>>) dst(%arg12 : memref<48xi32, #tpu.memory_space<vmem>>)
      tpu.yield
    }) : () -> ()
    "tpu.region"() ({
      %run_scoped3A = tpu.sem_alloc : memref<!tpu.dma_semaphore, #tpu.memory_space<semaphore_mem>>
      %dma_start3A = arith.constant 0 : i32
      %dma_start3A_193 = arith.constant 0 : i32
      %dma_start3A_194 = tpu.memref_slice %arg15[%dma_start3A, %dma_start3A_193] : memref<10000x128xf32, #tpu.memory_space<vmem_shared>> -> memref<10000x128xf32, #tpu.memory_space<vmem_shared>>
      tpu.enqueue_indirect_dma source(%dma_start3A_194 : memref<10000x128xf32, #tpu.memory_space<vmem_shared>>) target(%arg14 : memref<48x128xf32, #tpu.memory_space<vmem>>) offsets(%arg12 : memref<48xi32, #tpu.memory_space<vmem>>) semaphore(%run_scoped3A : memref<!tpu.dma_semaphore, #tpu.memory_space<semaphore_mem>>)
      %dma_wait3A = arith.constant 0 : i32
      %dma_wait3A_195 = arith.constant 0 : i32
      %dma_wait3A_196 = tpu.memref_slice %arg15[%dma_wait3A, %dma_wait3A_195] : memref<10000x128xf32, #tpu.memory_space<vmem_shared>> -> memref<10000x128xf32, #tpu.memory_space<vmem_shared>>
      tpu.wait_indirect_dma semaphore(%run_scoped3A : memref<!tpu.dma_semaphore, #tpu.memory_space<semaphore_mem>>) src(%dma_wait3A_196 : memref<10000x128xf32, #tpu.memory_space<vmem_shared>>) dst(%arg14 : memref<48x128xf32, #tpu.memory_space<vmem>>)
      tpu.yield
    }) : () -> ()
    %add3A_146 = arith.constant 96 : i32
    %add3A_147 = arith.addi %mul3A_0, %add3A_146 : i32
    "tpu.region"() ({
      %run_scoped3A = tpu.sem_alloc : memref<!tpu.dma_semaphore, #tpu.memory_space<semaphore_mem>>
      %dma_start3A = arith.constant 0 : i32
      %dma_start3A_193 = tpu.memref_slice %arg8[%arg0, %add3A_147, %dma_start3A] : memref<2x10000x128xf32, #tpu.memory_space<hbm>> -> memref<1x48x128xf32, #tpu.memory_space<hbm>>
      %dma_start3A_194 = tpu.memref_squeeze %dma_start3A_193 : memref<1x48x128xf32, #tpu.memory_space<hbm>> -> memref<48x128xf32, #tpu.memory_space<hbm>>
      %dma_start3A_195 = arith.constant 0 : i32
      %dma_start3A_196 = tpu.memref_slice %arg8[%arg0, %add3A_147, %dma_start3A_195] : memref<2x10000x128xf32, #tpu.memory_space<hbm>> -> memref<1x48x128xf32, #tpu.memory_space<hbm>>
      %dma_start3A_197 = tpu.memref_squeeze %dma_start3A_196 : memref<1x48x128xf32, #tpu.memory_space<hbm>> -> memref<48x128xf32, #tpu.memory_space<hbm>>
      tpu.enqueue_dma source(%arg14 : memref<48x128xf32, #tpu.memory_space<vmem>>) target(%dma_start3A_197 : memref<48x128xf32, #tpu.memory_space<hbm>>) target_semaphore(%run_scoped3A : memref<!tpu.dma_semaphore, #tpu.memory_space<semaphore_mem>>)
      %dma_wait3A = arith.constant 0 : i32
      %dma_wait3A_198 = tpu.memref_slice %arg8[%arg0, %add3A_147, %dma_wait3A] : memref<2x10000x128xf32, #tpu.memory_space<hbm>> -> memref<1x48x128xf32, #tpu.memory_space<hbm>>
      %dma_wait3A_199 = tpu.memref_squeeze %dma_wait3A_198 : memref<1x48x128xf32, #tpu.memory_space<hbm>> -> memref<48x128xf32, #tpu.memory_space<hbm>>
      %dma_wait3A_200 = arith.constant 0 : i32
      %dma_wait3A_201 = tpu.memref_slice %arg8[%arg0, %add3A_147, %dma_wait3A_200] : memref<2x10000x128xf32, #tpu.memory_space<hbm>> -> memref<1x48x128xf32, #tpu.memory_space<hbm>>
      %dma_wait3A_202 = tpu.memref_squeeze %dma_wait3A_201 : memref<1x48x128xf32, #tpu.memory_space<hbm>> -> memref<48x128xf32, #tpu.memory_space<hbm>>
      tpu.wait_dma2 semaphore(%run_scoped3A : memref<!tpu.dma_semaphore, #tpu.memory_space<semaphore_mem>>) src(%arg14 : memref<48x128xf32, #tpu.memory_space<vmem>>) dst(%dma_wait3A_202 : memref<48x128xf32, #tpu.memory_space<hbm>>)
      tpu.yield
    }) : () -> ()
    %add3A_148 = arith.constant 144 : i32
    %add3A_149 = arith.addi %mul3A_0, %add3A_148 : i32
    "tpu.region"() ({
      %run_scoped3A = tpu.sem_alloc : memref<!tpu.dma_semaphore, #tpu.memory_space<semaphore_mem>>
      %dma_start3A = tpu.memref_slice %arg4[%add3A_149] : memref<10000xi32, #tpu.memory_space<hbm>> -> memref<48xi32, #tpu.memory_space<hbm>>
      %dma_start3A_193 = tpu.memref_slice %arg4[%add3A_149] : memref<10000xi32, #tpu.memory_space<hbm>> -> memref<48xi32, #tpu.memory_space<hbm>>
      tpu.enqueue_dma source(%dma_start3A_193 : memref<48xi32, #tpu.memory_space<hbm>>) target(%arg12 : memref<48xi32, #tpu.memory_space<vmem>>) target_semaphore(%run_scoped3A : memref<!tpu.dma_semaphore, #tpu.memory_space<semaphore_mem>>)
      %dma_wait3A = tpu.memref_slice %arg4[%add3A_149] : memref<10000xi32, #tpu.memory_space<hbm>> -> memref<48xi32, #tpu.memory_space<hbm>>
      %dma_wait3A_194 = tpu.memref_slice %arg4[%add3A_149] : memref<10000xi32, #tpu.memory_space<hbm>> -> memref<48xi32, #tpu.memory_space<hbm>>
      tpu.wait_dma2 semaphore(%run_scoped3A : memref<!tpu.dma_semaphore, #tpu.memory_space<semaphore_mem>>) src(%dma_wait3A_194 : memref<48xi32, #tpu.memory_space<hbm>>) dst(%arg12 : memref<48xi32, #tpu.memory_space<vmem>>)
      tpu.yield
    }) : () -> ()
    "tpu.region"() ({
      %run_scoped3A = tpu.sem_alloc : memref<!tpu.dma_semaphore, #tpu.memory_space<semaphore_mem>>
      %dma_start3A = arith.constant 0 : i32
      %dma_start3A_193 = arith.constant 0 : i32
      %dma_start3A_194 = tpu.memref_slice %arg15[%dma_start3A, %dma_start3A_193] : memref<10000x128xf32, #tpu.memory_space<vmem_shared>> -> memref<10000x128xf32, #tpu.memory_space<vmem_shared>>
      tpu.enqueue_indirect_dma source(%dma_start3A_194 : memref<10000x128xf32, #tpu.memory_space<vmem_shared>>) target(%arg14 : memref<48x128xf32, #tpu.memory_space<vmem>>) offsets(%arg12 : memref<48xi32, #tpu.memory_space<vmem>>) semaphore(%run_scoped3A : memref<!tpu.dma_semaphore, #tpu.memory_space<semaphore_mem>>)
      %dma_wait3A = arith.constant 0 : i32
      %dma_wait3A_195 = arith.constant 0 : i32
      %dma_wait3A_196 = tpu.memref_slice %arg15[%dma_wait3A, %dma_wait3A_195] : memref<10000x128xf32, #tpu.memory_space<vmem_shared>> -> memref<10000x128xf32, #tpu.memory_space<vmem_shared>>
      tpu.wait_indirect_dma semaphore(%run_scoped3A : memref<!tpu.dma_semaphore, #tpu.memory_space<semaphore_mem>>) src(%dma_wait3A_196 : memref<10000x128xf32, #tpu.memory_space<vmem_shared>>) dst(%arg14 : memref<48x128xf32, #tpu.memory_space<vmem>>)
      tpu.yield
    }) : () -> ()
    %add3A_150 = arith.constant 144 : i32
    %add3A_151 = arith.addi %mul3A_0, %add3A_150 : i32
    "tpu.region"() ({
      %run_scoped3A = tpu.sem_alloc : memref<!tpu.dma_semaphore, #tpu.memory_space<semaphore_mem>>
      %dma_start3A = arith.constant 0 : i32
      %dma_start3A_193 = tpu.memref_slice %arg8[%arg0, %add3A_151, %dma_start3A] : memref<2x10000x128xf32, #tpu.memory_space<hbm>> -> memref<1x48x128xf32, #tpu.memory_space<hbm>>
      %dma_start3A_194 = tpu.memref_squeeze %dma_start3A_193 : memref<1x48x128xf32, #tpu.memory_space<hbm>> -> memref<48x128xf32, #tpu.memory_space<hbm>>
      %dma_start3A_195 = arith.constant 0 : i32
      %dma_start3A_196 = tpu.memref_slice %arg8[%arg0, %add3A_151, %dma_start3A_195] : memref<2x10000x128xf32, #tpu.memory_space<hbm>> -> memref<1x48x128xf32, #tpu.memory_space<hbm>>
      %dma_start3A_197 = tpu.memref_squeeze %dma_start3A_196 : memref<1x48x128xf32, #tpu.memory_space<hbm>> -> memref<48x128xf32, #tpu.memory_space<hbm>>
      tpu.enqueue_dma source(%arg14 : memref<48x128xf32, #tpu.memory_space<vmem>>) target(%dma_start3A_197 : memref<48x128xf32, #tpu.memory_space<hbm>>) target_semaphore(%run_scoped3A : memref<!tpu.dma_semaphore, #tpu.memory_space<semaphore_mem>>)
      %dma_wait3A = arith.constant 0 : i32
      %dma_wait3A_198 = tpu.memref_slice %arg8[%arg0, %add3A_151, %dma_wait3A] : memref<2x10000x128xf32, #tpu.memory_space<hbm>> -> memref<1x48x128xf32, #tpu.memory_space<hbm>>
      %dma_wait3A_199 = tpu.memref_squeeze %dma_wait3A_198 : memref<1x48x128xf32, #tpu.memory_space<hbm>> -> memref<48x128xf32, #tpu.memory_space<hbm>>
      %dma_wait3A_200 = arith.constant 0 : i32
      %dma_wait3A_201 = tpu.memref_slice %arg8[%arg0, %add3A_151, %dma_wait3A_200] : memref<2x10000x128xf32, #tpu.memory_space<hbm>> -> memref<1x48x128xf32, #tpu.memory_space<hbm>>
      %dma_wait3A_202 = tpu.memref_squeeze %dma_wait3A_201 : memref<1x48x128xf32, #tpu.memory_space<hbm>> -> memref<48x128xf32, #tpu.memory_space<hbm>>
      tpu.wait_dma2 semaphore(%run_scoped3A : memref<!tpu.dma_semaphore, #tpu.memory_space<semaphore_mem>>) src(%arg14 : memref<48x128xf32, #tpu.memory_space<vmem>>) dst(%dma_wait3A_202 : memref<48x128xf32, #tpu.memory_space<hbm>>)
      tpu.yield
    }) : () -> ()
    %add3A_152 = arith.constant 192 : i32
    %add3A_153 = arith.addi %mul3A_0, %add3A_152 : i32
    "tpu.region"() ({
      %run_scoped3A = tpu.sem_alloc : memref<!tpu.dma_semaphore, #tpu.memory_space<semaphore_mem>>
      %dma_start3A = tpu.memref_slice %arg4[%add3A_153] : memref<10000xi32, #tpu.memory_space<hbm>> -> memref<48xi32, #tpu.memory_space<hbm>>
      %dma_start3A_193 = tpu.memref_slice %arg4[%add3A_153] : memref<10000xi32, #tpu.memory_space<hbm>> -> memref<48xi32, #tpu.memory_space<hbm>>
      tpu.enqueue_dma source(%dma_start3A_193 : memref<48xi32, #tpu.memory_space<hbm>>) target(%arg12 : memref<48xi32, #tpu.memory_space<vmem>>) target_semaphore(%run_scoped3A : memref<!tpu.dma_semaphore, #tpu.memory_space<semaphore_mem>>)
      %dma_wait3A = tpu.memref_slice %arg4[%add3A_153] : memref<10000xi32, #tpu.memory_space<hbm>> -> memref<48xi32, #tpu.memory_space<hbm>>
      %dma_wait3A_194 = tpu.memref_slice %arg4[%add3A_153] : memref<10000xi32, #tpu.memory_space<hbm>> -> memref<48xi32, #tpu.memory_space<hbm>>
      tpu.wait_dma2 semaphore(%run_scoped3A : memref<!tpu.dma_semaphore, #tpu.memory_space<semaphore_mem>>) src(%dma_wait3A_194 : memref<48xi32, #tpu.memory_space<hbm>>) dst(%arg12 : memref<48xi32, #tpu.memory_space<vmem>>)
      tpu.yield
    }) : () -> ()
    "tpu.region"() ({
      %run_scoped3A = tpu.sem_alloc : memref<!tpu.dma_semaphore, #tpu.memory_space<semaphore_mem>>
      %dma_start3A = arith.constant 0 : i32
      %dma_start3A_193 = arith.constant 0 : i32
      %dma_start3A_194 = tpu.memref_slice %arg15[%dma_start3A, %dma_start3A_193] : memref<10000x128xf32, #tpu.memory_space<vmem_shared>> -> memref<10000x128xf32, #tpu.memory_space<vmem_shared>>
      tpu.enqueue_indirect_dma source(%dma_start3A_194 : memref<10000x128xf32, #tpu.memory_space<vmem_shared>>) target(%arg14 : memref<48x128xf32, #tpu.memory_space<vmem>>) offsets(%arg12 : memref<48xi32, #tpu.memory_space<vmem>>) semaphore(%run_scoped3A : memref<!tpu.dma_semaphore, #tpu.memory_space<semaphore_mem>>)
      %dma_wait3A = arith.constant 0 : i32
      %dma_wait3A_195 = arith.constant 0 : i32
      %dma_wait3A_196 = tpu.memref_slice %arg15[%dma_wait3A, %dma_wait3A_195] : memref<10000x128xf32, #tpu.memory_space<vmem_shared>> -> memref<10000x128xf32, #tpu.memory_space<vmem_shared>>
      tpu.wait_indirect_dma semaphore(%run_scoped3A : memref<!tpu.dma_semaphore, #tpu.memory_space<semaphore_mem>>) src(%dma_wait3A_196 : memref<10000x128xf32, #tpu.memory_space<vmem_shared>>) dst(%arg14 : memref<48x128xf32, #tpu.memory_space<vmem>>)
      tpu.yield
    }) : () -> ()
    %add3A_154 = arith.constant 192 : i32
    %add3A_155 = arith.addi %mul3A_0, %add3A_154 : i32
    "tpu.region"() ({
      %run_scoped3A = tpu.sem_alloc : memref<!tpu.dma_semaphore, #tpu.memory_space<semaphore_mem>>
      %dma_start3A = arith.constant 0 : i32
      %dma_start3A_193 = tpu.memref_slice %arg8[%arg0, %add3A_155, %dma_start3A] : memref<2x10000x128xf32, #tpu.memory_space<hbm>> -> memref<1x48x128xf32, #tpu.memory_space<hbm>>
      %dma_start3A_194 = tpu.memref_squeeze %dma_start3A_193 : memref<1x48x128xf32, #tpu.memory_space<hbm>> -> memref<48x128xf32, #tpu.memory_space<hbm>>
      %dma_start3A_195 = arith.constant 0 : i32
      %dma_start3A_196 = tpu.memref_slice %arg8[%arg0, %add3A_155, %dma_start3A_195] : memref<2x10000x128xf32, #tpu.memory_space<hbm>> -> memref<1x48x128xf32, #tpu.memory_space<hbm>>
      %dma_start3A_197 = tpu.memref_squeeze %dma_start3A_196 : memref<1x48x128xf32, #tpu.memory_space<hbm>> -> memref<48x128xf32, #tpu.memory_space<hbm>>
      tpu.enqueue_dma source(%arg14 : memref<48x128xf32, #tpu.memory_space<vmem>>) target(%dma_start3A_197 : memref<48x128xf32, #tpu.memory_space<hbm>>) target_semaphore(%run_scoped3A : memref<!tpu.dma_semaphore, #tpu.memory_space<semaphore_mem>>)
      %dma_wait3A = arith.constant 0 : i32
      %dma_wait3A_198 = tpu.memref_slice %arg8[%arg0, %add3A_155, %dma_wait3A] : memref<2x10000x128xf32, #tpu.memory_space<hbm>> -> memref<1x48x128xf32, #tpu.memory_space<hbm>>
      %dma_wait3A_199 = tpu.memref_squeeze %dma_wait3A_198 : memref<1x48x128xf32, #tpu.memory_space<hbm>> -> memref<48x128xf32, #tpu.memory_space<hbm>>
      %dma_wait3A_200 = arith.constant 0 : i32
      %dma_wait3A_201 = tpu.memref_slice %arg8[%arg0, %add3A_155, %dma_wait3A_200] : memref<2x10000x128xf32, #tpu.memory_space<hbm>> -> memref<1x48x128xf32, #tpu.memory_space<hbm>>
      %dma_wait3A_202 = tpu.memref_squeeze %dma_wait3A_201 : memref<1x48x128xf32, #tpu.memory_space<hbm>> -> memref<48x128xf32, #tpu.memory_space<hbm>>
      tpu.wait_dma2 semaphore(%run_scoped3A : memref<!tpu.dma_semaphore, #tpu.memory_space<semaphore_mem>>) src(%arg14 : memref<48x128xf32, #tpu.memory_space<vmem>>) dst(%dma_wait3A_202 : memref<48x128xf32, #tpu.memory_space<hbm>>)
      tpu.yield
    }) : () -> ()
    %add3A_156 = arith.constant 240 : i32
    %add3A_157 = arith.addi %mul3A_0, %add3A_156 : i32
    "tpu.region"() ({
      %run_scoped3A = tpu.sem_alloc : memref<!tpu.dma_semaphore, #tpu.memory_space<semaphore_mem>>
      %dma_start3A = tpu.memref_slice %arg4[%add3A_157] : memref<10000xi32, #tpu.memory_space<hbm>> -> memref<48xi32, #tpu.memory_space<hbm>>
      %dma_start3A_193 = tpu.memref_slice %arg4[%add3A_157] : memref<10000xi32, #tpu.memory_space<hbm>> -> memref<48xi32, #tpu.memory_space<hbm>>
      tpu.enqueue_dma source(%dma_start3A_193 : memref<48xi32, #tpu.memory_space<hbm>>) target(%arg12 : memref<48xi32, #tpu.memory_space<vmem>>) target_semaphore(%run_scoped3A : memref<!tpu.dma_semaphore, #tpu.memory_space<semaphore_mem>>)
      %dma_wait3A = tpu.memref_slice %arg4[%add3A_157] : memref<10000xi32, #tpu.memory_space<hbm>> -> memref<48xi32, #tpu.memory_space<hbm>>
      %dma_wait3A_194 = tpu.memref_slice %arg4[%add3A_157] : memref<10000xi32, #tpu.memory_space<hbm>> -> memref<48xi32, #tpu.memory_space<hbm>>
      tpu.wait_dma2 semaphore(%run_scoped3A : memref<!tpu.dma_semaphore, #tpu.memory_space<semaphore_mem>>) src(%dma_wait3A_194 : memref<48xi32, #tpu.memory_space<hbm>>) dst(%arg12 : memref<48xi32, #tpu.memory_space<vmem>>)
      tpu.yield
    }) : () -> ()
    "tpu.region"() ({
      %run_scoped3A = tpu.sem_alloc : memref<!tpu.dma_semaphore, #tpu.memory_space<semaphore_mem>>
      %dma_start3A = arith.constant 0 : i32
      %dma_start3A_193 = arith.constant 0 : i32
      %dma_start3A_194 = tpu.memref_slice %arg15[%dma_start3A, %dma_start3A_193] : memref<10000x128xf32, #tpu.memory_space<vmem_shared>> -> memref<10000x128xf32, #tpu.memory_space<vmem_shared>>
      tpu.enqueue_indirect_dma source(%dma_start3A_194 : memref<10000x128xf32, #tpu.memory_space<vmem_shared>>) target(%arg14 : memref<48x128xf32, #tpu.memory_space<vmem>>) offsets(%arg12 : memref<48xi32, #tpu.memory_space<vmem>>) semaphore(%run_scoped3A : memref<!tpu.dma_semaphore, #tpu.memory_space<semaphore_mem>>)
      %dma_wait3A = arith.constant 0 : i32
      %dma_wait3A_195 = arith.constant 0 : i32
      %dma_wait3A_196 = tpu.memref_slice %arg15[%dma_wait3A, %dma_wait3A_195] : memref<10000x128xf32, #tpu.memory_space<vmem_shared>> -> memref<10000x128xf32, #tpu.memory_space<vmem_shared>>
      tpu.wait_indirect_dma semaphore(%run_scoped3A : memref<!tpu.dma_semaphore, #tpu.memory_space<semaphore_mem>>) src(%dma_wait3A_196 : memref<10000x128xf32, #tpu.memory_space<vmem_shared>>) dst(%arg14 : memref<48x128xf32, #tpu.memory_space<vmem>>)
      tpu.yield
    }) : () -> ()
    %add3A_158 = arith.constant 240 : i32
    %add3A_159 = arith.addi %mul3A_0, %add3A_158 : i32
    "tpu.region"() ({
      %run_scoped3A = tpu.sem_alloc : memref<!tpu.dma_semaphore, #tpu.memory_space<semaphore_mem>>
      %dma_start3A = arith.constant 0 : i32
      %dma_start3A_193 = tpu.memref_slice %arg8[%arg0, %add3A_159, %dma_start3A] : memref<2x10000x128xf32, #tpu.memory_space<hbm>> -> memref<1x48x128xf32, #tpu.memory_space<hbm>>
      %dma_start3A_194 = tpu.memref_squeeze %dma_start3A_193 : memref<1x48x128xf32, #tpu.memory_space<hbm>> -> memref<48x128xf32, #tpu.memory_space<hbm>>
      %dma_start3A_195 = arith.constant 0 : i32
      %dma_start3A_196 = tpu.memref_slice %arg8[%arg0, %add3A_159, %dma_start3A_195] : memref<2x10000x128xf32, #tpu.memory_space<hbm>> -> memref<1x48x128xf32, #tpu.memory_space<hbm>>
      %dma_start3A_197 = tpu.memref_squeeze %dma_start3A_196 : memref<1x48x128xf32, #tpu.memory_space<hbm>> -> memref<48x128xf32, #tpu.memory_space<hbm>>
      tpu.enqueue_dma source(%arg14 : memref<48x128xf32, #tpu.memory_space<vmem>>) target(%dma_start3A_197 : memref<48x128xf32, #tpu.memory_space<hbm>>) target_semaphore(%run_scoped3A : memref<!tpu.dma_semaphore, #tpu.memory_space<semaphore_mem>>)
      %dma_wait3A = arith.constant 0 : i32
      %dma_wait3A_198 = tpu.memref_slice %arg8[%arg0, %add3A_159, %dma_wait3A] : memref<2x10000x128xf32, #tpu.memory_space<hbm>> -> memref<1x48x128xf32, #tpu.memory_space<hbm>>
      %dma_wait3A_199 = tpu.memref_squeeze %dma_wait3A_198 : memref<1x48x128xf32, #tpu.memory_space<hbm>> -> memref<48x128xf32, #tpu.memory_space<hbm>>
      %dma_wait3A_200 = arith.constant 0 : i32
      %dma_wait3A_201 = tpu.memref_slice %arg8[%arg0, %add3A_159, %dma_wait3A_200] : memref<2x10000x128xf32, #tpu.memory_space<hbm>> -> memref<1x48x128xf32, #tpu.memory_space<hbm>>
      %dma_wait3A_202 = tpu.memref_squeeze %dma_wait3A_201 : memref<1x48x128xf32, #tpu.memory_space<hbm>> -> memref<48x128xf32, #tpu.memory_space<hbm>>
      tpu.wait_dma2 semaphore(%run_scoped3A : memref<!tpu.dma_semaphore, #tpu.memory_space<semaphore_mem>>) src(%arg14 : memref<48x128xf32, #tpu.memory_space<vmem>>) dst(%dma_wait3A_202 : memref<48x128xf32, #tpu.memory_space<hbm>>)
      tpu.yield
    }) : () -> ()
    %add3A_160 = arith.constant 288 : i32
    %add3A_161 = arith.addi %mul3A_0, %add3A_160 : i32
    "tpu.region"() ({
      %run_scoped3A = tpu.sem_alloc : memref<!tpu.dma_semaphore, #tpu.memory_space<semaphore_mem>>
      %dma_start3A = tpu.memref_slice %arg4[%add3A_161] : memref<10000xi32, #tpu.memory_space<hbm>> -> memref<48xi32, #tpu.memory_space<hbm>>
      %dma_start3A_193 = tpu.memref_slice %arg4[%add3A_161] : memref<10000xi32, #tpu.memory_space<hbm>> -> memref<48xi32, #tpu.memory_space<hbm>>
      tpu.enqueue_dma source(%dma_start3A_193 : memref<48xi32, #tpu.memory_space<hbm>>) target(%arg12 : memref<48xi32, #tpu.memory_space<vmem>>) target_semaphore(%run_scoped3A : memref<!tpu.dma_semaphore, #tpu.memory_space<semaphore_mem>>)
      %dma_wait3A = tpu.memref_slice %arg4[%add3A_161] : memref<10000xi32, #tpu.memory_space<hbm>> -> memref<48xi32, #tpu.memory_space<hbm>>
      %dma_wait3A_194 = tpu.memref_slice %arg4[%add3A_161] : memref<10000xi32, #tpu.memory_space<hbm>> -> memref<48xi32, #tpu.memory_space<hbm>>
      tpu.wait_dma2 semaphore(%run_scoped3A : memref<!tpu.dma_semaphore, #tpu.memory_space<semaphore_mem>>) src(%dma_wait3A_194 : memref<48xi32, #tpu.memory_space<hbm>>) dst(%arg12 : memref<48xi32, #tpu.memory_space<vmem>>)
      tpu.yield
    }) : () -> ()
    "tpu.region"() ({
      %run_scoped3A = tpu.sem_alloc : memref<!tpu.dma_semaphore, #tpu.memory_space<semaphore_mem>>
      %dma_start3A = arith.constant 0 : i32
      %dma_start3A_193 = arith.constant 0 : i32
      %dma_start3A_194 = tpu.memref_slice %arg15[%dma_start3A, %dma_start3A_193] : memref<10000x128xf32, #tpu.memory_space<vmem_shared>> -> memref<10000x128xf32, #tpu.memory_space<vmem_shared>>
      tpu.enqueue_indirect_dma source(%dma_start3A_194 : memref<10000x128xf32, #tpu.memory_space<vmem_shared>>) target(%arg14 : memref<48x128xf32, #tpu.memory_space<vmem>>) offsets(%arg12 : memref<48xi32, #tpu.memory_space<vmem>>) semaphore(%run_scoped3A : memref<!tpu.dma_semaphore, #tpu.memory_space<semaphore_mem>>)
      %dma_wait3A = arith.constant 0 : i32
      %dma_wait3A_195 = arith.constant 0 : i32
      %dma_wait3A_196 = tpu.memref_slice %arg15[%dma_wait3A, %dma_wait3A_195] : memref<10000x128xf32, #tpu.memory_space<vmem_shared>> -> memref<10000x128xf32, #tpu.memory_space<vmem_shared>>
      tpu.wait_indirect_dma semaphore(%run_scoped3A : memref<!tpu.dma_semaphore, #tpu.memory_space<semaphore_mem>>) src(%dma_wait3A_196 : memref<10000x128xf32, #tpu.memory_space<vmem_shared>>) dst(%arg14 : memref<48x128xf32, #tpu.memory_space<vmem>>)
      tpu.yield
    }) : () -> ()
    %add3A_162 = arith.constant 288 : i32
    %add3A_163 = arith.addi %mul3A_0, %add3A_162 : i32
    "tpu.region"() ({
      %run_scoped3A = tpu.sem_alloc : memref<!tpu.dma_semaphore, #tpu.memory_space<semaphore_mem>>
      %dma_start3A = arith.constant 0 : i32
      %dma_start3A_193 = tpu.memref_slice %arg8[%arg0, %add3A_163, %dma_start3A] : memref<2x10000x128xf32, #tpu.memory_space<hbm>> -> memref<1x48x128xf32, #tpu.memory_space<hbm>>
      %dma_start3A_194 = tpu.memref_squeeze %dma_start3A_193 : memref<1x48x128xf32, #tpu.memory_space<hbm>> -> memref<48x128xf32, #tpu.memory_space<hbm>>
      %dma_start3A_195 = arith.constant 0 : i32
      %dma_start3A_196 = tpu.memref_slice %arg8[%arg0, %add3A_163, %dma_start3A_195] : memref<2x10000x128xf32, #tpu.memory_space<hbm>> -> memref<1x48x128xf32, #tpu.memory_space<hbm>>
      %dma_start3A_197 = tpu.memref_squeeze %dma_start3A_196 : memref<1x48x128xf32, #tpu.memory_space<hbm>> -> memref<48x128xf32, #tpu.memory_space<hbm>>
      tpu.enqueue_dma source(%arg14 : memref<48x128xf32, #tpu.memory_space<vmem>>) target(%dma_start3A_197 : memref<48x128xf32, #tpu.memory_space<hbm>>) target_semaphore(%run_scoped3A : memref<!tpu.dma_semaphore, #tpu.memory_space<semaphore_mem>>)
      %dma_wait3A = arith.constant 0 : i32
      %dma_wait3A_198 = tpu.memref_slice %arg8[%arg0, %add3A_163, %dma_wait3A] : memref<2x10000x128xf32, #tpu.memory_space<hbm>> -> memref<1x48x128xf32, #tpu.memory_space<hbm>>
      %dma_wait3A_199 = tpu.memref_squeeze %dma_wait3A_198 : memref<1x48x128xf32, #tpu.memory_space<hbm>> -> memref<48x128xf32, #tpu.memory_space<hbm>>
      %dma_wait3A_200 = arith.constant 0 : i32
      %dma_wait3A_201 = tpu.memref_slice %arg8[%arg0, %add3A_163, %dma_wait3A_200] : memref<2x10000x128xf32, #tpu.memory_space<hbm>> -> memref<1x48x128xf32, #tpu.memory_space<hbm>>
      %dma_wait3A_202 = tpu.memref_squeeze %dma_wait3A_201 : memref<1x48x128xf32, #tpu.memory_space<hbm>> -> memref<48x128xf32, #tpu.memory_space<hbm>>
      tpu.wait_dma2 semaphore(%run_scoped3A : memref<!tpu.dma_semaphore, #tpu.memory_space<semaphore_mem>>) src(%arg14 : memref<48x128xf32, #tpu.memory_space<vmem>>) dst(%dma_wait3A_202 : memref<48x128xf32, #tpu.memory_space<hbm>>)
      tpu.yield
    }) : () -> ()
    %add3A_164 = arith.constant 336 : i32
    %add3A_165 = arith.addi %mul3A_0, %add3A_164 : i32
    "tpu.region"() ({
      %run_scoped3A = tpu.sem_alloc : memref<!tpu.dma_semaphore, #tpu.memory_space<semaphore_mem>>
      %dma_start3A = tpu.memref_slice %arg4[%add3A_165] : memref<10000xi32, #tpu.memory_space<hbm>> -> memref<48xi32, #tpu.memory_space<hbm>>
      %dma_start3A_193 = tpu.memref_slice %arg4[%add3A_165] : memref<10000xi32, #tpu.memory_space<hbm>> -> memref<48xi32, #tpu.memory_space<hbm>>
      tpu.enqueue_dma source(%dma_start3A_193 : memref<48xi32, #tpu.memory_space<hbm>>) target(%arg12 : memref<48xi32, #tpu.memory_space<vmem>>) target_semaphore(%run_scoped3A : memref<!tpu.dma_semaphore, #tpu.memory_space<semaphore_mem>>)
      %dma_wait3A = tpu.memref_slice %arg4[%add3A_165] : memref<10000xi32, #tpu.memory_space<hbm>> -> memref<48xi32, #tpu.memory_space<hbm>>
      %dma_wait3A_194 = tpu.memref_slice %arg4[%add3A_165] : memref<10000xi32, #tpu.memory_space<hbm>> -> memref<48xi32, #tpu.memory_space<hbm>>
      tpu.wait_dma2 semaphore(%run_scoped3A : memref<!tpu.dma_semaphore, #tpu.memory_space<semaphore_mem>>) src(%dma_wait3A_194 : memref<48xi32, #tpu.memory_space<hbm>>) dst(%arg12 : memref<48xi32, #tpu.memory_space<vmem>>)
      tpu.yield
    }) : () -> ()
    "tpu.region"() ({
      %run_scoped3A = tpu.sem_alloc : memref<!tpu.dma_semaphore, #tpu.memory_space<semaphore_mem>>
      %dma_start3A = arith.constant 0 : i32
      %dma_start3A_193 = arith.constant 0 : i32
      %dma_start3A_194 = tpu.memref_slice %arg15[%dma_start3A, %dma_start3A_193] : memref<10000x128xf32, #tpu.memory_space<vmem_shared>> -> memref<10000x128xf32, #tpu.memory_space<vmem_shared>>
      tpu.enqueue_indirect_dma source(%dma_start3A_194 : memref<10000x128xf32, #tpu.memory_space<vmem_shared>>) target(%arg14 : memref<48x128xf32, #tpu.memory_space<vmem>>) offsets(%arg12 : memref<48xi32, #tpu.memory_space<vmem>>) semaphore(%run_scoped3A : memref<!tpu.dma_semaphore, #tpu.memory_space<semaphore_mem>>)
      %dma_wait3A = arith.constant 0 : i32
      %dma_wait3A_195 = arith.constant 0 : i32
      %dma_wait3A_196 = tpu.memref_slice %arg15[%dma_wait3A, %dma_wait3A_195] : memref<10000x128xf32, #tpu.memory_space<vmem_shared>> -> memref<10000x128xf32, #tpu.memory_space<vmem_shared>>
      tpu.wait_indirect_dma semaphore(%run_scoped3A : memref<!tpu.dma_semaphore, #tpu.memory_space<semaphore_mem>>) src(%dma_wait3A_196 : memref<10000x128xf32, #tpu.memory_space<vmem_shared>>) dst(%arg14 : memref<48x128xf32, #tpu.memory_space<vmem>>)
      tpu.yield
    }) : () -> ()
    %add3A_166 = arith.constant 336 : i32
    %add3A_167 = arith.addi %mul3A_0, %add3A_166 : i32
    "tpu.region"() ({
      %run_scoped3A = tpu.sem_alloc : memref<!tpu.dma_semaphore, #tpu.memory_space<semaphore_mem>>
      %dma_start3A = arith.constant 0 : i32
      %dma_start3A_193 = tpu.memref_slice %arg8[%arg0, %add3A_167, %dma_start3A] : memref<2x10000x128xf32, #tpu.memory_space<hbm>> -> memref<1x48x128xf32, #tpu.memory_space<hbm>>
      %dma_start3A_194 = tpu.memref_squeeze %dma_start3A_193 : memref<1x48x128xf32, #tpu.memory_space<hbm>> -> memref<48x128xf32, #tpu.memory_space<hbm>>
      %dma_start3A_195 = arith.constant 0 : i32
      %dma_start3A_196 = tpu.memref_slice %arg8[%arg0, %add3A_167, %dma_start3A_195] : memref<2x10000x128xf32, #tpu.memory_space<hbm>> -> memref<1x48x128xf32, #tpu.memory_space<hbm>>
      %dma_start3A_197 = tpu.memref_squeeze %dma_start3A_196 : memref<1x48x128xf32, #tpu.memory_space<hbm>> -> memref<48x128xf32, #tpu.memory_space<hbm>>
      tpu.enqueue_dma source(%arg14 : memref<48x128xf32, #tpu.memory_space<vmem>>) target(%dma_start3A_197 : memref<48x128xf32, #tpu.memory_space<hbm>>) target_semaphore(%run_scoped3A : memref<!tpu.dma_semaphore, #tpu.memory_space<semaphore_mem>>)
      %dma_wait3A = arith.constant 0 : i32
      %dma_wait3A_198 = tpu.memref_slice %arg8[%arg0, %add3A_167, %dma_wait3A] : memref<2x10000x128xf32, #tpu.memory_space<hbm>> -> memref<1x48x128xf32, #tpu.memory_space<hbm>>
      %dma_wait3A_199 = tpu.memref_squeeze %dma_wait3A_198 : memref<1x48x128xf32, #tpu.memory_space<hbm>> -> memref<48x128xf32, #tpu.memory_space<hbm>>
      %dma_wait3A_200 = arith.constant 0 : i32
      %dma_wait3A_201 = tpu.memref_slice %arg8[%arg0, %add3A_167, %dma_wait3A_200] : memref<2x10000x128xf32, #tpu.memory_space<hbm>> -> memref<1x48x128xf32, #tpu.memory_space<hbm>>
      %dma_wait3A_202 = tpu.memref_squeeze %dma_wait3A_201 : memref<1x48x128xf32, #tpu.memory_space<hbm>> -> memref<48x128xf32, #tpu.memory_space<hbm>>
      tpu.wait_dma2 semaphore(%run_scoped3A : memref<!tpu.dma_semaphore, #tpu.memory_space<semaphore_mem>>) src(%arg14 : memref<48x128xf32, #tpu.memory_space<vmem>>) dst(%dma_wait3A_202 : memref<48x128xf32, #tpu.memory_space<hbm>>)
      tpu.yield
    }) : () -> ()
    %add3A_168 = arith.constant 384 : i32
    %add3A_169 = arith.addi %mul3A_0, %add3A_168 : i32
    "tpu.region"() ({
      %run_scoped3A = tpu.sem_alloc : memref<!tpu.dma_semaphore, #tpu.memory_space<semaphore_mem>>
      %dma_start3A = tpu.memref_slice %arg4[%add3A_169] : memref<10000xi32, #tpu.memory_space<hbm>> -> memref<48xi32, #tpu.memory_space<hbm>>
      %dma_start3A_193 = tpu.memref_slice %arg4[%add3A_169] : memref<10000xi32, #tpu.memory_space<hbm>> -> memref<48xi32, #tpu.memory_space<hbm>>
      tpu.enqueue_dma source(%dma_start3A_193 : memref<48xi32, #tpu.memory_space<hbm>>) target(%arg12 : memref<48xi32, #tpu.memory_space<vmem>>) target_semaphore(%run_scoped3A : memref<!tpu.dma_semaphore, #tpu.memory_space<semaphore_mem>>)
      %dma_wait3A = tpu.memref_slice %arg4[%add3A_169] : memref<10000xi32, #tpu.memory_space<hbm>> -> memref<48xi32, #tpu.memory_space<hbm>>
      %dma_wait3A_194 = tpu.memref_slice %arg4[%add3A_169] : memref<10000xi32, #tpu.memory_space<hbm>> -> memref<48xi32, #tpu.memory_space<hbm>>
      tpu.wait_dma2 semaphore(%run_scoped3A : memref<!tpu.dma_semaphore, #tpu.memory_space<semaphore_mem>>) src(%dma_wait3A_194 : memref<48xi32, #tpu.memory_space<hbm>>) dst(%arg12 : memref<48xi32, #tpu.memory_space<vmem>>)
      tpu.yield
    }) : () -> ()
    "tpu.region"() ({
      %run_scoped3A = tpu.sem_alloc : memref<!tpu.dma_semaphore, #tpu.memory_space<semaphore_mem>>
      %dma_start3A = arith.constant 0 : i32
      %dma_start3A_193 = arith.constant 0 : i32
      %dma_start3A_194 = tpu.memref_slice %arg15[%dma_start3A, %dma_start3A_193] : memref<10000x128xf32, #tpu.memory_space<vmem_shared>> -> memref<10000x128xf32, #tpu.memory_space<vmem_shared>>
      tpu.enqueue_indirect_dma source(%dma_start3A_194 : memref<10000x128xf32, #tpu.memory_space<vmem_shared>>) target(%arg14 : memref<48x128xf32, #tpu.memory_space<vmem>>) offsets(%arg12 : memref<48xi32, #tpu.memory_space<vmem>>) semaphore(%run_scoped3A : memref<!tpu.dma_semaphore, #tpu.memory_space<semaphore_mem>>)
      %dma_wait3A = arith.constant 0 : i32
      %dma_wait3A_195 = arith.constant 0 : i32
      %dma_wait3A_196 = tpu.memref_slice %arg15[%dma_wait3A, %dma_wait3A_195] : memref<10000x128xf32, #tpu.memory_space<vmem_shared>> -> memref<10000x128xf32, #tpu.memory_space<vmem_shared>>
      tpu.wait_indirect_dma semaphore(%run_scoped3A : memref<!tpu.dma_semaphore, #tpu.memory_space<semaphore_mem>>) src(%dma_wait3A_196 : memref<10000x128xf32, #tpu.memory_space<vmem_shared>>) dst(%arg14 : memref<48x128xf32, #tpu.memory_space<vmem>>)
      tpu.yield
    }) : () -> ()
    %add3A_170 = arith.constant 384 : i32
    %add3A_171 = arith.addi %mul3A_0, %add3A_170 : i32
    "tpu.region"() ({
      %run_scoped3A = tpu.sem_alloc : memref<!tpu.dma_semaphore, #tpu.memory_space<semaphore_mem>>
      %dma_start3A = arith.constant 0 : i32
      %dma_start3A_193 = tpu.memref_slice %arg8[%arg0, %add3A_171, %dma_start3A] : memref<2x10000x128xf32, #tpu.memory_space<hbm>> -> memref<1x48x128xf32, #tpu.memory_space<hbm>>
      %dma_start3A_194 = tpu.memref_squeeze %dma_start3A_193 : memref<1x48x128xf32, #tpu.memory_space<hbm>> -> memref<48x128xf32, #tpu.memory_space<hbm>>
      %dma_start3A_195 = arith.constant 0 : i32
      %dma_start3A_196 = tpu.memref_slice %arg8[%arg0, %add3A_171, %dma_start3A_195] : memref<2x10000x128xf32, #tpu.memory_space<hbm>> -> memref<1x48x128xf32, #tpu.memory_space<hbm>>
      %dma_start3A_197 = tpu.memref_squeeze %dma_start3A_196 : memref<1x48x128xf32, #tpu.memory_space<hbm>> -> memref<48x128xf32, #tpu.memory_space<hbm>>
      tpu.enqueue_dma source(%arg14 : memref<48x128xf32, #tpu.memory_space<vmem>>) target(%dma_start3A_197 : memref<48x128xf32, #tpu.memory_space<hbm>>) target_semaphore(%run_scoped3A : memref<!tpu.dma_semaphore, #tpu.memory_space<semaphore_mem>>)
      %dma_wait3A = arith.constant 0 : i32
      %dma_wait3A_198 = tpu.memref_slice %arg8[%arg0, %add3A_171, %dma_wait3A] : memref<2x10000x128xf32, #tpu.memory_space<hbm>> -> memref<1x48x128xf32, #tpu.memory_space<hbm>>
      %dma_wait3A_199 = tpu.memref_squeeze %dma_wait3A_198 : memref<1x48x128xf32, #tpu.memory_space<hbm>> -> memref<48x128xf32, #tpu.memory_space<hbm>>
      %dma_wait3A_200 = arith.constant 0 : i32
      %dma_wait3A_201 = tpu.memref_slice %arg8[%arg0, %add3A_171, %dma_wait3A_200] : memref<2x10000x128xf32, #tpu.memory_space<hbm>> -> memref<1x48x128xf32, #tpu.memory_space<hbm>>
      %dma_wait3A_202 = tpu.memref_squeeze %dma_wait3A_201 : memref<1x48x128xf32, #tpu.memory_space<hbm>> -> memref<48x128xf32, #tpu.memory_space<hbm>>
      tpu.wait_dma2 semaphore(%run_scoped3A : memref<!tpu.dma_semaphore, #tpu.memory_space<semaphore_mem>>) src(%arg14 : memref<48x128xf32, #tpu.memory_space<vmem>>) dst(%dma_wait3A_202 : memref<48x128xf32, #tpu.memory_space<hbm>>)
      tpu.yield
    }) : () -> ()
    %add3A_172 = arith.constant 432 : i32
    %add3A_173 = arith.addi %mul3A_0, %add3A_172 : i32
    "tpu.region"() ({
      %run_scoped3A = tpu.sem_alloc : memref<!tpu.dma_semaphore, #tpu.memory_space<semaphore_mem>>
      %dma_start3A = tpu.memref_slice %arg4[%add3A_173] : memref<10000xi32, #tpu.memory_space<hbm>> -> memref<48xi32, #tpu.memory_space<hbm>>
      %dma_start3A_193 = tpu.memref_slice %arg4[%add3A_173] : memref<10000xi32, #tpu.memory_space<hbm>> -> memref<48xi32, #tpu.memory_space<hbm>>
      tpu.enqueue_dma source(%dma_start3A_193 : memref<48xi32, #tpu.memory_space<hbm>>) target(%arg12 : memref<48xi32, #tpu.memory_space<vmem>>) target_semaphore(%run_scoped3A : memref<!tpu.dma_semaphore, #tpu.memory_space<semaphore_mem>>)
      %dma_wait3A = tpu.memref_slice %arg4[%add3A_173] : memref<10000xi32, #tpu.memory_space<hbm>> -> memref<48xi32, #tpu.memory_space<hbm>>
      %dma_wait3A_194 = tpu.memref_slice %arg4[%add3A_173] : memref<10000xi32, #tpu.memory_space<hbm>> -> memref<48xi32, #tpu.memory_space<hbm>>
      tpu.wait_dma2 semaphore(%run_scoped3A : memref<!tpu.dma_semaphore, #tpu.memory_space<semaphore_mem>>) src(%dma_wait3A_194 : memref<48xi32, #tpu.memory_space<hbm>>) dst(%arg12 : memref<48xi32, #tpu.memory_space<vmem>>)
      tpu.yield
    }) : () -> ()
    "tpu.region"() ({
      %run_scoped3A = tpu.sem_alloc : memref<!tpu.dma_semaphore, #tpu.memory_space<semaphore_mem>>
      %dma_start3A = arith.constant 0 : i32
      %dma_start3A_193 = arith.constant 0 : i32
      %dma_start3A_194 = tpu.memref_slice %arg15[%dma_start3A, %dma_start3A_193] : memref<10000x128xf32, #tpu.memory_space<vmem_shared>> -> memref<10000x128xf32, #tpu.memory_space<vmem_shared>>
      tpu.enqueue_indirect_dma source(%dma_start3A_194 : memref<10000x128xf32, #tpu.memory_space<vmem_shared>>) target(%arg14 : memref<48x128xf32, #tpu.memory_space<vmem>>) offsets(%arg12 : memref<48xi32, #tpu.memory_space<vmem>>) semaphore(%run_scoped3A : memref<!tpu.dma_semaphore, #tpu.memory_space<semaphore_mem>>)
      %dma_wait3A = arith.constant 0 : i32
      %dma_wait3A_195 = arith.constant 0 : i32
      %dma_wait3A_196 = tpu.memref_slice %arg15[%dma_wait3A, %dma_wait3A_195] : memref<10000x128xf32, #tpu.memory_space<vmem_shared>> -> memref<10000x128xf32, #tpu.memory_space<vmem_shared>>
      tpu.wait_indirect_dma semaphore(%run_scoped3A : memref<!tpu.dma_semaphore, #tpu.memory_space<semaphore_mem>>) src(%dma_wait3A_196 : memref<10000x128xf32, #tpu.memory_space<vmem_shared>>) dst(%arg14 : memref<48x128xf32, #tpu.memory_space<vmem>>)
      tpu.yield
    }) : () -> ()
    %add3A_174 = arith.constant 432 : i32
    %add3A_175 = arith.addi %mul3A_0, %add3A_174 : i32
    "tpu.region"() ({
      %run_scoped3A = tpu.sem_alloc : memref<!tpu.dma_semaphore, #tpu.memory_space<semaphore_mem>>
      %dma_start3A = arith.constant 0 : i32
      %dma_start3A_193 = tpu.memref_slice %arg8[%arg0, %add3A_175, %dma_start3A] : memref<2x10000x128xf32, #tpu.memory_space<hbm>> -> memref<1x48x128xf32, #tpu.memory_space<hbm>>
      %dma_start3A_194 = tpu.memref_squeeze %dma_start3A_193 : memref<1x48x128xf32, #tpu.memory_space<hbm>> -> memref<48x128xf32, #tpu.memory_space<hbm>>
      %dma_start3A_195 = arith.constant 0 : i32
      %dma_start3A_196 = tpu.memref_slice %arg8[%arg0, %add3A_175, %dma_start3A_195] : memref<2x10000x128xf32, #tpu.memory_space<hbm>> -> memref<1x48x128xf32, #tpu.memory_space<hbm>>
      %dma_start3A_197 = tpu.memref_squeeze %dma_start3A_196 : memref<1x48x128xf32, #tpu.memory_space<hbm>> -> memref<48x128xf32, #tpu.memory_space<hbm>>
      tpu.enqueue_dma source(%arg14 : memref<48x128xf32, #tpu.memory_space<vmem>>) target(%dma_start3A_197 : memref<48x128xf32, #tpu.memory_space<hbm>>) target_semaphore(%run_scoped3A : memref<!tpu.dma_semaphore, #tpu.memory_space<semaphore_mem>>)
      %dma_wait3A = arith.constant 0 : i32
      %dma_wait3A_198 = tpu.memref_slice %arg8[%arg0, %add3A_175, %dma_wait3A] : memref<2x10000x128xf32, #tpu.memory_space<hbm>> -> memref<1x48x128xf32, #tpu.memory_space<hbm>>
      %dma_wait3A_199 = tpu.memref_squeeze %dma_wait3A_198 : memref<1x48x128xf32, #tpu.memory_space<hbm>> -> memref<48x128xf32, #tpu.memory_space<hbm>>
      %dma_wait3A_200 = arith.constant 0 : i32
      %dma_wait3A_201 = tpu.memref_slice %arg8[%arg0, %add3A_175, %dma_wait3A_200] : memref<2x10000x128xf32, #tpu.memory_space<hbm>> -> memref<1x48x128xf32, #tpu.memory_space<hbm>>
      %dma_wait3A_202 = tpu.memref_squeeze %dma_wait3A_201 : memref<1x48x128xf32, #tpu.memory_space<hbm>> -> memref<48x128xf32, #tpu.memory_space<hbm>>
      tpu.wait_dma2 semaphore(%run_scoped3A : memref<!tpu.dma_semaphore, #tpu.memory_space<semaphore_mem>>) src(%arg14 : memref<48x128xf32, #tpu.memory_space<vmem>>) dst(%dma_wait3A_202 : memref<48x128xf32, #tpu.memory_space<hbm>>)
      tpu.yield
    }) : () -> ()
    %add3A_176 = arith.constant 480 : i32
    %add3A_177 = arith.addi %mul3A_0, %add3A_176 : i32
    "tpu.region"() ({
      %run_scoped3A = tpu.sem_alloc : memref<!tpu.dma_semaphore, #tpu.memory_space<semaphore_mem>>
      %dma_start3A = tpu.memref_slice %arg4[%add3A_177] : memref<10000xi32, #tpu.memory_space<hbm>> -> memref<48xi32, #tpu.memory_space<hbm>>
      %dma_start3A_193 = tpu.memref_slice %arg4[%add3A_177] : memref<10000xi32, #tpu.memory_space<hbm>> -> memref<48xi32, #tpu.memory_space<hbm>>
      tpu.enqueue_dma source(%dma_start3A_193 : memref<48xi32, #tpu.memory_space<hbm>>) target(%arg12 : memref<48xi32, #tpu.memory_space<vmem>>) target_semaphore(%run_scoped3A : memref<!tpu.dma_semaphore, #tpu.memory_space<semaphore_mem>>)
      %dma_wait3A = tpu.memref_slice %arg4[%add3A_177] : memref<10000xi32, #tpu.memory_space<hbm>> -> memref<48xi32, #tpu.memory_space<hbm>>
      %dma_wait3A_194 = tpu.memref_slice %arg4[%add3A_177] : memref<10000xi32, #tpu.memory_space<hbm>> -> memref<48xi32, #tpu.memory_space<hbm>>
      tpu.wait_dma2 semaphore(%run_scoped3A : memref<!tpu.dma_semaphore, #tpu.memory_space<semaphore_mem>>) src(%dma_wait3A_194 : memref<48xi32, #tpu.memory_space<hbm>>) dst(%arg12 : memref<48xi32, #tpu.memory_space<vmem>>)
      tpu.yield
    }) : () -> ()
    "tpu.region"() ({
      %run_scoped3A = tpu.sem_alloc : memref<!tpu.dma_semaphore, #tpu.memory_space<semaphore_mem>>
      %dma_start3A = arith.constant 0 : i32
      %dma_start3A_193 = arith.constant 0 : i32
      %dma_start3A_194 = tpu.memref_slice %arg15[%dma_start3A, %dma_start3A_193] : memref<10000x128xf32, #tpu.memory_space<vmem_shared>> -> memref<10000x128xf32, #tpu.memory_space<vmem_shared>>
      tpu.enqueue_indirect_dma source(%dma_start3A_194 : memref<10000x128xf32, #tpu.memory_space<vmem_shared>>) target(%arg14 : memref<48x128xf32, #tpu.memory_space<vmem>>) offsets(%arg12 : memref<48xi32, #tpu.memory_space<vmem>>) semaphore(%run_scoped3A : memref<!tpu.dma_semaphore, #tpu.memory_space<semaphore_mem>>)
      %dma_wait3A = arith.constant 0 : i32
      %dma_wait3A_195 = arith.constant 0 : i32
      %dma_wait3A_196 = tpu.memref_slice %arg15[%dma_wait3A, %dma_wait3A_195] : memref<10000x128xf32, #tpu.memory_space<vmem_shared>> -> memref<10000x128xf32, #tpu.memory_space<vmem_shared>>
      tpu.wait_indirect_dma semaphore(%run_scoped3A : memref<!tpu.dma_semaphore, #tpu.memory_space<semaphore_mem>>) src(%dma_wait3A_196 : memref<10000x128xf32, #tpu.memory_space<vmem_shared>>) dst(%arg14 : memref<48x128xf32, #tpu.memory_space<vmem>>)
      tpu.yield
    }) : () -> ()
    %add3A_178 = arith.constant 480 : i32
    %add3A_179 = arith.addi %mul3A_0, %add3A_178 : i32
    "tpu.region"() ({
      %run_scoped3A = tpu.sem_alloc : memref<!tpu.dma_semaphore, #tpu.memory_space<semaphore_mem>>
      %dma_start3A = arith.constant 0 : i32
      %dma_start3A_193 = tpu.memref_slice %arg8[%arg0, %add3A_179, %dma_start3A] : memref<2x10000x128xf32, #tpu.memory_space<hbm>> -> memref<1x48x128xf32, #tpu.memory_space<hbm>>
      %dma_start3A_194 = tpu.memref_squeeze %dma_start3A_193 : memref<1x48x128xf32, #tpu.memory_space<hbm>> -> memref<48x128xf32, #tpu.memory_space<hbm>>
      %dma_start3A_195 = arith.constant 0 : i32
      %dma_start3A_196 = tpu.memref_slice %arg8[%arg0, %add3A_179, %dma_start3A_195] : memref<2x10000x128xf32, #tpu.memory_space<hbm>> -> memref<1x48x128xf32, #tpu.memory_space<hbm>>
      %dma_start3A_197 = tpu.memref_squeeze %dma_start3A_196 : memref<1x48x128xf32, #tpu.memory_space<hbm>> -> memref<48x128xf32, #tpu.memory_space<hbm>>
      tpu.enqueue_dma source(%arg14 : memref<48x128xf32, #tpu.memory_space<vmem>>) target(%dma_start3A_197 : memref<48x128xf32, #tpu.memory_space<hbm>>) target_semaphore(%run_scoped3A : memref<!tpu.dma_semaphore, #tpu.memory_space<semaphore_mem>>)
      %dma_wait3A = arith.constant 0 : i32
      %dma_wait3A_198 = tpu.memref_slice %arg8[%arg0, %add3A_179, %dma_wait3A] : memref<2x10000x128xf32, #tpu.memory_space<hbm>> -> memref<1x48x128xf32, #tpu.memory_space<hbm>>
      %dma_wait3A_199 = tpu.memref_squeeze %dma_wait3A_198 : memref<1x48x128xf32, #tpu.memory_space<hbm>> -> memref<48x128xf32, #tpu.memory_space<hbm>>
      %dma_wait3A_200 = arith.constant 0 : i32
      %dma_wait3A_201 = tpu.memref_slice %arg8[%arg0, %add3A_179, %dma_wait3A_200] : memref<2x10000x128xf32, #tpu.memory_space<hbm>> -> memref<1x48x128xf32, #tpu.memory_space<hbm>>
      %dma_wait3A_202 = tpu.memref_squeeze %dma_wait3A_201 : memref<1x48x128xf32, #tpu.memory_space<hbm>> -> memref<48x128xf32, #tpu.memory_space<hbm>>
      tpu.wait_dma2 semaphore(%run_scoped3A : memref<!tpu.dma_semaphore, #tpu.memory_space<semaphore_mem>>) src(%arg14 : memref<48x128xf32, #tpu.memory_space<vmem>>) dst(%dma_wait3A_202 : memref<48x128xf32, #tpu.memory_space<hbm>>)
      tpu.yield
    }) : () -> ()
    %add3A_180 = arith.constant 528 : i32
    %add3A_181 = arith.addi %mul3A_0, %add3A_180 : i32
    "tpu.region"() ({
      %run_scoped3A = tpu.sem_alloc : memref<!tpu.dma_semaphore, #tpu.memory_space<semaphore_mem>>
      %dma_start3A = tpu.memref_slice %arg4[%add3A_181] : memref<10000xi32, #tpu.memory_space<hbm>> -> memref<48xi32, #tpu.memory_space<hbm>>
      %dma_start3A_193 = tpu.memref_slice %arg4[%add3A_181] : memref<10000xi32, #tpu.memory_space<hbm>> -> memref<48xi32, #tpu.memory_space<hbm>>
      tpu.enqueue_dma source(%dma_start3A_193 : memref<48xi32, #tpu.memory_space<hbm>>) target(%arg12 : memref<48xi32, #tpu.memory_space<vmem>>) target_semaphore(%run_scoped3A : memref<!tpu.dma_semaphore, #tpu.memory_space<semaphore_mem>>)
      %dma_wait3A = tpu.memref_slice %arg4[%add3A_181] : memref<10000xi32, #tpu.memory_space<hbm>> -> memref<48xi32, #tpu.memory_space<hbm>>
      %dma_wait3A_194 = tpu.memref_slice %arg4[%add3A_181] : memref<10000xi32, #tpu.memory_space<hbm>> -> memref<48xi32, #tpu.memory_space<hbm>>
      tpu.wait_dma2 semaphore(%run_scoped3A : memref<!tpu.dma_semaphore, #tpu.memory_space<semaphore_mem>>) src(%dma_wait3A_194 : memref<48xi32, #tpu.memory_space<hbm>>) dst(%arg12 : memref<48xi32, #tpu.memory_space<vmem>>)
      tpu.yield
    }) : () -> ()
    "tpu.region"() ({
      %run_scoped3A = tpu.sem_alloc : memref<!tpu.dma_semaphore, #tpu.memory_space<semaphore_mem>>
      %dma_start3A = arith.constant 0 : i32
      %dma_start3A_193 = arith.constant 0 : i32
      %dma_start3A_194 = tpu.memref_slice %arg15[%dma_start3A, %dma_start3A_193] : memref<10000x128xf32, #tpu.memory_space<vmem_shared>> -> memref<10000x128xf32, #tpu.memory_space<vmem_shared>>
      tpu.enqueue_indirect_dma source(%dma_start3A_194 : memref<10000x128xf32, #tpu.memory_space<vmem_shared>>) target(%arg14 : memref<48x128xf32, #tpu.memory_space<vmem>>) offsets(%arg12 : memref<48xi32, #tpu.memory_space<vmem>>) semaphore(%run_scoped3A : memref<!tpu.dma_semaphore, #tpu.memory_space<semaphore_mem>>)
      %dma_wait3A = arith.constant 0 : i32
      %dma_wait3A_195 = arith.constant 0 : i32
      %dma_wait3A_196 = tpu.memref_slice %arg15[%dma_wait3A, %dma_wait3A_195] : memref<10000x128xf32, #tpu.memory_space<vmem_shared>> -> memref<10000x128xf32, #tpu.memory_space<vmem_shared>>
      tpu.wait_indirect_dma semaphore(%run_scoped3A : memref<!tpu.dma_semaphore, #tpu.memory_space<semaphore_mem>>) src(%dma_wait3A_196 : memref<10000x128xf32, #tpu.memory_space<vmem_shared>>) dst(%arg14 : memref<48x128xf32, #tpu.memory_space<vmem>>)
      tpu.yield
    }) : () -> ()
    %add3A_182 = arith.constant 528 : i32
    %add3A_183 = arith.addi %mul3A_0, %add3A_182 : i32
    "tpu.region"() ({
      %run_scoped3A = tpu.sem_alloc : memref<!tpu.dma_semaphore, #tpu.memory_space<semaphore_mem>>
      %dma_start3A = arith.constant 0 : i32
      %dma_start3A_193 = tpu.memref_slice %arg8[%arg0, %add3A_183, %dma_start3A] : memref<2x10000x128xf32, #tpu.memory_space<hbm>> -> memref<1x48x128xf32, #tpu.memory_space<hbm>>
      %dma_start3A_194 = tpu.memref_squeeze %dma_start3A_193 : memref<1x48x128xf32, #tpu.memory_space<hbm>> -> memref<48x128xf32, #tpu.memory_space<hbm>>
      %dma_start3A_195 = arith.constant 0 : i32
      %dma_start3A_196 = tpu.memref_slice %arg8[%arg0, %add3A_183, %dma_start3A_195] : memref<2x10000x128xf32, #tpu.memory_space<hbm>> -> memref<1x48x128xf32, #tpu.memory_space<hbm>>
      %dma_start3A_197 = tpu.memref_squeeze %dma_start3A_196 : memref<1x48x128xf32, #tpu.memory_space<hbm>> -> memref<48x128xf32, #tpu.memory_space<hbm>>
      tpu.enqueue_dma source(%arg14 : memref<48x128xf32, #tpu.memory_space<vmem>>) target(%dma_start3A_197 : memref<48x128xf32, #tpu.memory_space<hbm>>) target_semaphore(%run_scoped3A : memref<!tpu.dma_semaphore, #tpu.memory_space<semaphore_mem>>)
      %dma_wait3A = arith.constant 0 : i32
      %dma_wait3A_198 = tpu.memref_slice %arg8[%arg0, %add3A_183, %dma_wait3A] : memref<2x10000x128xf32, #tpu.memory_space<hbm>> -> memref<1x48x128xf32, #tpu.memory_space<hbm>>
      %dma_wait3A_199 = tpu.memref_squeeze %dma_wait3A_198 : memref<1x48x128xf32, #tpu.memory_space<hbm>> -> memref<48x128xf32, #tpu.memory_space<hbm>>
      %dma_wait3A_200 = arith.constant 0 : i32
      %dma_wait3A_201 = tpu.memref_slice %arg8[%arg0, %add3A_183, %dma_wait3A_200] : memref<2x10000x128xf32, #tpu.memory_space<hbm>> -> memref<1x48x128xf32, #tpu.memory_space<hbm>>
      %dma_wait3A_202 = tpu.memref_squeeze %dma_wait3A_201 : memref<1x48x128xf32, #tpu.memory_space<hbm>> -> memref<48x128xf32, #tpu.memory_space<hbm>>
      tpu.wait_dma2 semaphore(%run_scoped3A : memref<!tpu.dma_semaphore, #tpu.memory_space<semaphore_mem>>) src(%arg14 : memref<48x128xf32, #tpu.memory_space<vmem>>) dst(%dma_wait3A_202 : memref<48x128xf32, #tpu.memory_space<hbm>>)
      tpu.yield
    }) : () -> ()
    %add3A_184 = arith.constant 576 : i32
    %add3A_185 = arith.addi %mul3A_0, %add3A_184 : i32
    "tpu.region"() ({
      %run_scoped3A = tpu.sem_alloc : memref<!tpu.dma_semaphore, #tpu.memory_space<semaphore_mem>>
      %dma_start3A = tpu.memref_slice %arg4[%add3A_185] : memref<10000xi32, #tpu.memory_space<hbm>> -> memref<48xi32, #tpu.memory_space<hbm>>
      %dma_start3A_193 = tpu.memref_slice %arg4[%add3A_185] : memref<10000xi32, #tpu.memory_space<hbm>> -> memref<48xi32, #tpu.memory_space<hbm>>
      tpu.enqueue_dma source(%dma_start3A_193 : memref<48xi32, #tpu.memory_space<hbm>>) target(%arg12 : memref<48xi32, #tpu.memory_space<vmem>>) target_semaphore(%run_scoped3A : memref<!tpu.dma_semaphore, #tpu.memory_space<semaphore_mem>>)
      %dma_wait3A = tpu.memref_slice %arg4[%add3A_185] : memref<10000xi32, #tpu.memory_space<hbm>> -> memref<48xi32, #tpu.memory_space<hbm>>
      %dma_wait3A_194 = tpu.memref_slice %arg4[%add3A_185] : memref<10000xi32, #tpu.memory_space<hbm>> -> memref<48xi32, #tpu.memory_space<hbm>>
      tpu.wait_dma2 semaphore(%run_scoped3A : memref<!tpu.dma_semaphore, #tpu.memory_space<semaphore_mem>>) src(%dma_wait3A_194 : memref<48xi32, #tpu.memory_space<hbm>>) dst(%arg12 : memref<48xi32, #tpu.memory_space<vmem>>)
      tpu.yield
    }) : () -> ()
    "tpu.region"() ({
      %run_scoped3A = tpu.sem_alloc : memref<!tpu.dma_semaphore, #tpu.memory_space<semaphore_mem>>
      %dma_start3A = arith.constant 0 : i32
      %dma_start3A_193 = arith.constant 0 : i32
      %dma_start3A_194 = tpu.memref_slice %arg15[%dma_start3A, %dma_start3A_193] : memref<10000x128xf32, #tpu.memory_space<vmem_shared>> -> memref<10000x128xf32, #tpu.memory_space<vmem_shared>>
      tpu.enqueue_indirect_dma source(%dma_start3A_194 : memref<10000x128xf32, #tpu.memory_space<vmem_shared>>) target(%arg14 : memref<48x128xf32, #tpu.memory_space<vmem>>) offsets(%arg12 : memref<48xi32, #tpu.memory_space<vmem>>) semaphore(%run_scoped3A : memref<!tpu.dma_semaphore, #tpu.memory_space<semaphore_mem>>)
      %dma_wait3A = arith.constant 0 : i32
      %dma_wait3A_195 = arith.constant 0 : i32
      %dma_wait3A_196 = tpu.memref_slice %arg15[%dma_wait3A, %dma_wait3A_195] : memref<10000x128xf32, #tpu.memory_space<vmem_shared>> -> memref<10000x128xf32, #tpu.memory_space<vmem_shared>>
      tpu.wait_indirect_dma semaphore(%run_scoped3A : memref<!tpu.dma_semaphore, #tpu.memory_space<semaphore_mem>>) src(%dma_wait3A_196 : memref<10000x128xf32, #tpu.memory_space<vmem_shared>>) dst(%arg14 : memref<48x128xf32, #tpu.memory_space<vmem>>)
      tpu.yield
    }) : () -> ()
    %add3A_186 = arith.constant 576 : i32
    %add3A_187 = arith.addi %mul3A_0, %add3A_186 : i32
    "tpu.region"() ({
      %run_scoped3A = tpu.sem_alloc : memref<!tpu.dma_semaphore, #tpu.memory_space<semaphore_mem>>
      %dma_start3A = arith.constant 0 : i32
      %dma_start3A_193 = tpu.memref_slice %arg8[%arg0, %add3A_187, %dma_start3A] : memref<2x10000x128xf32, #tpu.memory_space<hbm>> -> memref<1x48x128xf32, #tpu.memory_space<hbm>>
      %dma_start3A_194 = tpu.memref_squeeze %dma_start3A_193 : memref<1x48x128xf32, #tpu.memory_space<hbm>> -> memref<48x128xf32, #tpu.memory_space<hbm>>
      %dma_start3A_195 = arith.constant 0 : i32
      %dma_start3A_196 = tpu.memref_slice %arg8[%arg0, %add3A_187, %dma_start3A_195] : memref<2x10000x128xf32, #tpu.memory_space<hbm>> -> memref<1x48x128xf32, #tpu.memory_space<hbm>>
      %dma_start3A_197 = tpu.memref_squeeze %dma_start3A_196 : memref<1x48x128xf32, #tpu.memory_space<hbm>> -> memref<48x128xf32, #tpu.memory_space<hbm>>
      tpu.enqueue_dma source(%arg14 : memref<48x128xf32, #tpu.memory_space<vmem>>) target(%dma_start3A_197 : memref<48x128xf32, #tpu.memory_space<hbm>>) target_semaphore(%run_scoped3A : memref<!tpu.dma_semaphore, #tpu.memory_space<semaphore_mem>>)
      %dma_wait3A = arith.constant 0 : i32
      %dma_wait3A_198 = tpu.memref_slice %arg8[%arg0, %add3A_187, %dma_wait3A] : memref<2x10000x128xf32, #tpu.memory_space<hbm>> -> memref<1x48x128xf32, #tpu.memory_space<hbm>>
      %dma_wait3A_199 = tpu.memref_squeeze %dma_wait3A_198 : memref<1x48x128xf32, #tpu.memory_space<hbm>> -> memref<48x128xf32, #tpu.memory_space<hbm>>
      %dma_wait3A_200 = arith.constant 0 : i32
      %dma_wait3A_201 = tpu.memref_slice %arg8[%arg0, %add3A_187, %dma_wait3A_200] : memref<2x10000x128xf32, #tpu.memory_space<hbm>> -> memref<1x48x128xf32, #tpu.memory_space<hbm>>
      %dma_wait3A_202 = tpu.memref_squeeze %dma_wait3A_201 : memref<1x48x128xf32, #tpu.memory_space<hbm>> -> memref<48x128xf32, #tpu.memory_space<hbm>>
      tpu.wait_dma2 semaphore(%run_scoped3A : memref<!tpu.dma_semaphore, #tpu.memory_space<semaphore_mem>>) src(%arg14 : memref<48x128xf32, #tpu.memory_space<vmem>>) dst(%dma_wait3A_202 : memref<48x128xf32, #tpu.memory_space<hbm>>)
      tpu.yield
    }) : () -> ()
    %eq3A_188 = arith.constant 15 : i32
    %eq3A_189 = arith.cmpi eq, %arg1, %eq3A_188 : i32
    %convert_element_type3A_190 = arith.extui %eq3A_189 : i1 to i32
    %cond3A_191 = arith.constant 0 : i32
    %cond3A_192 = arith.cmpi ne, %convert_element_type3A_190, %cond3A_191 : i32
    scf.if %cond3A_192 {
      "tpu.region"() ({
        %run_scoped3A = tpu.sem_alloc : memref<!tpu.dma_semaphore, #tpu.memory_space<semaphore_mem>>
        %dma_start3A = arith.constant 9984 : i32
        %dma_start3A_193 = tpu.memref_slice %arg4[%dma_start3A] : memref<10000xi32, #tpu.memory_space<hbm>> -> memref<16xi32, #tpu.memory_space<hbm>>
        %dma_start3A_194 = arith.constant 9984 : i32
        %dma_start3A_195 = tpu.memref_slice %arg4[%dma_start3A_194] : memref<10000xi32, #tpu.memory_space<hbm>> -> memref<16xi32, #tpu.memory_space<hbm>>
        tpu.enqueue_dma source(%dma_start3A_195 : memref<16xi32, #tpu.memory_space<hbm>>) target(%arg13 : memref<16xi32, #tpu.memory_space<vmem>>) target_semaphore(%run_scoped3A : memref<!tpu.dma_semaphore, #tpu.memory_space<semaphore_mem>>)
        %dma_wait3A = arith.constant 9984 : i32
        %dma_wait3A_196 = tpu.memref_slice %arg4[%dma_wait3A] : memref<10000xi32, #tpu.memory_space<hbm>> -> memref<16xi32, #tpu.memory_space<hbm>>
        %dma_wait3A_197 = arith.constant 9984 : i32
        %dma_wait3A_198 = tpu.memref_slice %arg4[%dma_wait3A_197] : memref<10000xi32, #tpu.memory_space<hbm>> -> memref<16xi32, #tpu.memory_space<hbm>>
        tpu.wait_dma2 semaphore(%run_scoped3A : memref<!tpu.dma_semaphore, #tpu.memory_space<semaphore_mem>>) src(%dma_wait3A_198 : memref<16xi32, #tpu.memory_space<hbm>>) dst(%arg13 : memref<16xi32, #tpu.memory_space<vmem>>)
        tpu.yield
      }) : () -> ()
      "tpu.region"() ({
        %run_scoped3A = tpu.sem_alloc : memref<!tpu.dma_semaphore, #tpu.memory_space<semaphore_mem>>
        %dma_start3A = arith.constant 0 : i32
        %dma_start3A_193 = arith.constant 0 : i32
        %dma_start3A_194 = tpu.memref_slice %arg14[%dma_start3A, %dma_start3A_193] : memref<48x128xf32, #tpu.memory_space<vmem>> -> memref<16x128xf32, #tpu.memory_space<vmem>>
        %dma_start3A_195 = arith.constant 0 : i32
        %dma_start3A_196 = arith.constant 0 : i32
        %dma_start3A_197 = tpu.memref_slice %arg15[%dma_start3A_195, %dma_start3A_196] : memref<10000x128xf32, #tpu.memory_space<vmem_shared>> -> memref<10000x128xf32, #tpu.memory_space<vmem_shared>>
        tpu.enqueue_indirect_dma source(%dma_start3A_197 : memref<10000x128xf32, #tpu.memory_space<vmem_shared>>) target(%dma_start3A_194 : memref<16x128xf32, #tpu.memory_space<vmem>>) offsets(%arg13 : memref<16xi32, #tpu.memory_space<vmem>>) semaphore(%run_scoped3A : memref<!tpu.dma_semaphore, #tpu.memory_space<semaphore_mem>>)
        %dma_wait3A = arith.constant 0 : i32
        %dma_wait3A_198 = arith.constant 0 : i32
        %dma_wait3A_199 = tpu.memref_slice %arg14[%dma_wait3A, %dma_wait3A_198] : memref<48x128xf32, #tpu.memory_space<vmem>> -> memref<16x128xf32, #tpu.memory_space<vmem>>
        %dma_wait3A_200 = arith.constant 0 : i32
        %dma_wait3A_201 = arith.constant 0 : i32
        %dma_wait3A_202 = tpu.memref_slice %arg15[%dma_wait3A_200, %dma_wait3A_201] : memref<10000x128xf32, #tpu.memory_space<vmem_shared>> -> memref<10000x128xf32, #tpu.memory_space<vmem_shared>>
        tpu.wait_indirect_dma semaphore(%run_scoped3A : memref<!tpu.dma_semaphore, #tpu.memory_space<semaphore_mem>>) src(%dma_wait3A_202 : memref<10000x128xf32, #tpu.memory_space<vmem_shared>>) dst(%dma_wait3A_199 : memref<16x128xf32, #tpu.memory_space<vmem>>)
        tpu.yield
      }) : () -> ()
      "tpu.region"() ({
        %run_scoped3A = tpu.sem_alloc : memref<!tpu.dma_semaphore, #tpu.memory_space<semaphore_mem>>
        %dma_start3A = arith.constant 0 : i32
        %dma_start3A_193 = arith.constant 0 : i32
        %dma_start3A_194 = tpu.memref_slice %arg14[%dma_start3A, %dma_start3A_193] : memref<48x128xf32, #tpu.memory_space<vmem>> -> memref<16x128xf32, #tpu.memory_space<vmem>>
        %dma_start3A_195 = arith.constant 9984 : i32
        %dma_start3A_196 = arith.constant 0 : i32
        %dma_start3A_197 = tpu.memref_slice %arg8[%arg0, %dma_start3A_195, %dma_start3A_196] : memref<2x10000x128xf32, #tpu.memory_space<hbm>> -> memref<1x16x128xf32, #tpu.memory_space<hbm>>
        %dma_start3A_198 = tpu.memref_squeeze %dma_start3A_197 : memref<1x16x128xf32, #tpu.memory_space<hbm>> -> memref<16x128xf32, #tpu.memory_space<hbm>>
        %dma_start3A_199 = arith.constant 9984 : i32
        %dma_start3A_200 = arith.constant 0 : i32
        %dma_start3A_201 = tpu.memref_slice %arg8[%arg0, %dma_start3A_199, %dma_start3A_200] : memref<2x10000x128xf32, #tpu.memory_space<hbm>> -> memref<1x16x128xf32, #tpu.memory_space<hbm>>
        %dma_start3A_202 = tpu.memref_squeeze %dma_start3A_201 : memref<1x16x128xf32, #tpu.memory_space<hbm>> -> memref<16x128xf32, #tpu.memory_space<hbm>>
        %dma_start3A_203 = arith.constant 0 : i32
        %dma_start3A_204 = arith.constant 0 : i32
        %dma_start3A_205 = tpu.memref_slice %arg14[%dma_start3A_203, %dma_start3A_204] : memref<48x128xf32, #tpu.memory_space<vmem>> -> memref<16x128xf32, #tpu.memory_space<vmem>>
        tpu.enqueue_dma source(%dma_start3A_205 : memref<16x128xf32, #tpu.memory_space<vmem>>) target(%dma_start3A_202 : memref<16x128xf32, #tpu.memory_space<hbm>>) target_semaphore(%run_scoped3A : memref<!tpu.dma_semaphore, #tpu.memory_space<semaphore_mem>>)
        %dma_wait3A = arith.constant 0 : i32
        %dma_wait3A_206 = arith.constant 0 : i32
        %dma_wait3A_207 = tpu.memref_slice %arg14[%dma_wait3A, %dma_wait3A_206] : memref<48x128xf32, #tpu.memory_space<vmem>> -> memref<16x128xf32, #tpu.memory_space<vmem>>
        %dma_wait3A_208 = arith.constant 9984 : i32
        %dma_wait3A_209 = arith.constant 0 : i32
        %dma_wait3A_210 = tpu.memref_slice %arg8[%arg0, %dma_wait3A_208, %dma_wait3A_209] : memref<2x10000x128xf32, #tpu.memory_space<hbm>> -> memref<1x16x128xf32, #tpu.memory_space<hbm>>
        %dma_wait3A_211 = tpu.memref_squeeze %dma_wait3A_210 : memref<1x16x128xf32, #tpu.memory_space<hbm>> -> memref<16x128xf32, #tpu.memory_space<hbm>>
        %dma_wait3A_212 = arith.constant 9984 : i32
        %dma_wait3A_213 = arith.constant 0 : i32
        %dma_wait3A_214 = tpu.memref_slice %arg8[%arg0, %dma_wait3A_212, %dma_wait3A_213] : memref<2x10000x128xf32, #tpu.memory_space<hbm>> -> memref<1x16x128xf32, #tpu.memory_space<hbm>>
        %dma_wait3A_215 = tpu.memref_squeeze %dma_wait3A_214 : memref<1x16x128xf32, #tpu.memory_space<hbm>> -> memref<16x128xf32, #tpu.memory_space<hbm>>
        %dma_wait3A_216 = arith.constant 0 : i32
        %dma_wait3A_217 = arith.constant 0 : i32
        %dma_wait3A_218 = tpu.memref_slice %arg14[%dma_wait3A_216, %dma_wait3A_217] : memref<48x128xf32, #tpu.memory_space<vmem>> -> memref<16x128xf32, #tpu.memory_space<vmem>>
        tpu.wait_dma2 semaphore(%run_scoped3A : memref<!tpu.dma_semaphore, #tpu.memory_space<semaphore_mem>>) src(%dma_wait3A_218 : memref<16x128xf32, #tpu.memory_space<vmem>>) dst(%dma_wait3A_215 : memref<16x128xf32, #tpu.memory_space<hbm>>)
        tpu.yield
      }) : () -> ()
    } else {
    }
    return
  }
}

#map = affine_map<(d0, d1) -> (0, 0)>
#map1 = affine_map<(d0, d1) -> (0)>
module attributes {stable_mosaic.version = 14 : i64} {
  func.func @sc_gather(%arg0: i32, %arg1: i32, %arg2: memref<10000x128xf32, #tpu.memory_space<hbm>>, %arg3: memref<10000x128xf32, #tpu.memory_space<hbm>>, %arg4: memref<320000xi32, #tpu.memory_space<hbm>>, %arg5: memref<320000xi32, #tpu.memory_space<hbm>>, %arg6: memref<320000x128xf32, #tpu.memory_space<hbm>>, %arg7: memref<320000x128xf32, #tpu.memory_space<hbm>>, %arg8: memref<80xi32, #tpu.memory_space<vmem>>, %arg9: memref<80xi32, #tpu.memory_space<vmem>>, %arg10: memref<80x128xf32, #tpu.memory_space<vmem>>, %arg11: memref<80x128xf32, #tpu.memory_space<vmem>>, %arg12: memref<!tpu.dma_semaphore, #tpu.memory_space<semaphore_mem>>, %arg13: memref<!tpu.dma_semaphore, #tpu.memory_space<semaphore_mem>>) attributes {dimension_semantics = [#tpu.dimension_semantics<core_parallel>, #tpu.dimension_semantics<subcore_parallel>], iteration_bounds = array<i64: 2, 16>, scalar_prefetch = 0 : i64, scratch_operands = 6 : i64, tpu.core_type = #tpu.core_type<sc_vector_subcore>, window_params = [{transform_indices = #map}, {transform_indices = #map}, {transform_indices = #map1}, {transform_indices = #map1}, {transform_indices = #map}, {transform_indices = #map}]} {
    %mul3A = arith.constant 2 : i32
    %mul3A_0 = arith.muli %arg1, %mul3A : i32
    %add3A = arith.addi %mul3A_0, %arg0 : i32
    %mul3A_1 = arith.constant 10000 : i32
    %mul3A_2 = arith.muli %add3A, %mul3A_1 : i32
    %scan3A = arith.constant 0 : i32
    %scan3A_3 = arith.constant 0 : i32
    %scan3A_4 = arith.constant 125 : i32
    %scan3A_5 = arith.addi %scan3A_3, %scan3A_4 : i32
    %scan3A_6 = arith.constant 1 : i32
    scf.for %scan3A_8 = %scan3A_3 to %scan3A_5 step %scan3A_6  : i32 {
      %mul3A_9 = arith.constant 80 : i32
      %mul3A_10 = arith.muli %scan3A_8, %mul3A_9 : i32
      %add3A_11 = arith.addi %mul3A_2, %mul3A_10 : i32
      "tpu.region"() ({
        %run_scoped3A = tpu.sem_alloc : memref<!tpu.dma_semaphore, #tpu.memory_space<semaphore_mem>>
        %dma_start3A_22 = tpu.memref_slice %arg4[%add3A_11] : memref<320000xi32, #tpu.memory_space<hbm>> -> memref<80xi32, #tpu.memory_space<hbm>>
        %dma_start3A_23 = tpu.memref_slice %arg4[%add3A_11] : memref<320000xi32, #tpu.memory_space<hbm>> -> memref<80xi32, #tpu.memory_space<hbm>>
        tpu.enqueue_dma source(%dma_start3A_23 : memref<80xi32, #tpu.memory_space<hbm>>) target(%arg8 : memref<80xi32, #tpu.memory_space<vmem>>) target_semaphore(%run_scoped3A : memref<!tpu.dma_semaphore, #tpu.memory_space<semaphore_mem>>)
        %dma_wait3A_24 = tpu.memref_slice %arg4[%add3A_11] : memref<320000xi32, #tpu.memory_space<hbm>> -> memref<80xi32, #tpu.memory_space<hbm>>
        %dma_wait3A_25 = tpu.memref_slice %arg4[%add3A_11] : memref<320000xi32, #tpu.memory_space<hbm>> -> memref<80xi32, #tpu.memory_space<hbm>>
        tpu.wait_dma2 semaphore(%run_scoped3A : memref<!tpu.dma_semaphore, #tpu.memory_space<semaphore_mem>>) src(%dma_wait3A_25 : memref<80xi32, #tpu.memory_space<hbm>>) dst(%arg8 : memref<80xi32, #tpu.memory_space<vmem>>)
        tpu.yield
      }) : () -> ()
      "tpu.region"() ({
        %run_scoped3A = tpu.sem_alloc : memref<!tpu.dma_semaphore, #tpu.memory_space<semaphore_mem>>
        %dma_start3A_22 = tpu.memref_slice %arg5[%add3A_11] : memref<320000xi32, #tpu.memory_space<hbm>> -> memref<80xi32, #tpu.memory_space<hbm>>
        %dma_start3A_23 = tpu.memref_slice %arg5[%add3A_11] : memref<320000xi32, #tpu.memory_space<hbm>> -> memref<80xi32, #tpu.memory_space<hbm>>
        tpu.enqueue_dma source(%dma_start3A_23 : memref<80xi32, #tpu.memory_space<hbm>>) target(%arg9 : memref<80xi32, #tpu.memory_space<vmem>>) target_semaphore(%run_scoped3A : memref<!tpu.dma_semaphore, #tpu.memory_space<semaphore_mem>>)
        %dma_wait3A_24 = tpu.memref_slice %arg5[%add3A_11] : memref<320000xi32, #tpu.memory_space<hbm>> -> memref<80xi32, #tpu.memory_space<hbm>>
        %dma_wait3A_25 = tpu.memref_slice %arg5[%add3A_11] : memref<320000xi32, #tpu.memory_space<hbm>> -> memref<80xi32, #tpu.memory_space<hbm>>
        tpu.wait_dma2 semaphore(%run_scoped3A : memref<!tpu.dma_semaphore, #tpu.memory_space<semaphore_mem>>) src(%dma_wait3A_25 : memref<80xi32, #tpu.memory_space<hbm>>) dst(%arg9 : memref<80xi32, #tpu.memory_space<vmem>>)
        tpu.yield
      }) : () -> ()
      %dma_start3A = arith.constant 0 : i32
      %dma_start3A_12 = arith.constant 0 : i32
      %dma_start3A_13 = tpu.memref_slice %arg2[%dma_start3A, %dma_start3A_12] : memref<10000x128xf32, #tpu.memory_space<hbm>> -> memref<10000x128xf32, #tpu.memory_space<hbm>>
      tpu.enqueue_indirect_dma source(%dma_start3A_13 : memref<10000x128xf32, #tpu.memory_space<hbm>>) target(%arg10 : memref<80x128xf32, #tpu.memory_space<vmem>>) offsets(%arg8 : memref<80xi32, #tpu.memory_space<vmem>>) semaphore(%arg12 : memref<!tpu.dma_semaphore, #tpu.memory_space<semaphore_mem>>)
      %dma_start3A_14 = arith.constant 0 : i32
      %dma_start3A_15 = arith.constant 0 : i32
      %dma_start3A_16 = tpu.memref_slice %arg3[%dma_start3A_14, %dma_start3A_15] : memref<10000x128xf32, #tpu.memory_space<hbm>> -> memref<10000x128xf32, #tpu.memory_space<hbm>>
      tpu.enqueue_indirect_dma source(%dma_start3A_16 : memref<10000x128xf32, #tpu.memory_space<hbm>>) target(%arg11 : memref<80x128xf32, #tpu.memory_space<vmem>>) offsets(%arg9 : memref<80xi32, #tpu.memory_space<vmem>>) semaphore(%arg13 : memref<!tpu.dma_semaphore, #tpu.memory_space<semaphore_mem>>)
      %dma_wait3A = arith.constant 0 : i32
      %dma_wait3A_17 = arith.constant 0 : i32
      %dma_wait3A_18 = tpu.memref_slice %arg2[%dma_wait3A, %dma_wait3A_17] : memref<10000x128xf32, #tpu.memory_space<hbm>> -> memref<10000x128xf32, #tpu.memory_space<hbm>>
      tpu.wait_indirect_dma semaphore(%arg12 : memref<!tpu.dma_semaphore, #tpu.memory_space<semaphore_mem>>) src(%dma_wait3A_18 : memref<10000x128xf32, #tpu.memory_space<hbm>>) dst(%arg10 : memref<80x128xf32, #tpu.memory_space<vmem>>)
      %dma_wait3A_19 = arith.constant 0 : i32
      %dma_wait3A_20 = arith.constant 0 : i32
      %dma_wait3A_21 = tpu.memref_slice %arg3[%dma_wait3A_19, %dma_wait3A_20] : memref<10000x128xf32, #tpu.memory_space<hbm>> -> memref<10000x128xf32, #tpu.memory_space<hbm>>
      tpu.wait_indirect_dma semaphore(%arg13 : memref<!tpu.dma_semaphore, #tpu.memory_space<semaphore_mem>>) src(%dma_wait3A_21 : memref<10000x128xf32, #tpu.memory_space<hbm>>) dst(%arg11 : memref<80x128xf32, #tpu.memory_space<vmem>>)
      "tpu.region"() ({
        %run_scoped3A = tpu.sem_alloc : memref<!tpu.dma_semaphore, #tpu.memory_space<semaphore_mem>>
        %dma_start3A_22 = arith.constant 0 : i32
        %dma_start3A_23 = tpu.memref_slice %arg6[%add3A_11, %dma_start3A_22] : memref<320000x128xf32, #tpu.memory_space<hbm>> -> memref<80x128xf32, #tpu.memory_space<hbm>>
        %dma_start3A_24 = arith.constant 0 : i32
        %dma_start3A_25 = tpu.memref_slice %arg6[%add3A_11, %dma_start3A_24] : memref<320000x128xf32, #tpu.memory_space<hbm>> -> memref<80x128xf32, #tpu.memory_space<hbm>>
        tpu.enqueue_dma source(%arg10 : memref<80x128xf32, #tpu.memory_space<vmem>>) target(%dma_start3A_25 : memref<80x128xf32, #tpu.memory_space<hbm>>) target_semaphore(%run_scoped3A : memref<!tpu.dma_semaphore, #tpu.memory_space<semaphore_mem>>)
        %dma_wait3A_26 = arith.constant 0 : i32
        %dma_wait3A_27 = tpu.memref_slice %arg6[%add3A_11, %dma_wait3A_26] : memref<320000x128xf32, #tpu.memory_space<hbm>> -> memref<80x128xf32, #tpu.memory_space<hbm>>
        %dma_wait3A_28 = arith.constant 0 : i32
        %dma_wait3A_29 = tpu.memref_slice %arg6[%add3A_11, %dma_wait3A_28] : memref<320000x128xf32, #tpu.memory_space<hbm>> -> memref<80x128xf32, #tpu.memory_space<hbm>>
        tpu.wait_dma2 semaphore(%run_scoped3A : memref<!tpu.dma_semaphore, #tpu.memory_space<semaphore_mem>>) src(%arg10 : memref<80x128xf32, #tpu.memory_space<vmem>>) dst(%dma_wait3A_29 : memref<80x128xf32, #tpu.memory_space<hbm>>)
        tpu.yield
      }) : () -> ()
      "tpu.region"() ({
        %run_scoped3A = tpu.sem_alloc : memref<!tpu.dma_semaphore, #tpu.memory_space<semaphore_mem>>
        %dma_start3A_22 = arith.constant 0 : i32
        %dma_start3A_23 = tpu.memref_slice %arg7[%add3A_11, %dma_start3A_22] : memref<320000x128xf32, #tpu.memory_space<hbm>> -> memref<80x128xf32, #tpu.memory_space<hbm>>
        %dma_start3A_24 = arith.constant 0 : i32
        %dma_start3A_25 = tpu.memref_slice %arg7[%add3A_11, %dma_start3A_24] : memref<320000x128xf32, #tpu.memory_space<hbm>> -> memref<80x128xf32, #tpu.memory_space<hbm>>
        tpu.enqueue_dma source(%arg11 : memref<80x128xf32, #tpu.memory_space<vmem>>) target(%dma_start3A_25 : memref<80x128xf32, #tpu.memory_space<hbm>>) target_semaphore(%run_scoped3A : memref<!tpu.dma_semaphore, #tpu.memory_space<semaphore_mem>>)
        %dma_wait3A_26 = arith.constant 0 : i32
        %dma_wait3A_27 = tpu.memref_slice %arg7[%add3A_11, %dma_wait3A_26] : memref<320000x128xf32, #tpu.memory_space<hbm>> -> memref<80x128xf32, #tpu.memory_space<hbm>>
        %dma_wait3A_28 = arith.constant 0 : i32
        %dma_wait3A_29 = tpu.memref_slice %arg7[%add3A_11, %dma_wait3A_28] : memref<320000x128xf32, #tpu.memory_space<hbm>> -> memref<80x128xf32, #tpu.memory_space<hbm>>
        tpu.wait_dma2 semaphore(%run_scoped3A : memref<!tpu.dma_semaphore, #tpu.memory_space<semaphore_mem>>) src(%arg11 : memref<80x128xf32, #tpu.memory_space<vmem>>) dst(%dma_wait3A_29 : memref<80x128xf32, #tpu.memory_space<hbm>>)
        tpu.yield
      }) : () -> ()
    }
    %scan3A_7 = arith.constant 125 : i32
    return
  }
}

module attributes {stable_mosaic.version = 14 : i64} {
  func.func @_ae_body(%arg0: i32, %arg1: memref<8x2048xf32, #tpu.memory_space<vmem>>, %arg2: memref<2048x256xf32, #tpu.memory_space<vmem>>, %arg3: memref<8x256xf32, #tpu.memory_space<vmem>>) attributes {dimension_semantics = [#tpu.dimension_semantics<arbitrary>], iteration_bounds = array<i64: 16>, scalar_prefetch = 0 : i64, scratch_operands = 0 : i64, tpu.core_type = #tpu.core_type<tc>, window_params = [{transform_indices = @transform_0, window_bounds = array<i64: 8, 2048>}, {transform_indices = @transform_1, window_bounds = array<i64: 2048, 256>}, {pipeline_mode = #tpu.pipeline_mode<synchronous>, transform_indices = @transform_2, window_bounds = array<i64: 8, 256>}]} {
    %eq3A = arith.constant 0 : i32
    %eq3A_0 = arith.cmpi eq, %arg0, %eq3A : i32
    %convert_element_type3A = arith.extui %eq3A_0 : i1 to i32
    %cond3A = arith.constant 0 : i32
    %cond3A_1 = arith.cmpi ne, %convert_element_type3A, %cond3A : i32
    scf.if %cond3A_1 {
      %broadcast_in_dim3A = arith.constant 0.000000e+00 : f32
      %broadcast_in_dim3A_13 = vector.broadcast %broadcast_in_dim3A : f32 to vector<8x256xf32>
      %swap3A_14 = arith.constant 0 : index
      %swap3A_15 = arith.constant 0 : index
      %swap3A_16 = vector.load %arg3[%swap3A_14, %swap3A_15] : memref<8x256xf32, #tpu.memory_space<vmem>>, vector<8x256xf32>
      tpu.vector_store %arg3[%swap3A_14, %swap3A_15], %broadcast_in_dim3A_13 {strides = array<i32>} : memref<8x256xf32, #tpu.memory_space<vmem>>, vector<8x256xf32>,
    } else {
    }
    %get3A = arith.constant 0 : index
    %get3A_2 = arith.constant 0 : index
    %get3A_3 = vector.load %arg3[%get3A, %get3A_2] : memref<8x256xf32, #tpu.memory_space<vmem>>, vector<8x256xf32>
    %get3A_4 = arith.constant 0 : index
    %get3A_5 = arith.constant 0 : index
    %get3A_6 = vector.load %arg1[%get3A_4, %get3A_5] : memref<8x2048xf32, #tpu.memory_space<vmem>>, vector<8x2048xf32>
    %get3A_7 = arith.constant 0 : index
    %get3A_8 = arith.constant 0 : index
    %get3A_9 = vector.load %arg2[%get3A_7, %get3A_8] : memref<2048x256xf32, #tpu.memory_space<vmem>>, vector<2048x256xf32>
    %dot_general3A = arith.constant dense<0.000000e+00> : vector<8x256xf32>
    %dot_general3A_10 = tpu.matmul %get3A_6, %get3A_9, %dot_general3A {dimension_numbers = #tpu.dot_dimension_numbers<[1], [0], [0], [1], [0, 0, 1, 1], [], []>, transpose_lhs_hint = false} : vector<8x2048xf32>, vector<2048x256xf32>, vector<8x256xf32> -> vector<8x256xf32>
    %add3A = arith.addf %get3A_3, %dot_general3A_10 : vector<8x256xf32>
    %swap3A = arith.constant 0 : index
    %swap3A_11 = arith.constant 0 : index
    %swap3A_12 = vector.load %arg3[%swap3A, %swap3A_11] : memref<8x256xf32, #tpu.memory_space<vmem>>, vector<8x256xf32>
    tpu.vector_store %arg3[%swap3A, %swap3A_11], %add3A {strides = array<i32>} : memref<8x256xf32, #tpu.memory_space<vmem>>, vector<8x256xf32>,
    return
  }
  func.func @transform_0(%arg0: i32) -> (i32, i32) {
    %c0_i32 = arith.constant 0 : i32
    %c0_i32_0 = arith.constant 0 : i32
    return %c0_i32, %arg0 : i32, i32
  }
  func.func @transform_1(%arg0: i32) -> (i32, i32) {
    %c0_i32 = arith.constant 0 : i32
    %c0_i32_0 = arith.constant 0 : i32
    return %arg0, %c0_i32 : i32, i32
  }
  func.func @transform_2(%arg0: i32) -> (i32, i32) {
    %c0_i32 = arith.constant 0 : i32
    %c0_i32_0 = arith.constant 0 : i32
    %c0_i32_1 = arith.constant 0 : i32
    return %c0_i32, %c0_i32_0 : i32, i32
  }
}

module attributes {stable_mosaic.version = 14 : i64} {
  func.func @_unpool_body(%arg0: i32, %arg1: memref<256x128xf32, #tpu.memory_space<vmem>>, %arg2: memref<1x256xi32, #tpu.memory_space<vmem>>, %arg3: memref<1000x128xf32, #tpu.memory_space<vmem>>, %arg4: memref<384x128xf32, #tpu.memory_space<vmem>>, %arg5: memref<1000x128xf32, #tpu.memory_space<vmem>>, %arg6: memref<1000x128xf32, #tpu.memory_space<vmem>>, %arg7: memref<1000x128xf32, #tpu.memory_space<vmem>>) attributes {dimension_semantics = [#tpu.dimension_semantics<arbitrary>], iteration_bounds = array<i64: 10>, scalar_prefetch = 0 : i64, scratch_operands = 0 : i64, tpu.core_type = #tpu.core_type<tc>, window_params = [{pipeline_mode = #tpu.pipeline_mode<synchronous>, transform_indices = @transform_0, window_bounds = array<i64: 256, 128>}, {pipeline_mode = #tpu.pipeline_mode<synchronous>, transform_indices = @transform_1, window_bounds = array<i64: 1, 256>}, {transform_indices = @transform_2, window_bounds = array<i64: 1000, 128>}, {pipeline_mode = #tpu.pipeline_mode<synchronous>, transform_indices = @transform_3, window_bounds = array<i64: 384, 128>}, {transform_indices = @transform_4, window_bounds = array<i64: 1000, 128>}, {transform_indices = @transform_5, window_bounds = array<i64: 1000, 128>}, {transform_indices = @transform_6, window_bounds = array<i64: 1000, 128>}]} {
    %iota3A = tpu.iota {dimensions = array<i32: 0>} : vector<1000x256xi32>
    %mul3A = arith.constant 1000 : i32
    %mul3A_0 = arith.muli %arg0, %mul3A : i32
    %add3A = vector.broadcast %mul3A_0 : i32 to vector<1000x256xi32>
    %add3A_1 = arith.addi %iota3A, %add3A : vector<1000x256xi32>
    %get3A = arith.constant 0 : index
    %get3A_2 = arith.constant 0 : index
    %get3A_3 = vector.load %arg2[%get3A, %get3A_2] : memref<1x256xi32, #tpu.memory_space<vmem>>, vector<1x256xi32>
    %eq3A = vector.broadcast %get3A_3 : vector<1x256xi32> to vector<1000x256xi32>
    %eq3A_4 = arith.cmpi eq, %add3A_1, %eq3A : vector<1000x256xi32>
    %convert_element_type3A = arith.extui %eq3A_4 : vector<1000x256xi1> to vector<1000x256xi32>
    %convert_element_type3A_5 = arith.sitofp %convert_element_type3A : vector<1000x256xi32> to vector<1000x256xf32>
    %get3A_6 = arith.constant 0 : index
    %get3A_7 = arith.constant 0 : index
    %get3A_8 = vector.load %arg1[%get3A_6, %get3A_7] : memref<256x128xf32, #tpu.memory_space<vmem>>, vector<256x128xf32>
    %dot_general3A = arith.constant dense<0.000000e+00> : vector<1000x128xf32>
    %dot_general3A_9 = tpu.matmul %convert_element_type3A_5, %get3A_8, %dot_general3A {dimension_numbers = #tpu.dot_dimension_numbers<[1], [0], [0], [1], [0, 0, 1, 1], [], []>, transpose_lhs_hint = false} : vector<1000x256xf32>, vector<256x128xf32>, vector<1000x128xf32> -> vector<1000x128xf32>
    %get3A_10 = arith.constant 0 : index
    %get3A_11 = arith.constant 0 : index
    %get3A_12 = vector.load %arg3[%get3A_10, %get3A_11] : memref<1000x128xf32, #tpu.memory_space<vmem>>, vector<1000x128xf32>
    %add3A_13 = arith.addf %dot_general3A_9, %get3A_12 : vector<1000x128xf32>
    %swap3A = arith.constant 0 : index
    %swap3A_14 = arith.constant 0 : index
    %swap3A_15 = vector.load %arg5[%swap3A, %swap3A_14] : memref<1000x128xf32, #tpu.memory_space<vmem>>, vector<1000x128xf32>
    tpu.vector_store %arg5[%swap3A, %swap3A_14], %add3A_13 {strides = array<i32>} : memref<1000x128xf32, #tpu.memory_space<vmem>>, vector<1000x128xf32>,
    %get3A_16 = arith.constant 0 : index
    %get3A_17 = arith.constant 0 : index
    %get3A_18 = vector.load %arg4[%get3A_16, %get3A_17] : memref<384x128xf32, #tpu.memory_space<vmem>>, vector<384x128xf32>
    %slice3A = vector.extract_strided_slice %get3A_18 {offsets = [0, 0], sizes = [128, 128], strides = [1, 1]} : vector<384x128xf32> to vector<128x128xf32>
    %dot_general3A_19 = arith.constant dense<0.000000e+00> : vector<1000x128xf32>
    %dot_general3A_20 = tpu.matmul %add3A_13, %slice3A, %dot_general3A_19 {dimension_numbers = #tpu.dot_dimension_numbers<[1], [0], [0], [1], [0, 0, 1, 1], [], []>, transpose_lhs_hint = false} : vector<1000x128xf32>, vector<128x128xf32>, vector<1000x128xf32> -> vector<1000x128xf32>
    %swap3A_21 = arith.constant 0 : index
    %swap3A_22 = arith.constant 0 : index
    %swap3A_23 = vector.load %arg6[%swap3A_21, %swap3A_22] : memref<1000x128xf32, #tpu.memory_space<vmem>>, vector<1000x128xf32>
    tpu.vector_store %arg6[%swap3A_21, %swap3A_22], %dot_general3A_20 {strides = array<i32>} : memref<1000x128xf32, #tpu.memory_space<vmem>>, vector<1000x128xf32>,
    %slice3A_24 = vector.extract_strided_slice %get3A_18 {offsets = [128, 0], sizes = [128, 128], strides = [1, 1]} : vector<384x128xf32> to vector<128x128xf32>
    %dot_general3A_25 = arith.constant dense<0.000000e+00> : vector<1000x128xf32>
    %dot_general3A_26 = tpu.matmul %add3A_13, %slice3A_24, %dot_general3A_25 {dimension_numbers = #tpu.dot_dimension_numbers<[1], [0], [0], [1], [0, 0, 1, 1], [], []>, transpose_lhs_hint = false} : vector<1000x128xf32>, vector<128x128xf32>, vector<1000x128xf32> -> vector<1000x128xf32>
    %swap3A_27 = arith.constant 0 : index
    %swap3A_28 = arith.constant 0 : index
    %swap3A_29 = vector.load %arg7[%swap3A_27, %swap3A_28] : memref<1000x128xf32, #tpu.memory_space<vmem>>, vector<1000x128xf32>
    tpu.vector_store %arg7[%swap3A_27, %swap3A_28], %dot_general3A_26 {strides = array<i32>} : memref<1000x128xf32, #tpu.memory_space<vmem>>, vector<1000x128xf32>,
    return
  }
  func.func @transform_0(%arg0: i32) -> (i32, i32) {
    %c0_i32 = arith.constant 0 : i32
    %c0_i32_0 = arith.constant 0 : i32
    %c0_i32_1 = arith.constant 0 : i32
    return %c0_i32, %c0_i32_0 : i32, i32
  }
  func.func @transform_1(%arg0: i32) -> (i32, i32) {
    %c0_i32 = arith.constant 0 : i32
    %c0_i32_0 = arith.constant 0 : i32
    %c0_i32_1 = arith.constant 0 : i32
    return %c0_i32, %c0_i32_0 : i32, i32
  }
  func.func @transform_2(%arg0: i32) -> (i32, i32) {
    %c0_i32 = arith.constant 0 : i32
    %c0_i32_0 = arith.constant 0 : i32
    return %arg0, %c0_i32 : i32, i32
  }
  func.func @transform_3(%arg0: i32) -> (i32, i32) {
    %c0_i32 = arith.constant 0 : i32
    %c0_i32_0 = arith.constant 0 : i32
    %c0_i32_1 = arith.constant 0 : i32
    return %c0_i32, %c0_i32_0 : i32, i32
  }
  func.func @transform_4(%arg0: i32) -> (i32, i32) {
    %c0_i32 = arith.constant 0 : i32
    %c0_i32_0 = arith.constant 0 : i32
    return %arg0, %c0_i32 : i32, i32
  }
  func.func @transform_5(%arg0: i32) -> (i32, i32) {
    %c0_i32 = arith.constant 0 : i32
    %c0_i32_0 = arith.constant 0 : i32
    return %arg0, %c0_i32 : i32, i32
  }
  func.func @transform_6(%arg0: i32) -> (i32, i32) {
    %c0_i32 = arith.constant 0 : i32
    %c0_i32_0 = arith.constant 0 : i32
    return %arg0, %c0_i32 : i32, i32
  }
}

module attributes {stable_mosaic.version = 14 : i64} {
  func.func @_coarse_body(%arg0: memref<256x128xf32, #tpu.memory_space<vmem>>, %arg1: memref<8192x1xi32, #tpu.memory_space<vmem>>, %arg2: memref<8192x1xi32, #tpu.memory_space<vmem>>, %arg3: memref<1x8192xi32, #tpu.memory_space<vmem>>, %arg4: memref<8192x128xf32, #tpu.memory_space<vmem>>, %arg5: memref<8x256xf32, #tpu.memory_space<vmem>>, %arg6: memref<256x1xi32, #tpu.memory_space<vmem>>, %arg7: memref<1x256xi32, #tpu.memory_space<vmem>>, %arg8: memref<384x128xf32, #tpu.memory_space<vmem>>, %arg9: memref<1x128xf32, #tpu.memory_space<vmem>>, %arg10: memref<128x128xf32, #tpu.memory_space<vmem>>, %arg11: memref<1x128xf32, #tpu.memory_space<vmem>>, %arg12: memref<1x128xf32, #tpu.memory_space<vmem>>, %arg13: memref<1x128xf32, #tpu.memory_space<vmem>>, %arg14: memref<1x256xf32, #tpu.memory_space<vmem>>, %arg15: memref<256x64xf32, #tpu.memory_space<vmem>>, %arg16: memref<1x64xf32, #tpu.memory_space<vmem>>, %arg17: memref<128x1xf32, #tpu.memory_space<vmem>>, %arg18: memref<320x128xf32, #tpu.memory_space<vmem>>, %arg19: memref<1x128xf32, #tpu.memory_space<vmem>>, %arg20: memref<128x128xf32, #tpu.memory_space<vmem>>, %arg21: memref<1x128xf32, #tpu.memory_space<vmem>>, %arg22: memref<1x128xf32, #tpu.memory_space<vmem>>, %arg23: memref<1x128xf32, #tpu.memory_space<vmem>>, %arg24: memref<256x128xf32, #tpu.memory_space<vmem>>) attributes {dimension_semantics = [], scalar_prefetch = 0 : i64, scratch_operands = 0 : i64, tpu.core_type = #tpu.core_type<tc>} {
    %get3A = arith.constant 0 : index
    %get3A_0 = arith.constant 0 : index
    %get3A_1 = vector.load %arg0[%get3A, %get3A_0] : memref<256x128xf32, #tpu.memory_space<vmem>>, vector<256x128xf32>
    %get3A_2 = arith.constant 0 : index
    %get3A_3 = arith.constant 0 : index
    %get3A_4 = vector.load %arg8[%get3A_2, %get3A_3] : memref<384x128xf32, #tpu.memory_space<vmem>>, vector<384x128xf32>
    %slice3A = vector.extract_strided_slice %get3A_4 {offsets = [0, 0], sizes = [128, 128], strides = [1, 1]} : vector<384x128xf32> to vector<128x128xf32>
    %dot_general3A = arith.constant dense<0.000000e+00> : vector<256x128xf32>
    %dot_general3A_5 = tpu.matmul %get3A_1, %slice3A, %dot_general3A {dimension_numbers = #tpu.dot_dimension_numbers<[1], [0], [0], [1], [0, 0, 1, 1], [], []>, transpose_lhs_hint = false} : vector<256x128xf32>, vector<128x128xf32>, vector<256x128xf32> -> vector<256x128xf32>
    %slice3A_6 = vector.extract_strided_slice %get3A_4 {offsets = [128, 0], sizes = [128, 128], strides = [1, 1]} : vector<384x128xf32> to vector<128x128xf32>
    %dot_general3A_7 = arith.constant dense<0.000000e+00> : vector<256x128xf32>
    %dot_general3A_8 = tpu.matmul %get3A_1, %slice3A_6, %dot_general3A_7 {dimension_numbers = #tpu.dot_dimension_numbers<[1], [0], [0], [1], [0, 0, 1, 1], [], []>, transpose_lhs_hint = false} : vector<256x128xf32>, vector<128x128xf32>, vector<256x128xf32> -> vector<256x128xf32>
    %iota3A = tpu.iota {dimensions = array<i32: 1>} : vector<8192x256xi32>
    %get3A_9 = arith.constant 0 : index
    %get3A_10 = arith.constant 0 : index
    %get3A_11 = vector.load %arg1[%get3A_9, %get3A_10] : memref<8192x1xi32, #tpu.memory_space<vmem>>, vector<8192x1xi32>
    %eq3A = vector.broadcast %get3A_11 : vector<8192x1xi32> to vector<8192x256xi32>
    %eq3A_12 = arith.cmpi eq, %eq3A, %iota3A : vector<8192x256xi32>
    %convert_element_type3A = arith.extui %eq3A_12 : vector<8192x256xi1> to vector<8192x256xi32>
    %convert_element_type3A_13 = arith.sitofp %convert_element_type3A : vector<8192x256xi32> to vector<8192x256xf32>
    %get3A_14 = arith.constant 0 : index
    %get3A_15 = arith.constant 0 : index
    %get3A_16 = vector.load %arg2[%get3A_14, %get3A_15] : memref<8192x1xi32, #tpu.memory_space<vmem>>, vector<8192x1xi32>
    %eq3A_17 = vector.broadcast %get3A_16 : vector<8192x1xi32> to vector<8192x256xi32>
    %eq3A_18 = arith.cmpi eq, %eq3A_17, %iota3A : vector<8192x256xi32>
    %convert_element_type3A_19 = arith.extui %eq3A_18 : vector<8192x256xi1> to vector<8192x256xi32>
    %convert_element_type3A_20 = arith.sitofp %convert_element_type3A_19 : vector<8192x256xi32> to vector<8192x256xf32>
    %iota3A_21 = tpu.iota {dimensions = array<i32: 0>} : vector<256x8192xi32>
    %get3A_22 = arith.constant 0 : index
    %get3A_23 = arith.constant 0 : index
    %get3A_24 = vector.load %arg3[%get3A_22, %get3A_23] : memref<1x8192xi32, #tpu.memory_space<vmem>>, vector<1x8192xi32>
    %eq3A_25 = vector.broadcast %get3A_24 : vector<1x8192xi32> to vector<256x8192xi32>
    %eq3A_26 = arith.cmpi eq, %eq3A_25, %iota3A_21 : vector<256x8192xi32>
    %convert_element_type3A_27 = arith.extui %eq3A_26 : vector<256x8192xi1> to vector<256x8192xi32>
    %convert_element_type3A_28 = arith.sitofp %convert_element_type3A_27 : vector<256x8192xi32> to vector<256x8192xf32>
    %get3A_29 = arith.constant 0 : index
    %get3A_30 = arith.constant 0 : index
    %get3A_31 = vector.load %arg4[%get3A_29, %get3A_30] : memref<8192x128xf32, #tpu.memory_space<vmem>>, vector<8192x128xf32>
    %dot_general3A_32 = arith.constant dense<0.000000e+00> : vector<8192x128xf32>
    %dot_general3A_33 = tpu.matmul %convert_element_type3A_13, %dot_general3A_5, %dot_general3A_32 {dimension_numbers = #tpu.dot_dimension_numbers<[1], [0], [0], [1], [0, 0, 1, 1], [], []>, transpose_lhs_hint = false} : vector<8192x256xf32>, vector<256x128xf32>, vector<8192x128xf32> -> vector<8192x128xf32>
    %dot_general3A_34 = arith.constant dense<0.000000e+00> : vector<8192x128xf32>
    %dot_general3A_35 = tpu.matmul %convert_element_type3A_20, %dot_general3A_8, %dot_general3A_34 {dimension_numbers = #tpu.dot_dimension_numbers<[1], [0], [0], [1], [0, 0, 1, 1], [], []>, transpose_lhs_hint = false} : vector<8192x256xf32>, vector<256x128xf32>, vector<8192x128xf32> -> vector<8192x128xf32>
    %add3A = arith.addf %dot_general3A_33, %dot_general3A_35 : vector<8192x128xf32>
    %slice3A_36 = vector.extract_strided_slice %get3A_4 {offsets = [256, 0], sizes = [128, 128], strides = [1, 1]} : vector<384x128xf32> to vector<128x128xf32>
    %dot_general3A_37 = arith.constant dense<0.000000e+00> : vector<8192x128xf32>
    %dot_general3A_38 = tpu.matmul %get3A_31, %slice3A_36, %dot_general3A_37 {dimension_numbers = #tpu.dot_dimension_numbers<[1], [0], [0], [1], [0, 0, 1, 1], [], []>, transpose_lhs_hint = false} : vector<8192x128xf32>, vector<128x128xf32>, vector<8192x128xf32> -> vector<8192x128xf32>
    %add3A_39 = arith.addf %add3A, %dot_general3A_38 : vector<8192x128xf32>
    %get3A_40 = arith.constant 0 : index
    %get3A_41 = arith.constant 0 : index
    %get3A_42 = vector.load %arg9[%get3A_40, %get3A_41] : memref<1x128xf32, #tpu.memory_space<vmem>>, vector<1x128xf32>
    %add3A_43 = vector.broadcast %get3A_42 : vector<1x128xf32> to vector<8192x128xf32>
    %add3A_44 = arith.addf %add3A_39, %add3A_43 : vector<8192x128xf32>
    %gt3A = arith.constant 0.000000e+00 : f32
    %gt3A_45 = vector.broadcast %gt3A : f32 to vector<8192x128xf32>
    %gt3A_46 = arith.cmpf ogt, %add3A_44, %gt3A_45 : vector<8192x128xf32>
    %exp3A = math.exp %add3A_44 : vector<8192x128xf32>
    %sub3A = arith.constant 1.000000e+00 : f32
    %sub3A_47 = vector.broadcast %sub3A : f32 to vector<8192x128xf32>
    %sub3A_48 = arith.subf %exp3A, %sub3A_47 : vector<8192x128xf32>
    %select_n3A = arith.select %gt3A_46, %add3A_44, %sub3A_48 : vector<8192x128xi1>, vector<8192x128xf32>
    %get3A_49 = arith.constant 0 : index
    %get3A_50 = arith.constant 0 : index
    %get3A_51 = vector.load %arg10[%get3A_49, %get3A_50] : memref<128x128xf32, #tpu.memory_space<vmem>>, vector<128x128xf32>
    %dot_general3A_52 = arith.constant dense<0.000000e+00> : vector<8192x128xf32>
    %dot_general3A_53 = tpu.matmul %select_n3A, %get3A_51, %dot_general3A_52 {dimension_numbers = #tpu.dot_dimension_numbers<[1], [0], [0], [1], [0, 0, 1, 1], [], []>, transpose_lhs_hint = false} : vector<8192x128xf32>, vector<128x128xf32>, vector<8192x128xf32> -> vector<8192x128xf32>
    %get3A_54 = arith.constant 0 : index
    %get3A_55 = arith.constant 0 : index
    %get3A_56 = vector.load %arg11[%get3A_54, %get3A_55] : memref<1x128xf32, #tpu.memory_space<vmem>>, vector<1x128xf32>
    %add3A_57 = vector.broadcast %get3A_56 : vector<1x128xf32> to vector<8192x128xf32>
    %add3A_58 = arith.addf %dot_general3A_53, %add3A_57 : vector<8192x128xf32>
    %add3A_59 = arith.addf %get3A_31, %add3A_58 : vector<8192x128xf32>
    %get3A_60 = arith.constant 0 : index
    %get3A_61 = arith.constant 0 : index
    %get3A_62 = vector.load %arg12[%get3A_60, %get3A_61] : memref<1x128xf32, #tpu.memory_space<vmem>>, vector<1x128xf32>
    %get3A_63 = arith.constant 0 : index
    %get3A_64 = arith.constant 0 : index
    %get3A_65 = vector.load %arg13[%get3A_63, %get3A_64] : memref<1x128xf32, #tpu.memory_space<vmem>>, vector<1x128xf32>
    %reduce_sum3A = arith.constant dense<0.000000e+00> : vector<8192xf32>
    %reduce_sum3A_66 = vector.multi_reduction <add>, %add3A_59, %reduce_sum3A [1] : vector<8192x128xf32> to vector<8192xf32>
    %broadcast_in_dim3A = vector.shape_cast %reduce_sum3A_66 : vector<8192xf32> to vector<8192x1xf32>
    %div3A = arith.constant 1.280000e+02 : f32
    %div3A_67 = vector.broadcast %div3A : f32 to vector<8192x1xf32>
    %div3A_68 = arith.divf %broadcast_in_dim3A, %div3A_67 : vector<8192x1xf32>
    %sub3A_69 = vector.broadcast %div3A_68 : vector<8192x1xf32> to vector<8192x128xf32>
    %sub3A_70 = arith.subf %add3A_59, %sub3A_69 : vector<8192x128xf32>
    %integer_pow3A = arith.mulf %sub3A_70, %sub3A_70 : vector<8192x128xf32>
    %reduce_sum3A_71 = arith.constant dense<0.000000e+00> : vector<8192xf32>
    %reduce_sum3A_72 = vector.multi_reduction <add>, %integer_pow3A, %reduce_sum3A_71 [1] : vector<8192x128xf32> to vector<8192xf32>
    %broadcast_in_dim3A_73 = vector.shape_cast %reduce_sum3A_72 : vector<8192xf32> to vector<8192x1xf32>
    %div3A_74 = arith.constant 1.280000e+02 : f32
    %div3A_75 = vector.broadcast %div3A_74 : f32 to vector<8192x1xf32>
    %div3A_76 = arith.divf %broadcast_in_dim3A_73, %div3A_75 : vector<8192x1xf32>
    %sub3A_77 = vector.broadcast %div3A_68 : vector<8192x1xf32> to vector<8192x128xf32>
    %sub3A_78 = arith.subf %add3A_59, %sub3A_77 : vector<8192x128xf32>
    %add3A_79 = arith.constant 9.99999974E-6 : f32
    %add3A_80 = vector.broadcast %add3A_79 : f32 to vector<8192x1xf32>
    %add3A_81 = arith.addf %div3A_76, %add3A_80 : vector<8192x1xf32>
    %sqrt3A = math.sqrt %add3A_81 : vector<8192x1xf32>
    %div3A_82 = vector.broadcast %sqrt3A : vector<8192x1xf32> to vector<8192x128xf32>
    %div3A_83 = arith.divf %sub3A_78, %div3A_82 : vector<8192x128xf32>
    %mul3A = vector.broadcast %get3A_62 : vector<1x128xf32> to vector<8192x128xf32>
    %mul3A_84 = arith.mulf %div3A_83, %mul3A : vector<8192x128xf32>
    %add3A_85 = vector.broadcast %get3A_65 : vector<1x128xf32> to vector<8192x128xf32>
    %add3A_86 = arith.addf %mul3A_84, %add3A_85 : vector<8192x128xf32>
    %dot_general3A_87 = arith.constant dense<0.000000e+00> : vector<256x128xf32>
    %dot_general3A_88 = tpu.matmul %convert_element_type3A_28, %add3A_86, %dot_general3A_87 {dimension_numbers = #tpu.dot_dimension_numbers<[1], [0], [0], [1], [0, 0, 1, 1], [], []>, transpose_lhs_hint = false} : vector<256x8192xf32>, vector<8192x128xf32>, vector<256x128xf32> -> vector<256x128xf32>
    %reduce_sum3A_89 = arith.constant dense<0.000000e+00> : vector<256xf32>
    %reduce_sum3A_90 = vector.multi_reduction <add>, %convert_element_type3A_28, %reduce_sum3A_89 [1] : vector<256x8192xf32> to vector<256xf32>
    %broadcast_in_dim3A_91 = vector.shape_cast %reduce_sum3A_90 : vector<256xf32> to vector<256x1xf32>
    %max3A = arith.constant 1.000000e+00 : f32
    %max3A_92 = vector.broadcast %max3A : f32 to vector<256x1xf32>
    %max3A_93 = arith.maximumf %broadcast_in_dim3A_91, %max3A_92 : vector<256x1xf32>
    %div3A_94 = vector.broadcast %max3A_93 : vector<256x1xf32> to vector<256x128xf32>
    %div3A_95 = arith.divf %dot_general3A_88, %div3A_94 : vector<256x128xf32>
    %get3A_96 = arith.constant 0 : index
    %get3A_97 = arith.constant 0 : index
    %get3A_98 = vector.load %arg5[%get3A_96, %get3A_97] : memref<8x256xf32, #tpu.memory_space<vmem>>, vector<1x256xf32>
    %get3A_99 = arith.constant 0 : index
    %get3A_100 = arith.constant 0 : index
    %get3A_101 = vector.load %arg14[%get3A_99, %get3A_100] : memref<1x256xf32, #tpu.memory_space<vmem>>, vector<1x256xf32>
    %add3A_102 = arith.addf %get3A_98, %get3A_101 : vector<1x256xf32>
    %gt3A_103 = arith.constant 0.000000e+00 : f32
    %gt3A_104 = vector.broadcast %gt3A_103 : f32 to vector<1x256xf32>
    %gt3A_105 = arith.cmpf ogt, %add3A_102, %gt3A_104 : vector<1x256xf32>
    %exp3A_106 = math.exp %add3A_102 : vector<1x256xf32>
    %sub3A_107 = arith.constant 1.000000e+00 : f32
    %sub3A_108 = vector.broadcast %sub3A_107 : f32 to vector<1x256xf32>
    %sub3A_109 = arith.subf %exp3A_106, %sub3A_108 : vector<1x256xf32>
    %select_n3A_110 = arith.select %gt3A_105, %add3A_102, %sub3A_109 : vector<1x256xi1>, vector<1x256xf32>
    %get3A_111 = arith.constant 0 : index
    %get3A_112 = arith.constant 0 : index
    %get3A_113 = vector.load %arg15[%get3A_111, %get3A_112] : memref<256x64xf32, #tpu.memory_space<vmem>>, vector<256x64xf32>
    %dot_general3A_114 = arith.constant dense<0.000000e+00> : vector<1x64xf32>
    %dot_general3A_115 = tpu.matmul %select_n3A_110, %get3A_113, %dot_general3A_114 {dimension_numbers = #tpu.dot_dimension_numbers<[1], [0], [0], [1], [0, 0, 1, 1], [], []>, transpose_lhs_hint = false} : vector<1x256xf32>, vector<256x64xf32>, vector<1x64xf32> -> vector<1x64xf32>
    %get3A_116 = arith.constant 0 : index
    %get3A_117 = arith.constant 0 : index
    %get3A_118 = vector.load %arg16[%get3A_116, %get3A_117] : memref<1x64xf32, #tpu.memory_space<vmem>>, vector<1x64xf32>
    %add3A_119 = arith.addf %dot_general3A_115, %get3A_118 : vector<1x64xf32>
    %get3A_120 = arith.constant 0 : index
    %get3A_121 = arith.constant 0 : index
    %get3A_122 = vector.load %arg17[%get3A_120, %get3A_121] : memref<128x1xf32, #tpu.memory_space<vmem>>, vector<128x1xf32>
    %dot_general3A_123 = arith.constant dense<0.000000e+00> : vector<256x1xf32>
    %dot_general3A_124 = tpu.matmul %get3A_1, %get3A_122, %dot_general3A_123 {dimension_numbers = #tpu.dot_dimension_numbers<[1], [0], [0], [1], [0, 0, 1, 1], [], []>, transpose_lhs_hint = false} : vector<256x128xf32>, vector<128x1xf32>, vector<256x1xf32> -> vector<256x1xf32>
    %reduce_max3A = vector.shape_cast %dot_general3A_124 : vector<256x1xf32> to vector<1x256x1xf32>
    %reduce_max3A_125 = arith.constant dense<0xFF800000> : vector<1xf32>
    %reduce_max3A_126 = vector.multi_reduction <maximumf>, %reduce_max3A, %reduce_max3A_125 [1, 2] : vector<1x256x1xf32> to vector<1xf32>
    %reduce_max3A_127 = vector.shape_cast %reduce_max3A_126 : vector<1xf32> to vector<1x1x1xf32>
    %reduce_max3A_128 = vector.extract %reduce_max3A_127[0, 0, 0] : f32 from vector<1x1x1xf32>
    %sub3A_129 = vector.broadcast %reduce_max3A_128 : f32 to vector<256x1xf32>
    %sub3A_130 = arith.subf %dot_general3A_124, %sub3A_129 : vector<256x1xf32>
    %exp3A_131 = math.exp %sub3A_130 : vector<256x1xf32>
    %reduce_sum3A_132 = vector.shape_cast %exp3A_131 : vector<256x1xf32> to vector<1x256x1xf32>
    %reduce_sum3A_133 = arith.constant dense<0.000000e+00> : vector<1xf32>
    %reduce_sum3A_134 = vector.multi_reduction <add>, %reduce_sum3A_132, %reduce_sum3A_133 [1, 2] : vector<1x256x1xf32> to vector<1xf32>
    %reduce_sum3A_135 = vector.shape_cast %reduce_sum3A_134 : vector<1xf32> to vector<1x1x1xf32>
    %reduce_sum3A_136 = vector.extract %reduce_sum3A_135[0, 0, 0] : f32 from vector<1x1x1xf32>
    %div3A_137 = vector.broadcast %reduce_sum3A_136 : f32 to vector<256x1xf32>
    %div3A_138 = arith.divf %exp3A_131, %div3A_137 : vector<256x1xf32>
    %get3A_139 = arith.constant 0 : index
    %get3A_140 = arith.constant 0 : index
    %get3A_141 = vector.load %arg18[%get3A_139, %get3A_140] : memref<320x128xf32, #tpu.memory_space<vmem>>, vector<320x128xf32>
    %slice3A_142 = vector.extract_strided_slice %get3A_141 {offsets = [0, 0], sizes = [128, 128], strides = [1, 1]} : vector<320x128xf32> to vector<128x128xf32>
    %dot_general3A_143 = arith.constant dense<0.000000e+00> : vector<256x128xf32>
    %dot_general3A_144 = tpu.matmul %get3A_1, %slice3A_142, %dot_general3A_143 {dimension_numbers = #tpu.dot_dimension_numbers<[1], [0], [0], [1], [0, 0, 1, 1], [], []>, transpose_lhs_hint = false} : vector<256x128xf32>, vector<128x128xf32>, vector<256x128xf32> -> vector<256x128xf32>
    %slice3A_145 = vector.extract_strided_slice %get3A_141 {offsets = [128, 0], sizes = [128, 128], strides = [1, 1]} : vector<320x128xf32> to vector<128x128xf32>
    %dot_general3A_146 = arith.constant dense<0.000000e+00> : vector<256x128xf32>
    %dot_general3A_147 = tpu.matmul %div3A_95, %slice3A_145, %dot_general3A_146 {dimension_numbers = #tpu.dot_dimension_numbers<[1], [0], [0], [1], [0, 0, 1, 1], [], []>, transpose_lhs_hint = false} : vector<256x128xf32>, vector<128x128xf32>, vector<256x128xf32> -> vector<256x128xf32>
    %add3A_148 = arith.addf %dot_general3A_144, %dot_general3A_147 : vector<256x128xf32>
    %slice3A_149 = vector.extract_strided_slice %get3A_141 {offsets = [256, 0], sizes = [64, 128], strides = [1, 1]} : vector<320x128xf32> to vector<64x128xf32>
    %dot_general3A_150 = arith.constant dense<0.000000e+00> : vector<1x128xf32>
    %dot_general3A_151 = tpu.matmul %add3A_119, %slice3A_149, %dot_general3A_150 {dimension_numbers = #tpu.dot_dimension_numbers<[1], [0], [0], [1], [0, 0, 1, 1], [], []>, transpose_lhs_hint = false} : vector<1x64xf32>, vector<64x128xf32>, vector<1x128xf32> -> vector<1x128xf32>
    %mul3A_152 = vector.broadcast %div3A_138 : vector<256x1xf32> to vector<256x128xf32>
    %mul3A_153 = vector.broadcast %dot_general3A_151 : vector<1x128xf32> to vector<256x128xf32>
    %mul3A_154 = arith.mulf %mul3A_152, %mul3A_153 : vector<256x128xf32>
    %add3A_155 = arith.addf %add3A_148, %mul3A_154 : vector<256x128xf32>
    %get3A_156 = arith.constant 0 : index
    %get3A_157 = arith.constant 0 : index
    %get3A_158 = vector.load %arg19[%get3A_156, %get3A_157] : memref<1x128xf32, #tpu.memory_space<vmem>>, vector<1x128xf32>
    %add3A_159 = vector.broadcast %get3A_158 : vector<1x128xf32> to vector<256x128xf32>
    %add3A_160 = arith.addf %add3A_155, %add3A_159 : vector<256x128xf32>
    %gt3A_161 = arith.constant 0.000000e+00 : f32
    %gt3A_162 = vector.broadcast %gt3A_161 : f32 to vector<256x128xf32>
    %gt3A_163 = arith.cmpf ogt, %add3A_160, %gt3A_162 : vector<256x128xf32>
    %exp3A_164 = math.exp %add3A_160 : vector<256x128xf32>
    %sub3A_165 = arith.constant 1.000000e+00 : f32
    %sub3A_166 = vector.broadcast %sub3A_165 : f32 to vector<256x128xf32>
    %sub3A_167 = arith.subf %exp3A_164, %sub3A_166 : vector<256x128xf32>
    %select_n3A_168 = arith.select %gt3A_163, %add3A_160, %sub3A_167 : vector<256x128xi1>, vector<256x128xf32>
    %get3A_169 = arith.constant 0 : index
    %get3A_170 = arith.constant 0 : index
    %get3A_171 = vector.load %arg20[%get3A_169, %get3A_170] : memref<128x128xf32, #tpu.memory_space<vmem>>, vector<128x128xf32>
    %dot_general3A_172 = arith.constant dense<0.000000e+00> : vector<256x128xf32>
    %dot_general3A_173 = tpu.matmul %select_n3A_168, %get3A_171, %dot_general3A_172 {dimension_numbers = #tpu.dot_dimension_numbers<[1], [0], [0], [1], [0, 0, 1, 1], [], []>, transpose_lhs_hint = false} : vector<256x128xf32>, vector<128x128xf32>, vector<256x128xf32> -> vector<256x128xf32>
    %get3A_174 = arith.constant 0 : index
    %get3A_175 = arith.constant 0 : index
    %get3A_176 = vector.load %arg21[%get3A_174, %get3A_175] : memref<1x128xf32, #tpu.memory_space<vmem>>, vector<1x128xf32>
    %add3A_177 = vector.broadcast %get3A_176 : vector<1x128xf32> to vector<256x128xf32>
    %add3A_178 = arith.addf %dot_general3A_173, %add3A_177 : vector<256x128xf32>
    %add3A_179 = arith.addf %get3A_1, %add3A_178 : vector<256x128xf32>
    %get3A_180 = arith.constant 0 : index
    %get3A_181 = arith.constant 0 : index
    %get3A_182 = vector.load %arg22[%get3A_180, %get3A_181] : memref<1x128xf32, #tpu.memory_space<vmem>>, vector<1x128xf32>
    %get3A_183 = arith.constant 0 : index
    %get3A_184 = arith.constant 0 : index
    %get3A_185 = vector.load %arg23[%get3A_183, %get3A_184] : memref<1x128xf32, #tpu.memory_space<vmem>>, vector<1x128xf32>
    %reduce_sum3A_186 = arith.constant dense<0.000000e+00> : vector<256xf32>
    %reduce_sum3A_187 = vector.multi_reduction <add>, %add3A_179, %reduce_sum3A_186 [1] : vector<256x128xf32> to vector<256xf32>
    %broadcast_in_dim3A_188 = vector.shape_cast %reduce_sum3A_187 : vector<256xf32> to vector<256x1xf32>
    %div3A_189 = arith.constant 1.280000e+02 : f32
    %div3A_190 = vector.broadcast %div3A_189 : f32 to vector<256x1xf32>
    %div3A_191 = arith.divf %broadcast_in_dim3A_188, %div3A_190 : vector<256x1xf32>
    %sub3A_192 = vector.broadcast %div3A_191 : vector<256x1xf32> to vector<256x128xf32>
    %sub3A_193 = arith.subf %add3A_179, %sub3A_192 : vector<256x128xf32>
    %integer_pow3A_194 = arith.mulf %sub3A_193, %sub3A_193 : vector<256x128xf32>
    %reduce_sum3A_195 = arith.constant dense<0.000000e+00> : vector<256xf32>
    %reduce_sum3A_196 = vector.multi_reduction <add>, %integer_pow3A_194, %reduce_sum3A_195 [1] : vector<256x128xf32> to vector<256xf32>
    %broadcast_in_dim3A_197 = vector.shape_cast %reduce_sum3A_196 : vector<256xf32> to vector<256x1xf32>
    %div3A_198 = arith.constant 1.280000e+02 : f32
    %div3A_199 = vector.broadcast %div3A_198 : f32 to vector<256x1xf32>
    %div3A_200 = arith.divf %broadcast_in_dim3A_197, %div3A_199 : vector<256x1xf32>
    %sub3A_201 = vector.broadcast %div3A_191 : vector<256x1xf32> to vector<256x128xf32>
    %sub3A_202 = arith.subf %add3A_179, %sub3A_201 : vector<256x128xf32>
    %add3A_203 = arith.constant 9.99999974E-6 : f32
    %add3A_204 = vector.broadcast %add3A_203 : f32 to vector<256x1xf32>
    %add3A_205 = arith.addf %div3A_200, %add3A_204 : vector<256x1xf32>
    %sqrt3A_206 = math.sqrt %add3A_205 : vector<256x1xf32>
    %div3A_207 = vector.broadcast %sqrt3A_206 : vector<256x1xf32> to vector<256x128xf32>
    %div3A_208 = arith.divf %sub3A_202, %div3A_207 : vector<256x128xf32>
    %mul3A_209 = vector.broadcast %get3A_182 : vector<1x128xf32> to vector<256x128xf32>
    %mul3A_210 = arith.mulf %div3A_208, %mul3A_209 : vector<256x128xf32>
    %add3A_211 = vector.broadcast %get3A_185 : vector<1x128xf32> to vector<256x128xf32>
    %add3A_212 = arith.addf %mul3A_210, %add3A_211 : vector<256x128xf32>
    %get3A_213 = arith.constant 0 : index
    %get3A_214 = arith.constant 0 : index
    %get3A_215 = vector.load %arg6[%get3A_213, %get3A_214] : memref<256x1xi32, #tpu.memory_space<vmem>>, vector<256x1xi32>
    %get3A_216 = arith.constant 0 : index
    %get3A_217 = arith.constant 0 : index
    %get3A_218 = vector.load %arg7[%get3A_216, %get3A_217] : memref<1x256xi32, #tpu.memory_space<vmem>>, vector<1x256xi32>
    %iota3A_219 = tpu.iota {dimensions = array<i32: 1>} : vector<256x256xi32>
    %eq3A_220 = vector.broadcast %get3A_215 : vector<256x1xi32> to vector<256x256xi32>
    %eq3A_221 = vector.broadcast %get3A_218 : vector<1x256xi32> to vector<256x256xi32>
    %eq3A_222 = arith.cmpi eq, %eq3A_220, %eq3A_221 : vector<256x256xi32>
    %jit3A = arith.constant -1 : i32
    %broadcast_in_dim3A_223 = vector.broadcast %jit3A : i32 to vector<256x256xi32>
    %select_n3A_224 = arith.select %eq3A_222, %iota3A_219, %broadcast_in_dim3A_223 : vector<256x256xi1>, vector<256x256xi32>
    %reduce_max3A_225 = arith.constant dense<-2147483648> : vector<256xi32>
    %reduce_max3A_226 = vector.multi_reduction <maxsi>, %select_n3A_224, %reduce_max3A_225 [1] : vector<256x256xi32> to vector<256xi32>
    %broadcast_in_dim3A_227 = vector.shape_cast %reduce_max3A_226 : vector<256xi32> to vector<256x1xi32>
    %iota3A_228 = tpu.iota {dimensions = array<i32: 0>} : vector<256x1xi32>
    %eq3A_229 = arith.cmpi eq, %iota3A_228, %broadcast_in_dim3A_227 : vector<256x1xi32>
    %convert_element_type3A_230 = arith.extui %eq3A_229 : vector<256x1xi1> to vector<256x1xi32>
    %convert_element_type3A_231 = arith.sitofp %convert_element_type3A_230 : vector<256x1xi32> to vector<256x1xf32>
    %mul3A_232 = vector.broadcast %convert_element_type3A_231 : vector<256x1xf32> to vector<256x128xf32>
    %mul3A_233 = arith.mulf %add3A_212, %mul3A_232 : vector<256x128xf32>
    %swap3A = arith.constant 0 : index
    %swap3A_234 = arith.constant 0 : index
    %swap3A_235 = vector.load %arg24[%swap3A, %swap3A_234] : memref<256x128xf32, #tpu.memory_space<vmem>>, vector<256x128xf32>
    tpu.vector_store %arg24[%swap3A, %swap3A_234], %mul3A_233 {strides = array<i32>} : memref<256x128xf32, #tpu.memory_space<vmem>>, vector<256x128xf32>,
    return
  }
}

module attributes {stable_mosaic.version = 14 : i64} {
  func.func @_edge_body(%arg0: i32, %arg1: memref<3200x128xf32, #tpu.memory_space<vmem>>, %arg2: memref<3200x128xf32, #tpu.memory_space<vmem>>, %arg3: memref<3200x128xf32, #tpu.memory_space<vmem>>, %arg4: memref<384x128xf32, #tpu.memory_space<vmem>>, %arg5: memref<1x128xf32, #tpu.memory_space<vmem>>, %arg6: memref<128x128xf32, #tpu.memory_space<vmem>>, %arg7: memref<1x128xf32, #tpu.memory_space<vmem>>, %arg8: memref<1x128xf32, #tpu.memory_space<vmem>>, %arg9: memref<1x128xf32, #tpu.memory_space<vmem>>, %arg10: memref<3200x128xf32, #tpu.memory_space<vmem>>) attributes {dimension_semantics = [#tpu.dimension_semantics<arbitrary>], iteration_bounds = array<i64: 100>, scalar_prefetch = 0 : i64, scratch_operands = 0 : i64, tpu.core_type = #tpu.core_type<tc>, window_params = [{transform_indices = @transform_0, window_bounds = array<i64: 3200, 128>}, {transform_indices = @transform_1, window_bounds = array<i64: 3200, 128>}, {transform_indices = @transform_2, window_bounds = array<i64: 3200, 128>}, {pipeline_mode = #tpu.pipeline_mode<synchronous>, transform_indices = @transform_3, window_bounds = array<i64: 384, 128>}, {pipeline_mode = #tpu.pipeline_mode<synchronous>, transform_indices = @transform_4, window_bounds = array<i64: 1, 128>}, {pipeline_mode = #tpu.pipeline_mode<synchronous>, transform_indices = @transform_5, window_bounds = array<i64: 128, 128>}, {pipeline_mode = #tpu.pipeline_mode<synchronous>, transform_indices = @transform_6, window_bounds = array<i64: 1, 128>}, {pipeline_mode = #tpu.pipeline_mode<synchronous>, transform_indices = @transform_7, window_bounds = array<i64: 1, 128>}, {pipeline_mode = #tpu.pipeline_mode<synchronous>, transform_indices = @transform_8, window_bounds = array<i64: 1, 128>}, {transform_indices = @transform_9, window_bounds = array<i64: 3200, 128>}]} {
    %get3A = arith.constant 0 : index
    %get3A_0 = arith.constant 0 : index
    %get3A_1 = vector.load %arg3[%get3A, %get3A_0] : memref<3200x128xf32, #tpu.memory_space<vmem>>, vector<3200x128xf32>
    %get3A_2 = arith.constant 0 : index
    %get3A_3 = arith.constant 0 : index
    %get3A_4 = vector.load %arg1[%get3A_2, %get3A_3] : memref<3200x128xf32, #tpu.memory_space<vmem>>, vector<3200x128xf32>
    %get3A_5 = arith.constant 0 : index
    %get3A_6 = arith.constant 0 : index
    %get3A_7 = vector.load %arg2[%get3A_5, %get3A_6] : memref<3200x128xf32, #tpu.memory_space<vmem>>, vector<3200x128xf32>
    %add3A = arith.addf %get3A_4, %get3A_7 : vector<3200x128xf32>
    %get3A_8 = arith.constant 0 : index
    %get3A_9 = arith.constant 0 : index
    %get3A_10 = vector.load %arg4[%get3A_8, %get3A_9] : memref<384x128xf32, #tpu.memory_space<vmem>>, vector<384x128xf32>
    %slice3A = vector.extract_strided_slice %get3A_10 {offsets = [256, 0], sizes = [128, 128], strides = [1, 1]} : vector<384x128xf32> to vector<128x128xf32>
    %dot_general3A = arith.constant dense<0.000000e+00> : vector<3200x128xf32>
    %dot_general3A_11 = tpu.matmul %get3A_1, %slice3A, %dot_general3A {dimension_numbers = #tpu.dot_dimension_numbers<[1], [0], [0], [1], [0, 0, 1, 1], [], []>, transpose_lhs_hint = false} : vector<3200x128xf32>, vector<128x128xf32>, vector<3200x128xf32> -> vector<3200x128xf32>
    %add3A_12 = arith.addf %add3A, %dot_general3A_11 : vector<3200x128xf32>
    %get3A_13 = arith.constant 0 : index
    %get3A_14 = arith.constant 0 : index
    %get3A_15 = vector.load %arg5[%get3A_13, %get3A_14] : memref<1x128xf32, #tpu.memory_space<vmem>>, vector<1x128xf32>
    %add3A_16 = vector.broadcast %get3A_15 : vector<1x128xf32> to vector<3200x128xf32>
    %add3A_17 = arith.addf %add3A_12, %add3A_16 : vector<3200x128xf32>
    %gt3A = arith.constant 0.000000e+00 : f32
    %gt3A_18 = vector.broadcast %gt3A : f32 to vector<3200x128xf32>
    %gt3A_19 = arith.cmpf ogt, %add3A_17, %gt3A_18 : vector<3200x128xf32>
    %exp3A = math.exp %add3A_17 : vector<3200x128xf32>
    %sub3A = arith.constant 1.000000e+00 : f32
    %sub3A_20 = vector.broadcast %sub3A : f32 to vector<3200x128xf32>
    %sub3A_21 = arith.subf %exp3A, %sub3A_20 : vector<3200x128xf32>
    %select_n3A = arith.select %gt3A_19, %add3A_17, %sub3A_21 : vector<3200x128xi1>, vector<3200x128xf32>
    %get3A_22 = arith.constant 0 : index
    %get3A_23 = arith.constant 0 : index
    %get3A_24 = vector.load %arg6[%get3A_22, %get3A_23] : memref<128x128xf32, #tpu.memory_space<vmem>>, vector<128x128xf32>
    %dot_general3A_25 = arith.constant dense<0.000000e+00> : vector<3200x128xf32>
    %dot_general3A_26 = tpu.matmul %select_n3A, %get3A_24, %dot_general3A_25 {dimension_numbers = #tpu.dot_dimension_numbers<[1], [0], [0], [1], [0, 0, 1, 1], [], []>, transpose_lhs_hint = false} : vector<3200x128xf32>, vector<128x128xf32>, vector<3200x128xf32> -> vector<3200x128xf32>
    %get3A_27 = arith.constant 0 : index
    %get3A_28 = arith.constant 0 : index
    %get3A_29 = vector.load %arg7[%get3A_27, %get3A_28] : memref<1x128xf32, #tpu.memory_space<vmem>>, vector<1x128xf32>
    %add3A_30 = vector.broadcast %get3A_29 : vector<1x128xf32> to vector<3200x128xf32>
    %add3A_31 = arith.addf %dot_general3A_26, %add3A_30 : vector<3200x128xf32>
    %add3A_32 = arith.addf %get3A_1, %add3A_31 : vector<3200x128xf32>
    %get3A_33 = arith.constant 0 : index
    %get3A_34 = arith.constant 0 : index
    %get3A_35 = vector.load %arg8[%get3A_33, %get3A_34] : memref<1x128xf32, #tpu.memory_space<vmem>>, vector<1x128xf32>
    %get3A_36 = arith.constant 0 : index
    %get3A_37 = arith.constant 0 : index
    %get3A_38 = vector.load %arg9[%get3A_36, %get3A_37] : memref<1x128xf32, #tpu.memory_space<vmem>>, vector<1x128xf32>
    %reduce_sum3A = arith.constant dense<0.000000e+00> : vector<3200xf32>
    %reduce_sum3A_39 = vector.multi_reduction <add>, %add3A_32, %reduce_sum3A [1] : vector<3200x128xf32> to vector<3200xf32>
    %broadcast_in_dim3A = vector.shape_cast %reduce_sum3A_39 : vector<3200xf32> to vector<3200x1xf32>
    %div3A = arith.constant 1.280000e+02 : f32
    %div3A_40 = vector.broadcast %div3A : f32 to vector<3200x1xf32>
    %div3A_41 = arith.divf %broadcast_in_dim3A, %div3A_40 : vector<3200x1xf32>
    %sub3A_42 = vector.broadcast %div3A_41 : vector<3200x1xf32> to vector<3200x128xf32>
    %sub3A_43 = arith.subf %add3A_32, %sub3A_42 : vector<3200x128xf32>
    %integer_pow3A = arith.mulf %sub3A_43, %sub3A_43 : vector<3200x128xf32>
    %reduce_sum3A_44 = arith.constant dense<0.000000e+00> : vector<3200xf32>
    %reduce_sum3A_45 = vector.multi_reduction <add>, %integer_pow3A, %reduce_sum3A_44 [1] : vector<3200x128xf32> to vector<3200xf32>
    %broadcast_in_dim3A_46 = vector.shape_cast %reduce_sum3A_45 : vector<3200xf32> to vector<3200x1xf32>
    %div3A_47 = arith.constant 1.280000e+02 : f32
    %div3A_48 = vector.broadcast %div3A_47 : f32 to vector<3200x1xf32>
    %div3A_49 = arith.divf %broadcast_in_dim3A_46, %div3A_48 : vector<3200x1xf32>
    %sub3A_50 = vector.broadcast %div3A_41 : vector<3200x1xf32> to vector<3200x128xf32>
    %sub3A_51 = arith.subf %add3A_32, %sub3A_50 : vector<3200x128xf32>
    %add3A_52 = arith.constant 9.99999974E-6 : f32
    %add3A_53 = vector.broadcast %add3A_52 : f32 to vector<3200x1xf32>
    %add3A_54 = arith.addf %div3A_49, %add3A_53 : vector<3200x1xf32>
    %sqrt3A = math.sqrt %add3A_54 : vector<3200x1xf32>
    %div3A_55 = vector.broadcast %sqrt3A : vector<3200x1xf32> to vector<3200x128xf32>
    %div3A_56 = arith.divf %sub3A_51, %div3A_55 : vector<3200x128xf32>
    %mul3A = vector.broadcast %get3A_35 : vector<1x128xf32> to vector<3200x128xf32>
    %mul3A_57 = arith.mulf %div3A_56, %mul3A : vector<3200x128xf32>
    %add3A_58 = vector.broadcast %get3A_38 : vector<1x128xf32> to vector<3200x128xf32>
    %add3A_59 = arith.addf %mul3A_57, %add3A_58 : vector<3200x128xf32>
    %swap3A = arith.constant 0 : index
    %swap3A_60 = arith.constant 0 : index
    %swap3A_61 = vector.load %arg10[%swap3A, %swap3A_60] : memref<3200x128xf32, #tpu.memory_space<vmem>>, vector<3200x128xf32>
    tpu.vector_store %arg10[%swap3A, %swap3A_60], %add3A_59 {strides = array<i32>} : memref<3200x128xf32, #tpu.memory_space<vmem>>, vector<3200x128xf32>,
    return
  }
  func.func @transform_0(%arg0: i32) -> (i32, i32) {
    %c0_i32 = arith.constant 0 : i32
    %c0_i32_0 = arith.constant 0 : i32
    return %arg0, %c0_i32 : i32, i32
  }
  func.func @transform_1(%arg0: i32) -> (i32, i32) {
    %c0_i32 = arith.constant 0 : i32
    %c0_i32_0 = arith.constant 0 : i32
    return %arg0, %c0_i32 : i32, i32
  }
  func.func @transform_2(%arg0: i32) -> (i32, i32) {
    %c0_i32 = arith.constant 0 : i32
    %c0_i32_0 = arith.constant 0 : i32
    return %arg0, %c0_i32 : i32, i32
  }
  func.func @transform_3(%arg0: i32) -> (i32, i32) {
    %c0_i32 = arith.constant 0 : i32
    %c0_i32_0 = arith.constant 0 : i32
    %c0_i32_1 = arith.constant 0 : i32
    return %c0_i32, %c0_i32_0 : i32, i32
  }
  func.func @transform_4(%arg0: i32) -> (i32, i32) {
    %c0_i32 = arith.constant 0 : i32
    %c0_i32_0 = arith.constant 0 : i32
    %c0_i32_1 = arith.constant 0 : i32
    return %c0_i32, %c0_i32_0 : i32, i32
  }
  func.func @transform_5(%arg0: i32) -> (i32, i32) {
    %c0_i32 = arith.constant 0 : i32
    %c0_i32_0 = arith.constant 0 : i32
    %c0_i32_1 = arith.constant 0 : i32
    return %c0_i32, %c0_i32_0 : i32, i32
  }
  func.func @transform_6(%arg0: i32) -> (i32, i32) {
    %c0_i32 = arith.constant 0 : i32
    %c0_i32_0 = arith.constant 0 : i32
    %c0_i32_1 = arith.constant 0 : i32
    return %c0_i32, %c0_i32_0 : i32, i32
  }
  func.func @transform_7(%arg0: i32) -> (i32, i32) {
    %c0_i32 = arith.constant 0 : i32
    %c0_i32_0 = arith.constant 0 : i32
    %c0_i32_1 = arith.constant 0 : i32
    return %c0_i32, %c0_i32_0 : i32, i32
  }
  func.func @transform_8(%arg0: i32) -> (i32, i32) {
    %c0_i32 = arith.constant 0 : i32
    %c0_i32_0 = arith.constant 0 : i32
    %c0_i32_1 = arith.constant 0 : i32
    return %c0_i32, %c0_i32_0 : i32, i32
  }
  func.func @transform_9(%arg0: i32) -> (i32, i32) {
    %c0_i32 = arith.constant 0 : i32
    %c0_i32_0 = arith.constant 0 : i32
    return %arg0, %c0_i32 : i32, i32
  }
}

module attributes {stable_mosaic.version = 14 : i64} {
  func.func @_decode_body(%arg0: i32, %arg1: memref<1000x128xf32, #tpu.memory_space<vmem>>, %arg2: memref<2x1000x128xf32, #tpu.memory_space<vmem>>, %arg3: memref<2x1000x128xf32, #tpu.memory_space<vmem>>, %arg4: memref<256x128xf32, #tpu.memory_space<vmem>>, %arg5: memref<1x128xf32, #tpu.memory_space<vmem>>, %arg6: memref<128x128xf32, #tpu.memory_space<vmem>>, %arg7: memref<1x128xf32, #tpu.memory_space<vmem>>, %arg8: memref<1x128xf32, #tpu.memory_space<vmem>>, %arg9: memref<1x128xf32, #tpu.memory_space<vmem>>, %arg10: memref<128x128xf32, #tpu.memory_space<vmem>>, %arg11: memref<1x128xf32, #tpu.memory_space<vmem>>, %arg12: memref<128x128xf32, #tpu.memory_space<vmem>>, %arg13: memref<1x128xf32, #tpu.memory_space<vmem>>, %arg14: memref<1000x128xf32, #tpu.memory_space<vmem>>) attributes {dimension_semantics = [#tpu.dimension_semantics<arbitrary>], iteration_bounds = array<i64: 10>, scalar_prefetch = 0 : i64, scratch_operands = 0 : i64, tpu.core_type = #tpu.core_type<tc>, window_params = [{transform_indices = @transform_0, window_bounds = array<i64: 1000, 128>}, {transform_indices = @transform_1, window_bounds = array<i64: 2, 1000, 128>}, {transform_indices = @transform_2, window_bounds = array<i64: 2, 1000, 128>}, {pipeline_mode = #tpu.pipeline_mode<synchronous>, transform_indices = @transform_3, window_bounds = array<i64: 256, 128>}, {pipeline_mode = #tpu.pipeline_mode<synchronous>, transform_indices = @transform_4, window_bounds = array<i64: 1, 128>}, {pipeline_mode = #tpu.pipeline_mode<synchronous>, transform_indices = @transform_5, window_bounds = array<i64: 128, 128>}, {pipeline_mode = #tpu.pipeline_mode<synchronous>, transform_indices = @transform_6, window_bounds = array<i64: 1, 128>}, {pipeline_mode = #tpu.pipeline_mode<synchronous>, transform_indices = @transform_7, window_bounds = array<i64: 1, 128>}, {pipeline_mode = #tpu.pipeline_mode<synchronous>, transform_indices = @transform_8, window_bounds = array<i64: 1, 128>}, {pipeline_mode = #tpu.pipeline_mode<synchronous>, transform_indices = @transform_9, window_bounds = array<i64: 128, 128>}, {pipeline_mode = #tpu.pipeline_mode<synchronous>, transform_indices = @transform_10, window_bounds = array<i64: 1, 128>}, {pipeline_mode = #tpu.pipeline_mode<synchronous>, transform_indices = @transform_11, window_bounds = array<i64: 128, 128>}, {pipeline_mode = #tpu.pipeline_mode<synchronous>, transform_indices = @transform_12, window_bounds = array<i64: 1, 128>}, {transform_indices = @transform_13, window_bounds = array<i64: 1000, 128>}]} {
    %get3A = arith.constant 0 : index
    %get3A_0 = arith.constant 0 : index
    %get3A_1 = vector.load %arg1[%get3A, %get3A_0] : memref<1000x128xf32, #tpu.memory_space<vmem>>, vector<1000x128xf32>
    %get3A_2 = arith.constant 0 : index
    %get3A_3 = arith.constant 0 : index
    %get3A_4 = arith.constant 0 : index
    %get3A_5 = vector.load %arg3[%get3A_2, %get3A_3, %get3A_4] : memref<2x1000x128xf32, #tpu.memory_space<vmem>>, vector<1x1000x1xf32>
    %get3A_6 = vector.shape_cast %get3A_5 : vector<1x1000x1xf32> to vector<1000x1xf32>
    %get3A_7 = arith.constant 1 : index
    %get3A_8 = arith.constant 0 : index
    %get3A_9 = arith.constant 0 : index
    %get3A_10 = vector.load %arg3[%get3A_7, %get3A_8, %get3A_9] : memref<2x1000x128xf32, #tpu.memory_space<vmem>>, vector<1x1000x1xf32>
    %get3A_11 = vector.shape_cast %get3A_10 : vector<1x1000x1xf32> to vector<1000x1xf32>
    %add3A = arith.addf %get3A_6, %get3A_11 : vector<1000x1xf32>
    %max3A = arith.constant 1.000000e+00 : f32
    %max3A_12 = vector.broadcast %max3A : f32 to vector<1000x1xf32>
    %max3A_13 = arith.maximumf %add3A, %max3A_12 : vector<1000x1xf32>
    %get3A_14 = arith.constant 0 : index
    %get3A_15 = arith.constant 0 : index
    %get3A_16 = arith.constant 0 : index
    %get3A_17 = vector.load %arg2[%get3A_14, %get3A_15, %get3A_16] : memref<2x1000x128xf32, #tpu.memory_space<vmem>>, vector<1x1000x128xf32>
    %get3A_18 = vector.shape_cast %get3A_17 : vector<1x1000x128xf32> to vector<1000x128xf32>
    %get3A_19 = arith.constant 1 : index
    %get3A_20 = arith.constant 0 : index
    %get3A_21 = arith.constant 0 : index
    %get3A_22 = vector.load %arg2[%get3A_19, %get3A_20, %get3A_21] : memref<2x1000x128xf32, #tpu.memory_space<vmem>>, vector<1x1000x128xf32>
    %get3A_23 = vector.shape_cast %get3A_22 : vector<1x1000x128xf32> to vector<1000x128xf32>
    %add3A_24 = arith.addf %get3A_18, %get3A_23 : vector<1000x128xf32>
    %div3A = vector.broadcast %max3A_13 : vector<1000x1xf32> to vector<1000x128xf32>
    %div3A_25 = arith.divf %add3A_24, %div3A : vector<1000x128xf32>
    %get3A_26 = arith.constant 0 : index
    %get3A_27 = arith.constant 0 : index
    %get3A_28 = vector.load %arg4[%get3A_26, %get3A_27] : memref<256x128xf32, #tpu.memory_space<vmem>>, vector<256x128xf32>
    %slice3A = vector.extract_strided_slice %get3A_28 {offsets = [0, 0], sizes = [128, 128], strides = [1, 1]} : vector<256x128xf32> to vector<128x128xf32>
    %dot_general3A = arith.constant dense<0.000000e+00> : vector<1000x128xf32>
    %dot_general3A_29 = tpu.matmul %get3A_1, %slice3A, %dot_general3A {dimension_numbers = #tpu.dot_dimension_numbers<[1], [0], [0], [1], [0, 0, 1, 1], [], []>, transpose_lhs_hint = false} : vector<1000x128xf32>, vector<128x128xf32>, vector<1000x128xf32> -> vector<1000x128xf32>
    %slice3A_30 = vector.extract_strided_slice %get3A_28 {offsets = [128, 0], sizes = [128, 128], strides = [1, 1]} : vector<256x128xf32> to vector<128x128xf32>
    %dot_general3A_31 = arith.constant dense<0.000000e+00> : vector<1000x128xf32>
    %dot_general3A_32 = tpu.matmul %div3A_25, %slice3A_30, %dot_general3A_31 {dimension_numbers = #tpu.dot_dimension_numbers<[1], [0], [0], [1], [0, 0, 1, 1], [], []>, transpose_lhs_hint = false} : vector<1000x128xf32>, vector<128x128xf32>, vector<1000x128xf32> -> vector<1000x128xf32>
    %add3A_33 = arith.addf %dot_general3A_29, %dot_general3A_32 : vector<1000x128xf32>
    %get3A_34 = arith.constant 0 : index
    %get3A_35 = arith.constant 0 : index
    %get3A_36 = vector.load %arg5[%get3A_34, %get3A_35] : memref<1x128xf32, #tpu.memory_space<vmem>>, vector<1x128xf32>
    %add3A_37 = vector.broadcast %get3A_36 : vector<1x128xf32> to vector<1000x128xf32>
    %add3A_38 = arith.addf %add3A_33, %add3A_37 : vector<1000x128xf32>
    %gt3A = arith.constant 0.000000e+00 : f32
    %gt3A_39 = vector.broadcast %gt3A : f32 to vector<1000x128xf32>
    %gt3A_40 = arith.cmpf ogt, %add3A_38, %gt3A_39 : vector<1000x128xf32>
    %exp3A = math.exp %add3A_38 : vector<1000x128xf32>
    %sub3A = arith.constant 1.000000e+00 : f32
    %sub3A_41 = vector.broadcast %sub3A : f32 to vector<1000x128xf32>
    %sub3A_42 = arith.subf %exp3A, %sub3A_41 : vector<1000x128xf32>
    %select_n3A = arith.select %gt3A_40, %add3A_38, %sub3A_42 : vector<1000x128xi1>, vector<1000x128xf32>
    %get3A_43 = arith.constant 0 : index
    %get3A_44 = arith.constant 0 : index
    %get3A_45 = vector.load %arg6[%get3A_43, %get3A_44] : memref<128x128xf32, #tpu.memory_space<vmem>>, vector<128x128xf32>
    %dot_general3A_46 = arith.constant dense<0.000000e+00> : vector<1000x128xf32>
    %dot_general3A_47 = tpu.matmul %select_n3A, %get3A_45, %dot_general3A_46 {dimension_numbers = #tpu.dot_dimension_numbers<[1], [0], [0], [1], [0, 0, 1, 1], [], []>, transpose_lhs_hint = false} : vector<1000x128xf32>, vector<128x128xf32>, vector<1000x128xf32> -> vector<1000x128xf32>
    %get3A_48 = arith.constant 0 : index
    %get3A_49 = arith.constant 0 : index
    %get3A_50 = vector.load %arg7[%get3A_48, %get3A_49] : memref<1x128xf32, #tpu.memory_space<vmem>>, vector<1x128xf32>
    %add3A_51 = vector.broadcast %get3A_50 : vector<1x128xf32> to vector<1000x128xf32>
    %add3A_52 = arith.addf %dot_general3A_47, %add3A_51 : vector<1000x128xf32>
    %add3A_53 = arith.addf %get3A_1, %add3A_52 : vector<1000x128xf32>
    %get3A_54 = arith.constant 0 : index
    %get3A_55 = arith.constant 0 : index
    %get3A_56 = vector.load %arg8[%get3A_54, %get3A_55] : memref<1x128xf32, #tpu.memory_space<vmem>>, vector<1x128xf32>
    %get3A_57 = arith.constant 0 : index
    %get3A_58 = arith.constant 0 : index
    %get3A_59 = vector.load %arg9[%get3A_57, %get3A_58] : memref<1x128xf32, #tpu.memory_space<vmem>>, vector<1x128xf32>
    %reduce_sum3A = arith.constant dense<0.000000e+00> : vector<1000xf32>
    %reduce_sum3A_60 = vector.multi_reduction <add>, %add3A_53, %reduce_sum3A [1] : vector<1000x128xf32> to vector<1000xf32>
    %broadcast_in_dim3A = vector.shape_cast %reduce_sum3A_60 : vector<1000xf32> to vector<1000x1xf32>
    %div3A_61 = arith.constant 1.280000e+02 : f32
    %div3A_62 = vector.broadcast %div3A_61 : f32 to vector<1000x1xf32>
    %div3A_63 = arith.divf %broadcast_in_dim3A, %div3A_62 : vector<1000x1xf32>
    %sub3A_64 = vector.broadcast %div3A_63 : vector<1000x1xf32> to vector<1000x128xf32>
    %sub3A_65 = arith.subf %add3A_53, %sub3A_64 : vector<1000x128xf32>
    %integer_pow3A = arith.mulf %sub3A_65, %sub3A_65 : vector<1000x128xf32>
    %reduce_sum3A_66 = arith.constant dense<0.000000e+00> : vector<1000xf32>
    %reduce_sum3A_67 = vector.multi_reduction <add>, %integer_pow3A, %reduce_sum3A_66 [1] : vector<1000x128xf32> to vector<1000xf32>
    %broadcast_in_dim3A_68 = vector.shape_cast %reduce_sum3A_67 : vector<1000xf32> to vector<1000x1xf32>
    %div3A_69 = arith.constant 1.280000e+02 : f32
    %div3A_70 = vector.broadcast %div3A_69 : f32 to vector<1000x1xf32>
    %div3A_71 = arith.divf %broadcast_in_dim3A_68, %div3A_70 : vector<1000x1xf32>
    %sub3A_72 = vector.broadcast %div3A_63 : vector<1000x1xf32> to vector<1000x128xf32>
    %sub3A_73 = arith.subf %add3A_53, %sub3A_72 : vector<1000x128xf32>
    %add3A_74 = arith.constant 9.99999974E-6 : f32
    %add3A_75 = vector.broadcast %add3A_74 : f32 to vector<1000x1xf32>
    %add3A_76 = arith.addf %div3A_71, %add3A_75 : vector<1000x1xf32>
    %sqrt3A = math.sqrt %add3A_76 : vector<1000x1xf32>
    %div3A_77 = vector.broadcast %sqrt3A : vector<1000x1xf32> to vector<1000x128xf32>
    %div3A_78 = arith.divf %sub3A_73, %div3A_77 : vector<1000x128xf32>
    %mul3A = vector.broadcast %get3A_56 : vector<1x128xf32> to vector<1000x128xf32>
    %mul3A_79 = arith.mulf %div3A_78, %mul3A : vector<1000x128xf32>
    %add3A_80 = vector.broadcast %get3A_59 : vector<1x128xf32> to vector<1000x128xf32>
    %add3A_81 = arith.addf %mul3A_79, %add3A_80 : vector<1000x128xf32>
    %get3A_82 = arith.constant 0 : index
    %get3A_83 = arith.constant 0 : index
    %get3A_84 = vector.load %arg10[%get3A_82, %get3A_83] : memref<128x128xf32, #tpu.memory_space<vmem>>, vector<128x128xf32>
    %dot_general3A_85 = arith.constant dense<0.000000e+00> : vector<1000x128xf32>
    %dot_general3A_86 = tpu.matmul %add3A_81, %get3A_84, %dot_general3A_85 {dimension_numbers = #tpu.dot_dimension_numbers<[1], [0], [0], [1], [0, 0, 1, 1], [], []>, transpose_lhs_hint = false} : vector<1000x128xf32>, vector<128x128xf32>, vector<1000x128xf32> -> vector<1000x128xf32>
    %get3A_87 = arith.constant 0 : index
    %get3A_88 = arith.constant 0 : index
    %get3A_89 = vector.load %arg11[%get3A_87, %get3A_88] : memref<1x128xf32, #tpu.memory_space<vmem>>, vector<1x128xf32>
    %add3A_90 = vector.broadcast %get3A_89 : vector<1x128xf32> to vector<1000x128xf32>
    %add3A_91 = arith.addf %dot_general3A_86, %add3A_90 : vector<1000x128xf32>
    %gt3A_92 = arith.constant 0.000000e+00 : f32
    %gt3A_93 = vector.broadcast %gt3A_92 : f32 to vector<1000x128xf32>
    %gt3A_94 = arith.cmpf ogt, %add3A_91, %gt3A_93 : vector<1000x128xf32>
    %exp3A_95 = math.exp %add3A_91 : vector<1000x128xf32>
    %sub3A_96 = arith.constant 1.000000e+00 : f32
    %sub3A_97 = vector.broadcast %sub3A_96 : f32 to vector<1000x128xf32>
    %sub3A_98 = arith.subf %exp3A_95, %sub3A_97 : vector<1000x128xf32>
    %select_n3A_99 = arith.select %gt3A_94, %add3A_91, %sub3A_98 : vector<1000x128xi1>, vector<1000x128xf32>
    %get3A_100 = arith.constant 0 : index
    %get3A_101 = arith.constant 0 : index
    %get3A_102 = vector.load %arg12[%get3A_100, %get3A_101] : memref<128x128xf32, #tpu.memory_space<vmem>>, vector<128x128xf32>
    %dot_general3A_103 = arith.constant dense<0.000000e+00> : vector<1000x128xf32>
    %dot_general3A_104 = tpu.matmul %select_n3A_99, %get3A_102, %dot_general3A_103 {dimension_numbers = #tpu.dot_dimension_numbers<[1], [0], [0], [1], [0, 0, 1, 1], [], []>, transpose_lhs_hint = false} : vector<1000x128xf32>, vector<128x128xf32>, vector<1000x128xf32> -> vector<1000x128xf32>
    %get3A_105 = arith.constant 0 : index
    %get3A_106 = arith.constant 0 : index
    %get3A_107 = vector.load %arg13[%get3A_105, %get3A_106] : memref<1x128xf32, #tpu.memory_space<vmem>>, vector<1x128xf32>
    %add3A_108 = vector.broadcast %get3A_107 : vector<1x128xf32> to vector<1000x128xf32>
    %add3A_109 = arith.addf %dot_general3A_104, %add3A_108 : vector<1000x128xf32>
    %swap3A = arith.constant 0 : index
    %swap3A_110 = arith.constant 0 : index
    %swap3A_111 = vector.load %arg14[%swap3A, %swap3A_110] : memref<1000x128xf32, #tpu.memory_space<vmem>>, vector<1000x128xf32>
    tpu.vector_store %arg14[%swap3A, %swap3A_110], %add3A_109 {strides = array<i32>} : memref<1000x128xf32, #tpu.memory_space<vmem>>, vector<1000x128xf32>,
    return
  }
  func.func @transform_0(%arg0: i32) -> (i32, i32) {
    %c0_i32 = arith.constant 0 : i32
    %c0_i32_0 = arith.constant 0 : i32
    return %arg0, %c0_i32 : i32, i32
  }
  func.func @transform_1(%arg0: i32) -> (i32, i32, i32) {
    %c0_i32 = arith.constant 0 : i32
    %c0_i32_0 = arith.constant 0 : i32
    %c0_i32_1 = arith.constant 0 : i32
    return %c0_i32, %arg0, %c0_i32_0 : i32, i32, i32
  }
  func.func @transform_2(%arg0: i32) -> (i32, i32, i32) {
    %c0_i32 = arith.constant 0 : i32
    %c0_i32_0 = arith.constant 0 : i32
    %c0_i32_1 = arith.constant 0 : i32
    return %c0_i32, %arg0, %c0_i32_0 : i32, i32, i32
  }
  func.func @transform_3(%arg0: i32) -> (i32, i32) {
    %c0_i32 = arith.constant 0 : i32
    %c0_i32_0 = arith.constant 0 : i32
    %c0_i32_1 = arith.constant 0 : i32
    return %c0_i32, %c0_i32_0 : i32, i32
  }
  func.func @transform_4(%arg0: i32) -> (i32, i32) {
    %c0_i32 = arith.constant 0 : i32
    %c0_i32_0 = arith.constant 0 : i32
    %c0_i32_1 = arith.constant 0 : i32
    return %c0_i32, %c0_i32_0 : i32, i32
  }
  func.func @transform_5(%arg0: i32) -> (i32, i32) {
    %c0_i32 = arith.constant 0 : i32
    %c0_i32_0 = arith.constant 0 : i32
    %c0_i32_1 = arith.constant 0 : i32
    return %c0_i32, %c0_i32_0 : i32, i32
  }
  func.func @transform_6(%arg0: i32) -> (i32, i32) {
    %c0_i32 = arith.constant 0 : i32
    %c0_i32_0 = arith.constant 0 : i32
    %c0_i32_1 = arith.constant 0 : i32
    return %c0_i32, %c0_i32_0 : i32, i32
  }
  func.func @transform_7(%arg0: i32) -> (i32, i32) {
    %c0_i32 = arith.constant 0 : i32
    %c0_i32_0 = arith.constant 0 : i32
    %c0_i32_1 = arith.constant 0 : i32
    return %c0_i32, %c0_i32_0 : i32, i32
  }
  func.func @transform_8(%arg0: i32) -> (i32, i32) {
    %c0_i32 = arith.constant 0 : i32
    %c0_i32_0 = arith.constant 0 : i32
    %c0_i32_1 = arith.constant 0 : i32
    return %c0_i32, %c0_i32_0 : i32, i32
  }
  func.func @transform_9(%arg0: i32) -> (i32, i32) {
    %c0_i32 = arith.constant 0 : i32
    %c0_i32_0 = arith.constant 0 : i32
    %c0_i32_1 = arith.constant 0 : i32
    return %c0_i32, %c0_i32_0 : i32, i32
  }
  func.func @transform_10(%arg0: i32) -> (i32, i32) {
    %c0_i32 = arith.constant 0 : i32
    %c0_i32_0 = arith.constant 0 : i32
    %c0_i32_1 = arith.constant 0 : i32
    return %c0_i32, %c0_i32_0 : i32, i32
  }
  func.func @transform_11(%arg0: i32) -> (i32, i32) {
    %c0_i32 = arith.constant 0 : i32
    %c0_i32_0 = arith.constant 0 : i32
    %c0_i32_1 = arith.constant 0 : i32
    return %c0_i32, %c0_i32_0 : i32, i32
  }
  func.func @transform_12(%arg0: i32) -> (i32, i32) {
    %c0_i32 = arith.constant 0 : i32
    %c0_i32_0 = arith.constant 0 : i32
    %c0_i32_1 = arith.constant 0 : i32
    return %c0_i32, %c0_i32_0 : i32, i32
  }
  func.func @transform_13(%arg0: i32) -> (i32, i32) {
    %c0_i32 = arith.constant 0 : i32
    %c0_i32_0 = arith.constant 0 : i32
    return %arg0, %c0_i32 : i32, i32
  }
}

</mosaic_0001>

<sc_bundles>
// kernel: kernel.12.cloned.1.call-start
scs
__scs_entry_jumppad:
0x0: {  	(pc) =	sbr.rel $0x88, $3  }
0x1: {  	(tag) =	ssettag $0x0;
	lr =	simm.s32 $0x1  }
0x2: {  	[smem:$0x3F79] =	sst lr;
	_ =	strace $0xD0000000  }
0x3: {  	_ = 	snop  }
0x4: {  	_ = 	snop  }
0x5: {  	_ = 	snop  }
0x6: {  	_ = 	snop  }
0x7: {  	_ = 	snop  }
__scs_overlays_trampoline_lowered:
0x8: {  	[smem:$0x3F88] =	sst s0  }
0x9: {  	[smem:$0x3F89] =	sst s1  }
0xa: {  	[smem:$0x3F8A] =	sst s2  }
0xb: {  	[smem:$0x3F8B] =	sst s3  }
0xc: {  	[smem:$0x3F8C] =	sst s4  }
0xd: {  	[smem:$0x3F8D] =	sst s5  }
0xe: {  	[smem:$0x3F8E] =	sst s6  }
0xf: {  	[smem:$0x3F8F] =	sst s7  }
0x10: {  	[smem:$0x3F90] =	sst s8  }
0x11: {  	[smem:$0x3F91] =	sst s9;
	s0 =	simm.s32 @!p0 $0x0  }
0x12: {  	s1 =	sld [smem:$0x3F77];
	s0 =	simm.s32 @p0 $0x1  }
0x13: {  	[smem:$0x3F92] =	sst s0;
	s0 =	simm.s32 @!p1 $0x0  }
0x14: {  	s2 =	sld [smem:$0x3F76];
	s0 =	simm.s32 @p1 $0x1  }
0x15: {  	[smem:$0x3F93] =	sst s0;
	s0 =	simm.s32 @!p2 $0x0  }
0x16: {  	s3 =	sld [smem:$0x3FDB];
	s0 =	simm.s32 @p2 $0x1  }
0x17: {  	s4 =	simm.s32 $0x1BF5;
	[smem:$0x3F95] =	sst s0  }
0x18: {  	s0 =	sld [smem:$0x3F78];
	_ =	swait.ge [sflag:s4], $0x0  }
0x19: {  	s7 =	sld [smem:$0x3F79]  }
0x1a: {  	s8 =	sadd.s32 $0xFFFFE003, lr  }
0x1b: {  	s9 =	sadd.s32 $0xFFFFFEF7, lr;
	s5 =	simm.s32 $0xFFFFFFFF;
	p2 =	slt.u32 s8, $0xFFFFF086  }
0x1c: {  	p1 =	slt.u32 s9, $0xF7A;
	s5 =	simm.s32 @!p2 $0x0  }
0x1d: {  	s5 =	simm.s32 @p1 $0x1;
	p0 =	seq.s32 s7, s2  }
0x1e: {  	s7 =	smul.u32 @!p0 $0xF7A, s2;
	p2 =	seq.s32 @!p0 s5, $0x0  }
0x1f: {  	s9 =	smul.u32 $0xF7A, s1;
	s8 =	simm.s32 @!p0 $0x1BF5;
	p2 =	por !p2, p0  }
0x20: {  	[sflag:s8] =	ssyncset.s32 @!p0 $0xFFFFF086;
	s6 =	sadd.s32 @!p0 s3, s7;
	s7 =	simm.s32 @!p0 $0x108  }
0x21: {  	s3 =	sadd.s32 s3, s9;
	s6 =	sadd.s32 @!p0 $0x88, s6;
	s7 =	simm.s32 @p2 $0x1082  }
0x22: {  	[simem:s7], [sflag:s8] =	dma.local @!p0 [hbm:s6], $0xF7A  }
0x23: {  	s9 =	sor.u32 $0xD0000000, s2;
	s6 =	simm.s32 $0x108;
	_ =	swait.ge @!p0 [sflag:s8], $0x0  }
0x24: {  	s3 =	sadd.s32 $0x88, s3;
	s6 =	simm.s32 @!p1 $0x1082;
	[sflag:s4] =	ssyncset.s32 $0xFFFFF086  }
0x25: {  	[simem:s6], [sflag:s4] =	dma.local [hbm:s3], $0xF7A  }
0x26: {  	[smem:$0x3F79] =	sst s1;
	(tag) =	ssettag s2;
	_ =	strace s9  }
0x27: {  	s1 =	sld [smem:$0x3F89]  }
0x28: {  	s2 =	sld [smem:$0x3F8A]  }
0x29: {  	s4 =	sld [smem:$0x3F8C]  }
0x2a: {  	p0 =	seq.s32 s5, $0x0;
	s5 =	sld [smem:$0x3F8D]  }
0x2b: {  	s6 =	sld [smem:$0x3F8E]  }
0x2c: {  	s7 =	sld [smem:$0x3F8F]  }
0x2d: {  	s3 =	simm.s32 $0x108;
	s8 =	sld [smem:$0x3F90]  }
0x2e: {  	s3 =	simm.s32 @!p0 $0x1082;
	s9 =	sld [smem:$0x3F91]  }
0x2f: {  	lr =	sadd.s32 s0, s3;
	s0 =	sld [smem:$0x3F88]  }
0x30: {  	s3 =	sld [smem:$0x3F8B]  }
0x31: {  	[smem:$0x3F94] =	sst s10  }
0x32: {  	s10 =	sld [smem:$0x3F92];
	_ =	sdelay $0x3  }
0x33: {  	p0 =	seq.s32 s10, $0x1;
	s10 =	sld [smem:$0x3F94];
	_ =	sdelay $0x3  }
0x34: {  	[smem:$0x3F94] =	sst s10  }
0x35: {  	s10 =	sld [smem:$0x3F93];
	_ =	sdelay $0x3  }
0x36: {  	p1 =	seq.s32 s10, $0x1;
	s10 =	sld [smem:$0x3F94];
	_ =	sdelay $0x3  }
0x37: {  	[smem:$0x3F94] =	sst s10  }
0x38: {  	s10 =	sld [smem:$0x3F95]  }
0x39: {  	_ = 	snop;
	(pc) =	sbr.ind lr, $3  }
0x3a: {  	_ = 	snop  }
0x3b: {  	_ = 	snop  }
0x3c: {  	p2 =	seq.s32 s10, $0x1;
	s10 =	sld [smem:$0x3F94]  }
0x3d: {  	_ =	shalt  }
0x3e: {  	_ =	shalt  }
0x3f: {  	_ =	shalt  }
0x40: {  	_ =	shalt  }
0x41: {  	_ =	shalt  }
0x42: {  	_ =	shalt  }
0x43: {  	_ =	shalt  }
0x44: {  	_ =	shalt  }
0x45: {  	_ =	shalt  }
0x46: {  	_ =	shalt  }
0x47: {  	_ =	shalt  }
0x48: {  	_ =	shalt  }
0x49: {  	_ =	shalt  }
0x4a: {  	_ =	shalt  }
0x4b: {  	_ =	shalt  }
0x4c: {  	_ =	shalt  }
0x4d: {  	_ =	shalt  }
0x4e: {  	_ =	shalt  }
0x4f: {  	_ =	shalt  }
0x50: {  	_ =	shalt  }
0x51: {  	_ =	shalt  }
0x52: {  	_ =	shalt  }
0x53: {  	_ =	shalt  }
0x54: {  	_ =	shalt  }
0x55: {  	_ =	shalt  }
0x56: {  	_ =	shalt  }
0x57: {  	_ =	shalt  }
0x58: {  	_ =	shalt  }
0x59: {  	_ =	shalt  }
0x5a: {  	_ =	shalt  }
0x5b: {  	_ =	shalt  }
0x5c: {  	_ =	shalt  }
0x5d: {  	_ =	shalt  }
0x5e: {  	_ =	shalt  }
0x5f: {  	_ =	shalt  }
0x60: {  	_ =	shalt  }
0x61: {  	_ =	shalt  }
0x62: {  	_ =	shalt  }
0x63: {  	_ =	shalt  }
0x64: {  	_ =	shalt  }
0x65: {  	_ =	shalt  }
0x66: {  	_ =	shalt  }
0x67: {  	_ =	shalt  }
0x68: {  	_ =	shalt  }
0x69: {  	_ =	shalt  }
0x6a: {  	_ =	shalt  }
0x6b: {  	_ =	shalt  }
0x6c: {  	_ =	shalt  }
0x6d: {  	_ =	shalt  }
0x6e: {  	_ =	shalt  }
0x6f: {  	_ =	shalt  }
0x70: {  	_ =	shalt  }
0x71: {  	_ =	shalt  }
0x72: {  	_ =	shalt  }
0x73: {  	_ =	shalt  }
0x74: {  	_ =	shalt  }
0x75: {  	_ =	shalt  }
0x76: {  	_ =	shalt  }
0x77: {  	_ =	shalt  }
0x78: {  	_ =	shalt  }
0x79: {  	_ =	shalt  }
0x7a: {  	_ =	shalt  }
0x7b: {  	_ =	shalt  }
0x7c: {  	_ =	shalt  }
0x7d: {  	_ =	shalt  }
0x7e: {  	_ =	shalt  }
0x7f: {  	_ =	shalt  }
0x80: {  	_ =	shalt  }
0x81: {  	_ =	shalt  }
0x82: {  	_ =	shalt  }
0x83: {  	_ =	shalt  }
0x84: {  	_ =	shalt  }
0x85: {  	_ =	shalt  }
0x86: {  	_ =	shalt  }
0x87: {  	_ =	shalt  }
.Lfunc_end0:
.L_simem_size_0:
called_computation.1_lowered:
.L_overlay_start_0:
0x88: {  	s2 =	sld [smem:$0x3FD9]  }
0x89: {  	s3 =	sld [smem:$0x3FFE];
	_ =	sdelay $0x1  }
0x8a: {  	s1 =	srdreg.scid  }
0x8b: {  	s0 =	sand.u32 $0x1, s1  }
0x8c: {  	s17 =	sshll.u32 s0, $0xA;
	s2 =	sadd.s32 s3, s2  }
0x8d: {  	s2 =	sadd.s32 s2, s17  }
0x8e: {  	[smem:$0x3FA0] =	sst s2  }
0x8f: {  	_ = 	snop  }
0x90: {  	s2 =	sld [smem:$0x3FD0];
	(tm) =	ssettm $0x1  }
0x91: {  	s18 =	sld [smem:$0x3FFB];
	_ =	sdelay $0x3  }
0x92: {  	_ =	strace s18  }
0x93: {  	s3 =	sld [smem:$0x3FFC];
	_ =	sdelay $0x3  }
0x94: {  	_ =	strace s3  }
0x95: {  	s3 =	sld [smem:$0x3FFD];
	_ =	sdelay $0x3  }
0x96: {  	_ =	strace s3  }
0x97: {  	_ =	strace $0x8FFFFFFF  }
0x98: {  	s19 =	sld [smem:$0x3FDB];
	_ =	sdelay $0x1  }
0x99: {  	s4 =	simm.s32 $_scs_section_size  }
0x9a: {  	s5 =	simm.s32 $_size__tile_overlayer_lowered;
	s6 =	simm.s32 $_tile_overlayer_lowered  }
0x9b: {  	s22 =	simm.s32 $0x1BFF;
	s21 =	sshll.u32 s6, $0x1;
	s3 =	sadd.s32 s4, s19  }
0x9c: {  	s7 =	simm.s32 $0x0;
	s20 =	sshll.u32 s5, $0x1;
	s5 =	sadd.s32 s21, s3  }
0x9d: {  	[timem:s7], [sflag:s22] =	dma.local [hbm:s5], s20  }
0x9e: {  	_ =	swait.ge [sflag:s22], s20  }
0x9f: {  	s4 =	ssub.s32 $0x0, s20;
	[sflag:s22] =	ssyncset.done $0x0  }
0xa0: {  	[sflag:s22] =	ssyncadd.s32 s4;
	_ =	sdelay $0x1  }
0xa1: {  	s23 =	simm.s32 $0x1B8B  }
0xa2: {  	_ =	swait.ge [sflag:s23], $0x1  }
0xa3: {  	[sflag:s23] =	ssyncset.done $0x0  }
0xa4: {  	s25 =	simm.s32 $0x1B8E;
	s24 =	sld [smem:$0x3FFE];
	[sflag:s23] =	ssyncadd.s32 $0xFFFFFFFF  }
0xa5: {  	s26 =	simm.s32 $execute0_lowered;
	[smem:$0x3FD2] =	sst s25  }
0xa6: {  	s5 =	sshll.u32 s26, $0x1;
	_ =	strace $0x80000049;
	[dreg:$0x1] =	wrdreg $0xFFFFFFFF  }
0xa7: {  	s28 =	simm.s32 $_size_execute0_lowered;
	s3 =	sadd.s32 s3, s5;
	[dreg:$0x0] =	wrdreg $0x0  }
0xa8: {  	s5 =	sshll.u32 s28, $0x1;
	[dreg:$0x2] =	wrdreg s3  }
0xa9: {  	[dreg:$0x3] =	wrdreg s5  }
0xaa: {  	[dreg:$0x4] =	wrdreg $0xC0  }
0xab: {  	_ =	task [dreg:s7], $0x5FFFF  }
0xac: {  	[dreg:$0x1] =	wrdreg $0xFFFFFFFF  }
0xad: {  	[dreg:$0x0] =	wrdreg $0x60  }
0xae: {  	[dreg:$0x2] =	wrdreg s24  }
0xaf: {  	[dreg:$0x3] =	wrdreg s2  }
0xb0: {  	[dreg:$0x4] =	wrdreg $0x69800  }
0xb1: {  	[dreg:$0x5] =	wrdreg $0x9  }
0xb2: {  	_ =	task.clear_ibuf [dreg:s7], $0x6FFFF;
	_ =	strace $0x90000049  }
0xb3: {  	s29 =	simm.s32 $0x9;
	_ =	strace $0x8000004B  }
0xb4: {  	_ =	swait.ge [sflag:s29], $0x1  }
0xb5: {  	[sflag:s29] =	ssyncadd.s32 $0xFFFFFFFF  }
0xb6: {  	_ =	strace $0x9000004B  }
0xb7: {  	_ =	sfence  }
0xb8: {  	s30 =	sld [smem:$0x0];
	_ =	sdelay $0x2  }
0xb9: {  	s31 =	sshll.u32 s1, $0xD;
	s1 =	sshrl.u32 s1, $0x2  }
0xba: {  	s3 =	sand.u32 $0x4000, s31;
	s1 =	sadd.s32 s1, s30  }
0xbb: {  	s0 =	sor.u32 s3, s0;
	s1 =	sshll.u32 s1, $0x11  }
0xbc: {  	s0 =	sor.u32 s1, s0  }
0xbd: {  	s0 =	sadd.s32 $0x8F2B, s0  }
0xbe: {  	[sflag:s0] =	ssyncadd.remote.s32 $0x1  }
0xbf: {  	_ =	sfence.sel $0xFFFF  }
0xc0: {  	[dreg:$0x0] =	wrdreg $0xFFFFFFFF;
	(pc) =	sbr.abs _section_cstart, $3  }
0xc1: {  	[dreg:$0x1] =	wrdreg $0xFFFFFFFF  }
0xc2: {  	_ =	task.clear_ibuf [dreg:s7], $0x2FFFF;
	_ =	strace $0x9FFFFFFF  }
0xc3: {  	(tm) =	ssettm $0x7FFFFFFF  }
tec
execute0_lowered:
.L_overlay_start_1:
0x0: {  	(tag) =	ssettag $0x1  }
0x1: {  	s8 =	stileid.u32  }
0x2: {  	s4 =	smul.u32 $0x2710, s8  }
0x3: {  	s0 =	srdreg.scid;
	s3 =	smul.u32 $0x270, s8  }
0x4: {  	s0 =	sand.u32 $0x1, s0;
	s14 =	smul.u32 $0x13800, s8  }
0x5: {  	s2 =	smul.u32 $0x27100, s0  }
0x6: {  	s1 =	simm.s32 $0x0;
	s7 =	smul.u32 $0x271000, s0  }
0x7: {  	[smem:$0x7FF] =	sst s1;
	s5 =	ssub.s32 $0x2, s0;
	s17 =	smul.u32 $0x138800, s0  }
0x8: {  	s6 =	sshrl.u32 s5, $0x1;
	s10 =	sadd.s32 $0xC0, s3;
	s8 =	sadd.s32 $0xF0, s3  }
0x9: {  	s9 =	sadd.s32 $0x120, s3;
	s12 =	sadd.s32 $0x180, s3;
	s13 =	sadd.s32 $0x1B0, s3  }
0xa: {  	[smem:$0x7F6] =	sst s7;
	s2 =	sadd.s32 s4, s2;
	s11 =	ssub.s32 s5, s6  }
0xb: {  	s5 =	sadd.s32 $0x30, s3;
	s7 =	sadd.s32 $0x60, s3;
	s6 =	sadd.s32 $0x90, s3  }
0xc: {  	[smem:$0x7F9] =	sst s12;
	s14 =	sadd.s32 s14, s17;
	s25 =	sshll.u32 s10, $0x7  }
0xd: {  	s26 =	sshll.u32 s8, $0x7;
	s4 =	sshll.u32 s12, $0x7;
	[smem:$0x7F7] =	sst s2  }
0xe: {  	s12 =	sshll.u32 s13, $0x7;
	[smem:$0x7FA] =	sst s11;
	s11 =	sadd.s32 $0x150, s3  }
0xf: {  	s18 =	sshrl.u32 s14, $0x3;
	s23 =	sshll.u32 s5, $0x7;
	s15 =	sshll.u32 s7, $0x7  }
0x10: {  	s16 =	sshll.u32 s6, $0x7;
	s14 =	sadd.s32 s17, s23;
	s15 =	sadd.s32 s17, s15  }
0x11: {  	s24 =	sadd.s32 s17, s16;
	s2 =	sshll.u32 s11, $0x7;
	s19 =	sshrl.u32 s14, $0x3  }
0x12: {  	s20 =	sshrl.u32 s15, $0x3;
	s14 =	sadd.s32 s17, s25;
	s15 =	sadd.s32 s17, s26  }
0x13: {  	s23 =	sshrl.u32 s15, $0x3;
	s15 =	sadd.s32 s17, s4;
	s4 =	rddreg [dreg:$0x0]  }
0x14: {  	s16 =	sadd.s32 s17, s12;
	s22 =	sshrl.u32 s14, $0x3;
	s0 =	sadd.s32 $0x19C00, s4  }
0x15: {  	s14 =	sadd.s32 s17, s2;
	s2 =	sadd.s32 $0x8F200, s4;
	s12 =	sadd.s32 s0, s18  }
0x16: {  	s29 =	sshll.u32 s9, $0x7;
	s18 =	sadd.s32 s2, s18;
	[dreg:$0x4] =	wrdreg s12  }
0x17: {  	s30 =	sadd.s32 s17, s29;
	s12 =	sadd.s32 s0, s19;
	[dreg:$0x12] =	wrdreg s18  }
0x18: {  	s21 =	sshrl.u32 s24, $0x3;
	s19 =	sadd.s32 s2, s19;
	[dreg:$0x5] =	wrdreg s12  }
0x19: {  	s24 =	sshrl.u32 s30, $0x3;
	s18 =	sadd.s32 s2, s21;
	[dreg:$0x13] =	wrdreg s19  }
0x1a: {  	s28 =	sshrl.u32 s16, $0x3;
	s12 =	sadd.s32 s0, s20;
	[dreg:$0x15] =	wrdreg s18  }
0x1b: {  	s16 =	sadd.s32 $0x1E0, s3;
	s19 =	sadd.s32 s2, s22;
	[dreg:$0x6] =	wrdreg s12  }
0x1c: {  	s29 =	sshll.u32 s16, $0x7;
	s12 =	sadd.s32 s0, s21;
	[dreg:$0x16] =	wrdreg s19  }
0x1d: {  	s25 =	sshrl.u32 s14, $0x3;
	s21 =	sadd.s32 s2, s24;
	[dreg:$0x7] =	wrdreg s12  }
0x1e: {  	s26 =	sshrl.u32 s15, $0x3;
	s12 =	sadd.s32 s0, s22;
	[dreg:$0x18] =	wrdreg s21  }
0x1f: {  	s14 =	sadd.s32 $0x210, s3;
	s22 =	sadd.s32 s2, s25;
	[dreg:$0x8] =	wrdreg s12  }
0x20: {  	s15 =	sadd.s32 $0x240, s3;
	s12 =	sadd.s32 s0, s23;
	[dreg:$0x19] =	wrdreg s22  }
0x21: {  	s29 =	sadd.s32 s17, s29;
	[dreg:$0x9] =	wrdreg s12;
	s12 =	sadd.s32 s0, s24  }
0x22: {  	s30 =	sshll.u32 s14, $0x7;
	s24 =	sadd.s32 s2, s28;
	[dreg:$0xa] =	wrdreg s12  }
0x23: {  	s29 =	sshrl.u32 s29, $0x3;
	s12 =	sadd.s32 s0, s25;
	[dreg:$0x1b] =	wrdreg s24  }
0x24: {  	s31 =	sshll.u32 s15, $0x7;
	s25 =	sadd.s32 s2, s29;
	[dreg:$0xb] =	wrdreg s12  }
0x25: {  	s30 =	sadd.s32 s17, s30;
	s12 =	sadd.s32 s0, s26;
	[dreg:$0x1c] =	wrdreg s25  }
0x26: {  	s31 =	sadd.s32 s17, s31;
	[dreg:$0xc] =	wrdreg s12;
	s12 =	sadd.s32 s0, s28  }
0x27: {  	s31 =	sshrl.u32 s31, $0x3;
	[dreg:$0xd] =	wrdreg s12;
	s12 =	sadd.s32 s0, s29  }
0x28: {  	s30 =	sshrl.u32 s30, $0x3;
	s29 =	sadd.s32 s2, s31;
	[dreg:$0xe] =	wrdreg s12  }
0x29: {  	s12 =	sadd.s32 s0, s30;
	[dreg:$0x1e] =	wrdreg s29  }
0x2a: {  	s8 =	sshrl.u32 s8, $0x3;
	s17 =	sshrl.u32 s17, $0x3;
	[dreg:$0xf] =	wrdreg s12  }
0x2b: {  	s17 =	sadd.s32 $0x27000, s17;
	s12 =	sadd.s32 s0, s31;
	s31 =	rddreg [dreg:$0x2]  }
0x2c: {  	s9 =	sshrl.u32 s9, $0x3;
	s0 =	sadd.s32 s0, s17;
	[dreg:$0x10] =	wrdreg s12  }
0x2d: {  	s6 =	sshrl.u32 s6, $0x3;
	s3 =	sshrl.u32 s3, $0x3;
	[dreg:$0x11] =	wrdreg s0  }
0x2e: {  	s14 =	sshrl.u32 s14, $0x3;
	s12 =	sadd.s32 s2, s20;
	s0 =	rddreg [dreg:$0x1]  }
0x2f: {  	s15 =	sshrl.u32 s15, $0x3;
	s20 =	sadd.s32 s2, s23;
	[dreg:$0x14] =	wrdreg s12  }
0x30: {  	s19 =	sshrl.u32 s5, $0x3;
	s23 =	sadd.s32 s2, s26;
	[dreg:$0x17] =	wrdreg s20  }
0x31: {  	s21 =	sshrl.u32 s7, $0x3;
	s26 =	sadd.s32 s2, s30;
	[dreg:$0x1a] =	wrdreg s23  }
0x32: {  	s22 =	sshrl.u32 s10, $0x3;
	s2 =	sadd.s32 s2, s17;
	[dreg:$0x1d] =	wrdreg s26  }
0x33: {  	s25 =	sshrl.u32 s13, $0x3;
	s28 =	simm.s32 $0x0;
	[dreg:$0x1f] =	wrdreg s2  }
0x34: {  	s20 =	stileid.u32;
	s12 =	sld [smem:$0x7F6];
	s3 =	sadd.s32 s0, s3  }
0x35: {  	s5 =	sadd.s32 s0, s21;
	s6 =	sadd.s32 s0, s6;
	s7 =	sadd.s32 s0, s22  }
0x36: {  	s8 =	sadd.s32 s0, s8;
	s9 =	sadd.s32 s0, s9;
	s23 =	sshrl.u32 s11, $0x3  }
0x37: {  	s26 =	sshrl.u32 s16, $0x3;
	s14 =	sadd.s32 s0, s14;
	s15 =	sadd.s32 s0, s15  }
0x38: {  	s16 =	sadd.s32 $0x4E0, s0;
	s21 =	simm.s32 $0x1;
	s22 =	simm.s32 $0x5080  }
0x39: {  	s30 =	smul.u32 $0x27100, s20;
	_ =	strace $0x8000004A;
	s10 =	sadd.s32 s0, s23  }
0x3a: {  	s13 =	sadd.s32 s0, s26;
	p0 =	sne.s32 s20, $0xF;
	s17 =	sld [smem:$0x7F7]  }
0x3b: {  	s20 =	simm.s32 $0x5180;
	s23 =	simm.s32 $0x30;
	s24 =	sld [smem:$0x7F9]  }
0x3c: {  	s26 =	simm.s32 $0x2880;
	s29 =	sld [smem:$0x7FA];
	s2 =	sadd.s32 s12, s4  }
0x3d: {  	s12 =	sadd.s32 s0, s25;
	s2 =	sadd.s32 s30, s2;
	s18 =	sshrl.u32 s17, $0x3  }
0x3e: {  	s11 =	sshrl.u32 s24, $0x3;
	s30 =	sadd.s32 $0xA53200, s2;
	s17 =	sadd.s32 s18, s4  }
0x3f: {  	s18 =	sadd.s32 $0x6000, s4;
	s4 =	sadd.s32 $0x6400, s4;
	[smem:$0x7FC] =	sst s30  }
0x40: {  	s25 =	simm.s32 $0x50;
	s11 =	sadd.s32 s0, s11;
	[smem:$0x7F8] =	sst s4  }
0x41: {  	s4 =	sadd.s32 s0, s19;
	s0 =	smax.u32 s29, $0x1;
	[smem:$0x7FD] =	sst s18  }
0x42: {  	s24 =	simm.s32 $0x80;
	s19 =	sadd.s32 $0xFE00, s17;
	[smem:$0x7FB] =	sst s0  }
.LBB2_1:
0x43: {  	[tilespmem:s20], [sflag:$0x1] =	stream.linear.gather [hbm4b:s18+s1], $0x1800, $0x38;
	[tilespmem:$0x1A200] =	vst v63  }
0x44: {  	_ =	swait.ge [sflag:s21], $0x1800  }
0x45: {  	[sflag:s21] =	ssyncset.done $0x0  }
0x46: {  	[sflag:s21] =	ssyncadd.s32 $0xFFFFE800  }
0x47: {  	[tilespmem:s22], [sflag:$0x1] =	stream.linear.gather [hbm4b:s3+s1], $0x30, $0x38;
	[tilespmem:$0x1A200] =	vst v63  }
0x48: {  	_ =	swait.ge [sflag:s21], $0x30  }
0x49: {  	[sflag:s21] =	ssyncset.done $0x0  }
0x4a: {  	[sflag:s21] =	ssyncadd.s32 $0xFFFFFFD0  }
0x4b: {  	[spmem:s31] =	stream.indirect.scatter [tilespmem:s20], [sflag:$0x1], $0x80, s22, s23, $0xb8;
	[tilespmem:$0x1A200] =	vst v63  }
0x4c: {  	_ =	swait.ge [sflag:s21], $0x1800  }
0x4d: {  	[sflag:s21] =	ssyncset.done $0x0  }
0x4e: {  	[sflag:s21] =	ssyncadd.s32 $0xFFFFE800  }
0x4f: {  	[tilespmem:s22], [sflag:$0x1] =	stream.linear.gather [hbm4b:s4+s1], $0x30, $0x38;
	[tilespmem:$0x1A200] =	vst v63  }
0x50: {  	_ =	swait.ge [sflag:s21], $0x30  }
0x51: {  	[sflag:s21] =	ssyncset.done $0x0  }
0x52: {  	[sflag:s21] =	ssyncadd.s32 $0xFFFFFFD0  }
0x53: {  	[spmem:s31] =	stream.indirect.scatter [tilespmem:s20], [sflag:$0x1], $0x80, s22, s23, $0xb8;
	[tilespmem:$0x1A200] =	vst v63  }
0x54: {  	_ =	swait.ge [sflag:s21], $0x1800  }
0x55: {  	[sflag:s21] =	ssyncset.done $0x0  }
0x56: {  	[sflag:s21] =	ssyncadd.s32 $0xFFFFE800  }
0x57: {  	[tilespmem:s22], [sflag:$0x1] =	stream.linear.gather [hbm4b:s5+s1], $0x30, $0x38;
	[tilespmem:$0x1A200] =	vst v63  }
0x58: {  	_ =	swait.ge [sflag:s21], $0x30  }
0x59: {  	[sflag:s21] =	ssyncset.done $0x0  }
0x5a: {  	[sflag:s21] =	ssyncadd.s32 $0xFFFFFFD0  }
0x5b: {  	[spmem:s31] =	stream.indirect.scatter [tilespmem:s20], [sflag:$0x1], $0x80, s22, s23, $0xb8;
	[tilespmem:$0x1A200] =	vst v63  }
0x5c: {  	_ =	swait.ge [sflag:s21], $0x1800  }
0x5d: {  	[sflag:s21] =	ssyncset.done $0x0  }
0x5e: {  	[sflag:s21] =	ssyncadd.s32 $0xFFFFE800  }
0x5f: {  	[tilespmem:s22], [sflag:$0x1] =	stream.linear.gather [hbm4b:s6+s1], $0x30, $0x38;
	[tilespmem:$0x1A200] =	vst v63  }
0x60: {  	_ =	swait.ge [sflag:s21], $0x30  }
0x61: {  	[sflag:s21] =	ssyncset.done $0x0  }
0x62: {  	[sflag:s21] =	ssyncadd.s32 $0xFFFFFFD0  }
0x63: {  	[spmem:s31] =	stream.indirect.scatter [tilespmem:s20], [sflag:$0x1], $0x80, s22, s23, $0xb8;
	[tilespmem:$0x1A200] =	vst v63  }
0x64: {  	_ =	swait.ge [sflag:s21], $0x1800  }
0x65: {  	[sflag:s21] =	ssyncset.done $0x0  }
0x66: {  	[sflag:s21] =	ssyncadd.s32 $0xFFFFE800  }
0x67: {  	[tilespmem:s22], [sflag:$0x1] =	stream.linear.gather [hbm4b:s7+s1], $0x30, $0x38;
	[tilespmem:$0x1A200] =	vst v63  }
0x68: {  	_ =	swait.ge [sflag:s21], $0x30  }
0x69: {  	[sflag:s21] =	ssyncset.done $0x0  }
0x6a: {  	[sflag:s21] =	ssyncadd.s32 $0xFFFFFFD0  }
0x6b: {  	[spmem:s31] =	stream.indirect.scatter [tilespmem:s20], [sflag:$0x1], $0x80, s22, s23, $0xb8;
	[tilespmem:$0x1A200] =	vst v63  }
0x6c: {  	_ =	swait.ge [sflag:s21], $0x1800  }
0x6d: {  	[sflag:s21] =	ssyncset.done $0x0  }
0x6e: {  	[sflag:s21] =	ssyncadd.s32 $0xFFFFE800  }
0x6f: {  	[tilespmem:s22], [sflag:$0x1] =	stream.linear.gather [hbm4b:s8+s1], $0x30, $0x38;
	[tilespmem:$0x1A200] =	vst v63  }
0x70: {  	_ =	swait.ge [sflag:s21], $0x30  }
0x71: {  	[sflag:s21] =	ssyncset.done $0x0  }
0x72: {  	[sflag:s21] =	ssyncadd.s32 $0xFFFFFFD0  }
0x73: {  	[spmem:s31] =	stream.indirect.scatter [tilespmem:s20], [sflag:$0x1], $0x80, s22, s23, $0xb8;
	[tilespmem:$0x1A200] =	vst v63  }
0x74: {  	_ =	swait.ge [sflag:s21], $0x1800  }
0x75: {  	[sflag:s21] =	ssyncset.done $0x0  }
0x76: {  	[sflag:s21] =	ssyncadd.s32 $0xFFFFE800  }
0x77: {  	[tilespmem:s22], [sflag:$0x1] =	stream.linear.gather [hbm4b:s9+s1], $0x30, $0x38;
	[tilespmem:$0x1A200] =	vst v63  }
0x78: {  	_ =	swait.ge [sflag:s21], $0x30  }
0x79: {  	[sflag:s21] =	ssyncset.done $0x0  }
0x7a: {  	[sflag:s21] =	ssyncadd.s32 $0xFFFFFFD0  }
0x7b: {  	[spmem:s31] =	stream.indirect.scatter [tilespmem:s20], [sflag:$0x1], $0x80, s22, s23, $0xb8;
	[tilespmem:$0x1A200] =	vst v63  }
0x7c: {  	_ =	swait.ge [sflag:s21], $0x1800  }
0x7d: {  	[sflag:s21] =	ssyncset.done $0x0  }
0x7e: {  	[sflag:s21] =	ssyncadd.s32 $0xFFFFE800  }
0x7f: {  	[tilespmem:s22], [sflag:$0x1] =	stream.linear.gather [hbm4b:s10+s1], $0x30, $0x38;
	[tilespmem:$0x1A200] =	vst v63  }
0x80: {  	_ =	swait.ge [sflag:s21], $0x30  }
0x81: {  	[sflag:s21] =	ssyncset.done $0x0  }
0x82: {  	[sflag:s21] =	ssyncadd.s32 $0xFFFFFFD0  }
0x83: {  	[spmem:s31] =	stream.indirect.scatter [tilespmem:s20], [sflag:$0x1], $0x80, s22, s23, $0xb8;
	[tilespmem:$0x1A200] =	vst v63  }
0x84: {  	_ =	swait.ge [sflag:s21], $0x1800  }
0x85: {  	[sflag:s21] =	ssyncset.done $0x0  }
0x86: {  	[sflag:s21] =	ssyncadd.s32 $0xFFFFE800  }
0x87: {  	[tilespmem:s22], [sflag:$0x1] =	stream.linear.gather [hbm4b:s11+s1], $0x30, $0x38;
	[tilespmem:$0x1A200] =	vst v63  }
0x88: {  	_ =	swait.ge [sflag:s21], $0x30  }
0x89: {  	[sflag:s21] =	ssyncset.done $0x0  }
0x8a: {  	[sflag:s21] =	ssyncadd.s32 $0xFFFFFFD0  }
0x8b: {  	[spmem:s31] =	stream.indirect.scatter [tilespmem:s20], [sflag:$0x1], $0x80, s22, s23, $0xb8;
	[tilespmem:$0x1A200] =	vst v63  }
0x8c: {  	_ =	swait.ge [sflag:s21], $0x1800  }
0x8d: {  	[sflag:s21] =	ssyncset.done $0x0  }
0x8e: {  	[sflag:s21] =	ssyncadd.s32 $0xFFFFE800  }
0x8f: {  	[tilespmem:s22], [sflag:$0x1] =	stream.linear.gather [hbm4b:s12+s1], $0x30, $0x38;
	[tilespmem:$0x1A200] =	vst v63  }
0x90: {  	_ =	swait.ge [sflag:s21], $0x30  }
0x91: {  	[sflag:s21] =	ssyncset.done $0x0  }
0x92: {  	[sflag:s21] =	ssyncadd.s32 $0xFFFFFFD0  }
0x93: {  	[spmem:s31] =	stream.indirect.scatter [tilespmem:s20], [sflag:$0x1], $0x80, s22, s23, $0xb8;
	[tilespmem:$0x1A200] =	vst v63  }
0x94: {  	_ =	swait.ge [sflag:s21], $0x1800  }
0x95: {  	[sflag:s21] =	ssyncset.done $0x0  }
0x96: {  	[sflag:s21] =	ssyncadd.s32 $0xFFFFE800  }
0x97: {  	[tilespmem:s22], [sflag:$0x1] =	stream.linear.gather [hbm4b:s13+s1], $0x30, $0x38;
	[tilespmem:$0x1A200] =	vst v63  }
0x98: {  	_ =	swait.ge [sflag:s21], $0x30  }
0x99: {  	[sflag:s21] =	ssyncset.done $0x0  }
0x9a: {  	[sflag:s21] =	ssyncadd.s32 $0xFFFFFFD0  }
0x9b: {  	[spmem:s31] =	stream.indirect.scatter [tilespmem:s20], [sflag:$0x1], $0x80, s22, s23, $0xb8;
	[tilespmem:$0x1A200] =	vst v63  }
0x9c: {  	_ =	swait.ge [sflag:s21], $0x1800  }
0x9d: {  	[sflag:s21] =	ssyncset.done $0x0  }
0x9e: {  	[sflag:s21] =	ssyncadd.s32 $0xFFFFE800  }
0x9f: {  	[tilespmem:s22], [sflag:$0x1] =	stream.linear.gather [hbm4b:s14+s1], $0x30, $0x38;
	[tilespmem:$0x1A200] =	vst v63  }
0xa0: {  	_ =	swait.ge [sflag:s21], $0x30  }
0xa1: {  	[sflag:s21] =	ssyncset.done $0x0  }
0xa2: {  	[sflag:s21] =	ssyncadd.s32 $0xFFFFFFD0  }
0xa3: {  	[spmem:s31] =	stream.indirect.scatter [tilespmem:s20], [sflag:$0x1], $0x80, s22, s23, $0xb8;
	[tilespmem:$0x1A200] =	vst v63  }
0xa4: {  	_ =	swait.ge [sflag:s21], $0x1800  }
0xa5: {  	[sflag:s21] =	ssyncset.done $0x0  }
0xa6: {  	[sflag:s21] =	ssyncadd.s32 $0xFFFFE800  }
0xa7: {  	[tilespmem:s22], [sflag:$0x1] =	stream.linear.gather [hbm4b:s15+s1], $0x30, $0x38;
	[tilespmem:$0x1A200] =	vst v63  }
0xa8: {  	_ =	swait.ge [sflag:s21], $0x30  }
0xa9: {  	[sflag:s21] =	ssyncset.done $0x0  }
0xaa: {  	[sflag:s21] =	ssyncadd.s32 $0xFFFFFFD0  }
0xab: {  	[spmem:s31] =	stream.indirect.scatter [tilespmem:s20], [sflag:$0x1], $0x80, s22, s23, $0xb8;
	[tilespmem:$0x1A200] =	vst v63  }
0xac: {  	_ =	swait.ge [sflag:s21], $0x1800  }
0xad: {  	[sflag:s21] =	ssyncset.done $0x0  }
0xae: {  	s0 =	simm.s32 @!p0 $0x0;
	s2 =	simm.s32 @!p0 $0x5100;
	[sflag:s21] =	ssyncadd.s32 $0xFFFFE800  }
0xaf: {  	[tilespmem:s2], [sflag:$0x1] =	stream.linear.gather @!p0 [hbm4b:s16+s0], $0x10, $0x38;
	[tilespmem:$0x1A200] =	vst v63  }
0xb0: {  	s0 =	simm.s32 @!p0 $0x1  }
0xb1: {  	_ =	swait.ge @!p0 [sflag:s0], $0x10  }
0xb2: {  	[sflag:s0] =	ssyncset.done @!p0 $0x0  }
0xb3: {  	s17 =	simm.s32 @!p0 $0x10;
	s29 =	simm.s32 @!p0 $0x5180;
	[sflag:s0] =	ssyncadd.s32 @!p0 $0xFFFFFFF0  }
0xb4: {  	[spmem:s31] =	stream.indirect.scatter @!p0 [tilespmem:s29], [sflag:$0x1], $0x80, s2, s17, $0xb8;
	[tilespmem:$0x1A200] =	vst v63  }
0xb5: {  	_ =	swait.ge @!p0 [sflag:s0], $0x800  }
0xb6: {  	[sflag:s0] =	ssyncset.done @!p0 $0x0  }
0xb7: {  	[sflag:s0] =	ssyncadd.s32 @!p0 $0xFFFFF800  }
0xb8: {  	s29 =	sadd.s32 $0x0, s19;
	[bflag:$0x0] =	sbarrier.arrive $0xFFFF  }
0xb9: {  	[tilespmem:s1], [sflag:$0x1] =	stream.linear.gather [hbm4b:s29+s1], $0x50, $0x38;
	[tilespmem:$0x1A200] =	vst v63  }
0xba: {  	_ =	swait.ge [sflag:s21], $0x50  }
0xbb: {  	s30 =	sld [smem:$0x7FC]  }
0xbc: {  	[sflag:s21] =	ssyncset.done $0x0  }
0xbd: {  	[sflag:s21] =	ssyncadd.s32 $0xFFFFFFB0  }
0xbe: {  	[tilespmem:s24], [sflag:$0x1] =	stream.linear.gather [hbm4b:s30+s1], $0x2800, $0x38;
	[tilespmem:$0x1A200] =	vst v63  }
0xbf: {  	_ =	swait.ge [sflag:s21], $0x2800  }
0xc0: {  	[sflag:s21] =	ssyncset.done $0x0  }
0xc1: {  	[sflag:s21] =	ssyncadd.s32 $0xFFFFD800  }
0xc2: {  	[spmem:s31] =	stream.indirect.scatter.add.f32 [tilespmem:s24], [sflag:$0x1], $0x80, s1, s25, $0xb8;
	[tilespmem:$0x1A200] =	vst v63  }
0xc3: {  	s18 =	smov.u32 s3;
	s2 =	simm.s32 $0xA;
	_ =	swait.ge [sflag:s21], $0x2800  }
0xc4: {  	s17 =	simm.s32 $0x14;
	s0 =	sadd.s32 $0x500, s30;
	[sflag:s21] =	ssyncset.done $0x0  }
.LBB2_2:
0xc5: {  	s29 =	sadd.s32 s2, s19  }
0xc6: {  	[sflag:s21] =	ssyncadd.s32 $0xFFFFD800;
	s2 =	smov.u32 s17;
	s30 =	sadd.s32 $0xA, s17  }
0xc7: {  	[tilespmem:s1], [sflag:$0x1] =	stream.linear.gather [hbm4b:s29+s1], $0x50, $0x38;
	[tilespmem:$0x1A200] =	vst v63  }
0xc8: {  	p1 =	sne.s32 s17, $0x4D8;
	_ =	swait.ge [sflag:s21], $0x50  }
0xc9: {  	[sflag:s21] =	ssyncset.done $0x0  }
0xca: {  	[sflag:s21] =	ssyncadd.s32 $0xFFFFFFB0  }
0xcb: {  	[tilespmem:s24], [sflag:$0x1] =	stream.linear.gather [hbm4b:s0+s1], $0x2800, $0x38;
	[tilespmem:$0x1A200] =	vst v63  }
0xcc: {  	_ =	swait.ge [sflag:s21], $0x2800  }
.Ltmp0:
0xcd: {  	[sflag:s21] =	ssyncset.done $0x0;
	(pc) =	sbr.rel @p1 .LBB2_2-.Ltmp0, $4  }
0xce: {  	[sflag:s21] =	ssyncadd.s32 $0xFFFFD800  }
0xcf: {  	[spmem:s31] =	stream.indirect.scatter.add.f32 [tilespmem:s24], [sflag:$0x1], $0x80, s1, s25, $0xb8;
	[tilespmem:$0x1A200] =	vst v63  }
0xd0: {  	_ =	swait.ge [sflag:s21], $0x2800  }
0xd1: {  	s17 =	smov.u32 s30;
	s0 =	sadd.s32 $0x500, s0;
	[sflag:s21] =	ssyncset.done $0x0  }
0xd2: {  	s2 =	sadd.s32 s2, s19;
	[sflag:s21] =	ssyncadd.s32 $0xFFFFD800  }
0xd3: {  	[tilespmem:s1], [sflag:$0x1] =	stream.linear.gather [hbm4b:s2+s1], $0x50, $0x38;
	[tilespmem:$0x1A200] =	vst v63  }
0xd4: {  	_ =	swait.ge [sflag:s21], $0x50  }
0xd5: {  	[sflag:s21] =	ssyncset.done $0x0  }
0xd6: {  	[sflag:s21] =	ssyncadd.s32 $0xFFFFFFB0  }
0xd7: {  	[tilespmem:s24], [sflag:$0x1] =	stream.linear.gather [hbm4b:s0+s1], $0x2800, $0x38;
	[tilespmem:$0x1A200] =	vst v63  }
0xd8: {  	_ =	swait.ge [sflag:s21], $0x2800  }
0xd9: {  	[sflag:s21] =	ssyncset.done $0x0  }
0xda: {  	[sflag:s21] =	ssyncadd.s32 $0xFFFFD800  }
0xdb: {  	[spmem:s31] =	stream.indirect.scatter.add.f32 [tilespmem:s24], [sflag:$0x1], $0x80, s1, s25, $0xb8;
	[tilespmem:$0x1A200] =	vst v63  }
0xdc: {  	_ =	swait.ge [sflag:s21], $0x2800  }
0xdd: {  	[sflag:s21] =	ssyncset.done $0x0  }
0xde: {  	[sflag:s21] =	ssyncadd.s32 $0xFFFFD800  }
0xdf: {  	[bflag:$0x0] =	sbarrier.arrive $0xFFFF  }
0xe0: {  	[tilespmem:s22], [sflag:$0x1] =	stream.linear.gather [hbm4b:s18+s1], $0x30, $0x38;
	[tilespmem:$0x1A200] =	vst v63  }
0xe1: {  	_ =	swait.ge [sflag:s21], $0x30  }
0xe2: {  	[sflag:s21] =	ssyncset.done $0x0  }
0xe3: {  	[sflag:s21] =	ssyncadd.s32 $0xFFFFFFD0  }
0xe4: {  	[tilespmem:s20], [sflag:$0x1] =	stream.indirect.gather [spmem:s31], $0x80, s22, s23, $0xb8;
	[tilespmem:$0x1A200] =	vst v63  }
0xe5: {  	_ =	swait.ge [sflag:s21], $0x1800  }
0xe6: {  	[sflag:s21] =	ssyncset.done $0x0  }
0xe7: {  	s29 =	rddreg [dreg:$0x4];
	[sflag:s21] =	ssyncadd.s32 $0xFFFFE800  }
0xe8: {  	[hbm4b:s29+s1] =	stream.linear.scatter [tilespmem:s20], [sflag:$0x1], $0x1800, $0x38;
	[tilespmem:$0x1A200] =	vst v63  }
0xe9: {  	_ =	swait.ge [sflag:s21], $0x1800  }
0xea: {  	[sflag:s21] =	ssyncset.done $0x0  }
0xeb: {  	[sflag:s21] =	ssyncadd.s32 $0xFFFFE800  }
0xec: {  	[tilespmem:s22], [sflag:$0x1] =	stream.linear.gather [hbm4b:s4+s1], $0x30, $0x38;
	[tilespmem:$0x1A200] =	vst v63  }
0xed: {  	_ =	swait.ge [sflag:s21], $0x30  }
0xee: {  	[sflag:s21] =	ssyncset.done $0x0  }
0xef: {  	[sflag:s21] =	ssyncadd.s32 $0xFFFFFFD0  }
0xf0: {  	[tilespmem:s20], [sflag:$0x1] =	stream.indirect.gather [spmem:s31], $0x80, s22, s23, $0xb8;
	[tilespmem:$0x1A200] =	vst v63  }
0xf1: {  	_ =	swait.ge [sflag:s21], $0x1800  }
0xf2: {  	[sflag:s21] =	ssyncset.done $0x0  }
0xf3: {  	s30 =	rddreg [dreg:$0x5];
	[sflag:s21] =	ssyncadd.s32 $0xFFFFE800  }
0xf4: {  	[hbm4b:s30+s1] =	stream.linear.scatter [tilespmem:s20], [sflag:$0x1], $0x1800, $0x38;
	[tilespmem:$0x1A200] =	vst v63  }
0xf5: {  	_ =	swait.ge [sflag:s21], $0x1800  }
0xf6: {  	[sflag:s21] =	ssyncset.done $0x0  }
0xf7: {  	[sflag:s21] =	ssyncadd.s32 $0xFFFFE800  }
0xf8: {  	[tilespmem:s22], [sflag:$0x1] =	stream.linear.gather [hbm4b:s5+s1], $0x30, $0x38;
	[tilespmem:$0x1A200] =	vst v63  }
0xf9: {  	_ =	swait.ge [sflag:s21], $0x30  }
0xfa: {  	[sflag:s21] =	ssyncset.done $0x0  }
0xfb: {  	[sflag:s21] =	ssyncadd.s32 $0xFFFFFFD0  }
0xfc: {  	[tilespmem:s20], [sflag:$0x1] =	stream.indirect.gather [spmem:s31], $0x80, s22, s23, $0xb8;
	[tilespmem:$0x1A200] =	vst v63  }
0xfd: {  	_ =	swait.ge [sflag:s21], $0x1800  }
0xfe: {  	[sflag:s21] =	ssyncset.done $0x0  }
0xff: {  	s2 =	rddreg [dreg:$0x6];
	[sflag:s21] =	ssyncadd.s32 $0xFFFFE800  }
0x100: {  	[hbm4b:s2+s1] =	stream.linear.scatter [tilespmem:s20], [sflag:$0x1], $0x1800, $0x38;
	[tilespmem:$0x1A200] =	vst v63  }
0x101: {  	_ =	swait.ge [sflag:s21], $0x1800  }
0x102: {  	[sflag:s21] =	ssyncset.done $0x0  }
0x103: {  	[sflag:s21] =	ssyncadd.s32 $0xFFFFE800  }
0x104: {  	[tilespmem:s22], [sflag:$0x1] =	stream.linear.gather [hbm4b:s6+s1], $0x30, $0x38;
	[tilespmem:$0x1A200] =	vst v63  }
0x105: {  	_ =	swait.ge [sflag:s21], $0x30  }
0x106: {  	[sflag:s21] =	ssyncset.done $0x0  }
0x107: {  	[sflag:s21] =	ssyncadd.s32 $0xFFFFFFD0  }
0x108: {  	[tilespmem:s20], [sflag:$0x1] =	stream.indirect.gather [spmem:s31], $0x80, s22, s23, $0xb8;
	[tilespmem:$0x1A200] =	vst v63  }
0x109: {  	_ =	swait.ge [sflag:s21], $0x1800  }
0x10a: {  	[sflag:s21] =	ssyncset.done $0x0  }
0x10b: {  	s17 =	rddreg [dreg:$0x7];
	[sflag:s21] =	ssyncadd.s32 $0xFFFFE800  }
0x10c: {  	[hbm4b:s17+s1] =	stream.linear.scatter [tilespmem:s20], [sflag:$0x1], $0x1800, $0x38;
	[tilespmem:$0x1A200] =	vst v63  }
0x10d: {  	_ =	swait.ge [sflag:s21], $0x1800  }
0x10e: {  	[sflag:s21] =	ssyncset.done $0x0  }
0x10f: {  	[sflag:s21] =	ssyncadd.s32 $0xFFFFE800  }
0x110: {  	[tilespmem:s22], [sflag:$0x1] =	stream.linear.gather [hbm4b:s7+s1], $0x30, $0x38;
	[tilespmem:$0x1A200] =	vst v63  }
0x111: {  	_ =	swait.ge [sflag:s21], $0x30  }
0x112: {  	[sflag:s21] =	ssyncset.done $0x0  }
0x113: {  	[sflag:s21] =	ssyncadd.s32 $0xFFFFFFD0  }
0x114: {  	[tilespmem:s20], [sflag:$0x1] =	stream.indirect.gather [spmem:s31], $0x80, s22, s23, $0xb8;
	[tilespmem:$0x1A200] =	vst v63  }
0x115: {  	_ =	swait.ge [sflag:s21], $0x1800  }
0x116: {  	[sflag:s21] =	ssyncset.done $0x0  }
0x117: {  	s3 =	smov.u32 s18;
	s18 =	rddreg [dreg:$0x8];
	[sflag:s21] =	ssyncadd.s32 $0xFFFFE800  }
0x118: {  	[hbm4b:s18+s1] =	stream.linear.scatter [tilespmem:s20], [sflag:$0x1], $0x1800, $0x38;
	[tilespmem:$0x1A200] =	vst v63  }
0x119: {  	_ =	swait.ge [sflag:s21], $0x1800  }
0x11a: {  	[sflag:s21] =	ssyncset.done $0x0  }
0x11b: {  	[sflag:s21] =	ssyncadd.s32 $0xFFFFE800  }
0x11c: {  	[tilespmem:s22], [sflag:$0x1] =	stream.linear.gather [hbm4b:s8+s1], $0x30, $0x38;
	[tilespmem:$0x1A200] =	vst v63  }
0x11d: {  	_ =	swait.ge [sflag:s21], $0x30  }
0x11e: {  	[sflag:s21] =	ssyncset.done $0x0  }
0x11f: {  	[sflag:s21] =	ssyncadd.s32 $0xFFFFFFD0  }
0x120: {  	[tilespmem:s20], [sflag:$0x1] =	stream.indirect.gather [spmem:s31], $0x80, s22, s23, $0xb8;
	[tilespmem:$0x1A200] =	vst v63  }
0x121: {  	_ =	swait.ge [sflag:s21], $0x1800  }
0x122: {  	[sflag:s21] =	ssyncset.done $0x0  }
0x123: {  	s29 =	rddreg [dreg:$0x9];
	[sflag:s21] =	ssyncadd.s32 $0xFFFFE800  }
0x124: {  	[hbm4b:s29+s1] =	stream.linear.scatter [tilespmem:s20], [sflag:$0x1], $0x1800, $0x38;
	[tilespmem:$0x1A200] =	vst v63  }
0x125: {  	_ =	swait.ge [sflag:s21], $0x1800  }
0x126: {  	[sflag:s21] =	ssyncset.done $0x0  }
0x127: {  	[sflag:s21] =	ssyncadd.s32 $0xFFFFE800  }
0x128: {  	[tilespmem:s22], [sflag:$0x1] =	stream.linear.gather [hbm4b:s9+s1], $0x30, $0x38;
	[tilespmem:$0x1A200] =	vst v63  }
0x129: {  	_ =	swait.ge [sflag:s21], $0x30  }
0x12a: {  	[sflag:s21] =	ssyncset.done $0x0  }
0x12b: {  	[sflag:s21] =	ssyncadd.s32 $0xFFFFFFD0  }
0x12c: {  	[tilespmem:s20], [sflag:$0x1] =	stream.indirect.gather [spmem:s31], $0x80, s22, s23, $0xb8;
	[tilespmem:$0x1A200] =	vst v63  }
0x12d: {  	_ =	swait.ge [sflag:s21], $0x1800  }
0x12e: {  	[sflag:s21] =	ssyncset.done $0x0  }
0x12f: {  	s30 =	rddreg [dreg:$0xa];
	[sflag:s21] =	ssyncadd.s32 $0xFFFFE800  }
0x130: {  	[hbm4b:s30+s1] =	stream.linear.scatter [tilespmem:s20], [sflag:$0x1], $0x1800, $0x38;
	[tilespmem:$0x1A200] =	vst v63  }
0x131: {  	_ =	swait.ge [sflag:s21], $0x1800  }
0x132: {  	[sflag:s21] =	ssyncset.done $0x0  }
0x133: {  	[sflag:s21] =	ssyncadd.s32 $0xFFFFE800  }
0x134: {  	[tilespmem:s22], [sflag:$0x1] =	stream.linear.gather [hbm4b:s10+s1], $0x30, $0x38;
	[tilespmem:$0x1A200] =	vst v63  }
0x135: {  	_ =	swait.ge [sflag:s21], $0x30  }
0x136: {  	[sflag:s21] =	ssyncset.done $0x0  }
0x137: {  	[sflag:s21] =	ssyncadd.s32 $0xFFFFFFD0  }
0x138: {  	[tilespmem:s20], [sflag:$0x1] =	stream.indirect.gather [spmem:s31], $0x80, s22, s23, $0xb8;
	[tilespmem:$0x1A200] =	vst v63  }
0x139: {  	_ =	swait.ge [sflag:s21], $0x1800  }
0x13a: {  	[sflag:s21] =	ssyncset.done $0x0  }
0x13b: {  	s2 =	rddreg [dreg:$0xb];
	[sflag:s21] =	ssyncadd.s32 $0xFFFFE800  }
0x13c: {  	[hbm4b:s2+s1] =	stream.linear.scatter [tilespmem:s20], [sflag:$0x1], $0x1800, $0x38;
	[tilespmem:$0x1A200] =	vst v63  }
0x13d: {  	_ =	swait.ge [sflag:s21], $0x1800  }
0x13e: {  	[sflag:s21] =	ssyncset.done $0x0  }
0x13f: {  	[sflag:s21] =	ssyncadd.s32 $0xFFFFE800  }
0x140: {  	[tilespmem:s22], [sflag:$0x1] =	stream.linear.gather [hbm4b:s11+s1], $0x30, $0x38;
	[tilespmem:$0x1A200] =	vst v63  }
0x141: {  	_ =	swait.ge [sflag:s21], $0x30  }
0x142: {  	[sflag:s21] =	ssyncset.done $0x0  }
0x143: {  	[sflag:s21] =	ssyncadd.s32 $0xFFFFFFD0  }
0x144: {  	[tilespmem:s20], [sflag:$0x1] =	stream.indirect.gather [spmem:s31], $0x80, s22, s23, $0xb8;
	[tilespmem:$0x1A200] =	vst v63  }
0x145: {  	_ =	swait.ge [sflag:s21], $0x1800  }
0x146: {  	[sflag:s21] =	ssyncset.done $0x0  }
0x147: {  	s17 =	rddreg [dreg:$0xc];
	[sflag:s21] =	ssyncadd.s32 $0xFFFFE800  }
0x148: {  	[hbm4b:s17+s1] =	stream.linear.scatter [tilespmem:s20], [sflag:$0x1], $0x1800, $0x38;
	[tilespmem:$0x1A200] =	vst v63  }
0x149: {  	_ =	swait.ge [sflag:s21], $0x1800  }
0x14a: {  	[sflag:s21] =	ssyncset.done $0x0  }
0x14b: {  	[sflag:s21] =	ssyncadd.s32 $0xFFFFE800  }
0x14c: {  	[tilespmem:s22], [sflag:$0x1] =	stream.linear.gather [hbm4b:s12+s1], $0x30, $0x38;
	[tilespmem:$0x1A200] =	vst v63  }
0x14d: {  	_ =	swait.ge [sflag:s21], $0x30  }
0x14e: {  	[sflag:s21] =	ssyncset.done $0x0  }
0x14f: {  	[sflag:s21] =	ssyncadd.s32 $0xFFFFFFD0  }
0x150: {  	[tilespmem:s20], [sflag:$0x1] =	stream.indirect.gather [spmem:s31], $0x80, s22, s23, $0xb8;
	[tilespmem:$0x1A200] =	vst v63  }
0x151: {  	_ =	swait.ge [sflag:s21], $0x1800  }
0x152: {  	[sflag:s21] =	ssyncset.done $0x0  }
0x153: {  	s18 =	rddreg [dreg:$0xd];
	[sflag:s21] =	ssyncadd.s32 $0xFFFFE800  }
0x154: {  	[hbm4b:s18+s1] =	stream.linear.scatter [tilespmem:s20], [sflag:$0x1], $0x1800, $0x38;
	[tilespmem:$0x1A200] =	vst v63  }
0x155: {  	_ =	swait.ge [sflag:s21], $0x1800  }
0x156: {  	[sflag:s21] =	ssyncset.done $0x0  }
0x157: {  	[sflag:s21] =	ssyncadd.s32 $0xFFFFE800  }
0x158: {  	[tilespmem:s22], [sflag:$0x1] =	stream.linear.gather [hbm4b:s13+s1], $0x30, $0x38;
	[tilespmem:$0x1A200] =	vst v63  }
0x159: {  	_ =	swait.ge [sflag:s21], $0x30  }
0x15a: {  	[sflag:s21] =	ssyncset.done $0x0  }
0x15b: {  	[sflag:s21] =	ssyncadd.s32 $0xFFFFFFD0  }
0x15c: {  	[tilespmem:s20], [sflag:$0x1] =	stream.indirect.gather [spmem:s31], $0x80, s22, s23, $0xb8;
	[tilespmem:$0x1A200] =	vst v63  }
0x15d: {  	_ =	swait.ge [sflag:s21], $0x1800  }
0x15e: {  	[sflag:s21] =	ssyncset.done $0x0  }
0x15f: {  	s29 =	rddreg [dreg:$0xe];
	[sflag:s21] =	ssyncadd.s32 $0xFFFFE800  }
0x160: {  	[hbm4b:s29+s1] =	stream.linear.scatter [tilespmem:s20], [sflag:$0x1], $0x1800, $0x38;
	[tilespmem:$0x1A200] =	vst v63  }
0x161: {  	_ =	swait.ge [sflag:s21], $0x1800  }
0x162: {  	[sflag:s21] =	ssyncset.done $0x0  }
0x163: {  	[sflag:s21] =	ssyncadd.s32 $0xFFFFE800  }
0x164: {  	[tilespmem:s22], [sflag:$0x1] =	stream.linear.gather [hbm4b:s14+s1], $0x30, $0x38;
	[tilespmem:$0x1A200] =	vst v63  }
0x165: {  	_ =	swait.ge [sflag:s21], $0x30  }
0x166: {  	[sflag:s21] =	ssyncset.done $0x0  }
0x167: {  	[sflag:s21] =	ssyncadd.s32 $0xFFFFFFD0  }
0x168: {  	[tilespmem:s20], [sflag:$0x1] =	stream.indirect.gather [spmem:s31], $0x80, s22, s23, $0xb8;
	[tilespmem:$0x1A200] =	vst v63  }
0x169: {  	_ =	swait.ge [sflag:s21], $0x1800  }
0x16a: {  	[sflag:s21] =	ssyncset.done $0x0  }
0x16b: {  	s30 =	rddreg [dreg:$0xf];
	[sflag:s21] =	ssyncadd.s32 $0xFFFFE800  }
0x16c: {  	[hbm4b:s30+s1] =	stream.linear.scatter [tilespmem:s20], [sflag:$0x1], $0x1800, $0x38;
	[tilespmem:$0x1A200] =	vst v63  }
0x16d: {  	_ =	swait.ge [sflag:s21], $0x1800  }
0x16e: {  	[sflag:s21] =	ssyncset.done $0x0  }
0x16f: {  	[sflag:s21] =	ssyncadd.s32 $0xFFFFE800  }
0x170: {  	[tilespmem:s22], [sflag:$0x1] =	stream.linear.gather [hbm4b:s15+s1], $0x30, $0x38;
	[tilespmem:$0x1A200] =	vst v63  }
0x171: {  	_ =	swait.ge [sflag:s21], $0x30  }
0x172: {  	[sflag:s21] =	ssyncset.done $0x0  }
0x173: {  	[sflag:s21] =	ssyncadd.s32 $0xFFFFFFD0  }
0x174: {  	[tilespmem:s20], [sflag:$0x1] =	stream.indirect.gather [spmem:s31], $0x80, s22, s23, $0xb8;
	[tilespmem:$0x1A200] =	vst v63  }
0x175: {  	_ =	swait.ge [sflag:s21], $0x1800  }
0x176: {  	[sflag:s21] =	ssyncset.done $0x0  }
0x177: {  	s2 =	rddreg [dreg:$0x10];
	[sflag:s21] =	ssyncadd.s32 $0xFFFFE800  }
0x178: {  	[hbm4b:s2+s1] =	stream.linear.scatter [tilespmem:s20], [sflag:$0x1], $0x1800, $0x38;
	[tilespmem:$0x1A200] =	vst v63  }
0x179: {  	_ =	swait.ge [sflag:s21], $0x1800  }
0x17a: {  	s29 =	simm.s32 @!p0 $0x5100;
	[sflag:s21] =	ssyncset.done $0x0  }
0x17b: {  	s30 =	simm.s32 @!p0 $0x1;
	s2 =	simm.s32 @!p0 $0x0;
	[sflag:s21] =	ssyncadd.s32 $0xFFFFE800  }
0x17c: {  	[tilespmem:s29], [sflag:$0x1] =	stream.linear.gather @!p0 [hbm4b:s16+s2], $0x10, $0x38;
	[tilespmem:$0x1A200] =	vst v63  }
0x17d: {  	_ =	swait.ge @!p0 [sflag:s30], $0x10  }
0x17e: {  	[sflag:s30] =	ssyncset.done @!p0 $0x0  }
0x17f: {  	s0 =	simm.s32 @!p0 $0x5180;
	s17 =	simm.s32 @!p0 $0x10;
	[sflag:s30] =	ssyncadd.s32 @!p0 $0xFFFFFFF0  }
0x180: {  	[tilespmem:s0], [sflag:$0x1] =	stream.indirect.gather @!p0 [spmem:s31], $0x80, s29, s17, $0xb8;
	[tilespmem:$0x1A200] =	vst v63  }
0x181: {  	_ =	swait.ge @!p0 [sflag:s30], $0x800  }
0x182: {  	[sflag:s30] =	ssyncset.done @!p0 $0x0  }
0x183: {  	s18 =	rddreg [dreg:$0x11];
	[sflag:s30] =	ssyncadd.s32 @!p0 $0xFFFFF800  }
0x184: {  	[hbm4b:s18+s2] =	stream.linear.scatter @!p0 [tilespmem:s0], [sflag:$0x1], $0x800, $0x38;
	[tilespmem:$0x1A200] =	vst v63  }
0x185: {  	_ =	swait.ge @!p0 [sflag:s30], $0x800  }
0x186: {  	[sflag:s30] =	ssyncset.done @!p0 $0x0  }
0x187: {  	[sflag:s30] =	ssyncadd.s32 @!p0 $0xFFFFF800  }
0x188: {  	[bflag:$0x0] =	sbarrier.arrive $0xFFFF  }
0x189: {  	s18 =	sld [smem:$0x7FD];
	_ =	sdelay $0x2  }
0x18a: {  	[tilespmem:s20], [sflag:$0x1] =	stream.linear.gather [hbm4b:s18+s1], $0x1800, $0x38;
	[tilespmem:$0x1A200] =	vst v63  }
0x18b: {  	_ =	swait.ge [sflag:s21], $0x1800  }
0x18c: {  	[sflag:s21] =	ssyncset.done $0x0  }
0x18d: {  	[sflag:s21] =	ssyncadd.s32 $0xFFFFE800  }
0x18e: {  	[tilespmem:s22], [sflag:$0x1] =	stream.linear.gather [hbm4b:s3+s1], $0x30, $0x38;
	[tilespmem:$0x1A200] =	vst v63  }
0x18f: {  	_ =	swait.ge [sflag:s21], $0x30  }
0x190: {  	[sflag:s21] =	ssyncset.done $0x0  }
0x191: {  	[sflag:s21] =	ssyncadd.s32 $0xFFFFFFD0  }
0x192: {  	[spmem:s31] =	stream.indirect.scatter [tilespmem:s20], [sflag:$0x1], $0x80, s22, s23, $0xb8;
	[tilespmem:$0x1A200] =	vst v63  }
0x193: {  	_ =	swait.ge [sflag:s21], $0x1800  }
0x194: {  	[sflag:s21] =	ssyncset.done $0x0  }
0x195: {  	[sflag:s21] =	ssyncadd.s32 $0xFFFFE800  }
0x196: {  	[tilespmem:s22], [sflag:$0x1] =	stream.linear.gather [hbm4b:s4+s1], $0x30, $0x38;
	[tilespmem:$0x1A200] =	vst v63  }
0x197: {  	_ =	swait.ge [sflag:s21], $0x30  }
0x198: {  	[sflag:s21] =	ssyncset.done $0x0  }
0x199: {  	[sflag:s21] =	ssyncadd.s32 $0xFFFFFFD0  }
0x19a: {  	[spmem:s31] =	stream.indirect.scatter [tilespmem:s20], [sflag:$0x1], $0x80, s22, s23, $0xb8;
	[tilespmem:$0x1A200] =	vst v63  }
0x19b: {  	_ =	swait.ge [sflag:s21], $0x1800  }
0x19c: {  	[sflag:s21] =	ssyncset.done $0x0  }
0x19d: {  	[sflag:s21] =	ssyncadd.s32 $0xFFFFE800  }
0x19e: {  	[tilespmem:s22], [sflag:$0x1] =	stream.linear.gather [hbm4b:s5+s1], $0x30, $0x38;
	[tilespmem:$0x1A200] =	vst v63  }
0x19f: {  	_ =	swait.ge [sflag:s21], $0x30  }
0x1a0: {  	[sflag:s21] =	ssyncset.done $0x0  }
0x1a1: {  	[sflag:s21] =	ssyncadd.s32 $0xFFFFFFD0  }
0x1a2: {  	[spmem:s31] =	stream.indirect.scatter [tilespmem:s20], [sflag:$0x1], $0x80, s22, s23, $0xb8;
	[tilespmem:$0x1A200] =	vst v63  }
0x1a3: {  	_ =	swait.ge [sflag:s21], $0x1800  }
0x1a4: {  	[sflag:s21] =	ssyncset.done $0x0  }
0x1a5: {  	[sflag:s21] =	ssyncadd.s32 $0xFFFFE800  }
0x1a6: {  	[tilespmem:s22], [sflag:$0x1] =	stream.linear.gather [hbm4b:s6+s1], $0x30, $0x38;
	[tilespmem:$0x1A200] =	vst v63  }
0x1a7: {  	_ =	swait.ge [sflag:s21], $0x30  }
0x1a8: {  	[sflag:s21] =	ssyncset.done $0x0  }
0x1a9: {  	[sflag:s21] =	ssyncadd.s32 $0xFFFFFFD0  }
0x1aa: {  	[spmem:s31] =	stream.indirect.scatter [tilespmem:s20], [sflag:$0x1], $0x80, s22, s23, $0xb8;
	[tilespmem:$0x1A200] =	vst v63  }
0x1ab: {  	_ =	swait.ge [sflag:s21], $0x1800  }
0x1ac: {  	[sflag:s21] =	ssyncset.done $0x0  }
0x1ad: {  	[sflag:s21] =	ssyncadd.s32 $0xFFFFE800  }
0x1ae: {  	[tilespmem:s22], [sflag:$0x1] =	stream.linear.gather [hbm4b:s7+s1], $0x30, $0x38;
	[tilespmem:$0x1A200] =	vst v63  }
0x1af: {  	_ =	swait.ge [sflag:s21], $0x30  }
0x1b0: {  	[sflag:s21] =	ssyncset.done $0x0  }
0x1b1: {  	[sflag:s21] =	ssyncadd.s32 $0xFFFFFFD0  }
0x1b2: {  	[spmem:s31] =	stream.indirect.scatter [tilespmem:s20], [sflag:$0x1], $0x80, s22, s23, $0xb8;
	[tilespmem:$0x1A200] =	vst v63  }
0x1b3: {  	_ =	swait.ge [sflag:s21], $0x1800  }
0x1b4: {  	[sflag:s21] =	ssyncset.done $0x0  }
0x1b5: {  	[sflag:s21] =	ssyncadd.s32 $0xFFFFE800  }
0x1b6: {  	[tilespmem:s22], [sflag:$0x1] =	stream.linear.gather [hbm4b:s8+s1], $0x30, $0x38;
	[tilespmem:$0x1A200] =	vst v63  }
0x1b7: {  	_ =	swait.ge [sflag:s21], $0x30  }
0x1b8: {  	[sflag:s21] =	ssyncset.done $0x0  }
0x1b9: {  	[sflag:s21] =	ssyncadd.s32 $0xFFFFFFD0  }
0x1ba: {  	[spmem:s31] =	stream.indirect.scatter [tilespmem:s20], [sflag:$0x1], $0x80, s22, s23, $0xb8;
	[tilespmem:$0x1A200] =	vst v63  }
0x1bb: {  	_ =	swait.ge [sflag:s21], $0x1800  }
0x1bc: {  	[sflag:s21] =	ssyncset.done $0x0  }
0x1bd: {  	[sflag:s21] =	ssyncadd.s32 $0xFFFFE800  }
0x1be: {  	[tilespmem:s22], [sflag:$0x1] =	stream.linear.gather [hbm4b:s9+s1], $0x30, $0x38;
	[tilespmem:$0x1A200] =	vst v63  }
0x1bf: {  	_ =	swait.ge [sflag:s21], $0x30  }
0x1c0: {  	[sflag:s21] =	ssyncset.done $0x0  }
0x1c1: {  	[sflag:s21] =	ssyncadd.s32 $0xFFFFFFD0  }
0x1c2: {  	[spmem:s31] =	stream.indirect.scatter [tilespmem:s20], [sflag:$0x1], $0x80, s22, s23, $0xb8;
	[tilespmem:$0x1A200] =	vst v63  }
0x1c3: {  	_ =	swait.ge [sflag:s21], $0x1800  }
0x1c4: {  	[sflag:s21] =	ssyncset.done $0x0  }
0x1c5: {  	[sflag:s21] =	ssyncadd.s32 $0xFFFFE800  }
0x1c6: {  	[tilespmem:s22], [sflag:$0x1] =	stream.linear.gather [hbm4b:s10+s1], $0x30, $0x38;
	[tilespmem:$0x1A200] =	vst v63  }
0x1c7: {  	_ =	swait.ge [sflag:s21], $0x30  }
0x1c8: {  	[sflag:s21] =	ssyncset.done $0x0  }
0x1c9: {  	[sflag:s21] =	ssyncadd.s32 $0xFFFFFFD0  }
0x1ca: {  	[spmem:s31] =	stream.indirect.scatter [tilespmem:s20], [sflag:$0x1], $0x80, s22, s23, $0xb8;
	[tilespmem:$0x1A200] =	vst v63  }
0x1cb: {  	_ =	swait.ge [sflag:s21], $0x1800  }
0x1cc: {  	[sflag:s21] =	ssyncset.done $0x0  }
0x1cd: {  	[sflag:s21] =	ssyncadd.s32 $0xFFFFE800  }
0x1ce: {  	[tilespmem:s22], [sflag:$0x1] =	stream.linear.gather [hbm4b:s11+s1], $0x30, $0x38;
	[tilespmem:$0x1A200] =	vst v63  }
0x1cf: {  	_ =	swait.ge [sflag:s21], $0x30  }
0x1d0: {  	[sflag:s21] =	ssyncset.done $0x0  }
0x1d1: {  	[sflag:s21] =	ssyncadd.s32 $0xFFFFFFD0  }
0x1d2: {  	[spmem:s31] =	stream.indirect.scatter [tilespmem:s20], [sflag:$0x1], $0x80, s22, s23, $0xb8;
	[tilespmem:$0x1A200] =	vst v63  }
0x1d3: {  	_ =	swait.ge [sflag:s21], $0x1800  }
0x1d4: {  	[sflag:s21] =	ssyncset.done $0x0  }
0x1d5: {  	[sflag:s21] =	ssyncadd.s32 $0xFFFFE800  }
0x1d6: {  	[tilespmem:s22], [sflag:$0x1] =	stream.linear.gather [hbm4b:s12+s1], $0x30, $0x38;
	[tilespmem:$0x1A200] =	vst v63  }
0x1d7: {  	_ =	swait.ge [sflag:s21], $0x30  }
0x1d8: {  	[sflag:s21] =	ssyncset.done $0x0  }
0x1d9: {  	[sflag:s21] =	ssyncadd.s32 $0xFFFFFFD0  }
0x1da: {  	[spmem:s31] =	stream.indirect.scatter [tilespmem:s20], [sflag:$0x1], $0x80, s22, s23, $0xb8;
	[tilespmem:$0x1A200] =	vst v63  }
0x1db: {  	_ =	swait.ge [sflag:s21], $0x1800  }
0x1dc: {  	[sflag:s21] =	ssyncset.done $0x0  }
0x1dd: {  	[sflag:s21] =	ssyncadd.s32 $0xFFFFE800  }
0x1de: {  	[tilespmem:s22], [sflag:$0x1] =	stream.linear.gather [hbm4b:s13+s1], $0x30, $0x38;
	[tilespmem:$0x1A200] =	vst v63  }
0x1df: {  	_ =	swait.ge [sflag:s21], $0x30  }
0x1e0: {  	[sflag:s21] =	ssyncset.done $0x0  }
0x1e1: {  	[sflag:s21] =	ssyncadd.s32 $0xFFFFFFD0  }
0x1e2: {  	[spmem:s31] =	stream.indirect.scatter [tilespmem:s20], [sflag:$0x1], $0x80, s22, s23, $0xb8;
	[tilespmem:$0x1A200] =	vst v63  }
0x1e3: {  	_ =	swait.ge [sflag:s21], $0x1800  }
0x1e4: {  	[sflag:s21] =	ssyncset.done $0x0  }
0x1e5: {  	[sflag:s21] =	ssyncadd.s32 $0xFFFFE800  }
0x1e6: {  	[tilespmem:s22], [sflag:$0x1] =	stream.linear.gather [hbm4b:s14+s1], $0x30, $0x38;
	[tilespmem:$0x1A200] =	vst v63  }
0x1e7: {  	_ =	swait.ge [sflag:s21], $0x30  }
0x1e8: {  	[sflag:s21] =	ssyncset.done $0x0  }
0x1e9: {  	[sflag:s21] =	ssyncadd.s32 $0xFFFFFFD0  }
0x1ea: {  	[spmem:s31] =	stream.indirect.scatter [tilespmem:s20], [sflag:$0x1], $0x80, s22, s23, $0xb8;
	[tilespmem:$0x1A200] =	vst v63  }
0x1eb: {  	_ =	swait.ge [sflag:s21], $0x1800  }
0x1ec: {  	[sflag:s21] =	ssyncset.done $0x0  }
0x1ed: {  	[sflag:s21] =	ssyncadd.s32 $0xFFFFE800  }
0x1ee: {  	[tilespmem:s22], [sflag:$0x1] =	stream.linear.gather [hbm4b:s15+s1], $0x30, $0x38;
	[tilespmem:$0x1A200] =	vst v63  }
0x1ef: {  	_ =	swait.ge [sflag:s21], $0x30  }
0x1f0: {  	[sflag:s21] =	ssyncset.done $0x0  }
0x1f1: {  	[sflag:s21] =	ssyncadd.s32 $0xFFFFFFD0  }
0x1f2: {  	[spmem:s31] =	stream.indirect.scatter [tilespmem:s20], [sflag:$0x1], $0x80, s22, s23, $0xb8;
	[tilespmem:$0x1A200] =	vst v63  }
0x1f3: {  	_ =	swait.ge [sflag:s21], $0x1800  }
0x1f4: {  	[sflag:s21] =	ssyncset.done $0x0  }
0x1f5: {  	[sflag:s21] =	ssyncadd.s32 $0xFFFFE800  }
0x1f6: {  	[tilespmem:s29], [sflag:$0x1] =	stream.linear.gather @!p0 [hbm4b:s16+s2], $0x10, $0x38;
	[tilespmem:$0x1A200] =	vst v63  }
0x1f7: {  	_ =	swait.ge @!p0 [sflag:s30], $0x10  }
0x1f8: {  	[sflag:s30] =	ssyncset.done @!p0 $0x0  }
0x1f9: {  	[sflag:s30] =	ssyncadd.s32 @!p0 $0xFFFFFFF0  }
0x1fa: {  	[spmem:s31] =	stream.indirect.scatter @!p0 [tilespmem:s0], [sflag:$0x1], $0x80, s29, s17, $0xb8;
	[tilespmem:$0x1A200] =	vst v63  }
0x1fb: {  	_ =	swait.ge @!p0 [sflag:s30], $0x800  }
0x1fc: {  	s29 =	sld [smem:$0x7F8]  }
0x1fd: {  	[sflag:s30] =	ssyncset.done @!p0 $0x0  }
0x1fe: {  	s17 =	simm.s32 $0x0;
	[sflag:s30] =	ssyncadd.s32 @!p0 $0xFFFFF800  }
0x1ff: {  	[tilespmem:s26], [sflag:$0x1] =	stream.linear.gather [hbm4b:s29+s17], $0x2800, $0x38;
	[tilespmem:$0x1A200] =	vst v63  }
0x200: {  	_ =	swait.ge [sflag:s21], $0x2800  }
0x201: {  	[sflag:s21] =	ssyncset.done $0x0  }
0x202: {  	[sflag:s21] =	ssyncadd.s32 $0xFFFFD800  }
0x203: {  	s30 =	sadd.s32 $0x0, s19;
	[bflag:$0x0] =	sbarrier.arrive $0xFFFF  }
0x204: {  	[tilespmem:s1], [sflag:$0x1] =	stream.linear.gather [hbm4b:s30+s1], $0x50, $0x38;
	[tilespmem:$0x1A200] =	vst v63  }
0x205: {  	_ =	swait.ge [sflag:s21], $0x50  }
0x206: {  	[sflag:s21] =	ssyncset.done $0x0  }
0x207: {  	[sflag:s21] =	ssyncadd.s32 $0xFFFFFFB0  }
0x208: {  	[spmem:s31] =	stream.indirect.scatter.add.f32 [tilespmem:s26], [sflag:$0x1], $0x80, s1, s25, $0xb8;
	[tilespmem:$0x1A200] =	vst v63  }
0x209: {  	_ =	swait.ge [sflag:s21], $0x2800  }
0x20a: {  	s2 =	simm.s32 $0x14;
	s0 =	simm.s32 $0xA;
	[sflag:s21] =	ssyncset.done $0x0  }
.LBB2_4:
0x20b: {  	s17 =	sadd.s32 s0, s19  }
0x20c: {  	[sflag:s21] =	ssyncadd.s32 $0xFFFFD800;
	s0 =	smov.u32 s2;
	s29 =	sadd.s32 $0xA, s2  }
0x20d: {  	[tilespmem:s1], [sflag:$0x1] =	stream.linear.gather [hbm4b:s17+s1], $0x50, $0x38;
	[tilespmem:$0x1A200] =	vst v63  }
0x20e: {  	p1 =	sne.s32 s2, $0x4D8;
	_ =	swait.ge [sflag:s21], $0x50  }
.Ltmp1:
0x20f: {  	[sflag:s21] =	ssyncset.done $0x0;
	(pc) =	sbr.rel @p1 .LBB2_4-.Ltmp1, $4  }
0x210: {  	[sflag:s21] =	ssyncadd.s32 $0xFFFFFFB0  }
0x211: {  	[spmem:s31] =	stream.indirect.scatter.add.f32 [tilespmem:s26], [sflag:$0x1], $0x80, s1, s25, $0xb8;
	[tilespmem:$0x1A200] =	vst v63  }
0x212: {  	_ =	swait.ge [sflag:s21], $0x2800  }
0x213: {  	s2 =	smov.u32 s29;
	[sflag:s21] =	ssyncset.done $0x0  }
0x214: {  	s0 =	sadd.s32 s0, s19;
	[sflag:s21] =	ssyncadd.s32 $0xFFFFD800  }
0x215: {  	[tilespmem:s1], [sflag:$0x1] =	stream.linear.gather [hbm4b:s0+s1], $0x50, $0x38;
	[tilespmem:$0x1A200] =	vst v63  }
0x216: {  	_ =	swait.ge [sflag:s21], $0x50  }
0x217: {  	[sflag:s21] =	ssyncset.done $0x0  }
0x218: {  	[sflag:s21] =	ssyncadd.s32 $0xFFFFFFB0  }
0x219: {  	[spmem:s31] =	stream.indirect.scatter.add.f32 [tilespmem:s26], [sflag:$0x1], $0x80, s1, s25, $0xb8;
	[tilespmem:$0x1A200] =	vst v63  }
0x21a: {  	_ =	swait.ge [sflag:s21], $0x2800  }
0x21b: {  	[sflag:s21] =	ssyncset.done $0x0  }
0x21c: {  	[sflag:s21] =	ssyncadd.s32 $0xFFFFD800  }
0x21d: {  	[bflag:$0x0] =	sbarrier.arrive $0xFFFF  }
0x21e: {  	[tilespmem:s22], [sflag:$0x1] =	stream.linear.gather [hbm4b:s3+s1], $0x30, $0x38;
	[tilespmem:$0x1A200] =	vst v63  }
0x21f: {  	_ =	swait.ge [sflag:s21], $0x30  }
0x220: {  	[sflag:s21] =	ssyncset.done $0x0  }
0x221: {  	[sflag:s21] =	ssyncadd.s32 $0xFFFFFFD0  }
0x222: {  	[tilespmem:s20], [sflag:$0x1] =	stream.indirect.gather [spmem:s31], $0x80, s22, s23, $0xb8;
	[tilespmem:$0x1A200] =	vst v63  }
0x223: {  	_ =	swait.ge [sflag:s21], $0x1800  }
0x224: {  	[sflag:s21] =	ssyncset.done $0x0  }
0x225: {  	s29 =	rddreg [dreg:$0x12];
	[sflag:s21] =	ssyncadd.s32 $0xFFFFE800  }
0x226: {  	[hbm4b:s29+s1] =	stream.linear.scatter [tilespmem:s20], [sflag:$0x1], $0x1800, $0x38;
	[tilespmem:$0x1A200] =	vst v63  }
0x227: {  	_ =	swait.ge [sflag:s21], $0x1800  }
0x228: {  	[sflag:s21] =	ssyncset.done $0x0  }
0x229: {  	[sflag:s21] =	ssyncadd.s32 $0xFFFFE800  }
0x22a: {  	[tilespmem:s22], [sflag:$0x1] =	stream.linear.gather [hbm4b:s4+s1], $0x30, $0x38;
	[tilespmem:$0x1A200] =	vst v63  }
0x22b: {  	_ =	swait.ge [sflag:s21], $0x30  }
0x22c: {  	[sflag:s21] =	ssyncset.done $0x0  }
0x22d: {  	[sflag:s21] =	ssyncadd.s32 $0xFFFFFFD0  }
0x22e: {  	[tilespmem:s20], [sflag:$0x1] =	stream.indirect.gather [spmem:s31], $0x80, s22, s23, $0xb8;
	[tilespmem:$0x1A200] =	vst v63  }
0x22f: {  	_ =	swait.ge [sflag:s21], $0x1800  }
0x230: {  	[sflag:s21] =	ssyncset.done $0x0  }
0x231: {  	s30 =	rddreg [dreg:$0x13];
	[sflag:s21] =	ssyncadd.s32 $0xFFFFE800  }
0x232: {  	[hbm4b:s30+s1] =	stream.linear.scatter [tilespmem:s20], [sflag:$0x1], $0x1800, $0x38;
	[tilespmem:$0x1A200] =	vst v63  }
0x233: {  	_ =	swait.ge [sflag:s21], $0x1800  }
0x234: {  	[sflag:s21] =	ssyncset.done $0x0  }
0x235: {  	[sflag:s21] =	ssyncadd.s32 $0xFFFFE800  }
0x236: {  	[tilespmem:s22], [sflag:$0x1] =	stream.linear.gather [hbm4b:s5+s1], $0x30, $0x38;
	[tilespmem:$0x1A200] =	vst v63  }
0x237: {  	_ =	swait.ge [sflag:s21], $0x30  }
0x238: {  	[sflag:s21] =	ssyncset.done $0x0  }
0x239: {  	[sflag:s21] =	ssyncadd.s32 $0xFFFFFFD0  }
0x23a: {  	[tilespmem:s20], [sflag:$0x1] =	stream.indirect.gather [spmem:s31], $0x80, s22, s23, $0xb8;
	[tilespmem:$0x1A200] =	vst v63  }
0x23b: {  	_ =	swait.ge [sflag:s21], $0x1800  }
0x23c: {  	[sflag:s21] =	ssyncset.done $0x0  }
0x23d: {  	s2 =	rddreg [dreg:$0x14];
	[sflag:s21] =	ssyncadd.s32 $0xFFFFE800  }
0x23e: {  	[hbm4b:s2+s1] =	stream.linear.scatter [tilespmem:s20], [sflag:$0x1], $0x1800, $0x38;
	[tilespmem:$0x1A200] =	vst v63  }
0x23f: {  	_ =	swait.ge [sflag:s21], $0x1800  }
0x240: {  	[sflag:s21] =	ssyncset.done $0x0  }
0x241: {  	[sflag:s21] =	ssyncadd.s32 $0xFFFFE800  }
0x242: {  	[tilespmem:s22], [sflag:$0x1] =	stream.linear.gather [hbm4b:s6+s1], $0x30, $0x38;
	[tilespmem:$0x1A200] =	vst v63  }
0x243: {  	_ =	swait.ge [sflag:s21], $0x30  }
0x244: {  	[sflag:s21] =	ssyncset.done $0x0  }
0x245: {  	[sflag:s21] =	ssyncadd.s32 $0xFFFFFFD0  }
0x246: {  	[tilespmem:s20], [sflag:$0x1] =	stream.indirect.gather [spmem:s31], $0x80, s22, s23, $0xb8;
	[tilespmem:$0x1A200] =	vst v63  }
0x247: {  	_ =	swait.ge [sflag:s21], $0x1800  }
0x248: {  	[sflag:s21] =	ssyncset.done $0x0  }
0x249: {  	s17 =	rddreg [dreg:$0x15];
	[sflag:s21] =	ssyncadd.s32 $0xFFFFE800  }
0x24a: {  	[hbm4b:s17+s1] =	stream.linear.scatter [tilespmem:s20], [sflag:$0x1], $0x1800, $0x38;
	[tilespmem:$0x1A200] =	vst v63  }
0x24b: {  	_ =	swait.ge [sflag:s21], $0x1800  }
0x24c: {  	[sflag:s21] =	ssyncset.done $0x0  }
0x24d: {  	[sflag:s21] =	ssyncadd.s32 $0xFFFFE800  }
0x24e: {  	[tilespmem:s22], [sflag:$0x1] =	stream.linear.gather [hbm4b:s7+s1], $0x30, $0x38;
	[tilespmem:$0x1A200] =	vst v63  }
0x24f: {  	_ =	swait.ge [sflag:s21], $0x30  }
0x250: {  	[sflag:s21] =	ssyncset.done $0x0  }
0x251: {  	[sflag:s21] =	ssyncadd.s32 $0xFFFFFFD0  }
0x252: {  	[tilespmem:s20], [sflag:$0x1] =	stream.indirect.gather [spmem:s31], $0x80, s22, s23, $0xb8;
	[tilespmem:$0x1A200] =	vst v63  }
0x253: {  	_ =	swait.ge [sflag:s21], $0x1800  }
0x254: {  	[sflag:s21] =	ssyncset.done $0x0  }
0x255: {  	s29 =	rddreg [dreg:$0x16];
	[sflag:s21] =	ssyncadd.s32 $0xFFFFE800  }
0x256: {  	[hbm4b:s29+s1] =	stream.linear.scatter [tilespmem:s20], [sflag:$0x1], $0x1800, $0x38;
	[tilespmem:$0x1A200] =	vst v63  }
0x257: {  	_ =	swait.ge [sflag:s21], $0x1800  }
0x258: {  	[sflag:s21] =	ssyncset.done $0x0  }
0x259: {  	[sflag:s21] =	ssyncadd.s32 $0xFFFFE800  }
0x25a: {  	[tilespmem:s22], [sflag:$0x1] =	stream.linear.gather [hbm4b:s8+s1], $0x30, $0x38;
	[tilespmem:$0x1A200] =	vst v63  }
0x25b: {  	_ =	swait.ge [sflag:s21], $0x30  }
0x25c: {  	[sflag:s21] =	ssyncset.done $0x0  }
0x25d: {  	[sflag:s21] =	ssyncadd.s32 $0xFFFFFFD0  }
0x25e: {  	[tilespmem:s20], [sflag:$0x1] =	stream.indirect.gather [spmem:s31], $0x80, s22, s23, $0xb8;
	[tilespmem:$0x1A200] =	vst v63  }
0x25f: {  	_ =	swait.ge [sflag:s21], $0x1800  }
0x260: {  	[sflag:s21] =	ssyncset.done $0x0  }
0x261: {  	s30 =	rddreg [dreg:$0x17];
	[sflag:s21] =	ssyncadd.s32 $0xFFFFE800  }
0x262: {  	[hbm4b:s30+s1] =	stream.linear.scatter [tilespmem:s20], [sflag:$0x1], $0x1800, $0x38;
	[tilespmem:$0x1A200] =	vst v63  }
0x263: {  	_ =	swait.ge [sflag:s21], $0x1800  }
0x264: {  	[sflag:s21] =	ssyncset.done $0x0  }
0x265: {  	[sflag:s21] =	ssyncadd.s32 $0xFFFFE800  }
0x266: {  	[tilespmem:s22], [sflag:$0x1] =	stream.linear.gather [hbm4b:s9+s1], $0x30, $0x38;
	[tilespmem:$0x1A200] =	vst v63  }
0x267: {  	_ =	swait.ge [sflag:s21], $0x30  }
0x268: {  	[sflag:s21] =	ssyncset.done $0x0  }
0x269: {  	[sflag:s21] =	ssyncadd.s32 $0xFFFFFFD0  }
0x26a: {  	[tilespmem:s20], [sflag:$0x1] =	stream.indirect.gather [spmem:s31], $0x80, s22, s23, $0xb8;
	[tilespmem:$0x1A200] =	vst v63  }
0x26b: {  	_ =	swait.ge [sflag:s21], $0x1800  }
0x26c: {  	[sflag:s21] =	ssyncset.done $0x0  }
0x26d: {  	s2 =	rddreg [dreg:$0x18];
	[sflag:s21] =	ssyncadd.s32 $0xFFFFE800  }
0x26e: {  	[hbm4b:s2+s1] =	stream.linear.scatter [tilespmem:s20], [sflag:$0x1], $0x1800, $0x38;
	[tilespmem:$0x1A200] =	vst v63  }
0x26f: {  	_ =	swait.ge [sflag:s21], $0x1800  }
0x270: {  	[sflag:s21] =	ssyncset.done $0x0  }
0x271: {  	[sflag:s21] =	ssyncadd.s32 $0xFFFFE800  }
0x272: {  	[tilespmem:s22], [sflag:$0x1] =	stream.linear.gather [hbm4b:s10+s1], $0x30, $0x38;
	[tilespmem:$0x1A200] =	vst v63  }
0x273: {  	_ =	swait.ge [sflag:s21], $0x30  }
0x274: {  	[sflag:s21] =	ssyncset.done $0x0  }
0x275: {  	[sflag:s21] =	ssyncadd.s32 $0xFFFFFFD0  }
0x276: {  	[tilespmem:s20], [sflag:$0x1] =	stream.indirect.gather [spmem:s31], $0x80, s22, s23, $0xb8;
	[tilespmem:$0x1A200] =	vst v63  }
0x277: {  	_ =	swait.ge [sflag:s21], $0x1800  }
0x278: {  	[sflag:s21] =	ssyncset.done $0x0  }
0x279: {  	s17 =	rddreg [dreg:$0x19];
	[sflag:s21] =	ssyncadd.s32 $0xFFFFE800  }
0x27a: {  	[hbm4b:s17+s1] =	stream.linear.scatter [tilespmem:s20], [sflag:$0x1], $0x1800, $0x38;
	[tilespmem:$0x1A200] =	vst v63  }
0x27b: {  	_ =	swait.ge [sflag:s21], $0x1800  }
0x27c: {  	[sflag:s21] =	ssyncset.done $0x0  }
0x27d: {  	[sflag:s21] =	ssyncadd.s32 $0xFFFFE800  }
0x27e: {  	[tilespmem:s22], [sflag:$0x1] =	stream.linear.gather [hbm4b:s11+s1], $0x30, $0x38;
	[tilespmem:$0x1A200] =	vst v63  }
0x27f: {  	_ =	swait.ge [sflag:s21], $0x30  }
0x280: {  	[sflag:s21] =	ssyncset.done $0x0  }
0x281: {  	[sflag:s21] =	ssyncadd.s32 $0xFFFFFFD0  }
0x282: {  	[tilespmem:s20], [sflag:$0x1] =	stream.indirect.gather [spmem:s31], $0x80, s22, s23, $0xb8;
	[tilespmem:$0x1A200] =	vst v63  }
0x283: {  	_ =	swait.ge [sflag:s21], $0x1800  }
0x284: {  	[sflag:s21] =	ssyncset.done $0x0  }
0x285: {  	s29 =	rddreg [dreg:$0x1a];
	[sflag:s21] =	ssyncadd.s32 $0xFFFFE800  }
0x286: {  	[hbm4b:s29+s1] =	stream.linear.scatter [tilespmem:s20], [sflag:$0x1], $0x1800, $0x38;
	[tilespmem:$0x1A200] =	vst v63  }
0x287: {  	_ =	swait.ge [sflag:s21], $0x1800  }
0x288: {  	[sflag:s21] =	ssyncset.done $0x0  }
0x289: {  	[sflag:s21] =	ssyncadd.s32 $0xFFFFE800  }
0x28a: {  	[tilespmem:s22], [sflag:$0x1] =	stream.linear.gather [hbm4b:s12+s1], $0x30, $0x38;
	[tilespmem:$0x1A200] =	vst v63  }
0x28b: {  	_ =	swait.ge [sflag:s21], $0x30  }
0x28c: {  	[sflag:s21] =	ssyncset.done $0x0  }
0x28d: {  	[sflag:s21] =	ssyncadd.s32 $0xFFFFFFD0  }
0x28e: {  	[tilespmem:s20], [sflag:$0x1] =	stream.indirect.gather [spmem:s31], $0x80, s22, s23, $0xb8;
	[tilespmem:$0x1A200] =	vst v63  }
0x28f: {  	_ =	swait.ge [sflag:s21], $0x1800  }
0x290: {  	[sflag:s21] =	ssyncset.done $0x0  }
0x291: {  	s30 =	rddreg [dreg:$0x1b];
	[sflag:s21] =	ssyncadd.s32 $0xFFFFE800  }
0x292: {  	[hbm4b:s30+s1] =	stream.linear.scatter [tilespmem:s20], [sflag:$0x1], $0x1800, $0x38;
	[tilespmem:$0x1A200] =	vst v63  }
0x293: {  	_ =	swait.ge [sflag:s21], $0x1800  }
0x294: {  	[sflag:s21] =	ssyncset.done $0x0  }
0x295: {  	[sflag:s21] =	ssyncadd.s32 $0xFFFFE800  }
0x296: {  	[tilespmem:s22], [sflag:$0x1] =	stream.linear.gather [hbm4b:s13+s1], $0x30, $0x38;
	[tilespmem:$0x1A200] =	vst v63  }
0x297: {  	_ =	swait.ge [sflag:s21], $0x30  }
0x298: {  	[sflag:s21] =	ssyncset.done $0x0  }
0x299: {  	[sflag:s21] =	ssyncadd.s32 $0xFFFFFFD0  }
0x29a: {  	[tilespmem:s20], [sflag:$0x1] =	stream.indirect.gather [spmem:s31], $0x80, s22, s23, $0xb8;
	[tilespmem:$0x1A200] =	vst v63  }
0x29b: {  	_ =	swait.ge [sflag:s21], $0x1800  }
0x29c: {  	[sflag:s21] =	ssyncset.done $0x0  }
0x29d: {  	s2 =	rddreg [dreg:$0x1c];
	[sflag:s21] =	ssyncadd.s32 $0xFFFFE800  }
0x29e: {  	[hbm4b:s2+s1] =	stream.linear.scatter [tilespmem:s20], [sflag:$0x1], $0x1800, $0x38;
	[tilespmem:$0x1A200] =	vst v63  }
0x29f: {  	_ =	swait.ge [sflag:s21], $0x1800  }
0x2a0: {  	[sflag:s21] =	ssyncset.done $0x0  }
0x2a1: {  	[sflag:s21] =	ssyncadd.s32 $0xFFFFE800  }
0x2a2: {  	[tilespmem:s22], [sflag:$0x1] =	stream.linear.gather [hbm4b:s14+s1], $0x30, $0x38;
	[tilespmem:$0x1A200] =	vst v63  }
0x2a3: {  	_ =	swait.ge [sflag:s21], $0x30  }
0x2a4: {  	[sflag:s21] =	ssyncset.done $0x0  }
0x2a5: {  	[sflag:s21] =	ssyncadd.s32 $0xFFFFFFD0  }
0x2a6: {  	[tilespmem:s20], [sflag:$0x1] =	stream.indirect.gather [spmem:s31], $0x80, s22, s23, $0xb8;
	[tilespmem:$0x1A200] =	vst v63  }
0x2a7: {  	_ =	swait.ge [sflag:s21], $0x1800  }
0x2a8: {  	[sflag:s21] =	ssyncset.done $0x0  }
0x2a9: {  	s17 =	rddreg [dreg:$0x1d];
	[sflag:s21] =	ssyncadd.s32 $0xFFFFE800  }
0x2aa: {  	[hbm4b:s17+s1] =	stream.linear.scatter [tilespmem:s20], [sflag:$0x1], $0x1800, $0x38;
	[tilespmem:$0x1A200] =	vst v63  }
0x2ab: {  	_ =	swait.ge [sflag:s21], $0x1800  }
0x2ac: {  	[sflag:s21] =	ssyncset.done $0x0  }
0x2ad: {  	[sflag:s21] =	ssyncadd.s32 $0xFFFFE800  }
0x2ae: {  	[tilespmem:s22], [sflag:$0x1] =	stream.linear.gather [hbm4b:s15+s1], $0x30, $0x38;
	[tilespmem:$0x1A200] =	vst v63  }
0x2af: {  	_ =	swait.ge [sflag:s21], $0x30  }
0x2b0: {  	[sflag:s21] =	ssyncset.done $0x0  }
0x2b1: {  	[sflag:s21] =	ssyncadd.s32 $0xFFFFFFD0  }
0x2b2: {  	[tilespmem:s20], [sflag:$0x1] =	stream.indirect.gather [spmem:s31], $0x80, s22, s23, $0xb8;
	[tilespmem:$0x1A200] =	vst v63  }
0x2b3: {  	_ =	swait.ge [sflag:s21], $0x1800  }
0x2b4: {  	[sflag:s21] =	ssyncset.done $0x0  }
0x2b5: {  	s29 =	rddreg [dreg:$0x1e];
	[sflag:s21] =	ssyncadd.s32 $0xFFFFE800  }
0x2b6: {  	[hbm4b:s29+s1] =	stream.linear.scatter [tilespmem:s20], [sflag:$0x1], $0x1800, $0x38;
	[tilespmem:$0x1A200] =	vst v63  }
0x2b7: {  	_ =	swait.ge [sflag:s21], $0x1800  }
0x2b8: {  	s0 =	simm.s32 @!p0 $0x0;
	[sflag:s21] =	ssyncset.done $0x0  }
0x2b9: {  	s2 =	simm.s32 @!p0 $0x5100;
	s17 =	simm.s32 @!p0 $0x1;
	[sflag:s21] =	ssyncadd.s32 $0xFFFFE800  }
0x2ba: {  	[tilespmem:s2], [sflag:$0x1] =	stream.linear.gather @!p0 [hbm4b:s16+s0], $0x10, $0x38;
	[tilespmem:$0x1A200] =	vst v63  }
0x2bb: {  	_ =	swait.ge @!p0 [sflag:s17], $0x10  }
0x2bc: {  	[sflag:s17] =	ssyncset.done @!p0 $0x0  }
0x2bd: {  	s30 =	simm.s32 @!p0 $0x5180;
	s29 =	simm.s32 @!p0 $0x10;
	[sflag:s17] =	ssyncadd.s32 @!p0 $0xFFFFFFF0  }
0x2be: {  	[tilespmem:s30], [sflag:$0x1] =	stream.indirect.gather @!p0 [spmem:s31], $0x80, s2, s29, $0xb8;
	[tilespmem:$0x1A200] =	vst v63  }
0x2bf: {  	_ =	swait.ge @!p0 [sflag:s17], $0x800  }
0x2c0: {  	[sflag:s17] =	ssyncset.done @!p0 $0x0  }
0x2c1: {  	s2 =	rddreg [dreg:$0x1f];
	[sflag:s17] =	ssyncadd.s32 @!p0 $0xFFFFF800  }
0x2c2: {  	[hbm4b:s2+s0] =	stream.linear.scatter @!p0 [tilespmem:s30], [sflag:$0x1], $0x800, $0x38;
	[tilespmem:$0x1A200] =	vst v63  }
0x2c3: {  	_ =	swait.ge @!p0 [sflag:s17], $0x800  }
0x2c4: {  	s30 =	sld [smem:$0x7FB];
	_ =	sdelay $0x1  }
0x2c5: {  	s28 =	sadd.s32 $0x1, s28  }
0x2c6: {  	p1 =	sne.s32 s28, s30  }
.Ltmp2:
0x2c7: {  	_ = 	snop;
	(pc) =	sbr.rel @p1 .LBB2_1-.Ltmp2, $3  }
0x2c8: {  	_ =	sdelay $0x1  }
0x2c9: {  	[sflag:s17] =	ssyncset.done @!p0 $0x0  }
0x2ca: {  	[sflag:s17] =	ssyncadd.s32 @!p0 $0xFFFFF800  }
0x2cb: {  	_ =	sfence.sel $0x180000  }
0x2cc: {  	[bflag:$0x0] =	sbarrier.arrive $0xFFFF  }
0x2cd: {  	_ =	strace $0x9000004A  }
0x2ce: {  	s0 =	stileid.u32;
	[bflag:$0x2] =	sbarrier.arrive $0xFFFF  }
0x2cf: {  	p0 =	sne.s32 s0, $0x0;
	s0 =	rddreg [dreg:$0x3]  }
0x2d0: {  	s0 =	sadd.s32 @!p0 $0x100000, s0  }
0x2d1: {  	[sflag:s0] =	ssyncadd.tile.s32 @!p0 $0x1;
	_ =	shalt  }
.Lfunc_end2:
_tile_overlayer_lowered:
.L_overlay_start_2:
0x2d2: {  	(tag) =	ssettag $0x2  }
0x2d3: {  	s0 =	rddreg [dreg:$0x0];
	s2 =	stileid.u32  }
0x2d4: {  	s1 =	rddreg [dreg:$0x1];
	p0 =	sne.s32 s2, $0x0  }
0x2d5: {  	s3 =	rddreg [dreg:$0x2];
	[bflag:$0x3] =	sbarrier.arrive $0xFFFF;
	s2 =	simm.s32 @!p0 $0x1C01  }
0x2d6: {  	[timem:s3], [sflag:s2] =	dma.local @!p0 [hbm:s0], s1  }
0x2d7: {  	s0 =	simm.s32 @!p0 $0x1  }
0x2d8: {  	_ =	swait.ge @!p0 [sflag:s0], s1  }
0x2d9: {  	s1 =	ssub.s32 @!p0 $0x0, s1;
	[sflag:s0] =	ssyncset.done @!p0 $0x0  }
0x2da: {  	[sflag:s0] =	ssyncadd.s32 @!p0 s1  }
0x2db: {  	[bflag:$0x3] =	sbarrier.arrive $0xFFFF  }
0x2dc: {  	_ =	shalt  }

// kernel: kernel.9.cloned.1.call-start
scs
__scs_entry_jumppad:
0x0: {  	(pc) =	sbr.rel $0x88, $3  }
0x1: {  	(tag) =	ssettag $0x0;
	lr =	simm.s32 $0x1  }
0x2: {  	[smem:$0x3F79] =	sst lr;
	_ =	strace $0xD0000000  }
0x3: {  	_ = 	snop  }
0x4: {  	_ = 	snop  }
0x5: {  	_ = 	snop  }
0x6: {  	_ = 	snop  }
0x7: {  	_ = 	snop  }
__scs_overlays_trampoline_lowered:
0x8: {  	[smem:$0x3F88] =	sst s0  }
0x9: {  	[smem:$0x3F89] =	sst s1  }
0xa: {  	[smem:$0x3F8A] =	sst s2  }
0xb: {  	[smem:$0x3F8B] =	sst s3  }
0xc: {  	[smem:$0x3F8C] =	sst s4  }
0xd: {  	[smem:$0x3F8D] =	sst s5  }
0xe: {  	[smem:$0x3F8E] =	sst s6  }
0xf: {  	[smem:$0x3F8F] =	sst s7  }
0x10: {  	[smem:$0x3F90] =	sst s8  }
0x11: {  	[smem:$0x3F91] =	sst s9;
	s0 =	simm.s32 @!p0 $0x0  }
0x12: {  	s1 =	sld [smem:$0x3F77];
	s0 =	simm.s32 @p0 $0x1  }
0x13: {  	[smem:$0x3F92] =	sst s0;
	s0 =	simm.s32 @!p1 $0x0  }
0x14: {  	s2 =	sld [smem:$0x3F76];
	s0 =	simm.s32 @p1 $0x1  }
0x15: {  	[smem:$0x3F93] =	sst s0;
	s0 =	simm.s32 @!p2 $0x0  }
0x16: {  	s3 =	sld [smem:$0x3FDB];
	s0 =	simm.s32 @p2 $0x1  }
0x17: {  	s4 =	simm.s32 $0x1BF5;
	[smem:$0x3F95] =	sst s0  }
0x18: {  	s0 =	sld [smem:$0x3F78];
	_ =	swait.ge [sflag:s4], $0x0  }
0x19: {  	s7 =	sld [smem:$0x3F79]  }
0x1a: {  	s8 =	sadd.s32 $0xFFFFE003, lr  }
0x1b: {  	s9 =	sadd.s32 $0xFFFFFEF7, lr;
	s5 =	simm.s32 $0xFFFFFFFF;
	p2 =	slt.u32 s8, $0xFFFFF086  }
0x1c: {  	p1 =	slt.u32 s9, $0xF7A;
	s5 =	simm.s32 @!p2 $0x0  }
0x1d: {  	s5 =	simm.s32 @p1 $0x1;
	p0 =	seq.s32 s7, s2  }
0x1e: {  	s7 =	smul.u32 @!p0 $0xF7A, s2;
	p2 =	seq.s32 @!p0 s5, $0x0  }
0x1f: {  	s9 =	smul.u32 $0xF7A, s1;
	s8 =	simm.s32 @!p0 $0x1BF5;
	p2 =	por !p2, p0  }
0x20: {  	[sflag:s8] =	ssyncset.s32 @!p0 $0xFFFFF086;
	s6 =	sadd.s32 @!p0 s3, s7;
	s7 =	simm.s32 @!p0 $0x108  }
0x21: {  	s3 =	sadd.s32 s3, s9;
	s6 =	sadd.s32 @!p0 $0x88, s6;
	s7 =	simm.s32 @p2 $0x1082  }
0x22: {  	[simem:s7], [sflag:s8] =	dma.local @!p0 [hbm:s6], $0xF7A  }
0x23: {  	s9 =	sor.u32 $0xD0000000, s2;
	s6 =	simm.s32 $0x108;
	_ =	swait.ge @!p0 [sflag:s8], $0x0  }
0x24: {  	s3 =	sadd.s32 $0x88, s3;
	s6 =	simm.s32 @!p1 $0x1082;
	[sflag:s4] =	ssyncset.s32 $0xFFFFF086  }
0x25: {  	[simem:s6], [sflag:s4] =	dma.local [hbm:s3], $0xF7A  }
0x26: {  	[smem:$0x3F79] =	sst s1;
	(tag) =	ssettag s2;
	_ =	strace s9  }
0x27: {  	s1 =	sld [smem:$0x3F89]  }
0x28: {  	s2 =	sld [smem:$0x3F8A]  }
0x29: {  	s4 =	sld [smem:$0x3F8C]  }
0x2a: {  	p0 =	seq.s32 s5, $0x0;
	s5 =	sld [smem:$0x3F8D]  }
0x2b: {  	s6 =	sld [smem:$0x3F8E]  }
0x2c: {  	s7 =	sld [smem:$0x3F8F]  }
0x2d: {  	s3 =	simm.s32 $0x108;
	s8 =	sld [smem:$0x3F90]  }
0x2e: {  	s3 =	simm.s32 @!p0 $0x1082;
	s9 =	sld [smem:$0x3F91]  }
0x2f: {  	lr =	sadd.s32 s0, s3;
	s0 =	sld [smem:$0x3F88]  }
0x30: {  	s3 =	sld [smem:$0x3F8B]  }
0x31: {  	[smem:$0x3F94] =	sst s10  }
0x32: {  	s10 =	sld [smem:$0x3F92];
	_ =	sdelay $0x3  }
0x33: {  	p0 =	seq.s32 s10, $0x1;
	s10 =	sld [smem:$0x3F94];
	_ =	sdelay $0x3  }
0x34: {  	[smem:$0x3F94] =	sst s10  }
0x35: {  	s10 =	sld [smem:$0x3F93];
	_ =	sdelay $0x3  }
0x36: {  	p1 =	seq.s32 s10, $0x1;
	s10 =	sld [smem:$0x3F94];
	_ =	sdelay $0x3  }
0x37: {  	[smem:$0x3F94] =	sst s10  }
0x38: {  	s10 =	sld [smem:$0x3F95]  }
0x39: {  	_ = 	snop;
	(pc) =	sbr.ind lr, $3  }
0x3a: {  	_ = 	snop  }
0x3b: {  	_ = 	snop  }
0x3c: {  	p2 =	seq.s32 s10, $0x1;
	s10 =	sld [smem:$0x3F94]  }
0x3d: {  	_ =	shalt  }
0x3e: {  	_ =	shalt  }
0x3f: {  	_ =	shalt  }
0x40: {  	_ =	shalt  }
0x41: {  	_ =	shalt  }
0x42: {  	_ =	shalt  }
0x43: {  	_ =	shalt  }
0x44: {  	_ =	shalt  }
0x45: {  	_ =	shalt  }
0x46: {  	_ =	shalt  }
0x47: {  	_ =	shalt  }
0x48: {  	_ =	shalt  }
0x49: {  	_ =	shalt  }
0x4a: {  	_ =	shalt  }
0x4b: {  	_ =	shalt  }
0x4c: {  	_ =	shalt  }
0x4d: {  	_ =	shalt  }
0x4e: {  	_ =	shalt  }
0x4f: {  	_ =	shalt  }
0x50: {  	_ =	shalt  }
0x51: {  	_ =	shalt  }
0x52: {  	_ =	shalt  }
0x53: {  	_ =	shalt  }
0x54: {  	_ =	shalt  }
0x55: {  	_ =	shalt  }
0x56: {  	_ =	shalt  }
0x57: {  	_ =	shalt  }
0x58: {  	_ =	shalt  }
0x59: {  	_ =	shalt  }
0x5a: {  	_ =	shalt  }
0x5b: {  	_ =	shalt  }
0x5c: {  	_ =	shalt  }
0x5d: {  	_ =	shalt  }
0x5e: {  	_ =	shalt  }
0x5f: {  	_ =	shalt  }
0x60: {  	_ =	shalt  }
0x61: {  	_ =	shalt  }
0x62: {  	_ =	shalt  }
0x63: {  	_ =	shalt  }
0x64: {  	_ =	shalt  }
0x65: {  	_ =	shalt  }
0x66: {  	_ =	shalt  }
0x67: {  	_ =	shalt  }
0x68: {  	_ =	shalt  }
0x69: {  	_ =	shalt  }
0x6a: {  	_ =	shalt  }
0x6b: {  	_ =	shalt  }
0x6c: {  	_ =	shalt  }
0x6d: {  	_ =	shalt  }
0x6e: {  	_ =	shalt  }
0x6f: {  	_ =	shalt  }
0x70: {  	_ =	shalt  }
0x71: {  	_ =	shalt  }
0x72: {  	_ =	shalt  }
0x73: {  	_ =	shalt  }
0x74: {  	_ =	shalt  }
0x75: {  	_ =	shalt  }
0x76: {  	_ =	shalt  }
0x77: {  	_ =	shalt  }
0x78: {  	_ =	shalt  }
0x79: {  	_ =	shalt  }
0x7a: {  	_ =	shalt  }
0x7b: {  	_ =	shalt  }
0x7c: {  	_ =	shalt  }
0x7d: {  	_ =	shalt  }
0x7e: {  	_ =	shalt  }
0x7f: {  	_ =	shalt  }
0x80: {  	_ =	shalt  }
0x81: {  	_ =	shalt  }
0x82: {  	_ =	shalt  }
0x83: {  	_ =	shalt  }
0x84: {  	_ =	shalt  }
0x85: {  	_ =	shalt  }
0x86: {  	_ =	shalt  }
0x87: {  	_ =	shalt  }
.Lfunc_end0:
.L_simem_size_0:
called_computation_lowered:
.L_overlay_start_0:
0x88: {  	s2 =	sld [smem:$0x3FD9]  }
0x89: {  	s3 =	sld [smem:$0x3FFE];
	_ =	sdelay $0x1  }
0x8a: {  	s1 =	srdreg.scid  }
0x8b: {  	s0 =	sand.u32 $0x1, s1  }
0x8c: {  	s16 =	sshll.u32 s0, $0xA;
	s2 =	sadd.s32 s3, s2  }
0x8d: {  	s2 =	sadd.s32 s2, s16  }
0x8e: {  	[smem:$0x3FA0] =	sst s2  }
0x8f: {  	_ = 	snop  }
0x90: {  	(tm) =	ssettm $0x1  }
0x91: {  	s17 =	sld [smem:$0x3FFB];
	_ =	sdelay $0x3  }
0x92: {  	_ =	strace s17  }
0x93: {  	s2 =	sld [smem:$0x3FFC];
	_ =	sdelay $0x3  }
0x94: {  	_ =	strace s2  }
0x95: {  	s2 =	sld [smem:$0x3FFD];
	_ =	sdelay $0x3  }
0x96: {  	_ =	strace s2  }
0x97: {  	_ =	strace $0x8FFFFFFF  }
0x98: {  	s18 =	sld [smem:$0x3FDB];
	_ =	sdelay $0x1  }
0x99: {  	s19 =	simm.s32 $_scs_section_size  }
0x9a: {  	s4 =	simm.s32 $_size__tile_overlayer_lowered;
	s5 =	simm.s32 $_tile_overlayer_lowered  }
0x9b: {  	s22 =	simm.s32 $0x1BFF;
	s21 =	sshll.u32 s5, $0x1;
	s2 =	sadd.s32 s19, s18  }
0x9c: {  	s6 =	simm.s32 $0x0;
	s20 =	sshll.u32 s4, $0x1;
	s4 =	sadd.s32 s21, s2  }
0x9d: {  	[timem:s6], [sflag:s22] =	dma.local [hbm:s4], s20  }
0x9e: {  	_ =	swait.ge [sflag:s22], s20  }
0x9f: {  	s3 =	ssub.s32 $0x0, s20;
	[sflag:s22] =	ssyncset.done $0x0  }
0xa0: {  	[sflag:s22] =	ssyncadd.s32 s3;
	_ =	sdelay $0x1  }
0xa1: {  	s23 =	simm.s32 $0x1B8B  }
0xa2: {  	_ =	swait.ge [sflag:s23], $0x1  }
0xa3: {  	[sflag:s23] =	ssyncset.done $0x0  }
0xa4: {  	s25 =	simm.s32 $0x1B8E;
	s24 =	sld [smem:$0x3FFE];
	[sflag:s23] =	ssyncadd.s32 $0xFFFFFFFF  }
0xa5: {  	s26 =	simm.s32 $execute0_lowered;
	[smem:$0x3FD2] =	sst s25  }
0xa6: {  	s4 =	sshll.u32 s26, $0x1;
	_ =	strace $0x80000046;
	[dreg:$0x1] =	wrdreg $0xFFFFFFFF  }
0xa7: {  	s28 =	simm.s32 $_size_execute0_lowered;
	s2 =	sadd.s32 s2, s4;
	[dreg:$0x0] =	wrdreg $0x0  }
0xa8: {  	s4 =	sshll.u32 s28, $0x1;
	[dreg:$0x2] =	wrdreg s2  }
0xa9: {  	[dreg:$0x3] =	wrdreg s4  }
0xaa: {  	[dreg:$0x4] =	wrdreg $0xC0  }
0xab: {  	_ =	task [dreg:s6], $0x5FFFF  }
0xac: {  	[dreg:$0x1] =	wrdreg $0xFFFFFFFF  }
0xad: {  	[dreg:$0x0] =	wrdreg $0x60  }
0xae: {  	[dreg:$0x2] =	wrdreg s24  }
0xaf: {  	[dreg:$0x3] =	wrdreg $0x9  }
0xb0: {  	_ =	task.clear_ibuf [dreg:s6], $0x4FFFF;
	_ =	strace $0x90000046  }
0xb1: {  	s29 =	simm.s32 $0x9;
	_ =	strace $0x80000048  }
0xb2: {  	_ =	swait.ge [sflag:s29], $0x1  }
0xb3: {  	[sflag:s29] =	ssyncadd.s32 $0xFFFFFFFF  }
0xb4: {  	_ =	strace $0x90000048  }
0xb5: {  	_ =	sfence  }
0xb6: {  	s30 =	sld [smem:$0x0];
	_ =	sdelay $0x2  }
0xb7: {  	s31 =	sshll.u32 s1, $0xD;
	s1 =	sshrl.u32 s1, $0x2  }
0xb8: {  	s3 =	sand.u32 $0x4000, s31;
	s1 =	sadd.s32 s1, s30  }
0xb9: {  	s0 =	sor.u32 s3, s0;
	s1 =	sshll.u32 s1, $0x11  }
0xba: {  	s0 =	sor.u32 s1, s0  }
0xbb: {  	s0 =	sadd.s32 $0x8F2B, s0  }
0xbc: {  	[sflag:s0] =	ssyncadd.remote.s32 $0x1  }
0xbd: {  	_ =	sfence.sel $0xFFFF  }
0xbe: {  	[dreg:$0x0] =	wrdreg $0xFFFFFFFF;
	(pc) =	sbr.abs _section_cstart, $3  }
0xbf: {  	[dreg:$0x1] =	wrdreg $0xFFFFFFFF  }
0xc0: {  	_ =	task.clear_ibuf [dreg:s6], $0x2FFFF;
	_ =	strace $0x9FFFFFFF  }
0xc1: {  	(tm) =	ssettm $0x7FFFFFFF  }
tec
execute0_lowered:
.L_overlay_start_1:
0x0: {  	(tag) =	ssettag $0x1  }
0x1: {  	s5 =	rddreg [dreg:$0x0]  }
0x2: {  	s0 =	rddreg [dreg:$0x1]  }
0x3: {  	s2 =	simm.s32 $0x0;
	s3 =	srdreg.scid;
	s1 =	stileid.u32  }
0x4: {  	s11 =	simm.s32 $0x80;
	s12 =	simm.s32 $0x50;
	s13 =	simm.s32 $0x100  }
0x5: {  	s14 =	simm.s32 $0x2900;
	s15 =	simm.s32 $0x1;
	s16 =	simm.s32 $0x2  }
0x6: {  	s17 =	simm.s32 $0x0;
	[smem:$0x7FF] =	sst s2;
	s7 =	smul.u32 $0x4E20, s1  }
0x7: {  	s6 =	sand.u32 $0x1, s3;
	s3 =	sadd.s32 $0x19C00, s5;
	s9 =	smul.u32 $0x4E200, s1  }
0x8: {  	s4 =	sadd.s32 $0x40E00, s5;
	s8 =	smul.u32 $0x2710, s6;
	s10 =	ssub.s32 $0x2, s6  }
0x9: {  	_ =	strace $0x80000047;
	s6 =	smul.u32 $0x27100, s6;
	s29 =	sshrl.u32 s10, $0x1  }
0xa: {  	s9 =	sadd.s32 s9, s5;
	s7 =	sadd.s32 s8, s7;
	s8 =	ssub.s32 s10, s29  }
0xb: {  	s31 =	sadd.s32 s6, s9;
	s10 =	simm.s32 $0x3;
	s7 =	sshrl.u32 s7, $0x3  }
0xc: {  	s6 =	sadd.s32 $0x8F200, s31;
	s30 =	sadd.s32 s7, s5;
	s5 =	smax.u32 s8, $0x1  }
0xd: {  	s7 =	sadd.s32 $0x571200, s31;
	s8 =	sadd.s32 $0xFE00, s30;
	s9 =	sadd.s32 $0x6000, s30  }
.LBB2_1:
0xe: {  	s18 =	sadd.s32 $0x0, s9  }
0xf: {  	[tilespmem:s2], [sflag:$0x3] =	stream.linear.gather [hbm4b:s18+s2], $0x50, $0x38;
	[tilespmem:$0x5100] =	vst v63  }
0x10: {  	_ =	swait.ge [sflag:s10], $0x50  }
0x11: {  	[sflag:s10] =	ssyncset.done $0x0  }
0x12: {  	s31 =	sadd.s32 $0x0, s8;
	[sflag:s10] =	ssyncadd.s32 $0xFFFFFFB0  }
0x13: {  	[tilespmem:s11], [sflag:$0x3] =	stream.linear.gather [hbm4b:s31+s2], $0x50, $0x38;
	[tilespmem:$0x5100] =	vst v63  }
0x14: {  	_ =	swait.ge [sflag:s10], $0x50  }
0x15: {  	[sflag:s10] =	ssyncset.done $0x0  }
0x16: {  	[sflag:s10] =	ssyncadd.s32 $0xFFFFFFB0  }
0x17: {  	[tilespmem:s13], [sflag:$0x1] =	stream.indirect.gather [hbm4b:s3+s12], $0x80, s2, s12, $0xb8;
	[tilespmem:$0x5100] =	vst v63  }
0x18: {  	_ = 	snop  }
0x19: {  	[tilespmem:s14], [sflag:$0x2] =	stream.indirect.gather [hbm4b:s4+s12], $0x80, s11, s12, $0xb8;
	[tilespmem:$0x5100] =	vst v63  }
0x1a: {  	_ =	swait.ge [sflag:s15], $0x2800  }
0x1b: {  	[sflag:s15] =	ssyncset.done $0x0  }
0x1c: {  	[sflag:s15] =	ssyncadd.s32 $0xFFFFD800  }
0x1d: {  	_ =	swait.ge [sflag:s16], $0x2800  }
0x1e: {  	[sflag:s16] =	ssyncset.done $0x0  }
0x1f: {  	[sflag:s16] =	ssyncadd.s32 $0xFFFFD800  }
0x20: {  	[hbm4b:s6+s2] =	stream.linear.scatter [tilespmem:s13], [sflag:$0x3], $0x2800, $0x38;
	[tilespmem:$0x5100] =	vst v63  }
0x21: {  	_ =	swait.ge [sflag:s10], $0x2800  }
0x22: {  	[sflag:s10] =	ssyncset.done $0x0  }
0x23: {  	[sflag:s10] =	ssyncadd.s32 $0xFFFFD800  }
0x24: {  	[hbm4b:s7+s2] =	stream.linear.scatter [tilespmem:s14], [sflag:$0x3], $0x2800, $0x38;
	[tilespmem:$0x5100] =	vst v63  }
0x25: {  	s20 =	simm.s32 $0xA;
	s21 =	simm.s32 $0x14;
	_ =	swait.ge [sflag:s10], $0x2800  }
0x26: {  	s19 =	sadd.s32 $0x500, s6;
	s18 =	sadd.s32 $0x500, s7;
	[sflag:s10] =	ssyncset.done $0x0  }
.LBB2_2:
0x27: {  	s22 =	sadd.s32 s20, s9  }
0x28: {  	[sflag:s10] =	ssyncadd.s32 $0xFFFFD800;
	s23 =	smov.u32 s21;
	s24 =	sadd.s32 $0xA, s21  }
0x29: {  	[tilespmem:s2], [sflag:$0x3] =	stream.linear.gather [hbm4b:s22+s2], $0x50, $0x38;
	[tilespmem:$0x5100] =	vst v63  }
0x2a: {  	p0 =	sne.s32 s21, $0x4D8;
	_ =	swait.ge [sflag:s10], $0x50  }
0x2b: {  	[sflag:s10] =	ssyncset.done $0x0  }
0x2c: {  	s21 =	sadd.s32 s20, s8;
	s20 =	smov.u32 s23;
	[sflag:s10] =	ssyncadd.s32 $0xFFFFFFB0  }
0x2d: {  	[tilespmem:s11], [sflag:$0x3] =	stream.linear.gather [hbm4b:s21+s2], $0x50, $0x38;
	[tilespmem:$0x5100] =	vst v63  }
0x2e: {  	_ =	swait.ge [sflag:s10], $0x50  }
0x2f: {  	[sflag:s10] =	ssyncset.done $0x0  }
0x30: {  	[sflag:s10] =	ssyncadd.s32 $0xFFFFFFB0  }
0x31: {  	[tilespmem:s13], [sflag:$0x1] =	stream.indirect.gather [hbm4b:s3+s12], $0x80, s2, s12, $0xb8;
	[tilespmem:$0x5100] =	vst v63  }
0x32: {  	_ = 	snop  }
0x33: {  	[tilespmem:s14], [sflag:$0x2] =	stream.indirect.gather [hbm4b:s4+s12], $0x80, s11, s12, $0xb8;
	[tilespmem:$0x5100] =	vst v63  }
0x34: {  	_ =	swait.ge [sflag:s15], $0x2800  }
0x35: {  	[sflag:s15] =	ssyncset.done $0x0  }
0x36: {  	[sflag:s15] =	ssyncadd.s32 $0xFFFFD800  }
0x37: {  	_ =	swait.ge [sflag:s16], $0x2800  }
0x38: {  	[sflag:s16] =	ssyncset.done $0x0  }
0x39: {  	[sflag:s16] =	ssyncadd.s32 $0xFFFFD800  }
0x3a: {  	[hbm4b:s19+s2] =	stream.linear.scatter [tilespmem:s13], [sflag:$0x3], $0x2800, $0x38;
	[tilespmem:$0x5100] =	vst v63  }
0x3b: {  	_ =	swait.ge [sflag:s10], $0x2800  }
.Ltmp0:
0x3c: {  	[sflag:s10] =	ssyncset.done $0x0;
	(pc) =	sbr.rel @p0 .LBB2_2-.Ltmp0, $4  }
0x3d: {  	[sflag:s10] =	ssyncadd.s32 $0xFFFFD800  }
0x3e: {  	[hbm4b:s18+s2] =	stream.linear.scatter [tilespmem:s14], [sflag:$0x3], $0x2800, $0x38;
	[tilespmem:$0x5100] =	vst v63  }
0x3f: {  	s21 =	smov.u32 s24;
	_ =	swait.ge [sflag:s10], $0x2800  }
0x40: {  	s19 =	sadd.s32 $0x500, s19;
	s18 =	sadd.s32 $0x500, s18;
	[sflag:s10] =	ssyncset.done $0x0  }
0x41: {  	s21 =	sadd.s32 s20, s9;
	[sflag:s10] =	ssyncadd.s32 $0xFFFFD800  }
0x42: {  	[tilespmem:s2], [sflag:$0x3] =	stream.linear.gather [hbm4b:s21+s2], $0x50, $0x38;
	[tilespmem:$0x5100] =	vst v63  }
0x43: {  	_ =	swait.ge [sflag:s10], $0x50  }
0x44: {  	[sflag:s10] =	ssyncset.done $0x0  }
0x45: {  	s31 =	sadd.s32 s20, s8;
	[sflag:s10] =	ssyncadd.s32 $0xFFFFFFB0  }
0x46: {  	[tilespmem:s11], [sflag:$0x3] =	stream.linear.gather [hbm4b:s31+s2], $0x50, $0x38;
	[tilespmem:$0x5100] =	vst v63  }
0x47: {  	_ =	swait.ge [sflag:s10], $0x50  }
0x48: {  	[sflag:s10] =	ssyncset.done $0x0  }
0x49: {  	[sflag:s10] =	ssyncadd.s32 $0xFFFFFFB0  }
0x4a: {  	[tilespmem:s13], [sflag:$0x1] =	stream.indirect.gather [hbm4b:s3+s12], $0x80, s2, s12, $0xb8;
	[tilespmem:$0x5100] =	vst v63  }
0x4b: {  	_ = 	snop  }
0x4c: {  	[tilespmem:s14], [sflag:$0x2] =	stream.indirect.gather [hbm4b:s4+s12], $0x80, s11, s12, $0xb8;
	[tilespmem:$0x5100] =	vst v63  }
0x4d: {  	_ =	swait.ge [sflag:s15], $0x2800  }
0x4e: {  	[sflag:s15] =	ssyncset.done $0x0  }
0x4f: {  	[sflag:s15] =	ssyncadd.s32 $0xFFFFD800  }
0x50: {  	_ =	swait.ge [sflag:s16], $0x2800  }
0x51: {  	[sflag:s16] =	ssyncset.done $0x0  }
0x52: {  	[sflag:s16] =	ssyncadd.s32 $0xFFFFD800  }
0x53: {  	[hbm4b:s19+s2] =	stream.linear.scatter [tilespmem:s13], [sflag:$0x3], $0x2800, $0x38;
	[tilespmem:$0x5100] =	vst v63  }
0x54: {  	s17 =	sadd.s32 $0x1, s17;
	_ =	swait.ge [sflag:s10], $0x2800  }
0x55: {  	p0 =	sne.s32 s17, s5;
	[sflag:s10] =	ssyncset.done $0x0  }
.Ltmp1:
0x56: {  	[sflag:s10] =	ssyncadd.s32 $0xFFFFD800;
	(pc) =	sbr.rel @p0 .LBB2_1-.Ltmp1, $4  }
0x57: {  	[hbm4b:s18+s2] =	stream.linear.scatter [tilespmem:s14], [sflag:$0x3], $0x2800, $0x38;
	[tilespmem:$0x5100] =	vst v63  }
0x58: {  	_ =	swait.ge [sflag:s10], $0x2800  }
0x59: {  	[sflag:s10] =	ssyncset.done $0x0  }
0x5a: {  	[sflag:s10] =	ssyncadd.s32 $0xFFFFD800  }
0x5b: {  	_ =	sfence.sel $0x180000  }
0x5c: {  	[bflag:$0x0] =	sbarrier.arrive $0xFFFF  }
0x5d: {  	p0 =	sne.s32 s1, $0x0;
	_ =	strace $0x90000047  }
0x5e: {  	s0 =	sadd.s32 @!p0 $0x100000, s0;
	[bflag:$0x2] =	sbarrier.arrive $0xFFFF  }
0x5f: {  	[sflag:s0] =	ssyncadd.tile.s32 @!p0 $0x1;
	_ =	shalt  }
.Lfunc_end2:
_tile_overlayer_lowered:
.L_overlay_start_2:
0x60: {  	(tag) =	ssettag $0x2  }
0x61: {  	s0 =	rddreg [dreg:$0x0];
	s2 =	stileid.u32  }
0x62: {  	s1 =	rddreg [dreg:$0x1];
	p0 =	sne.s32 s2, $0x0  }
0x63: {  	s3 =	rddreg [dreg:$0x2];
	[bflag:$0x3] =	sbarrier.arrive $0xFFFF;
	s2 =	simm.s32 @!p0 $0x1C03  }
0x64: {  	[timem:s3], [sflag:s2] =	dma.local @!p0 [hbm:s0], s1  }
0x65: {  	s0 =	simm.s32 @!p0 $0x3  }
0x66: {  	_ =	swait.ge @!p0 [sflag:s0], s1  }
0x67: {  	s1 =	ssub.s32 @!p0 $0x0, s1;
	[sflag:s0] =	ssyncset.done @!p0 $0x0  }
0x68: {  	[sflag:s0] =	ssyncadd.s32 @!p0 s1  }
0x69: {  	[bflag:$0x3] =	sbarrier.arrive $0xFFFF  }
0x6a: {  	_ =	shalt  }

</sc_bundles>
